<compile_context>
chip_gen: v7x
topology: tpu7x:2x2x1
jax: 0.10.2.dev20260603
libtpu: 0.0.44.dev20260713+nightly
codegen_flags: <defaults>
</compile_context>

<pallas_src>
import jax
import jax.numpy as jnp
from jax import lax
from jax.experimental import pallas as pl
from jax.experimental.pallas import tpu as pltpu
from jax.experimental.pallas import tpu_sc as plsc

B = 16
Z = 9
CH = 256
X = 32
Y = 32
CHANNELS = 86
L = 16

_OFF_COL = 0
_OFF_ROW = X * CHANNELS
_OFF_HEI = 2 * X * CHANNELS
_HEI_PAD = 776
_W_SIZE = _OFF_HEI + _HEI_PAD

_PAIRS = 9
_GROUP = 3


def _sc_body(col_hbm, row_hbm, hei_hbm, out_hbm, w_v, buf, sem):
    nc = 2
    wid = lax.axis_index("s") * nc + lax.axis_index("c")

    pltpu.sync_copy(col_hbm, w_v.at[pl.ds(_OFF_COL, _OFF_ROW)])
    pltpu.sync_copy(row_hbm, w_v.at[pl.ds(_OFF_ROW, _OFF_ROW)])
    pltpu.sync_copy(hei_hbm, w_v.at[pl.ds(_OFF_HEI, _HEI_PAD)])

    lane = lax.iota(jnp.int32, L)
    row0 = wid * _PAIRS * X

    waves = {}
    for t in range(_PAIRS):
        p = wid * _PAIRS + t
        z = p >> 5
        i = p & 31
        row_base = _OFF_ROW - CHANNELS + i * CHANNELS
        hei_base = _OFF_HEI - 2 * CHANNELS + z * CHANNELS

        def _j_body(j, _, t=t, row_base=row_base, hei_base=hei_base):
            col_base = j * CHANNELS
            row = t * X + j
            for lg in range(CH // L):
                c0 = lg * L
                cvec = lane + c0
                if c0 + L <= CHANNELS:
                    v = w_v[pl.ds(col_base + c0, L)]
                elif c0 >= CHANNELS and c0 + L <= 2 * CHANNELS:
                    v = w_v[pl.ds(row_base + c0, L)]
                elif c0 >= 2 * CHANNELS:
                    v = w_v[pl.ds(hei_base + c0, L)]
                elif c0 < CHANNELS:
                    va = w_v[pl.ds(col_base + c0, L)]
                    vb = w_v[pl.ds(row_base + c0, L)]
                    v = jnp.where(cvec < CHANNELS, va, vb)
                else:
                    va = w_v[pl.ds(row_base + c0, L)]
                    vb = w_v[pl.ds(hei_base + c0, L)]
                    v = jnp.where(cvec < 2 * CHANNELS, va, vb)
                buf[row, pl.ds(c0, L)] = v
            return 0

        lax.fori_loop(0, X, _j_body, 0)

        if t % _GROUP == _GROUP - 1:
            g = t // _GROUP
            rows = _GROUP * X
            waves[g] = [
                pltpu.async_copy(
                    buf.at[pl.ds(g * rows, rows), :],
                    out_hbm.at[bb, pl.ds(row0 + g * rows, rows), :],
                    sem,
                )
                for bb in range(B)
            ]
            if g > 0:
                for cp in waves[g - 1]:
                    cp.wait()
    for cp in waves[_PAIRS // _GROUP - 1]:
        cp.wait()


def kernel(tensor, row_w, col_w, hei_w):
    del tensor
    mesh = plsc.VectorSubcoreMesh(core_axis_name="c", subcore_axis_name="s")
    run = pl.kernel(
        _sc_body,
        out_type=jax.ShapeDtypeStruct((B, Z * X * Y, CH), jnp.float32),
        mesh=mesh,
        scratch_types=[
            pltpu.VMEM((_W_SIZE,), jnp.float32),
            pltpu.VMEM((_PAIRS * X, CH), jnp.float32),
            pltpu.SemaphoreType.DMA,
        ],
    )
    out = run(
        col_w.reshape(-1),
        row_w.reshape(-1),
        jnp.pad(hei_w.reshape(-1), (0, _HEI_PAD - Z * CHANNELS)),
    )
    return out.reshape(B, Z, X, Y, CH).transpose(0, 1, 4, 2, 3)

# --- scband reference (transcript-rebuilt; emitter-appended) ---
"""Pipeline reference for scband-position-embedding-learned-1795296329916 (READ-ONLY COPY).

The authoritative reference and input builder live on the scoring server;
editing this copy changes nothing except your own understanding.
"""

import jax, jax.numpy as jnp
import numpy as np

NUM_POS_FEATS = 256
W = 32
H = 32
N_CTX = 9
CHANNELS = int(np.ceil(NUM_POS_FEATS / 3))
if CHANNELS % 2:
    CHANNELS += 1  # -> 86


def setup_inputs(seed: int = 0) -> dict:
    key = jax.random.key(seed)
    k1, k2, k3, k4 = jax.random.split(key, 4)
    tensor = jax.random.normal(k1, (16, 9, 256, 32, 32), dtype=jnp.float32)
    row_w = jax.random.uniform(k2, (W, CHANNELS), dtype=jnp.float32)
    col_w = jax.random.uniform(k3, (H, CHANNELS), dtype=jnp.float32)
    hei_w = jax.random.uniform(k4, (N_CTX, CHANNELS), dtype=jnp.float32)
    return {"tensor": tensor, "row_w": row_w, "col_w": col_w, "hei_w": hei_w}


def reference(tensor, row_w, col_w, hei_w):
    B, z, orig_ch, x, y = tensor.shape
    i = jnp.arange(x)
    j = jnp.arange(y)
    hh = jnp.arange(z)
    x_emb = jnp.take(col_w, i, axis=0)   # [x, ch]
    y_emb = jnp.take(row_w, j, axis=0)   # [y, ch]
    z_emb = jnp.take(hei_w, hh, axis=0)  # [z, ch]
    a = jnp.tile(x_emb[None, None, :, :], (z, x, 1, 1))  # [z, x, x, ch]
    b = jnp.tile(y_emb[None, :, None, :], (z, 1, y, 1))  # [z, y, y, ch]
    c = jnp.tile(z_emb[:, None, None, :], (1, x, y, 1))  # [z, x, y, ch]
    pos = jnp.concatenate([a, b, c], axis=-1)[:, :, :, 0:orig_ch]
    pos = jnp.transpose(pos, (0, 3, 1, 2))            # [z, orig_ch, x, y]
    pos = jnp.tile(pos[None], (B, 1, 1, 1, 1))        # [B, z, orig_ch, x, y]
    return pos

if __name__ == "__main__":
    import jax
    _d = setup_inputs()
    print(jax.jit(kernel)(*tuple(_d.values())))

</pallas_src>

<mosaic_0001>
#map = affine_map<(d0, d1) -> (0)>
#map1 = affine_map<(d0, d1) -> (0, 0, 0)>
module attributes {stable_mosaic.version = 14 : i64} {
  func.func @_sc_body(%arg0: i32, %arg1: i32, %arg2: memref<2752xf32, #tpu.memory_space<hbm>>, %arg3: memref<2752xf32, #tpu.memory_space<hbm>>, %arg4: memref<776xf32, #tpu.memory_space<hbm>>, %arg5: memref<16x9216x256xf32, #tpu.memory_space<hbm>>, %arg6: memref<6280xf32, #tpu.memory_space<vmem>>, %arg7: memref<288x256xf32, #tpu.memory_space<vmem>>, %arg8: memref<!tpu.dma_semaphore, #tpu.memory_space<semaphore_mem>>) attributes {dimension_semantics = [#tpu.dimension_semantics<core_parallel>, #tpu.dimension_semantics<subcore_parallel>], iteration_bounds = array<i64: 2, 16>, scalar_prefetch = 0 : i64, scratch_operands = 3 : i64, tpu.core_type = #tpu.core_type<sc_vector_subcore>, window_params = [{transform_indices = #map}, {transform_indices = #map}, {transform_indices = #map}, {transform_indices = #map1}]} {
    %mul3A = arith.constant 2 : i32
    %mul3A_0 = arith.muli %arg1, %mul3A : i32
    %add3A = arith.addi %mul3A_0, %arg0 : i32
    "tpu.region"() ({
      %run_scoped3A = tpu.sem_alloc : memref<!tpu.dma_semaphore, #tpu.memory_space<semaphore_mem>>
      %dma_start3A_1551 = arith.constant 0 : i32
      %dma_start3A_1552 = tpu.memref_slice %arg6[%dma_start3A_1551] : memref<6280xf32, #tpu.memory_space<vmem>> -> memref<2752xf32, #tpu.memory_space<vmem>>
      %dma_start3A_1553 = arith.constant 0 : i32
      %dma_start3A_1554 = tpu.memref_slice %arg6[%dma_start3A_1553] : memref<6280xf32, #tpu.memory_space<vmem>> -> memref<2752xf32, #tpu.memory_space<vmem>>
      tpu.enqueue_dma source(%arg2 : memref<2752xf32, #tpu.memory_space<hbm>>) target(%dma_start3A_1554 : memref<2752xf32, #tpu.memory_space<vmem>>) target_semaphore(%run_scoped3A : memref<!tpu.dma_semaphore, #tpu.memory_space<semaphore_mem>>)
      %dma_wait3A_1555 = arith.constant 0 : i32
      %dma_wait3A_1556 = tpu.memref_slice %arg6[%dma_wait3A_1555] : memref<6280xf32, #tpu.memory_space<vmem>> -> memref<2752xf32, #tpu.memory_space<vmem>>
      %dma_wait3A_1557 = arith.constant 0 : i32
      %dma_wait3A_1558 = tpu.memref_slice %arg6[%dma_wait3A_1557] : memref<6280xf32, #tpu.memory_space<vmem>> -> memref<2752xf32, #tpu.memory_space<vmem>>
      tpu.wait_dma2 semaphore(%run_scoped3A : memref<!tpu.dma_semaphore, #tpu.memory_space<semaphore_mem>>) src(%arg2 : memref<2752xf32, #tpu.memory_space<hbm>>) dst(%dma_wait3A_1558 : memref<2752xf32, #tpu.memory_space<vmem>>)
      tpu.yield
    }) : () -> ()
    "tpu.region"() ({
      %run_scoped3A = tpu.sem_alloc : memref<!tpu.dma_semaphore, #tpu.memory_space<semaphore_mem>>
      %dma_start3A_1551 = arith.constant 2752 : i32
      %dma_start3A_1552 = tpu.memref_slice %arg6[%dma_start3A_1551] : memref<6280xf32, #tpu.memory_space<vmem>> -> memref<2752xf32, #tpu.memory_space<vmem>>
      %dma_start3A_1553 = arith.constant 2752 : i32
      %dma_start3A_1554 = tpu.memref_slice %arg6[%dma_start3A_1553] : memref<6280xf32, #tpu.memory_space<vmem>> -> memref<2752xf32, #tpu.memory_space<vmem>>
      tpu.enqueue_dma source(%arg3 : memref<2752xf32, #tpu.memory_space<hbm>>) target(%dma_start3A_1554 : memref<2752xf32, #tpu.memory_space<vmem>>) target_semaphore(%run_scoped3A : memref<!tpu.dma_semaphore, #tpu.memory_space<semaphore_mem>>)
      %dma_wait3A_1555 = arith.constant 2752 : i32
      %dma_wait3A_1556 = tpu.memref_slice %arg6[%dma_wait3A_1555] : memref<6280xf32, #tpu.memory_space<vmem>> -> memref<2752xf32, #tpu.memory_space<vmem>>
      %dma_wait3A_1557 = arith.constant 2752 : i32
      %dma_wait3A_1558 = tpu.memref_slice %arg6[%dma_wait3A_1557] : memref<6280xf32, #tpu.memory_space<vmem>> -> memref<2752xf32, #tpu.memory_space<vmem>>
      tpu.wait_dma2 semaphore(%run_scoped3A : memref<!tpu.dma_semaphore, #tpu.memory_space<semaphore_mem>>) src(%arg3 : memref<2752xf32, #tpu.memory_space<hbm>>) dst(%dma_wait3A_1558 : memref<2752xf32, #tpu.memory_space<vmem>>)
      tpu.yield
    }) : () -> ()
    "tpu.region"() ({
      %run_scoped3A = tpu.sem_alloc : memref<!tpu.dma_semaphore, #tpu.memory_space<semaphore_mem>>
      %dma_start3A_1551 = arith.constant 5504 : i32
      %dma_start3A_1552 = tpu.memref_slice %arg6[%dma_start3A_1551] : memref<6280xf32, #tpu.memory_space<vmem>> -> memref<776xf32, #tpu.memory_space<vmem>>
      %dma_start3A_1553 = arith.constant 5504 : i32
      %dma_start3A_1554 = tpu.memref_slice %arg6[%dma_start3A_1553] : memref<6280xf32, #tpu.memory_space<vmem>> -> memref<776xf32, #tpu.memory_space<vmem>>
      tpu.enqueue_dma source(%arg4 : memref<776xf32, #tpu.memory_space<hbm>>) target(%dma_start3A_1554 : memref<776xf32, #tpu.memory_space<vmem>>) target_semaphore(%run_scoped3A : memref<!tpu.dma_semaphore, #tpu.memory_space<semaphore_mem>>)
      %dma_wait3A_1555 = arith.constant 5504 : i32
      %dma_wait3A_1556 = tpu.memref_slice %arg6[%dma_wait3A_1555] : memref<6280xf32, #tpu.memory_space<vmem>> -> memref<776xf32, #tpu.memory_space<vmem>>
      %dma_wait3A_1557 = arith.constant 5504 : i32
      %dma_wait3A_1558 = tpu.memref_slice %arg6[%dma_wait3A_1557] : memref<6280xf32, #tpu.memory_space<vmem>> -> memref<776xf32, #tpu.memory_space<vmem>>
      tpu.wait_dma2 semaphore(%run_scoped3A : memref<!tpu.dma_semaphore, #tpu.memory_space<semaphore_mem>>) src(%arg4 : memref<776xf32, #tpu.memory_space<hbm>>) dst(%dma_wait3A_1558 : memref<776xf32, #tpu.memory_space<vmem>>)
      tpu.yield
    }) : () -> ()
    %iota3A = tpu.iota {dimensions = array<i32: 0>} : vector<16xi32>
    %mul3A_1 = arith.constant 9 : i32
    %mul3A_2 = arith.muli %add3A, %mul3A_1 : i32
    %mul3A_3 = arith.constant 32 : i32
    %mul3A_4 = arith.muli %mul3A_2, %mul3A_3 : i32
    %mul3A_5 = arith.constant 9 : i32
    %mul3A_6 = arith.muli %add3A, %mul3A_5 : i32
    %add3A_7 = arith.constant 0 : i32
    %add3A_8 = arith.addi %mul3A_6, %add3A_7 : i32
    %shift_right_arithmetic3A = arith.constant 5 : i32
    %shift_right_arithmetic3A_9 = arith.shrsi %add3A_8, %shift_right_arithmetic3A : i32
    %and3A = arith.constant 31 : i32
    %and3A_10 = arith.andi %add3A_8, %and3A : i32
    %mul3A_11 = arith.constant 86 : i32
    %mul3A_12 = arith.muli %and3A_10, %mul3A_11 : i32
    %add3A_13 = arith.constant 2666 : i32
    %add3A_14 = arith.addi %add3A_13, %mul3A_12 : i32
    %mul3A_15 = arith.constant 86 : i32
    %mul3A_16 = arith.muli %shift_right_arithmetic3A_9, %mul3A_15 : i32
    %add3A_17 = arith.constant 5332 : i32
    %add3A_18 = arith.addi %add3A_17, %mul3A_16 : i32
    %scan3A = arith.constant 0 : i32
    %scan3A_19 = arith.constant 0 : i32
    %scan3A_20 = arith.constant 32 : i32
    %scan3A_21 = arith.addi %scan3A_19, %scan3A_20 : i32
    %scan3A_22 = arith.constant 1 : i32
    %scan3A_23 = scf.for %scan3A_1551 = %scan3A_19 to %scan3A_21 step %scan3A_22 iter_args(%scan3A_1552 = %scan3A) -> (i32)  : i32 {
      %mul3A_1553 = arith.constant 86 : i32
      %mul3A_1554 = arith.muli %scan3A_1551, %mul3A_1553 : i32
      %add3A_1555 = arith.constant 0 : i32
      %add3A_1556 = arith.addi %add3A_1555, %scan3A_1551 : i32
      %add3A_1557 = arith.constant 0 : i32
      %add3A_1558 = vector.broadcast %add3A_1557 : i32 to vector<16xi32>
      %add3A_1559 = arith.addi %iota3A, %add3A_1558 : vector<16xi32>
      %add3A_1560 = arith.constant 0 : i32
      %add3A_1561 = arith.addi %mul3A_1554, %add3A_1560 : i32
      %get3A = arith.index_cast %add3A_1561 : i32 to index
      %get3A_1562 = tpu.vector_load %arg6[%get3A] {strides = array<i32>} : memref<6280xf32, #tpu.memory_space<vmem>>, vector<16xf32>,
      %get3A_1563 = vector.shape_cast %get3A_1562 : vector<16xf32> to vector<16xf32>
      %swap3A = arith.index_cast %add3A_1556 : i32 to index
      %swap3A_1564 = arith.constant 0 : index
      %swap3A_1565 = tpu.vector_load %arg7[%swap3A, %swap3A_1564] {strides = array<i32>} : memref<288x256xf32, #tpu.memory_space<vmem>>, vector<1x16xf32>,
      %swap3A_1566 = vector.shape_cast %swap3A_1565 : vector<1x16xf32> to vector<16xf32>
      %swap3A_1567 = vector.shape_cast %get3A_1563 : vector<16xf32> to vector<1x16xf32>
      tpu.vector_store %arg7[%swap3A, %swap3A_1564], %swap3A_1567 {strides = array<i32>} : memref<288x256xf32, #tpu.memory_space<vmem>>, vector<1x16xf32>,
      %add3A_1568 = arith.constant 16 : i32
      %add3A_1569 = vector.broadcast %add3A_1568 : i32 to vector<16xi32>
      %add3A_1570 = arith.addi %iota3A, %add3A_1569 : vector<16xi32>
      %add3A_1571 = arith.constant 16 : i32
      %add3A_1572 = arith.addi %mul3A_1554, %add3A_1571 : i32
      %get3A_1573 = arith.index_cast %add3A_1572 : i32 to index
      %get3A_1574 = tpu.vector_load %arg6[%get3A_1573] {strides = array<i32>} : memref<6280xf32, #tpu.memory_space<vmem>>, vector<16xf32>,
      %get3A_1575 = vector.shape_cast %get3A_1574 : vector<16xf32> to vector<16xf32>
      %swap3A_1576 = arith.index_cast %add3A_1556 : i32 to index
      %swap3A_1577 = arith.constant 16 : index
      %swap3A_1578 = tpu.vector_load %arg7[%swap3A_1576, %swap3A_1577] {strides = array<i32>} : memref<288x256xf32, #tpu.memory_space<vmem>>, vector<1x16xf32>,
      %swap3A_1579 = vector.shape_cast %swap3A_1578 : vector<1x16xf32> to vector<16xf32>
      %swap3A_1580 = vector.shape_cast %get3A_1575 : vector<16xf32> to vector<1x16xf32>
      tpu.vector_store %arg7[%swap3A_1576, %swap3A_1577], %swap3A_1580 {strides = array<i32>} : memref<288x256xf32, #tpu.memory_space<vmem>>, vector<1x16xf32>,
      %add3A_1581 = arith.constant 32 : i32
      %add3A_1582 = vector.broadcast %add3A_1581 : i32 to vector<16xi32>
      %add3A_1583 = arith.addi %iota3A, %add3A_1582 : vector<16xi32>
      %add3A_1584 = arith.constant 32 : i32
      %add3A_1585 = arith.addi %mul3A_1554, %add3A_1584 : i32
      %get3A_1586 = arith.index_cast %add3A_1585 : i32 to index
      %get3A_1587 = tpu.vector_load %arg6[%get3A_1586] {strides = array<i32>} : memref<6280xf32, #tpu.memory_space<vmem>>, vector<16xf32>,
      %get3A_1588 = vector.shape_cast %get3A_1587 : vector<16xf32> to vector<16xf32>
      %swap3A_1589 = arith.index_cast %add3A_1556 : i32 to index
      %swap3A_1590 = arith.constant 32 : index
      %swap3A_1591 = tpu.vector_load %arg7[%swap3A_1589, %swap3A_1590] {strides = array<i32>} : memref<288x256xf32, #tpu.memory_space<vmem>>, vector<1x16xf32>,
      %swap3A_1592 = vector.shape_cast %swap3A_1591 : vector<1x16xf32> to vector<16xf32>
      %swap3A_1593 = vector.shape_cast %get3A_1588 : vector<16xf32> to vector<1x16xf32>
      tpu.vector_store %arg7[%swap3A_1589, %swap3A_1590], %swap3A_1593 {strides = array<i32>} : memref<288x256xf32, #tpu.memory_space<vmem>>, vector<1x16xf32>,
      %add3A_1594 = arith.constant 48 : i32
      %add3A_1595 = vector.broadcast %add3A_1594 : i32 to vector<16xi32>
      %add3A_1596 = arith.addi %iota3A, %add3A_1595 : vector<16xi32>
      %add3A_1597 = arith.constant 48 : i32
      %add3A_1598 = arith.addi %mul3A_1554, %add3A_1597 : i32
      %get3A_1599 = arith.index_cast %add3A_1598 : i32 to index
      %get3A_1600 = tpu.vector_load %arg6[%get3A_1599] {strides = array<i32>} : memref<6280xf32, #tpu.memory_space<vmem>>, vector<16xf32>,
      %get3A_1601 = vector.shape_cast %get3A_1600 : vector<16xf32> to vector<16xf32>
      %swap3A_1602 = arith.index_cast %add3A_1556 : i32 to index
      %swap3A_1603 = arith.constant 48 : index
      %swap3A_1604 = tpu.vector_load %arg7[%swap3A_1602, %swap3A_1603] {strides = array<i32>} : memref<288x256xf32, #tpu.memory_space<vmem>>, vector<1x16xf32>,
      %swap3A_1605 = vector.shape_cast %swap3A_1604 : vector<1x16xf32> to vector<16xf32>
      %swap3A_1606 = vector.shape_cast %get3A_1601 : vector<16xf32> to vector<1x16xf32>
      tpu.vector_store %arg7[%swap3A_1602, %swap3A_1603], %swap3A_1606 {strides = array<i32>} : memref<288x256xf32, #tpu.memory_space<vmem>>, vector<1x16xf32>,
      %add3A_1607 = arith.constant 64 : i32
      %add3A_1608 = vector.broadcast %add3A_1607 : i32 to vector<16xi32>
      %add3A_1609 = arith.addi %iota3A, %add3A_1608 : vector<16xi32>
      %add3A_1610 = arith.constant 64 : i32
      %add3A_1611 = arith.addi %mul3A_1554, %add3A_1610 : i32
      %get3A_1612 = arith.index_cast %add3A_1611 : i32 to index
      %get3A_1613 = tpu.vector_load %arg6[%get3A_1612] {strides = array<i32>} : memref<6280xf32, #tpu.memory_space<vmem>>, vector<16xf32>,
      %get3A_1614 = vector.shape_cast %get3A_1613 : vector<16xf32> to vector<16xf32>
      %swap3A_1615 = arith.index_cast %add3A_1556 : i32 to index
      %swap3A_1616 = arith.constant 64 : index
      %swap3A_1617 = tpu.vector_load %arg7[%swap3A_1615, %swap3A_1616] {strides = array<i32>} : memref<288x256xf32, #tpu.memory_space<vmem>>, vector<1x16xf32>,
      %swap3A_1618 = vector.shape_cast %swap3A_1617 : vector<1x16xf32> to vector<16xf32>
      %swap3A_1619 = vector.shape_cast %get3A_1614 : vector<16xf32> to vector<1x16xf32>
      tpu.vector_store %arg7[%swap3A_1615, %swap3A_1616], %swap3A_1619 {strides = array<i32>} : memref<288x256xf32, #tpu.memory_space<vmem>>, vector<1x16xf32>,
      %add3A_1620 = arith.constant 80 : i32
      %add3A_1621 = vector.broadcast %add3A_1620 : i32 to vector<16xi32>
      %add3A_1622 = arith.addi %iota3A, %add3A_1621 : vector<16xi32>
      %add3A_1623 = arith.constant 80 : i32
      %add3A_1624 = arith.addi %mul3A_1554, %add3A_1623 : i32
      %get3A_1625 = arith.index_cast %add3A_1624 : i32 to index
      %get3A_1626 = tpu.vector_load %arg6[%get3A_1625] {strides = array<i32>} : memref<6280xf32, #tpu.memory_space<vmem>>, vector<16xf32>,
      %get3A_1627 = vector.shape_cast %get3A_1626 : vector<16xf32> to vector<16xf32>
      %add3A_1628 = arith.constant 80 : i32
      %add3A_1629 = arith.addi %add3A_14, %add3A_1628 : i32
      %get3A_1630 = arith.index_cast %add3A_1629 : i32 to index
      %get3A_1631 = tpu.vector_load %arg6[%get3A_1630] {strides = array<i32>} : memref<6280xf32, #tpu.memory_space<vmem>>, vector<16xf32>,
      %get3A_1632 = vector.shape_cast %get3A_1631 : vector<16xf32> to vector<16xf32>
      %lt3A = arith.constant 86 : i32
      %lt3A_1633 = vector.broadcast %lt3A : i32 to vector<16xi32>
      %lt3A_1634 = arith.cmpi slt, %add3A_1622, %lt3A_1633 : vector<16xi32>
      %select_n3A = arith.select %lt3A_1634, %get3A_1627, %get3A_1632 : vector<16xi1>, vector<16xf32>
      %swap3A_1635 = arith.index_cast %add3A_1556 : i32 to index
      %swap3A_1636 = arith.constant 80 : index
      %swap3A_1637 = tpu.vector_load %arg7[%swap3A_1635, %swap3A_1636] {strides = array<i32>} : memref<288x256xf32, #tpu.memory_space<vmem>>, vector<1x16xf32>,
      %swap3A_1638 = vector.shape_cast %swap3A_1637 : vector<1x16xf32> to vector<16xf32>
      %swap3A_1639 = vector.shape_cast %select_n3A : vector<16xf32> to vector<1x16xf32>
      tpu.vector_store %arg7[%swap3A_1635, %swap3A_1636], %swap3A_1639 {strides = array<i32>} : memref<288x256xf32, #tpu.memory_space<vmem>>, vector<1x16xf32>,
      %add3A_1640 = arith.constant 96 : i32
      %add3A_1641 = vector.broadcast %add3A_1640 : i32 to vector<16xi32>
      %add3A_1642 = arith.addi %iota3A, %add3A_1641 : vector<16xi32>
      %add3A_1643 = arith.constant 96 : i32
      %add3A_1644 = arith.addi %add3A_14, %add3A_1643 : i32
      %get3A_1645 = arith.index_cast %add3A_1644 : i32 to index
      %get3A_1646 = tpu.vector_load %arg6[%get3A_1645] {strides = array<i32>} : memref<6280xf32, #tpu.memory_space<vmem>>, vector<16xf32>,
      %get3A_1647 = vector.shape_cast %get3A_1646 : vector<16xf32> to vector<16xf32>
      %swap3A_1648 = arith.index_cast %add3A_1556 : i32 to index
      %swap3A_1649 = arith.constant 96 : index
      %swap3A_1650 = tpu.vector_load %arg7[%swap3A_1648, %swap3A_1649] {strides = array<i32>} : memref<288x256xf32, #tpu.memory_space<vmem>>, vector<1x16xf32>,
      %swap3A_1651 = vector.shape_cast %swap3A_1650 : vector<1x16xf32> to vector<16xf32>
      %swap3A_1652 = vector.shape_cast %get3A_1647 : vector<16xf32> to vector<1x16xf32>
      tpu.vector_store %arg7[%swap3A_1648, %swap3A_1649], %swap3A_1652 {strides = array<i32>} : memref<288x256xf32, #tpu.memory_space<vmem>>, vector<1x16xf32>,
      %add3A_1653 = arith.constant 112 : i32
      %add3A_1654 = vector.broadcast %add3A_1653 : i32 to vector<16xi32>
      %add3A_1655 = arith.addi %iota3A, %add3A_1654 : vector<16xi32>
      %add3A_1656 = arith.constant 112 : i32
      %add3A_1657 = arith.addi %add3A_14, %add3A_1656 : i32
      %get3A_1658 = arith.index_cast %add3A_1657 : i32 to index
      %get3A_1659 = tpu.vector_load %arg6[%get3A_1658] {strides = array<i32>} : memref<6280xf32, #tpu.memory_space<vmem>>, vector<16xf32>,
      %get3A_1660 = vector.shape_cast %get3A_1659 : vector<16xf32> to vector<16xf32>
      %swap3A_1661 = arith.index_cast %add3A_1556 : i32 to index
      %swap3A_1662 = arith.constant 112 : index
      %swap3A_1663 = tpu.vector_load %arg7[%swap3A_1661, %swap3A_1662] {strides = array<i32>} : memref<288x256xf32, #tpu.memory_space<vmem>>, vector<1x16xf32>,
      %swap3A_1664 = vector.shape_cast %swap3A_1663 : vector<1x16xf32> to vector<16xf32>
      %swap3A_1665 = vector.shape_cast %get3A_1660 : vector<16xf32> to vector<1x16xf32>
      tpu.vector_store %arg7[%swap3A_1661, %swap3A_1662], %swap3A_1665 {strides = array<i32>} : memref<288x256xf32, #tpu.memory_space<vmem>>, vector<1x16xf32>,
      %add3A_1666 = arith.constant 128 : i32
      %add3A_1667 = vector.broadcast %add3A_1666 : i32 to vector<16xi32>
      %add3A_1668 = arith.addi %iota3A, %add3A_1667 : vector<16xi32>
      %add3A_1669 = arith.constant 128 : i32
      %add3A_1670 = arith.addi %add3A_14, %add3A_1669 : i32
      %get3A_1671 = arith.index_cast %add3A_1670 : i32 to index
      %get3A_1672 = tpu.vector_load %arg6[%get3A_1671] {strides = array<i32>} : memref<6280xf32, #tpu.memory_space<vmem>>, vector<16xf32>,
      %get3A_1673 = vector.shape_cast %get3A_1672 : vector<16xf32> to vector<16xf32>
      %swap3A_1674 = arith.index_cast %add3A_1556 : i32 to index
      %swap3A_1675 = arith.constant 128 : index
      %swap3A_1676 = tpu.vector_load %arg7[%swap3A_1674, %swap3A_1675] {strides = array<i32>} : memref<288x256xf32, #tpu.memory_space<vmem>>, vector<1x16xf32>,
      %swap3A_1677 = vector.shape_cast %swap3A_1676 : vector<1x16xf32> to vector<16xf32>
      %swap3A_1678 = vector.shape_cast %get3A_1673 : vector<16xf32> to vector<1x16xf32>
      tpu.vector_store %arg7[%swap3A_1674, %swap3A_1675], %swap3A_1678 {strides = array<i32>} : memref<288x256xf32, #tpu.memory_space<vmem>>, vector<1x16xf32>,
      %add3A_1679 = arith.constant 144 : i32
      %add3A_1680 = vector.broadcast %add3A_1679 : i32 to vector<16xi32>
      %add3A_1681 = arith.addi %iota3A, %add3A_1680 : vector<16xi32>
      %add3A_1682 = arith.constant 144 : i32
      %add3A_1683 = arith.addi %add3A_14, %add3A_1682 : i32
      %get3A_1684 = arith.index_cast %add3A_1683 : i32 to index
      %get3A_1685 = tpu.vector_load %arg6[%get3A_1684] {strides = array<i32>} : memref<6280xf32, #tpu.memory_space<vmem>>, vector<16xf32>,
      %get3A_1686 = vector.shape_cast %get3A_1685 : vector<16xf32> to vector<16xf32>
      %swap3A_1687 = arith.index_cast %add3A_1556 : i32 to index
      %swap3A_1688 = arith.constant 144 : index
      %swap3A_1689 = tpu.vector_load %arg7[%swap3A_1687, %swap3A_1688] {strides = array<i32>} : memref<288x256xf32, #tpu.memory_space<vmem>>, vector<1x16xf32>,
      %swap3A_1690 = vector.shape_cast %swap3A_1689 : vector<1x16xf32> to vector<16xf32>
      %swap3A_1691 = vector.shape_cast %get3A_1686 : vector<16xf32> to vector<1x16xf32>
      tpu.vector_store %arg7[%swap3A_1687, %swap3A_1688], %swap3A_1691 {strides = array<i32>} : memref<288x256xf32, #tpu.memory_space<vmem>>, vector<1x16xf32>,
      %add3A_1692 = arith.constant 160 : i32
      %add3A_1693 = vector.broadcast %add3A_1692 : i32 to vector<16xi32>
      %add3A_1694 = arith.addi %iota3A, %add3A_1693 : vector<16xi32>
      %add3A_1695 = arith.constant 160 : i32
      %add3A_1696 = arith.addi %add3A_14, %add3A_1695 : i32
      %get3A_1697 = arith.index_cast %add3A_1696 : i32 to index
      %get3A_1698 = tpu.vector_load %arg6[%get3A_1697] {strides = array<i32>} : memref<6280xf32, #tpu.memory_space<vmem>>, vector<16xf32>,
      %get3A_1699 = vector.shape_cast %get3A_1698 : vector<16xf32> to vector<16xf32>
      %add3A_1700 = arith.constant 160 : i32
      %add3A_1701 = arith.addi %add3A_18, %add3A_1700 : i32
      %get3A_1702 = arith.index_cast %add3A_1701 : i32 to index
      %get3A_1703 = tpu.vector_load %arg6[%get3A_1702] {strides = array<i32>} : memref<6280xf32, #tpu.memory_space<vmem>>, vector<16xf32>,
      %get3A_1704 = vector.shape_cast %get3A_1703 : vector<16xf32> to vector<16xf32>
      %lt3A_1705 = arith.constant 172 : i32
      %lt3A_1706 = vector.broadcast %lt3A_1705 : i32 to vector<16xi32>
      %lt3A_1707 = arith.cmpi slt, %add3A_1694, %lt3A_1706 : vector<16xi32>
      %select_n3A_1708 = arith.select %lt3A_1707, %get3A_1699, %get3A_1704 : vector<16xi1>, vector<16xf32>
      %swap3A_1709 = arith.index_cast %add3A_1556 : i32 to index
      %swap3A_1710 = arith.constant 160 : index
      %swap3A_1711 = tpu.vector_load %arg7[%swap3A_1709, %swap3A_1710] {strides = array<i32>} : memref<288x256xf32, #tpu.memory_space<vmem>>, vector<1x16xf32>,
      %swap3A_1712 = vector.shape_cast %swap3A_1711 : vector<1x16xf32> to vector<16xf32>
      %swap3A_1713 = vector.shape_cast %select_n3A_1708 : vector<16xf32> to vector<1x16xf32>
      tpu.vector_store %arg7[%swap3A_1709, %swap3A_1710], %swap3A_1713 {strides = array<i32>} : memref<288x256xf32, #tpu.memory_space<vmem>>, vector<1x16xf32>,
      %add3A_1714 = arith.constant 176 : i32
      %add3A_1715 = vector.broadcast %add3A_1714 : i32 to vector<16xi32>
      %add3A_1716 = arith.addi %iota3A, %add3A_1715 : vector<16xi32>
      %add3A_1717 = arith.constant 176 : i32
      %add3A_1718 = arith.addi %add3A_18, %add3A_1717 : i32
      %get3A_1719 = arith.index_cast %add3A_1718 : i32 to index
      %get3A_1720 = tpu.vector_load %arg6[%get3A_1719] {strides = array<i32>} : memref<6280xf32, #tpu.memory_space<vmem>>, vector<16xf32>,
      %get3A_1721 = vector.shape_cast %get3A_1720 : vector<16xf32> to vector<16xf32>
      %swap3A_1722 = arith.index_cast %add3A_1556 : i32 to index
      %swap3A_1723 = arith.constant 176 : index
      %swap3A_1724 = tpu.vector_load %arg7[%swap3A_1722, %swap3A_1723] {strides = array<i32>} : memref<288x256xf32, #tpu.memory_space<vmem>>, vector<1x16xf32>,
      %swap3A_1725 = vector.shape_cast %swap3A_1724 : vector<1x16xf32> to vector<16xf32>
      %swap3A_1726 = vector.shape_cast %get3A_1721 : vector<16xf32> to vector<1x16xf32>
      tpu.vector_store %arg7[%swap3A_1722, %swap3A_1723], %swap3A_1726 {strides = array<i32>} : memref<288x256xf32, #tpu.memory_space<vmem>>, vector<1x16xf32>,
      %add3A_1727 = arith.constant 192 : i32
      %add3A_1728 = vector.broadcast %add3A_1727 : i32 to vector<16xi32>
      %add3A_1729 = arith.addi %iota3A, %add3A_1728 : vector<16xi32>
      %add3A_1730 = arith.constant 192 : i32
      %add3A_1731 = arith.addi %add3A_18, %add3A_1730 : i32
      %get3A_1732 = arith.index_cast %add3A_1731 : i32 to index
      %get3A_1733 = tpu.vector_load %arg6[%get3A_1732] {strides = array<i32>} : memref<6280xf32, #tpu.memory_space<vmem>>, vector<16xf32>,
      %get3A_1734 = vector.shape_cast %get3A_1733 : vector<16xf32> to vector<16xf32>
      %swap3A_1735 = arith.index_cast %add3A_1556 : i32 to index
      %swap3A_1736 = arith.constant 192 : index
      %swap3A_1737 = tpu.vector_load %arg7[%swap3A_1735, %swap3A_1736] {strides = array<i32>} : memref<288x256xf32, #tpu.memory_space<vmem>>, vector<1x16xf32>,
      %swap3A_1738 = vector.shape_cast %swap3A_1737 : vector<1x16xf32> to vector<16xf32>
      %swap3A_1739 = vector.shape_cast %get3A_1734 : vector<16xf32> to vector<1x16xf32>
      tpu.vector_store %arg7[%swap3A_1735, %swap3A_1736], %swap3A_1739 {strides = array<i32>} : memref<288x256xf32, #tpu.memory_space<vmem>>, vector<1x16xf32>,
      %add3A_1740 = arith.constant 208 : i32
      %add3A_1741 = vector.broadcast %add3A_1740 : i32 to vector<16xi32>
      %add3A_1742 = arith.addi %iota3A, %add3A_1741 : vector<16xi32>
      %add3A_1743 = arith.constant 208 : i32
      %add3A_1744 = arith.addi %add3A_18, %add3A_1743 : i32
      %get3A_1745 = arith.index_cast %add3A_1744 : i32 to index
      %get3A_1746 = tpu.vector_load %arg6[%get3A_1745] {strides = array<i32>} : memref<6280xf32, #tpu.memory_space<vmem>>, vector<16xf32>,
      %get3A_1747 = vector.shape_cast %get3A_1746 : vector<16xf32> to vector<16xf32>
      %swap3A_1748 = arith.index_cast %add3A_1556 : i32 to index
      %swap3A_1749 = arith.constant 208 : index
      %swap3A_1750 = tpu.vector_load %arg7[%swap3A_1748, %swap3A_1749] {strides = array<i32>} : memref<288x256xf32, #tpu.memory_space<vmem>>, vector<1x16xf32>,
      %swap3A_1751 = vector.shape_cast %swap3A_1750 : vector<1x16xf32> to vector<16xf32>
      %swap3A_1752 = vector.shape_cast %get3A_1747 : vector<16xf32> to vector<1x16xf32>
      tpu.vector_store %arg7[%swap3A_1748, %swap3A_1749], %swap3A_1752 {strides = array<i32>} : memref<288x256xf32, #tpu.memory_space<vmem>>, vector<1x16xf32>,
      %add3A_1753 = arith.constant 224 : i32
      %add3A_1754 = vector.broadcast %add3A_1753 : i32 to vector<16xi32>
      %add3A_1755 = arith.addi %iota3A, %add3A_1754 : vector<16xi32>
      %add3A_1756 = arith.constant 224 : i32
      %add3A_1757 = arith.addi %add3A_18, %add3A_1756 : i32
      %get3A_1758 = arith.index_cast %add3A_1757 : i32 to index
      %get3A_1759 = tpu.vector_load %arg6[%get3A_1758] {strides = array<i32>} : memref<6280xf32, #tpu.memory_space<vmem>>, vector<16xf32>,
      %get3A_1760 = vector.shape_cast %get3A_1759 : vector<16xf32> to vector<16xf32>
      %swap3A_1761 = arith.index_cast %add3A_1556 : i32 to index
      %swap3A_1762 = arith.constant 224 : index
      %swap3A_1763 = tpu.vector_load %arg7[%swap3A_1761, %swap3A_1762] {strides = array<i32>} : memref<288x256xf32, #tpu.memory_space<vmem>>, vector<1x16xf32>,
      %swap3A_1764 = vector.shape_cast %swap3A_1763 : vector<1x16xf32> to vector<16xf32>
      %swap3A_1765 = vector.shape_cast %get3A_1760 : vector<16xf32> to vector<1x16xf32>
      tpu.vector_store %arg7[%swap3A_1761, %swap3A_1762], %swap3A_1765 {strides = array<i32>} : memref<288x256xf32, #tpu.memory_space<vmem>>, vector<1x16xf32>,
      %add3A_1766 = arith.constant 240 : i32
      %add3A_1767 = vector.broadcast %add3A_1766 : i32 to vector<16xi32>
      %add3A_1768 = arith.addi %iota3A, %add3A_1767 : vector<16xi32>
      %add3A_1769 = arith.constant 240 : i32
      %add3A_1770 = arith.addi %add3A_18, %add3A_1769 : i32
      %get3A_1771 = arith.index_cast %add3A_1770 : i32 to index
      %get3A_1772 = tpu.vector_load %arg6[%get3A_1771] {strides = array<i32>} : memref<6280xf32, #tpu.memory_space<vmem>>, vector<16xf32>,
      %get3A_1773 = vector.shape_cast %get3A_1772 : vector<16xf32> to vector<16xf32>
      %swap3A_1774 = arith.index_cast %add3A_1556 : i32 to index
      %swap3A_1775 = arith.constant 240 : index
      %swap3A_1776 = tpu.vector_load %arg7[%swap3A_1774, %swap3A_1775] {strides = array<i32>} : memref<288x256xf32, #tpu.memory_space<vmem>>, vector<1x16xf32>,
      %swap3A_1777 = vector.shape_cast %swap3A_1776 : vector<1x16xf32> to vector<16xf32>
      %swap3A_1778 = vector.shape_cast %get3A_1773 : vector<16xf32> to vector<1x16xf32>
      tpu.vector_store %arg7[%swap3A_1774, %swap3A_1775], %swap3A_1778 {strides = array<i32>} : memref<288x256xf32, #tpu.memory_space<vmem>>, vector<1x16xf32>,
      %scan3A_1779 = arith.constant 0 : i32
      scf.yield %scan3A_1779 : i32
    }
    %scan3A_24 = arith.constant 32 : i32
    %mul3A_25 = arith.constant 9 : i32
    %mul3A_26 = arith.muli %add3A, %mul3A_25 : i32
    %add3A_27 = arith.constant 1 : i32
    %add3A_28 = arith.addi %mul3A_26, %add3A_27 : i32
    %shift_right_arithmetic3A_29 = arith.constant 5 : i32
    %shift_right_arithmetic3A_30 = arith.shrsi %add3A_28, %shift_right_arithmetic3A_29 : i32
    %and3A_31 = arith.constant 31 : i32
    %and3A_32 = arith.andi %add3A_28, %and3A_31 : i32
    %mul3A_33 = arith.constant 86 : i32
    %mul3A_34 = arith.muli %and3A_32, %mul3A_33 : i32
    %add3A_35 = arith.constant 2666 : i32
    %add3A_36 = arith.addi %add3A_35, %mul3A_34 : i32
    %mul3A_37 = arith.constant 86 : i32
    %mul3A_38 = arith.muli %shift_right_arithmetic3A_30, %mul3A_37 : i32
    %add3A_39 = arith.constant 5332 : i32
    %add3A_40 = arith.addi %add3A_39, %mul3A_38 : i32
    %scan3A_41 = arith.constant 0 : i32
    %scan3A_42 = arith.constant 0 : i32
    %scan3A_43 = arith.constant 32 : i32
    %scan3A_44 = arith.addi %scan3A_42, %scan3A_43 : i32
    %scan3A_45 = arith.constant 1 : i32
    %scan3A_46 = scf.for %scan3A_1551 = %scan3A_42 to %scan3A_44 step %scan3A_45 iter_args(%scan3A_1552 = %scan3A_41) -> (i32)  : i32 {
      %mul3A_1553 = arith.constant 86 : i32
      %mul3A_1554 = arith.muli %scan3A_1551, %mul3A_1553 : i32
      %add3A_1555 = arith.constant 32 : i32
      %add3A_1556 = arith.addi %add3A_1555, %scan3A_1551 : i32
      %add3A_1557 = arith.constant 0 : i32
      %add3A_1558 = vector.broadcast %add3A_1557 : i32 to vector<16xi32>
      %add3A_1559 = arith.addi %iota3A, %add3A_1558 : vector<16xi32>
      %add3A_1560 = arith.constant 0 : i32
      %add3A_1561 = arith.addi %mul3A_1554, %add3A_1560 : i32
      %get3A = arith.index_cast %add3A_1561 : i32 to index
      %get3A_1562 = tpu.vector_load %arg6[%get3A] {strides = array<i32>} : memref<6280xf32, #tpu.memory_space<vmem>>, vector<16xf32>,
      %get3A_1563 = vector.shape_cast %get3A_1562 : vector<16xf32> to vector<16xf32>
      %swap3A = arith.index_cast %add3A_1556 : i32 to index
      %swap3A_1564 = arith.constant 0 : index
      %swap3A_1565 = tpu.vector_load %arg7[%swap3A, %swap3A_1564] {strides = array<i32>} : memref<288x256xf32, #tpu.memory_space<vmem>>, vector<1x16xf32>,
      %swap3A_1566 = vector.shape_cast %swap3A_1565 : vector<1x16xf32> to vector<16xf32>
      %swap3A_1567 = vector.shape_cast %get3A_1563 : vector<16xf32> to vector<1x16xf32>
      tpu.vector_store %arg7[%swap3A, %swap3A_1564], %swap3A_1567 {strides = array<i32>} : memref<288x256xf32, #tpu.memory_space<vmem>>, vector<1x16xf32>,
      %add3A_1568 = arith.constant 16 : i32
      %add3A_1569 = vector.broadcast %add3A_1568 : i32 to vector<16xi32>
      %add3A_1570 = arith.addi %iota3A, %add3A_1569 : vector<16xi32>
      %add3A_1571 = arith.constant 16 : i32
      %add3A_1572 = arith.addi %mul3A_1554, %add3A_1571 : i32
      %get3A_1573 = arith.index_cast %add3A_1572 : i32 to index
      %get3A_1574 = tpu.vector_load %arg6[%get3A_1573] {strides = array<i32>} : memref<6280xf32, #tpu.memory_space<vmem>>, vector<16xf32>,
      %get3A_1575 = vector.shape_cast %get3A_1574 : vector<16xf32> to vector<16xf32>
      %swap3A_1576 = arith.index_cast %add3A_1556 : i32 to index
      %swap3A_1577 = arith.constant 16 : index
      %swap3A_1578 = tpu.vector_load %arg7[%swap3A_1576, %swap3A_1577] {strides = array<i32>} : memref<288x256xf32, #tpu.memory_space<vmem>>, vector<1x16xf32>,
      %swap3A_1579 = vector.shape_cast %swap3A_1578 : vector<1x16xf32> to vector<16xf32>
      %swap3A_1580 = vector.shape_cast %get3A_1575 : vector<16xf32> to vector<1x16xf32>
      tpu.vector_store %arg7[%swap3A_1576, %swap3A_1577], %swap3A_1580 {strides = array<i32>} : memref<288x256xf32, #tpu.memory_space<vmem>>, vector<1x16xf32>,
      %add3A_1581 = arith.constant 32 : i32
      %add3A_1582 = vector.broadcast %add3A_1581 : i32 to vector<16xi32>
      %add3A_1583 = arith.addi %iota3A, %add3A_1582 : vector<16xi32>
      %add3A_1584 = arith.constant 32 : i32
      %add3A_1585 = arith.addi %mul3A_1554, %add3A_1584 : i32
      %get3A_1586 = arith.index_cast %add3A_1585 : i32 to index
      %get3A_1587 = tpu.vector_load %arg6[%get3A_1586] {strides = array<i32>} : memref<6280xf32, #tpu.memory_space<vmem>>, vector<16xf32>,
      %get3A_1588 = vector.shape_cast %get3A_1587 : vector<16xf32> to vector<16xf32>
      %swap3A_1589 = arith.index_cast %add3A_1556 : i32 to index
      %swap3A_1590 = arith.constant 32 : index
      %swap3A_1591 = tpu.vector_load %arg7[%swap3A_1589, %swap3A_1590] {strides = array<i32>} : memref<288x256xf32, #tpu.memory_space<vmem>>, vector<1x16xf32>,
      %swap3A_1592 = vector.shape_cast %swap3A_1591 : vector<1x16xf32> to vector<16xf32>
      %swap3A_1593 = vector.shape_cast %get3A_1588 : vector<16xf32> to vector<1x16xf32>
      tpu.vector_store %arg7[%swap3A_1589, %swap3A_1590], %swap3A_1593 {strides = array<i32>} : memref<288x256xf32, #tpu.memory_space<vmem>>, vector<1x16xf32>,
      %add3A_1594 = arith.constant 48 : i32
      %add3A_1595 = vector.broadcast %add3A_1594 : i32 to vector<16xi32>
      %add3A_1596 = arith.addi %iota3A, %add3A_1595 : vector<16xi32>
      %add3A_1597 = arith.constant 48 : i32
      %add3A_1598 = arith.addi %mul3A_1554, %add3A_1597 : i32
      %get3A_1599 = arith.index_cast %add3A_1598 : i32 to index
      %get3A_1600 = tpu.vector_load %arg6[%get3A_1599] {strides = array<i32>} : memref<6280xf32, #tpu.memory_space<vmem>>, vector<16xf32>,
      %get3A_1601 = vector.shape_cast %get3A_1600 : vector<16xf32> to vector<16xf32>
      %swap3A_1602 = arith.index_cast %add3A_1556 : i32 to index
      %swap3A_1603 = arith.constant 48 : index
      %swap3A_1604 = tpu.vector_load %arg7[%swap3A_1602, %swap3A_1603] {strides = array<i32>} : memref<288x256xf32, #tpu.memory_space<vmem>>, vector<1x16xf32>,
      %swap3A_1605 = vector.shape_cast %swap3A_1604 : vector<1x16xf32> to vector<16xf32>
      %swap3A_1606 = vector.shape_cast %get3A_1601 : vector<16xf32> to vector<1x16xf32>
      tpu.vector_store %arg7[%swap3A_1602, %swap3A_1603], %swap3A_1606 {strides = array<i32>} : memref<288x256xf32, #tpu.memory_space<vmem>>, vector<1x16xf32>,
      %add3A_1607 = arith.constant 64 : i32
      %add3A_1608 = vector.broadcast %add3A_1607 : i32 to vector<16xi32>
      %add3A_1609 = arith.addi %iota3A, %add3A_1608 : vector<16xi32>
      %add3A_1610 = arith.constant 64 : i32
      %add3A_1611 = arith.addi %mul3A_1554, %add3A_1610 : i32
      %get3A_1612 = arith.index_cast %add3A_1611 : i32 to index
      %get3A_1613 = tpu.vector_load %arg6[%get3A_1612] {strides = array<i32>} : memref<6280xf32, #tpu.memory_space<vmem>>, vector<16xf32>,
      %get3A_1614 = vector.shape_cast %get3A_1613 : vector<16xf32> to vector<16xf32>
      %swap3A_1615 = arith.index_cast %add3A_1556 : i32 to index
      %swap3A_1616 = arith.constant 64 : index
      %swap3A_1617 = tpu.vector_load %arg7[%swap3A_1615, %swap3A_1616] {strides = array<i32>} : memref<288x256xf32, #tpu.memory_space<vmem>>, vector<1x16xf32>,
      %swap3A_1618 = vector.shape_cast %swap3A_1617 : vector<1x16xf32> to vector<16xf32>
      %swap3A_1619 = vector.shape_cast %get3A_1614 : vector<16xf32> to vector<1x16xf32>
      tpu.vector_store %arg7[%swap3A_1615, %swap3A_1616], %swap3A_1619 {strides = array<i32>} : memref<288x256xf32, #tpu.memory_space<vmem>>, vector<1x16xf32>,
      %add3A_1620 = arith.constant 80 : i32
      %add3A_1621 = vector.broadcast %add3A_1620 : i32 to vector<16xi32>
      %add3A_1622 = arith.addi %iota3A, %add3A_1621 : vector<16xi32>
      %add3A_1623 = arith.constant 80 : i32
      %add3A_1624 = arith.addi %mul3A_1554, %add3A_1623 : i32
      %get3A_1625 = arith.index_cast %add3A_1624 : i32 to index
      %get3A_1626 = tpu.vector_load %arg6[%get3A_1625] {strides = array<i32>} : memref<6280xf32, #tpu.memory_space<vmem>>, vector<16xf32>,
      %get3A_1627 = vector.shape_cast %get3A_1626 : vector<16xf32> to vector<16xf32>
      %add3A_1628 = arith.constant 80 : i32
      %add3A_1629 = arith.addi %add3A_36, %add3A_1628 : i32
      %get3A_1630 = arith.index_cast %add3A_1629 : i32 to index
      %get3A_1631 = tpu.vector_load %arg6[%get3A_1630] {strides = array<i32>} : memref<6280xf32, #tpu.memory_space<vmem>>, vector<16xf32>,
      %get3A_1632 = vector.shape_cast %get3A_1631 : vector<16xf32> to vector<16xf32>
      %lt3A = arith.constant 86 : i32
      %lt3A_1633 = vector.broadcast %lt3A : i32 to vector<16xi32>
      %lt3A_1634 = arith.cmpi slt, %add3A_1622, %lt3A_1633 : vector<16xi32>
      %select_n3A = arith.select %lt3A_1634, %get3A_1627, %get3A_1632 : vector<16xi1>, vector<16xf32>
      %swap3A_1635 = arith.index_cast %add3A_1556 : i32 to index
      %swap3A_1636 = arith.constant 80 : index
      %swap3A_1637 = tpu.vector_load %arg7[%swap3A_1635, %swap3A_1636] {strides = array<i32>} : memref<288x256xf32, #tpu.memory_space<vmem>>, vector<1x16xf32>,
      %swap3A_1638 = vector.shape_cast %swap3A_1637 : vector<1x16xf32> to vector<16xf32>
      %swap3A_1639 = vector.shape_cast %select_n3A : vector<16xf32> to vector<1x16xf32>
      tpu.vector_store %arg7[%swap3A_1635, %swap3A_1636], %swap3A_1639 {strides = array<i32>} : memref<288x256xf32, #tpu.memory_space<vmem>>, vector<1x16xf32>,
      %add3A_1640 = arith.constant 96 : i32
      %add3A_1641 = vector.broadcast %add3A_1640 : i32 to vector<16xi32>
      %add3A_1642 = arith.addi %iota3A, %add3A_1641 : vector<16xi32>
      %add3A_1643 = arith.constant 96 : i32
      %add3A_1644 = arith.addi %add3A_36, %add3A_1643 : i32
      %get3A_1645 = arith.index_cast %add3A_1644 : i32 to index
      %get3A_1646 = tpu.vector_load %arg6[%get3A_1645] {strides = array<i32>} : memref<6280xf32, #tpu.memory_space<vmem>>, vector<16xf32>,
      %get3A_1647 = vector.shape_cast %get3A_1646 : vector<16xf32> to vector<16xf32>
      %swap3A_1648 = arith.index_cast %add3A_1556 : i32 to index
      %swap3A_1649 = arith.constant 96 : index
      %swap3A_1650 = tpu.vector_load %arg7[%swap3A_1648, %swap3A_1649] {strides = array<i32>} : memref<288x256xf32, #tpu.memory_space<vmem>>, vector<1x16xf32>,
      %swap3A_1651 = vector.shape_cast %swap3A_1650 : vector<1x16xf32> to vector<16xf32>
      %swap3A_1652 = vector.shape_cast %get3A_1647 : vector<16xf32> to vector<1x16xf32>
      tpu.vector_store %arg7[%swap3A_1648, %swap3A_1649], %swap3A_1652 {strides = array<i32>} : memref<288x256xf32, #tpu.memory_space<vmem>>, vector<1x16xf32>,
      %add3A_1653 = arith.constant 112 : i32
      %add3A_1654 = vector.broadcast %add3A_1653 : i32 to vector<16xi32>
      %add3A_1655 = arith.addi %iota3A, %add3A_1654 : vector<16xi32>
      %add3A_1656 = arith.constant 112 : i32
      %add3A_1657 = arith.addi %add3A_36, %add3A_1656 : i32
      %get3A_1658 = arith.index_cast %add3A_1657 : i32 to index
      %get3A_1659 = tpu.vector_load %arg6[%get3A_1658] {strides = array<i32>} : memref<6280xf32, #tpu.memory_space<vmem>>, vector<16xf32>,
      %get3A_1660 = vector.shape_cast %get3A_1659 : vector<16xf32> to vector<16xf32>
      %swap3A_1661 = arith.index_cast %add3A_1556 : i32 to index
      %swap3A_1662 = arith.constant 112 : index
      %swap3A_1663 = tpu.vector_load %arg7[%swap3A_1661, %swap3A_1662] {strides = array<i32>} : memref<288x256xf32, #tpu.memory_space<vmem>>, vector<1x16xf32>,
      %swap3A_1664 = vector.shape_cast %swap3A_1663 : vector<1x16xf32> to vector<16xf32>
      %swap3A_1665 = vector.shape_cast %get3A_1660 : vector<16xf32> to vector<1x16xf32>
      tpu.vector_store %arg7[%swap3A_1661, %swap3A_1662], %swap3A_1665 {strides = array<i32>} : memref<288x256xf32, #tpu.memory_space<vmem>>, vector<1x16xf32>,
      %add3A_1666 = arith.constant 128 : i32
      %add3A_1667 = vector.broadcast %add3A_1666 : i32 to vector<16xi32>
      %add3A_1668 = arith.addi %iota3A, %add3A_1667 : vector<16xi32>
      %add3A_1669 = arith.constant 128 : i32
      %add3A_1670 = arith.addi %add3A_36, %add3A_1669 : i32
      %get3A_1671 = arith.index_cast %add3A_1670 : i32 to index
      %get3A_1672 = tpu.vector_load %arg6[%get3A_1671] {strides = array<i32>} : memref<6280xf32, #tpu.memory_space<vmem>>, vector<16xf32>,
      %get3A_1673 = vector.shape_cast %get3A_1672 : vector<16xf32> to vector<16xf32>
      %swap3A_1674 = arith.index_cast %add3A_1556 : i32 to index
      %swap3A_1675 = arith.constant 128 : index
      %swap3A_1676 = tpu.vector_load %arg7[%swap3A_1674, %swap3A_1675] {strides = array<i32>} : memref<288x256xf32, #tpu.memory_space<vmem>>, vector<1x16xf32>,
      %swap3A_1677 = vector.shape_cast %swap3A_1676 : vector<1x16xf32> to vector<16xf32>
      %swap3A_1678 = vector.shape_cast %get3A_1673 : vector<16xf32> to vector<1x16xf32>
      tpu.vector_store %arg7[%swap3A_1674, %swap3A_1675], %swap3A_1678 {strides = array<i32>} : memref<288x256xf32, #tpu.memory_space<vmem>>, vector<1x16xf32>,
      %add3A_1679 = arith.constant 144 : i32
      %add3A_1680 = vector.broadcast %add3A_1679 : i32 to vector<16xi32>
      %add3A_1681 = arith.addi %iota3A, %add3A_1680 : vector<16xi32>
      %add3A_1682 = arith.constant 144 : i32
      %add3A_1683 = arith.addi %add3A_36, %add3A_1682 : i32
      %get3A_1684 = arith.index_cast %add3A_1683 : i32 to index
      %get3A_1685 = tpu.vector_load %arg6[%get3A_1684] {strides = array<i32>} : memref<6280xf32, #tpu.memory_space<vmem>>, vector<16xf32>,
      %get3A_1686 = vector.shape_cast %get3A_1685 : vector<16xf32> to vector<16xf32>
      %swap3A_1687 = arith.index_cast %add3A_1556 : i32 to index
      %swap3A_1688 = arith.constant 144 : index
      %swap3A_1689 = tpu.vector_load %arg7[%swap3A_1687, %swap3A_1688] {strides = array<i32>} : memref<288x256xf32, #tpu.memory_space<vmem>>, vector<1x16xf32>,
      %swap3A_1690 = vector.shape_cast %swap3A_1689 : vector<1x16xf32> to vector<16xf32>
      %swap3A_1691 = vector.shape_cast %get3A_1686 : vector<16xf32> to vector<1x16xf32>
      tpu.vector_store %arg7[%swap3A_1687, %swap3A_1688], %swap3A_1691 {strides = array<i32>} : memref<288x256xf32, #tpu.memory_space<vmem>>, vector<1x16xf32>,
      %add3A_1692 = arith.constant 160 : i32
      %add3A_1693 = vector.broadcast %add3A_1692 : i32 to vector<16xi32>
      %add3A_1694 = arith.addi %iota3A, %add3A_1693 : vector<16xi32>
      %add3A_1695 = arith.constant 160 : i32
      %add3A_1696 = arith.addi %add3A_36, %add3A_1695 : i32
      %get3A_1697 = arith.index_cast %add3A_1696 : i32 to index
      %get3A_1698 = tpu.vector_load %arg6[%get3A_1697] {strides = array<i32>} : memref<6280xf32, #tpu.memory_space<vmem>>, vector<16xf32>,
      %get3A_1699 = vector.shape_cast %get3A_1698 : vector<16xf32> to vector<16xf32>
      %add3A_1700 = arith.constant 160 : i32
      %add3A_1701 = arith.addi %add3A_40, %add3A_1700 : i32
      %get3A_1702 = arith.index_cast %add3A_1701 : i32 to index
      %get3A_1703 = tpu.vector_load %arg6[%get3A_1702] {strides = array<i32>} : memref<6280xf32, #tpu.memory_space<vmem>>, vector<16xf32>,
      %get3A_1704 = vector.shape_cast %get3A_1703 : vector<16xf32> to vector<16xf32>
      %lt3A_1705 = arith.constant 172 : i32
      %lt3A_1706 = vector.broadcast %lt3A_1705 : i32 to vector<16xi32>
      %lt3A_1707 = arith.cmpi slt, %add3A_1694, %lt3A_1706 : vector<16xi32>
      %select_n3A_1708 = arith.select %lt3A_1707, %get3A_1699, %get3A_1704 : vector<16xi1>, vector<16xf32>
      %swap3A_1709 = arith.index_cast %add3A_1556 : i32 to index
      %swap3A_1710 = arith.constant 160 : index
      %swap3A_1711 = tpu.vector_load %arg7[%swap3A_1709, %swap3A_1710] {strides = array<i32>} : memref<288x256xf32, #tpu.memory_space<vmem>>, vector<1x16xf32>,
      %swap3A_1712 = vector.shape_cast %swap3A_1711 : vector<1x16xf32> to vector<16xf32>
      %swap3A_1713 = vector.shape_cast %select_n3A_1708 : vector<16xf32> to vector<1x16xf32>
      tpu.vector_store %arg7[%swap3A_1709, %swap3A_1710], %swap3A_1713 {strides = array<i32>} : memref<288x256xf32, #tpu.memory_space<vmem>>, vector<1x16xf32>,
      %add3A_1714 = arith.constant 176 : i32
      %add3A_1715 = vector.broadcast %add3A_1714 : i32 to vector<16xi32>
      %add3A_1716 = arith.addi %iota3A, %add3A_1715 : vector<16xi32>
      %add3A_1717 = arith.constant 176 : i32
      %add3A_1718 = arith.addi %add3A_40, %add3A_1717 : i32
      %get3A_1719 = arith.index_cast %add3A_1718 : i32 to index
      %get3A_1720 = tpu.vector_load %arg6[%get3A_1719] {strides = array<i32>} : memref<6280xf32, #tpu.memory_space<vmem>>, vector<16xf32>,
      %get3A_1721 = vector.shape_cast %get3A_1720 : vector<16xf32> to vector<16xf32>
      %swap3A_1722 = arith.index_cast %add3A_1556 : i32 to index
      %swap3A_1723 = arith.constant 176 : index
      %swap3A_1724 = tpu.vector_load %arg7[%swap3A_1722, %swap3A_1723] {strides = array<i32>} : memref<288x256xf32, #tpu.memory_space<vmem>>, vector<1x16xf32>,
      %swap3A_1725 = vector.shape_cast %swap3A_1724 : vector<1x16xf32> to vector<16xf32>
      %swap3A_1726 = vector.shape_cast %get3A_1721 : vector<16xf32> to vector<1x16xf32>
      tpu.vector_store %arg7[%swap3A_1722, %swap3A_1723], %swap3A_1726 {strides = array<i32>} : memref<288x256xf32, #tpu.memory_space<vmem>>, vector<1x16xf32>,
      %add3A_1727 = arith.constant 192 : i32
      %add3A_1728 = vector.broadcast %add3A_1727 : i32 to vector<16xi32>
      %add3A_1729 = arith.addi %iota3A, %add3A_1728 : vector<16xi32>
      %add3A_1730 = arith.constant 192 : i32
      %add3A_1731 = arith.addi %add3A_40, %add3A_1730 : i32
      %get3A_1732 = arith.index_cast %add3A_1731 : i32 to index
      %get3A_1733 = tpu.vector_load %arg6[%get3A_1732] {strides = array<i32>} : memref<6280xf32, #tpu.memory_space<vmem>>, vector<16xf32>,
      %get3A_1734 = vector.shape_cast %get3A_1733 : vector<16xf32> to vector<16xf32>
      %swap3A_1735 = arith.index_cast %add3A_1556 : i32 to index
      %swap3A_1736 = arith.constant 192 : index
      %swap3A_1737 = tpu.vector_load %arg7[%swap3A_1735, %swap3A_1736] {strides = array<i32>} : memref<288x256xf32, #tpu.memory_space<vmem>>, vector<1x16xf32>,
      %swap3A_1738 = vector.shape_cast %swap3A_1737 : vector<1x16xf32> to vector<16xf32>
      %swap3A_1739 = vector.shape_cast %get3A_1734 : vector<16xf32> to vector<1x16xf32>
      tpu.vector_store %arg7[%swap3A_1735, %swap3A_1736], %swap3A_1739 {strides = array<i32>} : memref<288x256xf32, #tpu.memory_space<vmem>>, vector<1x16xf32>,
      %add3A_1740 = arith.constant 208 : i32
      %add3A_1741 = vector.broadcast %add3A_1740 : i32 to vector<16xi32>
      %add3A_1742 = arith.addi %iota3A, %add3A_1741 : vector<16xi32>
      %add3A_1743 = arith.constant 208 : i32
      %add3A_1744 = arith.addi %add3A_40, %add3A_1743 : i32
      %get3A_1745 = arith.index_cast %add3A_1744 : i32 to index
      %get3A_1746 = tpu.vector_load %arg6[%get3A_1745] {strides = array<i32>} : memref<6280xf32, #tpu.memory_space<vmem>>, vector<16xf32>,
      %get3A_1747 = vector.shape_cast %get3A_1746 : vector<16xf32> to vector<16xf32>
      %swap3A_1748 = arith.index_cast %add3A_1556 : i32 to index
      %swap3A_1749 = arith.constant 208 : index
      %swap3A_1750 = tpu.vector_load %arg7[%swap3A_1748, %swap3A_1749] {strides = array<i32>} : memref<288x256xf32, #tpu.memory_space<vmem>>, vector<1x16xf32>,
      %swap3A_1751 = vector.shape_cast %swap3A_1750 : vector<1x16xf32> to vector<16xf32>
      %swap3A_1752 = vector.shape_cast %get3A_1747 : vector<16xf32> to vector<1x16xf32>
      tpu.vector_store %arg7[%swap3A_1748, %swap3A_1749], %swap3A_1752 {strides = array<i32>} : memref<288x256xf32, #tpu.memory_space<vmem>>, vector<1x16xf32>,
      %add3A_1753 = arith.constant 224 : i32
      %add3A_1754 = vector.broadcast %add3A_1753 : i32 to vector<16xi32>
      %add3A_1755 = arith.addi %iota3A, %add3A_1754 : vector<16xi32>
      %add3A_1756 = arith.constant 224 : i32
      %add3A_1757 = arith.addi %add3A_40, %add3A_1756 : i32
      %get3A_1758 = arith.index_cast %add3A_1757 : i32 to index
      %get3A_1759 = tpu.vector_load %arg6[%get3A_1758] {strides = array<i32>} : memref<6280xf32, #tpu.memory_space<vmem>>, vector<16xf32>,
      %get3A_1760 = vector.shape_cast %get3A_1759 : vector<16xf32> to vector<16xf32>
      %swap3A_1761 = arith.index_cast %add3A_1556 : i32 to index
      %swap3A_1762 = arith.constant 224 : index
      %swap3A_1763 = tpu.vector_load %arg7[%swap3A_1761, %swap3A_1762] {strides = array<i32>} : memref<288x256xf32, #tpu.memory_space<vmem>>, vector<1x16xf32>,
      %swap3A_1764 = vector.shape_cast %swap3A_1763 : vector<1x16xf32> to vector<16xf32>
      %swap3A_1765 = vector.shape_cast %get3A_1760 : vector<16xf32> to vector<1x16xf32>
      tpu.vector_store %arg7[%swap3A_1761, %swap3A_1762], %swap3A_1765 {strides = array<i32>} : memref<288x256xf32, #tpu.memory_space<vmem>>, vector<1x16xf32>,
      %add3A_1766 = arith.constant 240 : i32
      %add3A_1767 = vector.broadcast %add3A_1766 : i32 to vector<16xi32>
      %add3A_1768 = arith.addi %iota3A, %add3A_1767 : vector<16xi32>
      %add3A_1769 = arith.constant 240 : i32
      %add3A_1770 = arith.addi %add3A_40, %add3A_1769 : i32
      %get3A_1771 = arith.index_cast %add3A_1770 : i32 to index
      %get3A_1772 = tpu.vector_load %arg6[%get3A_1771] {strides = array<i32>} : memref<6280xf32, #tpu.memory_space<vmem>>, vector<16xf32>,
      %get3A_1773 = vector.shape_cast %get3A_1772 : vector<16xf32> to vector<16xf32>
      %swap3A_1774 = arith.index_cast %add3A_1556 : i32 to index
      %swap3A_1775 = arith.constant 240 : index
      %swap3A_1776 = tpu.vector_load %arg7[%swap3A_1774, %swap3A_1775] {strides = array<i32>} : memref<288x256xf32, #tpu.memory_space<vmem>>, vector<1x16xf32>,
      %swap3A_1777 = vector.shape_cast %swap3A_1776 : vector<1x16xf32> to vector<16xf32>
      %swap3A_1778 = vector.shape_cast %get3A_1773 : vector<16xf32> to vector<1x16xf32>
      tpu.vector_store %arg7[%swap3A_1774, %swap3A_1775], %swap3A_1778 {strides = array<i32>} : memref<288x256xf32, #tpu.memory_space<vmem>>, vector<1x16xf32>,
      %scan3A_1779 = arith.constant 0 : i32
      scf.yield %scan3A_1779 : i32
    }
    %scan3A_47 = arith.constant 32 : i32
    %mul3A_48 = arith.constant 9 : i32
    %mul3A_49 = arith.muli %add3A, %mul3A_48 : i32
    %add3A_50 = arith.constant 2 : i32
    %add3A_51 = arith.addi %mul3A_49, %add3A_50 : i32
    %shift_right_arithmetic3A_52 = arith.constant 5 : i32
    %shift_right_arithmetic3A_53 = arith.shrsi %add3A_51, %shift_right_arithmetic3A_52 : i32
    %and3A_54 = arith.constant 31 : i32
    %and3A_55 = arith.andi %add3A_51, %and3A_54 : i32
    %mul3A_56 = arith.constant 86 : i32
    %mul3A_57 = arith.muli %and3A_55, %mul3A_56 : i32
    %add3A_58 = arith.constant 2666 : i32
    %add3A_59 = arith.addi %add3A_58, %mul3A_57 : i32
    %mul3A_60 = arith.constant 86 : i32
    %mul3A_61 = arith.muli %shift_right_arithmetic3A_53, %mul3A_60 : i32
    %add3A_62 = arith.constant 5332 : i32
    %add3A_63 = arith.addi %add3A_62, %mul3A_61 : i32
    %scan3A_64 = arith.constant 0 : i32
    %scan3A_65 = arith.constant 0 : i32
    %scan3A_66 = arith.constant 32 : i32
    %scan3A_67 = arith.addi %scan3A_65, %scan3A_66 : i32
    %scan3A_68 = arith.constant 1 : i32
    %scan3A_69 = scf.for %scan3A_1551 = %scan3A_65 to %scan3A_67 step %scan3A_68 iter_args(%scan3A_1552 = %scan3A_64) -> (i32)  : i32 {
      %mul3A_1553 = arith.constant 86 : i32
      %mul3A_1554 = arith.muli %scan3A_1551, %mul3A_1553 : i32
      %add3A_1555 = arith.constant 64 : i32
      %add3A_1556 = arith.addi %add3A_1555, %scan3A_1551 : i32
      %add3A_1557 = arith.constant 0 : i32
      %add3A_1558 = vector.broadcast %add3A_1557 : i32 to vector<16xi32>
      %add3A_1559 = arith.addi %iota3A, %add3A_1558 : vector<16xi32>
      %add3A_1560 = arith.constant 0 : i32
      %add3A_1561 = arith.addi %mul3A_1554, %add3A_1560 : i32
      %get3A = arith.index_cast %add3A_1561 : i32 to index
      %get3A_1562 = tpu.vector_load %arg6[%get3A] {strides = array<i32>} : memref<6280xf32, #tpu.memory_space<vmem>>, vector<16xf32>,
      %get3A_1563 = vector.shape_cast %get3A_1562 : vector<16xf32> to vector<16xf32>
      %swap3A = arith.index_cast %add3A_1556 : i32 to index
      %swap3A_1564 = arith.constant 0 : index
      %swap3A_1565 = tpu.vector_load %arg7[%swap3A, %swap3A_1564] {strides = array<i32>} : memref<288x256xf32, #tpu.memory_space<vmem>>, vector<1x16xf32>,
      %swap3A_1566 = vector.shape_cast %swap3A_1565 : vector<1x16xf32> to vector<16xf32>
      %swap3A_1567 = vector.shape_cast %get3A_1563 : vector<16xf32> to vector<1x16xf32>
      tpu.vector_store %arg7[%swap3A, %swap3A_1564], %swap3A_1567 {strides = array<i32>} : memref<288x256xf32, #tpu.memory_space<vmem>>, vector<1x16xf32>,
      %add3A_1568 = arith.constant 16 : i32
      %add3A_1569 = vector.broadcast %add3A_1568 : i32 to vector<16xi32>
      %add3A_1570 = arith.addi %iota3A, %add3A_1569 : vector<16xi32>
      %add3A_1571 = arith.constant 16 : i32
      %add3A_1572 = arith.addi %mul3A_1554, %add3A_1571 : i32
      %get3A_1573 = arith.index_cast %add3A_1572 : i32 to index
      %get3A_1574 = tpu.vector_load %arg6[%get3A_1573] {strides = array<i32>} : memref<6280xf32, #tpu.memory_space<vmem>>, vector<16xf32>,
      %get3A_1575 = vector.shape_cast %get3A_1574 : vector<16xf32> to vector<16xf32>
      %swap3A_1576 = arith.index_cast %add3A_1556 : i32 to index
      %swap3A_1577 = arith.constant 16 : index
      %swap3A_1578 = tpu.vector_load %arg7[%swap3A_1576, %swap3A_1577] {strides = array<i32>} : memref<288x256xf32, #tpu.memory_space<vmem>>, vector<1x16xf32>,
      %swap3A_1579 = vector.shape_cast %swap3A_1578 : vector<1x16xf32> to vector<16xf32>
      %swap3A_1580 = vector.shape_cast %get3A_1575 : vector<16xf32> to vector<1x16xf32>
      tpu.vector_store %arg7[%swap3A_1576, %swap3A_1577], %swap3A_1580 {strides = array<i32>} : memref<288x256xf32, #tpu.memory_space<vmem>>, vector<1x16xf32>,
      %add3A_1581 = arith.constant 32 : i32
      %add3A_1582 = vector.broadcast %add3A_1581 : i32 to vector<16xi32>
      %add3A_1583 = arith.addi %iota3A, %add3A_1582 : vector<16xi32>
      %add3A_1584 = arith.constant 32 : i32
      %add3A_1585 = arith.addi %mul3A_1554, %add3A_1584 : i32
      %get3A_1586 = arith.index_cast %add3A_1585 : i32 to index
      %get3A_1587 = tpu.vector_load %arg6[%get3A_1586] {strides = array<i32>} : memref<6280xf32, #tpu.memory_space<vmem>>, vector<16xf32>,
      %get3A_1588 = vector.shape_cast %get3A_1587 : vector<16xf32> to vector<16xf32>
      %swap3A_1589 = arith.index_cast %add3A_1556 : i32 to index
      %swap3A_1590 = arith.constant 32 : index
      %swap3A_1591 = tpu.vector_load %arg7[%swap3A_1589, %swap3A_1590] {strides = array<i32>} : memref<288x256xf32, #tpu.memory_space<vmem>>, vector<1x16xf32>,
      %swap3A_1592 = vector.shape_cast %swap3A_1591 : vector<1x16xf32> to vector<16xf32>
      %swap3A_1593 = vector.shape_cast %get3A_1588 : vector<16xf32> to vector<1x16xf32>
      tpu.vector_store %arg7[%swap3A_1589, %swap3A_1590], %swap3A_1593 {strides = array<i32>} : memref<288x256xf32, #tpu.memory_space<vmem>>, vector<1x16xf32>,
      %add3A_1594 = arith.constant 48 : i32
      %add3A_1595 = vector.broadcast %add3A_1594 : i32 to vector<16xi32>
      %add3A_1596 = arith.addi %iota3A, %add3A_1595 : vector<16xi32>
      %add3A_1597 = arith.constant 48 : i32
      %add3A_1598 = arith.addi %mul3A_1554, %add3A_1597 : i32
      %get3A_1599 = arith.index_cast %add3A_1598 : i32 to index
      %get3A_1600 = tpu.vector_load %arg6[%get3A_1599] {strides = array<i32>} : memref<6280xf32, #tpu.memory_space<vmem>>, vector<16xf32>,
      %get3A_1601 = vector.shape_cast %get3A_1600 : vector<16xf32> to vector<16xf32>
      %swap3A_1602 = arith.index_cast %add3A_1556 : i32 to index
      %swap3A_1603 = arith.constant 48 : index
      %swap3A_1604 = tpu.vector_load %arg7[%swap3A_1602, %swap3A_1603] {strides = array<i32>} : memref<288x256xf32, #tpu.memory_space<vmem>>, vector<1x16xf32>,
      %swap3A_1605 = vector.shape_cast %swap3A_1604 : vector<1x16xf32> to vector<16xf32>
      %swap3A_1606 = vector.shape_cast %get3A_1601 : vector<16xf32> to vector<1x16xf32>
      tpu.vector_store %arg7[%swap3A_1602, %swap3A_1603], %swap3A_1606 {strides = array<i32>} : memref<288x256xf32, #tpu.memory_space<vmem>>, vector<1x16xf32>,
      %add3A_1607 = arith.constant 64 : i32
      %add3A_1608 = vector.broadcast %add3A_1607 : i32 to vector<16xi32>
      %add3A_1609 = arith.addi %iota3A, %add3A_1608 : vector<16xi32>
      %add3A_1610 = arith.constant 64 : i32
      %add3A_1611 = arith.addi %mul3A_1554, %add3A_1610 : i32
      %get3A_1612 = arith.index_cast %add3A_1611 : i32 to index
      %get3A_1613 = tpu.vector_load %arg6[%get3A_1612] {strides = array<i32>} : memref<6280xf32, #tpu.memory_space<vmem>>, vector<16xf32>,
      %get3A_1614 = vector.shape_cast %get3A_1613 : vector<16xf32> to vector<16xf32>
      %swap3A_1615 = arith.index_cast %add3A_1556 : i32 to index
      %swap3A_1616 = arith.constant 64 : index
      %swap3A_1617 = tpu.vector_load %arg7[%swap3A_1615, %swap3A_1616] {strides = array<i32>} : memref<288x256xf32, #tpu.memory_space<vmem>>, vector<1x16xf32>,
      %swap3A_1618 = vector.shape_cast %swap3A_1617 : vector<1x16xf32> to vector<16xf32>
      %swap3A_1619 = vector.shape_cast %get3A_1614 : vector<16xf32> to vector<1x16xf32>
      tpu.vector_store %arg7[%swap3A_1615, %swap3A_1616], %swap3A_1619 {strides = array<i32>} : memref<288x256xf32, #tpu.memory_space<vmem>>, vector<1x16xf32>,
      %add3A_1620 = arith.constant 80 : i32
      %add3A_1621 = vector.broadcast %add3A_1620 : i32 to vector<16xi32>
      %add3A_1622 = arith.addi %iota3A, %add3A_1621 : vector<16xi32>
      %add3A_1623 = arith.constant 80 : i32
      %add3A_1624 = arith.addi %mul3A_1554, %add3A_1623 : i32
      %get3A_1625 = arith.index_cast %add3A_1624 : i32 to index
      %get3A_1626 = tpu.vector_load %arg6[%get3A_1625] {strides = array<i32>} : memref<6280xf32, #tpu.memory_space<vmem>>, vector<16xf32>,
      %get3A_1627 = vector.shape_cast %get3A_1626 : vector<16xf32> to vector<16xf32>
      %add3A_1628 = arith.constant 80 : i32
      %add3A_1629 = arith.addi %add3A_59, %add3A_1628 : i32
      %get3A_1630 = arith.index_cast %add3A_1629 : i32 to index
      %get3A_1631 = tpu.vector_load %arg6[%get3A_1630] {strides = array<i32>} : memref<6280xf32, #tpu.memory_space<vmem>>, vector<16xf32>,
      %get3A_1632 = vector.shape_cast %get3A_1631 : vector<16xf32> to vector<16xf32>
      %lt3A = arith.constant 86 : i32
      %lt3A_1633 = vector.broadcast %lt3A : i32 to vector<16xi32>
      %lt3A_1634 = arith.cmpi slt, %add3A_1622, %lt3A_1633 : vector<16xi32>
      %select_n3A = arith.select %lt3A_1634, %get3A_1627, %get3A_1632 : vector<16xi1>, vector<16xf32>
      %swap3A_1635 = arith.index_cast %add3A_1556 : i32 to index
      %swap3A_1636 = arith.constant 80 : index
      %swap3A_1637 = tpu.vector_load %arg7[%swap3A_1635, %swap3A_1636] {strides = array<i32>} : memref<288x256xf32, #tpu.memory_space<vmem>>, vector<1x16xf32>,
      %swap3A_1638 = vector.shape_cast %swap3A_1637 : vector<1x16xf32> to vector<16xf32>
      %swap3A_1639 = vector.shape_cast %select_n3A : vector<16xf32> to vector<1x16xf32>
      tpu.vector_store %arg7[%swap3A_1635, %swap3A_1636], %swap3A_1639 {strides = array<i32>} : memref<288x256xf32, #tpu.memory_space<vmem>>, vector<1x16xf32>,
      %add3A_1640 = arith.constant 96 : i32
      %add3A_1641 = vector.broadcast %add3A_1640 : i32 to vector<16xi32>
      %add3A_1642 = arith.addi %iota3A, %add3A_1641 : vector<16xi32>
      %add3A_1643 = arith.constant 96 : i32
      %add3A_1644 = arith.addi %add3A_59, %add3A_1643 : i32
      %get3A_1645 = arith.index_cast %add3A_1644 : i32 to index
      %get3A_1646 = tpu.vector_load %arg6[%get3A_1645] {strides = array<i32>} : memref<6280xf32, #tpu.memory_space<vmem>>, vector<16xf32>,
      %get3A_1647 = vector.shape_cast %get3A_1646 : vector<16xf32> to vector<16xf32>
      %swap3A_1648 = arith.index_cast %add3A_1556 : i32 to index
      %swap3A_1649 = arith.constant 96 : index
      %swap3A_1650 = tpu.vector_load %arg7[%swap3A_1648, %swap3A_1649] {strides = array<i32>} : memref<288x256xf32, #tpu.memory_space<vmem>>, vector<1x16xf32>,
      %swap3A_1651 = vector.shape_cast %swap3A_1650 : vector<1x16xf32> to vector<16xf32>
      %swap3A_1652 = vector.shape_cast %get3A_1647 : vector<16xf32> to vector<1x16xf32>
      tpu.vector_store %arg7[%swap3A_1648, %swap3A_1649], %swap3A_1652 {strides = array<i32>} : memref<288x256xf32, #tpu.memory_space<vmem>>, vector<1x16xf32>,
      %add3A_1653 = arith.constant 112 : i32
      %add3A_1654 = vector.broadcast %add3A_1653 : i32 to vector<16xi32>
      %add3A_1655 = arith.addi %iota3A, %add3A_1654 : vector<16xi32>
      %add3A_1656 = arith.constant 112 : i32
      %add3A_1657 = arith.addi %add3A_59, %add3A_1656 : i32
      %get3A_1658 = arith.index_cast %add3A_1657 : i32 to index
      %get3A_1659 = tpu.vector_load %arg6[%get3A_1658] {strides = array<i32>} : memref<6280xf32, #tpu.memory_space<vmem>>, vector<16xf32>,
      %get3A_1660 = vector.shape_cast %get3A_1659 : vector<16xf32> to vector<16xf32>
      %swap3A_1661 = arith.index_cast %add3A_1556 : i32 to index
      %swap3A_1662 = arith.constant 112 : index
      %swap3A_1663 = tpu.vector_load %arg7[%swap3A_1661, %swap3A_1662] {strides = array<i32>} : memref<288x256xf32, #tpu.memory_space<vmem>>, vector<1x16xf32>,
      %swap3A_1664 = vector.shape_cast %swap3A_1663 : vector<1x16xf32> to vector<16xf32>
      %swap3A_1665 = vector.shape_cast %get3A_1660 : vector<16xf32> to vector<1x16xf32>
      tpu.vector_store %arg7[%swap3A_1661, %swap3A_1662], %swap3A_1665 {strides = array<i32>} : memref<288x256xf32, #tpu.memory_space<vmem>>, vector<1x16xf32>,
      %add3A_1666 = arith.constant 128 : i32
      %add3A_1667 = vector.broadcast %add3A_1666 : i32 to vector<16xi32>
      %add3A_1668 = arith.addi %iota3A, %add3A_1667 : vector<16xi32>
      %add3A_1669 = arith.constant 128 : i32
      %add3A_1670 = arith.addi %add3A_59, %add3A_1669 : i32
      %get3A_1671 = arith.index_cast %add3A_1670 : i32 to index
      %get3A_1672 = tpu.vector_load %arg6[%get3A_1671] {strides = array<i32>} : memref<6280xf32, #tpu.memory_space<vmem>>, vector<16xf32>,
      %get3A_1673 = vector.shape_cast %get3A_1672 : vector<16xf32> to vector<16xf32>
      %swap3A_1674 = arith.index_cast %add3A_1556 : i32 to index
      %swap3A_1675 = arith.constant 128 : index
      %swap3A_1676 = tpu.vector_load %arg7[%swap3A_1674, %swap3A_1675] {strides = array<i32>} : memref<288x256xf32, #tpu.memory_space<vmem>>, vector<1x16xf32>,
      %swap3A_1677 = vector.shape_cast %swap3A_1676 : vector<1x16xf32> to vector<16xf32>
      %swap3A_1678 = vector.shape_cast %get3A_1673 : vector<16xf32> to vector<1x16xf32>
      tpu.vector_store %arg7[%swap3A_1674, %swap3A_1675], %swap3A_1678 {strides = array<i32>} : memref<288x256xf32, #tpu.memory_space<vmem>>, vector<1x16xf32>,
      %add3A_1679 = arith.constant 144 : i32
      %add3A_1680 = vector.broadcast %add3A_1679 : i32 to vector<16xi32>
      %add3A_1681 = arith.addi %iota3A, %add3A_1680 : vector<16xi32>
      %add3A_1682 = arith.constant 144 : i32
      %add3A_1683 = arith.addi %add3A_59, %add3A_1682 : i32
      %get3A_1684 = arith.index_cast %add3A_1683 : i32 to index
      %get3A_1685 = tpu.vector_load %arg6[%get3A_1684] {strides = array<i32>} : memref<6280xf32, #tpu.memory_space<vmem>>, vector<16xf32>,
      %get3A_1686 = vector.shape_cast %get3A_1685 : vector<16xf32> to vector<16xf32>
      %swap3A_1687 = arith.index_cast %add3A_1556 : i32 to index
      %swap3A_1688 = arith.constant 144 : index
      %swap3A_1689 = tpu.vector_load %arg7[%swap3A_1687, %swap3A_1688] {strides = array<i32>} : memref<288x256xf32, #tpu.memory_space<vmem>>, vector<1x16xf32>,
      %swap3A_1690 = vector.shape_cast %swap3A_1689 : vector<1x16xf32> to vector<16xf32>
      %swap3A_1691 = vector.shape_cast %get3A_1686 : vector<16xf32> to vector<1x16xf32>
      tpu.vector_store %arg7[%swap3A_1687, %swap3A_1688], %swap3A_1691 {strides = array<i32>} : memref<288x256xf32, #tpu.memory_space<vmem>>, vector<1x16xf32>,
      %add3A_1692 = arith.constant 160 : i32
      %add3A_1693 = vector.broadcast %add3A_1692 : i32 to vector<16xi32>
      %add3A_1694 = arith.addi %iota3A, %add3A_1693 : vector<16xi32>
      %add3A_1695 = arith.constant 160 : i32
      %add3A_1696 = arith.addi %add3A_59, %add3A_1695 : i32
      %get3A_1697 = arith.index_cast %add3A_1696 : i32 to index
      %get3A_1698 = tpu.vector_load %arg6[%get3A_1697] {strides = array<i32>} : memref<6280xf32, #tpu.memory_space<vmem>>, vector<16xf32>,
      %get3A_1699 = vector.shape_cast %get3A_1698 : vector<16xf32> to vector<16xf32>
      %add3A_1700 = arith.constant 160 : i32
      %add3A_1701 = arith.addi %add3A_63, %add3A_1700 : i32
      %get3A_1702 = arith.index_cast %add3A_1701 : i32 to index
      %get3A_1703 = tpu.vector_load %arg6[%get3A_1702] {strides = array<i32>} : memref<6280xf32, #tpu.memory_space<vmem>>, vector<16xf32>,
      %get3A_1704 = vector.shape_cast %get3A_1703 : vector<16xf32> to vector<16xf32>
      %lt3A_1705 = arith.constant 172 : i32
      %lt3A_1706 = vector.broadcast %lt3A_1705 : i32 to vector<16xi32>
      %lt3A_1707 = arith.cmpi slt, %add3A_1694, %lt3A_1706 : vector<16xi32>
      %select_n3A_1708 = arith.select %lt3A_1707, %get3A_1699, %get3A_1704 : vector<16xi1>, vector<16xf32>
      %swap3A_1709 = arith.index_cast %add3A_1556 : i32 to index
      %swap3A_1710 = arith.constant 160 : index
      %swap3A_1711 = tpu.vector_load %arg7[%swap3A_1709, %swap3A_1710] {strides = array<i32>} : memref<288x256xf32, #tpu.memory_space<vmem>>, vector<1x16xf32>,
      %swap3A_1712 = vector.shape_cast %swap3A_1711 : vector<1x16xf32> to vector<16xf32>
      %swap3A_1713 = vector.shape_cast %select_n3A_1708 : vector<16xf32> to vector<1x16xf32>
      tpu.vector_store %arg7[%swap3A_1709, %swap3A_1710], %swap3A_1713 {strides = array<i32>} : memref<288x256xf32, #tpu.memory_space<vmem>>, vector<1x16xf32>,
      %add3A_1714 = arith.constant 176 : i32
      %add3A_1715 = vector.broadcast %add3A_1714 : i32 to vector<16xi32>
      %add3A_1716 = arith.addi %iota3A, %add3A_1715 : vector<16xi32>
      %add3A_1717 = arith.constant 176 : i32
      %add3A_1718 = arith.addi %add3A_63, %add3A_1717 : i32
      %get3A_1719 = arith.index_cast %add3A_1718 : i32 to index
      %get3A_1720 = tpu.vector_load %arg6[%get3A_1719] {strides = array<i32>} : memref<6280xf32, #tpu.memory_space<vmem>>, vector<16xf32>,
      %get3A_1721 = vector.shape_cast %get3A_1720 : vector<16xf32> to vector<16xf32>
      %swap3A_1722 = arith.index_cast %add3A_1556 : i32 to index
      %swap3A_1723 = arith.constant 176 : index
      %swap3A_1724 = tpu.vector_load %arg7[%swap3A_1722, %swap3A_1723] {strides = array<i32>} : memref<288x256xf32, #tpu.memory_space<vmem>>, vector<1x16xf32>,
      %swap3A_1725 = vector.shape_cast %swap3A_1724 : vector<1x16xf32> to vector<16xf32>
      %swap3A_1726 = vector.shape_cast %get3A_1721 : vector<16xf32> to vector<1x16xf32>
      tpu.vector_store %arg7[%swap3A_1722, %swap3A_1723], %swap3A_1726 {strides = array<i32>} : memref<288x256xf32, #tpu.memory_space<vmem>>, vector<1x16xf32>,
      %add3A_1727 = arith.constant 192 : i32
      %add3A_1728 = vector.broadcast %add3A_1727 : i32 to vector<16xi32>
      %add3A_1729 = arith.addi %iota3A, %add3A_1728 : vector<16xi32>
      %add3A_1730 = arith.constant 192 : i32
      %add3A_1731 = arith.addi %add3A_63, %add3A_1730 : i32
      %get3A_1732 = arith.index_cast %add3A_1731 : i32 to index
      %get3A_1733 = tpu.vector_load %arg6[%get3A_1732] {strides = array<i32>} : memref<6280xf32, #tpu.memory_space<vmem>>, vector<16xf32>,
      %get3A_1734 = vector.shape_cast %get3A_1733 : vector<16xf32> to vector<16xf32>
      %swap3A_1735 = arith.index_cast %add3A_1556 : i32 to index
      %swap3A_1736 = arith.constant 192 : index
      %swap3A_1737 = tpu.vector_load %arg7[%swap3A_1735, %swap3A_1736] {strides = array<i32>} : memref<288x256xf32, #tpu.memory_space<vmem>>, vector<1x16xf32>,
      %swap3A_1738 = vector.shape_cast %swap3A_1737 : vector<1x16xf32> to vector<16xf32>
      %swap3A_1739 = vector.shape_cast %get3A_1734 : vector<16xf32> to vector<1x16xf32>
      tpu.vector_store %arg7[%swap3A_1735, %swap3A_1736], %swap3A_1739 {strides = array<i32>} : memref<288x256xf32, #tpu.memory_space<vmem>>, vector<1x16xf32>,
      %add3A_1740 = arith.constant 208 : i32
      %add3A_1741 = vector.broadcast %add3A_1740 : i32 to vector<16xi32>
      %add3A_1742 = arith.addi %iota3A, %add3A_1741 : vector<16xi32>
      %add3A_1743 = arith.constant 208 : i32
      %add3A_1744 = arith.addi %add3A_63, %add3A_1743 : i32
      %get3A_1745 = arith.index_cast %add3A_1744 : i32 to index
      %get3A_1746 = tpu.vector_load %arg6[%get3A_1745] {strides = array<i32>} : memref<6280xf32, #tpu.memory_space<vmem>>, vector<16xf32>,
      %get3A_1747 = vector.shape_cast %get3A_1746 : vector<16xf32> to vector<16xf32>
      %swap3A_1748 = arith.index_cast %add3A_1556 : i32 to index
      %swap3A_1749 = arith.constant 208 : index
      %swap3A_1750 = tpu.vector_load %arg7[%swap3A_1748, %swap3A_1749] {strides = array<i32>} : memref<288x256xf32, #tpu.memory_space<vmem>>, vector<1x16xf32>,
      %swap3A_1751 = vector.shape_cast %swap3A_1750 : vector<1x16xf32> to vector<16xf32>
      %swap3A_1752 = vector.shape_cast %get3A_1747 : vector<16xf32> to vector<1x16xf32>
      tpu.vector_store %arg7[%swap3A_1748, %swap3A_1749], %swap3A_1752 {strides = array<i32>} : memref<288x256xf32, #tpu.memory_space<vmem>>, vector<1x16xf32>,
      %add3A_1753 = arith.constant 224 : i32
      %add3A_1754 = vector.broadcast %add3A_1753 : i32 to vector<16xi32>
      %add3A_1755 = arith.addi %iota3A, %add3A_1754 : vector<16xi32>
      %add3A_1756 = arith.constant 224 : i32
      %add3A_1757 = arith.addi %add3A_63, %add3A_1756 : i32
      %get3A_1758 = arith.index_cast %add3A_1757 : i32 to index
      %get3A_1759 = tpu.vector_load %arg6[%get3A_1758] {strides = array<i32>} : memref<6280xf32, #tpu.memory_space<vmem>>, vector<16xf32>,
      %get3A_1760 = vector.shape_cast %get3A_1759 : vector<16xf32> to vector<16xf32>
      %swap3A_1761 = arith.index_cast %add3A_1556 : i32 to index
      %swap3A_1762 = arith.constant 224 : index
      %swap3A_1763 = tpu.vector_load %arg7[%swap3A_1761, %swap3A_1762] {strides = array<i32>} : memref<288x256xf32, #tpu.memory_space<vmem>>, vector<1x16xf32>,
      %swap3A_1764 = vector.shape_cast %swap3A_1763 : vector<1x16xf32> to vector<16xf32>
      %swap3A_1765 = vector.shape_cast %get3A_1760 : vector<16xf32> to vector<1x16xf32>
      tpu.vector_store %arg7[%swap3A_1761, %swap3A_1762], %swap3A_1765 {strides = array<i32>} : memref<288x256xf32, #tpu.memory_space<vmem>>, vector<1x16xf32>,
      %add3A_1766 = arith.constant 240 : i32
      %add3A_1767 = vector.broadcast %add3A_1766 : i32 to vector<16xi32>
      %add3A_1768 = arith.addi %iota3A, %add3A_1767 : vector<16xi32>
      %add3A_1769 = arith.constant 240 : i32
      %add3A_1770 = arith.addi %add3A_63, %add3A_1769 : i32
      %get3A_1771 = arith.index_cast %add3A_1770 : i32 to index
      %get3A_1772 = tpu.vector_load %arg6[%get3A_1771] {strides = array<i32>} : memref<6280xf32, #tpu.memory_space<vmem>>, vector<16xf32>,
      %get3A_1773 = vector.shape_cast %get3A_1772 : vector<16xf32> to vector<16xf32>
      %swap3A_1774 = arith.index_cast %add3A_1556 : i32 to index
      %swap3A_1775 = arith.constant 240 : index
      %swap3A_1776 = tpu.vector_load %arg7[%swap3A_1774, %swap3A_1775] {strides = array<i32>} : memref<288x256xf32, #tpu.memory_space<vmem>>, vector<1x16xf32>,
      %swap3A_1777 = vector.shape_cast %swap3A_1776 : vector<1x16xf32> to vector<16xf32>
      %swap3A_1778 = vector.shape_cast %get3A_1773 : vector<16xf32> to vector<1x16xf32>
      tpu.vector_store %arg7[%swap3A_1774, %swap3A_1775], %swap3A_1778 {strides = array<i32>} : memref<288x256xf32, #tpu.memory_space<vmem>>, vector<1x16xf32>,
      %scan3A_1779 = arith.constant 0 : i32
      scf.yield %scan3A_1779 : i32
    }
    %scan3A_70 = arith.constant 32 : i32
    %add3A_71 = arith.constant 0 : i32
    %add3A_72 = arith.addi %mul3A_4, %add3A_71 : i32
    %dma_start3A = arith.constant 0 : i32
    %dma_start3A_73 = arith.constant 0 : i32
    %dma_start3A_74 = arith.constant 0 : i32
    %dma_start3A_75 = tpu.memref_slice %arg7[%dma_start3A_73, %dma_start3A_74] : memref<288x256xf32, #tpu.memory_space<vmem>> -> memref<96x256xf32, #tpu.memory_space<vmem>>
    %dma_start3A_76 = arith.constant 0 : i32
    %dma_start3A_77 = tpu.memref_slice %arg5[%dma_start3A, %add3A_72, %dma_start3A_76] : memref<16x9216x256xf32, #tpu.memory_space<hbm>> -> memref<1x96x256xf32, #tpu.memory_space<hbm>>
    %dma_start3A_78 = tpu.memref_squeeze %dma_start3A_77 : memref<1x96x256xf32, #tpu.memory_space<hbm>> -> memref<96x256xf32, #tpu.memory_space<hbm>>
    %dma_start3A_79 = arith.constant 0 : i32
    %dma_start3A_80 = tpu.memref_slice %arg5[%dma_start3A, %add3A_72, %dma_start3A_79] : memref<16x9216x256xf32, #tpu.memory_space<hbm>> -> memref<1x96x256xf32, #tpu.memory_space<hbm>>
    %dma_start3A_81 = tpu.memref_squeeze %dma_start3A_80 : memref<1x96x256xf32, #tpu.memory_space<hbm>> -> memref<96x256xf32, #tpu.memory_space<hbm>>
    %dma_start3A_82 = arith.constant 0 : i32
    %dma_start3A_83 = arith.constant 0 : i32
    %dma_start3A_84 = tpu.memref_slice %arg7[%dma_start3A_82, %dma_start3A_83] : memref<288x256xf32, #tpu.memory_space<vmem>> -> memref<96x256xf32, #tpu.memory_space<vmem>>
    tpu.enqueue_dma source(%dma_start3A_84 : memref<96x256xf32, #tpu.memory_space<vmem>>) target(%dma_start3A_81 : memref<96x256xf32, #tpu.memory_space<hbm>>) target_semaphore(%arg8 : memref<!tpu.dma_semaphore, #tpu.memory_space<semaphore_mem>>)
    %add3A_85 = arith.constant 0 : i32
    %add3A_86 = arith.addi %mul3A_4, %add3A_85 : i32
    %dma_start3A_87 = arith.constant 1 : i32
    %dma_start3A_88 = arith.constant 0 : i32
    %dma_start3A_89 = arith.constant 0 : i32
    %dma_start3A_90 = tpu.memref_slice %arg7[%dma_start3A_88, %dma_start3A_89] : memref<288x256xf32, #tpu.memory_space<vmem>> -> memref<96x256xf32, #tpu.memory_space<vmem>>
    %dma_start3A_91 = arith.constant 0 : i32
    %dma_start3A_92 = tpu.memref_slice %arg5[%dma_start3A_87, %add3A_86, %dma_start3A_91] : memref<16x9216x256xf32, #tpu.memory_space<hbm>> -> memref<1x96x256xf32, #tpu.memory_space<hbm>>
    %dma_start3A_93 = tpu.memref_squeeze %dma_start3A_92 : memref<1x96x256xf32, #tpu.memory_space<hbm>> -> memref<96x256xf32, #tpu.memory_space<hbm>>
    %dma_start3A_94 = arith.constant 0 : i32
    %dma_start3A_95 = tpu.memref_slice %arg5[%dma_start3A_87, %add3A_86, %dma_start3A_94] : memref<16x9216x256xf32, #tpu.memory_space<hbm>> -> memref<1x96x256xf32, #tpu.memory_space<hbm>>
    %dma_start3A_96 = tpu.memref_squeeze %dma_start3A_95 : memref<1x96x256xf32, #tpu.memory_space<hbm>> -> memref<96x256xf32, #tpu.memory_space<hbm>>
    %dma_start3A_97 = arith.constant 0 : i32
    %dma_start3A_98 = arith.constant 0 : i32
    %dma_start3A_99 = tpu.memref_slice %arg7[%dma_start3A_97, %dma_start3A_98] : memref<288x256xf32, #tpu.memory_space<vmem>> -> memref<96x256xf32, #tpu.memory_space<vmem>>
    tpu.enqueue_dma source(%dma_start3A_99 : memref<96x256xf32, #tpu.memory_space<vmem>>) target(%dma_start3A_96 : memref<96x256xf32, #tpu.memory_space<hbm>>) target_semaphore(%arg8 : memref<!tpu.dma_semaphore, #tpu.memory_space<semaphore_mem>>)
    %add3A_100 = arith.constant 0 : i32
    %add3A_101 = arith.addi %mul3A_4, %add3A_100 : i32
    %dma_start3A_102 = arith.constant 2 : i32
    %dma_start3A_103 = arith.constant 0 : i32
    %dma_start3A_104 = arith.constant 0 : i32
    %dma_start3A_105 = tpu.memref_slice %arg7[%dma_start3A_103, %dma_start3A_104] : memref<288x256xf32, #tpu.memory_space<vmem>> -> memref<96x256xf32, #tpu.memory_space<vmem>>
    %dma_start3A_106 = arith.constant 0 : i32
    %dma_start3A_107 = tpu.memref_slice %arg5[%dma_start3A_102, %add3A_101, %dma_start3A_106] : memref<16x9216x256xf32, #tpu.memory_space<hbm>> -> memref<1x96x256xf32, #tpu.memory_space<hbm>>
    %dma_start3A_108 = tpu.memref_squeeze %dma_start3A_107 : memref<1x96x256xf32, #tpu.memory_space<hbm>> -> memref<96x256xf32, #tpu.memory_space<hbm>>
    %dma_start3A_109 = arith.constant 0 : i32
    %dma_start3A_110 = tpu.memref_slice %arg5[%dma_start3A_102, %add3A_101, %dma_start3A_109] : memref<16x9216x256xf32, #tpu.memory_space<hbm>> -> memref<1x96x256xf32, #tpu.memory_space<hbm>>
    %dma_start3A_111 = tpu.memref_squeeze %dma_start3A_110 : memref<1x96x256xf32, #tpu.memory_space<hbm>> -> memref<96x256xf32, #tpu.memory_space<hbm>>
    %dma_start3A_112 = arith.constant 0 : i32
    %dma_start3A_113 = arith.constant 0 : i32
    %dma_start3A_114 = tpu.memref_slice %arg7[%dma_start3A_112, %dma_start3A_113] : memref<288x256xf32, #tpu.memory_space<vmem>> -> memref<96x256xf32, #tpu.memory_space<vmem>>
    tpu.enqueue_dma source(%dma_start3A_114 : memref<96x256xf32, #tpu.memory_space<vmem>>) target(%dma_start3A_111 : memref<96x256xf32, #tpu.memory_space<hbm>>) target_semaphore(%arg8 : memref<!tpu.dma_semaphore, #tpu.memory_space<semaphore_mem>>)
    %add3A_115 = arith.constant 0 : i32
    %add3A_116 = arith.addi %mul3A_4, %add3A_115 : i32
    %dma_start3A_117 = arith.constant 3 : i32
    %dma_start3A_118 = arith.constant 0 : i32
    %dma_start3A_119 = arith.constant 0 : i32
    %dma_start3A_120 = tpu.memref_slice %arg7[%dma_start3A_118, %dma_start3A_119] : memref<288x256xf32, #tpu.memory_space<vmem>> -> memref<96x256xf32, #tpu.memory_space<vmem>>
    %dma_start3A_121 = arith.constant 0 : i32
    %dma_start3A_122 = tpu.memref_slice %arg5[%dma_start3A_117, %add3A_116, %dma_start3A_121] : memref<16x9216x256xf32, #tpu.memory_space<hbm>> -> memref<1x96x256xf32, #tpu.memory_space<hbm>>
    %dma_start3A_123 = tpu.memref_squeeze %dma_start3A_122 : memref<1x96x256xf32, #tpu.memory_space<hbm>> -> memref<96x256xf32, #tpu.memory_space<hbm>>
    %dma_start3A_124 = arith.constant 0 : i32
    %dma_start3A_125 = tpu.memref_slice %arg5[%dma_start3A_117, %add3A_116, %dma_start3A_124] : memref<16x9216x256xf32, #tpu.memory_space<hbm>> -> memref<1x96x256xf32, #tpu.memory_space<hbm>>
    %dma_start3A_126 = tpu.memref_squeeze %dma_start3A_125 : memref<1x96x256xf32, #tpu.memory_space<hbm>> -> memref<96x256xf32, #tpu.memory_space<hbm>>
    %dma_start3A_127 = arith.constant 0 : i32
    %dma_start3A_128 = arith.constant 0 : i32
    %dma_start3A_129 = tpu.memref_slice %arg7[%dma_start3A_127, %dma_start3A_128] : memref<288x256xf32, #tpu.memory_space<vmem>> -> memref<96x256xf32, #tpu.memory_space<vmem>>
    tpu.enqueue_dma source(%dma_start3A_129 : memref<96x256xf32, #tpu.memory_space<vmem>>) target(%dma_start3A_126 : memref<96x256xf32, #tpu.memory_space<hbm>>) target_semaphore(%arg8 : memref<!tpu.dma_semaphore, #tpu.memory_space<semaphore_mem>>)
    %add3A_130 = arith.constant 0 : i32
    %add3A_131 = arith.addi %mul3A_4, %add3A_130 : i32
    %dma_start3A_132 = arith.constant 4 : i32
    %dma_start3A_133 = arith.constant 0 : i32
    %dma_start3A_134 = arith.constant 0 : i32
    %dma_start3A_135 = tpu.memref_slice %arg7[%dma_start3A_133, %dma_start3A_134] : memref<288x256xf32, #tpu.memory_space<vmem>> -> memref<96x256xf32, #tpu.memory_space<vmem>>
    %dma_start3A_136 = arith.constant 0 : i32
    %dma_start3A_137 = tpu.memref_slice %arg5[%dma_start3A_132, %add3A_131, %dma_start3A_136] : memref<16x9216x256xf32, #tpu.memory_space<hbm>> -> memref<1x96x256xf32, #tpu.memory_space<hbm>>
    %dma_start3A_138 = tpu.memref_squeeze %dma_start3A_137 : memref<1x96x256xf32, #tpu.memory_space<hbm>> -> memref<96x256xf32, #tpu.memory_space<hbm>>
    %dma_start3A_139 = arith.constant 0 : i32
    %dma_start3A_140 = tpu.memref_slice %arg5[%dma_start3A_132, %add3A_131, %dma_start3A_139] : memref<16x9216x256xf32, #tpu.memory_space<hbm>> -> memref<1x96x256xf32, #tpu.memory_space<hbm>>
    %dma_start3A_141 = tpu.memref_squeeze %dma_start3A_140 : memref<1x96x256xf32, #tpu.memory_space<hbm>> -> memref<96x256xf32, #tpu.memory_space<hbm>>
    %dma_start3A_142 = arith.constant 0 : i32
    %dma_start3A_143 = arith.constant 0 : i32
    %dma_start3A_144 = tpu.memref_slice %arg7[%dma_start3A_142, %dma_start3A_143] : memref<288x256xf32, #tpu.memory_space<vmem>> -> memref<96x256xf32, #tpu.memory_space<vmem>>
    tpu.enqueue_dma source(%dma_start3A_144 : memref<96x256xf32, #tpu.memory_space<vmem>>) target(%dma_start3A_141 : memref<96x256xf32, #tpu.memory_space<hbm>>) target_semaphore(%arg8 : memref<!tpu.dma_semaphore, #tpu.memory_space<semaphore_mem>>)
    %add3A_145 = arith.constant 0 : i32
    %add3A_146 = arith.addi %mul3A_4, %add3A_145 : i32
    %dma_start3A_147 = arith.constant 5 : i32
    %dma_start3A_148 = arith.constant 0 : i32
    %dma_start3A_149 = arith.constant 0 : i32
    %dma_start3A_150 = tpu.memref_slice %arg7[%dma_start3A_148, %dma_start3A_149] : memref<288x256xf32, #tpu.memory_space<vmem>> -> memref<96x256xf32, #tpu.memory_space<vmem>>
    %dma_start3A_151 = arith.constant 0 : i32
    %dma_start3A_152 = tpu.memref_slice %arg5[%dma_start3A_147, %add3A_146, %dma_start3A_151] : memref<16x9216x256xf32, #tpu.memory_space<hbm>> -> memref<1x96x256xf32, #tpu.memory_space<hbm>>
    %dma_start3A_153 = tpu.memref_squeeze %dma_start3A_152 : memref<1x96x256xf32, #tpu.memory_space<hbm>> -> memref<96x256xf32, #tpu.memory_space<hbm>>
    %dma_start3A_154 = arith.constant 0 : i32
    %dma_start3A_155 = tpu.memref_slice %arg5[%dma_start3A_147, %add3A_146, %dma_start3A_154] : memref<16x9216x256xf32, #tpu.memory_space<hbm>> -> memref<1x96x256xf32, #tpu.memory_space<hbm>>
    %dma_start3A_156 = tpu.memref_squeeze %dma_start3A_155 : memref<1x96x256xf32, #tpu.memory_space<hbm>> -> memref<96x256xf32, #tpu.memory_space<hbm>>
    %dma_start3A_157 = arith.constant 0 : i32
    %dma_start3A_158 = arith.constant 0 : i32
    %dma_start3A_159 = tpu.memref_slice %arg7[%dma_start3A_157, %dma_start3A_158] : memref<288x256xf32, #tpu.memory_space<vmem>> -> memref<96x256xf32, #tpu.memory_space<vmem>>
    tpu.enqueue_dma source(%dma_start3A_159 : memref<96x256xf32, #tpu.memory_space<vmem>>) target(%dma_start3A_156 : memref<96x256xf32, #tpu.memory_space<hbm>>) target_semaphore(%arg8 : memref<!tpu.dma_semaphore, #tpu.memory_space<semaphore_mem>>)
    %add3A_160 = arith.constant 0 : i32
    %add3A_161 = arith.addi %mul3A_4, %add3A_160 : i32
    %dma_start3A_162 = arith.constant 6 : i32
    %dma_start3A_163 = arith.constant 0 : i32
    %dma_start3A_164 = arith.constant 0 : i32
    %dma_start3A_165 = tpu.memref_slice %arg7[%dma_start3A_163, %dma_start3A_164] : memref<288x256xf32, #tpu.memory_space<vmem>> -> memref<96x256xf32, #tpu.memory_space<vmem>>
    %dma_start3A_166 = arith.constant 0 : i32
    %dma_start3A_167 = tpu.memref_slice %arg5[%dma_start3A_162, %add3A_161, %dma_start3A_166] : memref<16x9216x256xf32, #tpu.memory_space<hbm>> -> memref<1x96x256xf32, #tpu.memory_space<hbm>>
    %dma_start3A_168 = tpu.memref_squeeze %dma_start3A_167 : memref<1x96x256xf32, #tpu.memory_space<hbm>> -> memref<96x256xf32, #tpu.memory_space<hbm>>
    %dma_start3A_169 = arith.constant 0 : i32
    %dma_start3A_170 = tpu.memref_slice %arg5[%dma_start3A_162, %add3A_161, %dma_start3A_169] : memref<16x9216x256xf32, #tpu.memory_space<hbm>> -> memref<1x96x256xf32, #tpu.memory_space<hbm>>
    %dma_start3A_171 = tpu.memref_squeeze %dma_start3A_170 : memref<1x96x256xf32, #tpu.memory_space<hbm>> -> memref<96x256xf32, #tpu.memory_space<hbm>>
    %dma_start3A_172 = arith.constant 0 : i32
    %dma_start3A_173 = arith.constant 0 : i32
    %dma_start3A_174 = tpu.memref_slice %arg7[%dma_start3A_172, %dma_start3A_173] : memref<288x256xf32, #tpu.memory_space<vmem>> -> memref<96x256xf32, #tpu.memory_space<vmem>>
    tpu.enqueue_dma source(%dma_start3A_174 : memref<96x256xf32, #tpu.memory_space<vmem>>) target(%dma_start3A_171 : memref<96x256xf32, #tpu.memory_space<hbm>>) target_semaphore(%arg8 : memref<!tpu.dma_semaphore, #tpu.memory_space<semaphore_mem>>)
    %add3A_175 = arith.constant 0 : i32
    %add3A_176 = arith.addi %mul3A_4, %add3A_175 : i32
    %dma_start3A_177 = arith.constant 7 : i32
    %dma_start3A_178 = arith.constant 0 : i32
    %dma_start3A_179 = arith.constant 0 : i32
    %dma_start3A_180 = tpu.memref_slice %arg7[%dma_start3A_178, %dma_start3A_179] : memref<288x256xf32, #tpu.memory_space<vmem>> -> memref<96x256xf32, #tpu.memory_space<vmem>>
    %dma_start3A_181 = arith.constant 0 : i32
    %dma_start3A_182 = tpu.memref_slice %arg5[%dma_start3A_177, %add3A_176, %dma_start3A_181] : memref<16x9216x256xf32, #tpu.memory_space<hbm>> -> memref<1x96x256xf32, #tpu.memory_space<hbm>>
    %dma_start3A_183 = tpu.memref_squeeze %dma_start3A_182 : memref<1x96x256xf32, #tpu.memory_space<hbm>> -> memref<96x256xf32, #tpu.memory_space<hbm>>
    %dma_start3A_184 = arith.constant 0 : i32
    %dma_start3A_185 = tpu.memref_slice %arg5[%dma_start3A_177, %add3A_176, %dma_start3A_184] : memref<16x9216x256xf32, #tpu.memory_space<hbm>> -> memref<1x96x256xf32, #tpu.memory_space<hbm>>
    %dma_start3A_186 = tpu.memref_squeeze %dma_start3A_185 : memref<1x96x256xf32, #tpu.memory_space<hbm>> -> memref<96x256xf32, #tpu.memory_space<hbm>>
    %dma_start3A_187 = arith.constant 0 : i32
    %dma_start3A_188 = arith.constant 0 : i32
    %dma_start3A_189 = tpu.memref_slice %arg7[%dma_start3A_187, %dma_start3A_188] : memref<288x256xf32, #tpu.memory_space<vmem>> -> memref<96x256xf32, #tpu.memory_space<vmem>>
    tpu.enqueue_dma source(%dma_start3A_189 : memref<96x256xf32, #tpu.memory_space<vmem>>) target(%dma_start3A_186 : memref<96x256xf32, #tpu.memory_space<hbm>>) target_semaphore(%arg8 : memref<!tpu.dma_semaphore, #tpu.memory_space<semaphore_mem>>)
    %add3A_190 = arith.constant 0 : i32
    %add3A_191 = arith.addi %mul3A_4, %add3A_190 : i32
    %dma_start3A_192 = arith.constant 8 : i32
    %dma_start3A_193 = arith.constant 0 : i32
    %dma_start3A_194 = arith.constant 0 : i32
    %dma_start3A_195 = tpu.memref_slice %arg7[%dma_start3A_193, %dma_start3A_194] : memref<288x256xf32, #tpu.memory_space<vmem>> -> memref<96x256xf32, #tpu.memory_space<vmem>>
    %dma_start3A_196 = arith.constant 0 : i32
    %dma_start3A_197 = tpu.memref_slice %arg5[%dma_start3A_192, %add3A_191, %dma_start3A_196] : memref<16x9216x256xf32, #tpu.memory_space<hbm>> -> memref<1x96x256xf32, #tpu.memory_space<hbm>>
    %dma_start3A_198 = tpu.memref_squeeze %dma_start3A_197 : memref<1x96x256xf32, #tpu.memory_space<hbm>> -> memref<96x256xf32, #tpu.memory_space<hbm>>
    %dma_start3A_199 = arith.constant 0 : i32
    %dma_start3A_200 = tpu.memref_slice %arg5[%dma_start3A_192, %add3A_191, %dma_start3A_199] : memref<16x9216x256xf32, #tpu.memory_space<hbm>> -> memref<1x96x256xf32, #tpu.memory_space<hbm>>
    %dma_start3A_201 = tpu.memref_squeeze %dma_start3A_200 : memref<1x96x256xf32, #tpu.memory_space<hbm>> -> memref<96x256xf32, #tpu.memory_space<hbm>>
    %dma_start3A_202 = arith.constant 0 : i32
    %dma_start3A_203 = arith.constant 0 : i32
    %dma_start3A_204 = tpu.memref_slice %arg7[%dma_start3A_202, %dma_start3A_203] : memref<288x256xf32, #tpu.memory_space<vmem>> -> memref<96x256xf32, #tpu.memory_space<vmem>>
    tpu.enqueue_dma source(%dma_start3A_204 : memref<96x256xf32, #tpu.memory_space<vmem>>) target(%dma_start3A_201 : memref<96x256xf32, #tpu.memory_space<hbm>>) target_semaphore(%arg8 : memref<!tpu.dma_semaphore, #tpu.memory_space<semaphore_mem>>)
    %add3A_205 = arith.constant 0 : i32
    %add3A_206 = arith.addi %mul3A_4, %add3A_205 : i32
    %dma_start3A_207 = arith.constant 9 : i32
    %dma_start3A_208 = arith.constant 0 : i32
    %dma_start3A_209 = arith.constant 0 : i32
    %dma_start3A_210 = tpu.memref_slice %arg7[%dma_start3A_208, %dma_start3A_209] : memref<288x256xf32, #tpu.memory_space<vmem>> -> memref<96x256xf32, #tpu.memory_space<vmem>>
    %dma_start3A_211 = arith.constant 0 : i32
    %dma_start3A_212 = tpu.memref_slice %arg5[%dma_start3A_207, %add3A_206, %dma_start3A_211] : memref<16x9216x256xf32, #tpu.memory_space<hbm>> -> memref<1x96x256xf32, #tpu.memory_space<hbm>>
    %dma_start3A_213 = tpu.memref_squeeze %dma_start3A_212 : memref<1x96x256xf32, #tpu.memory_space<hbm>> -> memref<96x256xf32, #tpu.memory_space<hbm>>
    %dma_start3A_214 = arith.constant 0 : i32
    %dma_start3A_215 = tpu.memref_slice %arg5[%dma_start3A_207, %add3A_206, %dma_start3A_214] : memref<16x9216x256xf32, #tpu.memory_space<hbm>> -> memref<1x96x256xf32, #tpu.memory_space<hbm>>
    %dma_start3A_216 = tpu.memref_squeeze %dma_start3A_215 : memref<1x96x256xf32, #tpu.memory_space<hbm>> -> memref<96x256xf32, #tpu.memory_space<hbm>>
    %dma_start3A_217 = arith.constant 0 : i32
    %dma_start3A_218 = arith.constant 0 : i32
    %dma_start3A_219 = tpu.memref_slice %arg7[%dma_start3A_217, %dma_start3A_218] : memref<288x256xf32, #tpu.memory_space<vmem>> -> memref<96x256xf32, #tpu.memory_space<vmem>>
    tpu.enqueue_dma source(%dma_start3A_219 : memref<96x256xf32, #tpu.memory_space<vmem>>) target(%dma_start3A_216 : memref<96x256xf32, #tpu.memory_space<hbm>>) target_semaphore(%arg8 : memref<!tpu.dma_semaphore, #tpu.memory_space<semaphore_mem>>)
    %add3A_220 = arith.constant 0 : i32
    %add3A_221 = arith.addi %mul3A_4, %add3A_220 : i32
    %dma_start3A_222 = arith.constant 10 : i32
    %dma_start3A_223 = arith.constant 0 : i32
    %dma_start3A_224 = arith.constant 0 : i32
    %dma_start3A_225 = tpu.memref_slice %arg7[%dma_start3A_223, %dma_start3A_224] : memref<288x256xf32, #tpu.memory_space<vmem>> -> memref<96x256xf32, #tpu.memory_space<vmem>>
    %dma_start3A_226 = arith.constant 0 : i32
    %dma_start3A_227 = tpu.memref_slice %arg5[%dma_start3A_222, %add3A_221, %dma_start3A_226] : memref<16x9216x256xf32, #tpu.memory_space<hbm>> -> memref<1x96x256xf32, #tpu.memory_space<hbm>>
    %dma_start3A_228 = tpu.memref_squeeze %dma_start3A_227 : memref<1x96x256xf32, #tpu.memory_space<hbm>> -> memref<96x256xf32, #tpu.memory_space<hbm>>
    %dma_start3A_229 = arith.constant 0 : i32
    %dma_start3A_230 = tpu.memref_slice %arg5[%dma_start3A_222, %add3A_221, %dma_start3A_229] : memref<16x9216x256xf32, #tpu.memory_space<hbm>> -> memref<1x96x256xf32, #tpu.memory_space<hbm>>
    %dma_start3A_231 = tpu.memref_squeeze %dma_start3A_230 : memref<1x96x256xf32, #tpu.memory_space<hbm>> -> memref<96x256xf32, #tpu.memory_space<hbm>>
    %dma_start3A_232 = arith.constant 0 : i32
    %dma_start3A_233 = arith.constant 0 : i32
    %dma_start3A_234 = tpu.memref_slice %arg7[%dma_start3A_232, %dma_start3A_233] : memref<288x256xf32, #tpu.memory_space<vmem>> -> memref<96x256xf32, #tpu.memory_space<vmem>>
    tpu.enqueue_dma source(%dma_start3A_234 : memref<96x256xf32, #tpu.memory_space<vmem>>) target(%dma_start3A_231 : memref<96x256xf32, #tpu.memory_space<hbm>>) target_semaphore(%arg8 : memref<!tpu.dma_semaphore, #tpu.memory_space<semaphore_mem>>)
    %add3A_235 = arith.constant 0 : i32
    %add3A_236 = arith.addi %mul3A_4, %add3A_235 : i32
    %dma_start3A_237 = arith.constant 11 : i32
    %dma_start3A_238 = arith.constant 0 : i32
    %dma_start3A_239 = arith.constant 0 : i32
    %dma_start3A_240 = tpu.memref_slice %arg7[%dma_start3A_238, %dma_start3A_239] : memref<288x256xf32, #tpu.memory_space<vmem>> -> memref<96x256xf32, #tpu.memory_space<vmem>>
    %dma_start3A_241 = arith.constant 0 : i32
    %dma_start3A_242 = tpu.memref_slice %arg5[%dma_start3A_237, %add3A_236, %dma_start3A_241] : memref<16x9216x256xf32, #tpu.memory_space<hbm>> -> memref<1x96x256xf32, #tpu.memory_space<hbm>>
    %dma_start3A_243 = tpu.memref_squeeze %dma_start3A_242 : memref<1x96x256xf32, #tpu.memory_space<hbm>> -> memref<96x256xf32, #tpu.memory_space<hbm>>
    %dma_start3A_244 = arith.constant 0 : i32
    %dma_start3A_245 = tpu.memref_slice %arg5[%dma_start3A_237, %add3A_236, %dma_start3A_244] : memref<16x9216x256xf32, #tpu.memory_space<hbm>> -> memref<1x96x256xf32, #tpu.memory_space<hbm>>
    %dma_start3A_246 = tpu.memref_squeeze %dma_start3A_245 : memref<1x96x256xf32, #tpu.memory_space<hbm>> -> memref<96x256xf32, #tpu.memory_space<hbm>>
    %dma_start3A_247 = arith.constant 0 : i32
    %dma_start3A_248 = arith.constant 0 : i32
    %dma_start3A_249 = tpu.memref_slice %arg7[%dma_start3A_247, %dma_start3A_248] : memref<288x256xf32, #tpu.memory_space<vmem>> -> memref<96x256xf32, #tpu.memory_space<vmem>>
    tpu.enqueue_dma source(%dma_start3A_249 : memref<96x256xf32, #tpu.memory_space<vmem>>) target(%dma_start3A_246 : memref<96x256xf32, #tpu.memory_space<hbm>>) target_semaphore(%arg8 : memref<!tpu.dma_semaphore, #tpu.memory_space<semaphore_mem>>)
    %add3A_250 = arith.constant 0 : i32
    %add3A_251 = arith.addi %mul3A_4, %add3A_250 : i32
    %dma_start3A_252 = arith.constant 12 : i32
    %dma_start3A_253 = arith.constant 0 : i32
    %dma_start3A_254 = arith.constant 0 : i32
    %dma_start3A_255 = tpu.memref_slice %arg7[%dma_start3A_253, %dma_start3A_254] : memref<288x256xf32, #tpu.memory_space<vmem>> -> memref<96x256xf32, #tpu.memory_space<vmem>>
    %dma_start3A_256 = arith.constant 0 : i32
    %dma_start3A_257 = tpu.memref_slice %arg5[%dma_start3A_252, %add3A_251, %dma_start3A_256] : memref<16x9216x256xf32, #tpu.memory_space<hbm>> -> memref<1x96x256xf32, #tpu.memory_space<hbm>>
    %dma_start3A_258 = tpu.memref_squeeze %dma_start3A_257 : memref<1x96x256xf32, #tpu.memory_space<hbm>> -> memref<96x256xf32, #tpu.memory_space<hbm>>
    %dma_start3A_259 = arith.constant 0 : i32
    %dma_start3A_260 = tpu.memref_slice %arg5[%dma_start3A_252, %add3A_251, %dma_start3A_259] : memref<16x9216x256xf32, #tpu.memory_space<hbm>> -> memref<1x96x256xf32, #tpu.memory_space<hbm>>
    %dma_start3A_261 = tpu.memref_squeeze %dma_start3A_260 : memref<1x96x256xf32, #tpu.memory_space<hbm>> -> memref<96x256xf32, #tpu.memory_space<hbm>>
    %dma_start3A_262 = arith.constant 0 : i32
    %dma_start3A_263 = arith.constant 0 : i32
    %dma_start3A_264 = tpu.memref_slice %arg7[%dma_start3A_262, %dma_start3A_263] : memref<288x256xf32, #tpu.memory_space<vmem>> -> memref<96x256xf32, #tpu.memory_space<vmem>>
    tpu.enqueue_dma source(%dma_start3A_264 : memref<96x256xf32, #tpu.memory_space<vmem>>) target(%dma_start3A_261 : memref<96x256xf32, #tpu.memory_space<hbm>>) target_semaphore(%arg8 : memref<!tpu.dma_semaphore, #tpu.memory_space<semaphore_mem>>)
    %add3A_265 = arith.constant 0 : i32
    %add3A_266 = arith.addi %mul3A_4, %add3A_265 : i32
    %dma_start3A_267 = arith.constant 13 : i32
    %dma_start3A_268 = arith.constant 0 : i32
    %dma_start3A_269 = arith.constant 0 : i32
    %dma_start3A_270 = tpu.memref_slice %arg7[%dma_start3A_268, %dma_start3A_269] : memref<288x256xf32, #tpu.memory_space<vmem>> -> memref<96x256xf32, #tpu.memory_space<vmem>>
    %dma_start3A_271 = arith.constant 0 : i32
    %dma_start3A_272 = tpu.memref_slice %arg5[%dma_start3A_267, %add3A_266, %dma_start3A_271] : memref<16x9216x256xf32, #tpu.memory_space<hbm>> -> memref<1x96x256xf32, #tpu.memory_space<hbm>>
    %dma_start3A_273 = tpu.memref_squeeze %dma_start3A_272 : memref<1x96x256xf32, #tpu.memory_space<hbm>> -> memref<96x256xf32, #tpu.memory_space<hbm>>
    %dma_start3A_274 = arith.constant 0 : i32
    %dma_start3A_275 = tpu.memref_slice %arg5[%dma_start3A_267, %add3A_266, %dma_start3A_274] : memref<16x9216x256xf32, #tpu.memory_space<hbm>> -> memref<1x96x256xf32, #tpu.memory_space<hbm>>
    %dma_start3A_276 = tpu.memref_squeeze %dma_start3A_275 : memref<1x96x256xf32, #tpu.memory_space<hbm>> -> memref<96x256xf32, #tpu.memory_space<hbm>>
    %dma_start3A_277 = arith.constant 0 : i32
    %dma_start3A_278 = arith.constant 0 : i32
    %dma_start3A_279 = tpu.memref_slice %arg7[%dma_start3A_277, %dma_start3A_278] : memref<288x256xf32, #tpu.memory_space<vmem>> -> memref<96x256xf32, #tpu.memory_space<vmem>>
    tpu.enqueue_dma source(%dma_start3A_279 : memref<96x256xf32, #tpu.memory_space<vmem>>) target(%dma_start3A_276 : memref<96x256xf32, #tpu.memory_space<hbm>>) target_semaphore(%arg8 : memref<!tpu.dma_semaphore, #tpu.memory_space<semaphore_mem>>)
    %add3A_280 = arith.constant 0 : i32
    %add3A_281 = arith.addi %mul3A_4, %add3A_280 : i32
    %dma_start3A_282 = arith.constant 14 : i32
    %dma_start3A_283 = arith.constant 0 : i32
    %dma_start3A_284 = arith.constant 0 : i32
    %dma_start3A_285 = tpu.memref_slice %arg7[%dma_start3A_283, %dma_start3A_284] : memref<288x256xf32, #tpu.memory_space<vmem>> -> memref<96x256xf32, #tpu.memory_space<vmem>>
    %dma_start3A_286 = arith.constant 0 : i32
    %dma_start3A_287 = tpu.memref_slice %arg5[%dma_start3A_282, %add3A_281, %dma_start3A_286] : memref<16x9216x256xf32, #tpu.memory_space<hbm>> -> memref<1x96x256xf32, #tpu.memory_space<hbm>>
    %dma_start3A_288 = tpu.memref_squeeze %dma_start3A_287 : memref<1x96x256xf32, #tpu.memory_space<hbm>> -> memref<96x256xf32, #tpu.memory_space<hbm>>
    %dma_start3A_289 = arith.constant 0 : i32
    %dma_start3A_290 = tpu.memref_slice %arg5[%dma_start3A_282, %add3A_281, %dma_start3A_289] : memref<16x9216x256xf32, #tpu.memory_space<hbm>> -> memref<1x96x256xf32, #tpu.memory_space<hbm>>
    %dma_start3A_291 = tpu.memref_squeeze %dma_start3A_290 : memref<1x96x256xf32, #tpu.memory_space<hbm>> -> memref<96x256xf32, #tpu.memory_space<hbm>>
    %dma_start3A_292 = arith.constant 0 : i32
    %dma_start3A_293 = arith.constant 0 : i32
    %dma_start3A_294 = tpu.memref_slice %arg7[%dma_start3A_292, %dma_start3A_293] : memref<288x256xf32, #tpu.memory_space<vmem>> -> memref<96x256xf32, #tpu.memory_space<vmem>>
    tpu.enqueue_dma source(%dma_start3A_294 : memref<96x256xf32, #tpu.memory_space<vmem>>) target(%dma_start3A_291 : memref<96x256xf32, #tpu.memory_space<hbm>>) target_semaphore(%arg8 : memref<!tpu.dma_semaphore, #tpu.memory_space<semaphore_mem>>)
    %add3A_295 = arith.constant 0 : i32
    %add3A_296 = arith.addi %mul3A_4, %add3A_295 : i32
    %dma_start3A_297 = arith.constant 15 : i32
    %dma_start3A_298 = arith.constant 0 : i32
    %dma_start3A_299 = arith.constant 0 : i32
    %dma_start3A_300 = tpu.memref_slice %arg7[%dma_start3A_298, %dma_start3A_299] : memref<288x256xf32, #tpu.memory_space<vmem>> -> memref<96x256xf32, #tpu.memory_space<vmem>>
    %dma_start3A_301 = arith.constant 0 : i32
    %dma_start3A_302 = tpu.memref_slice %arg5[%dma_start3A_297, %add3A_296, %dma_start3A_301] : memref<16x9216x256xf32, #tpu.memory_space<hbm>> -> memref<1x96x256xf32, #tpu.memory_space<hbm>>
    %dma_start3A_303 = tpu.memref_squeeze %dma_start3A_302 : memref<1x96x256xf32, #tpu.memory_space<hbm>> -> memref<96x256xf32, #tpu.memory_space<hbm>>
    %dma_start3A_304 = arith.constant 0 : i32
    %dma_start3A_305 = tpu.memref_slice %arg5[%dma_start3A_297, %add3A_296, %dma_start3A_304] : memref<16x9216x256xf32, #tpu.memory_space<hbm>> -> memref<1x96x256xf32, #tpu.memory_space<hbm>>
    %dma_start3A_306 = tpu.memref_squeeze %dma_start3A_305 : memref<1x96x256xf32, #tpu.memory_space<hbm>> -> memref<96x256xf32, #tpu.memory_space<hbm>>
    %dma_start3A_307 = arith.constant 0 : i32
    %dma_start3A_308 = arith.constant 0 : i32
    %dma_start3A_309 = tpu.memref_slice %arg7[%dma_start3A_307, %dma_start3A_308] : memref<288x256xf32, #tpu.memory_space<vmem>> -> memref<96x256xf32, #tpu.memory_space<vmem>>
    tpu.enqueue_dma source(%dma_start3A_309 : memref<96x256xf32, #tpu.memory_space<vmem>>) target(%dma_start3A_306 : memref<96x256xf32, #tpu.memory_space<hbm>>) target_semaphore(%arg8 : memref<!tpu.dma_semaphore, #tpu.memory_space<semaphore_mem>>)
    %mul3A_310 = arith.constant 9 : i32
    %mul3A_311 = arith.muli %add3A, %mul3A_310 : i32
    %add3A_312 = arith.constant 3 : i32
    %add3A_313 = arith.addi %mul3A_311, %add3A_312 : i32
    %shift_right_arithmetic3A_314 = arith.constant 5 : i32
    %shift_right_arithmetic3A_315 = arith.shrsi %add3A_313, %shift_right_arithmetic3A_314 : i32
    %and3A_316 = arith.constant 31 : i32
    %and3A_317 = arith.andi %add3A_313, %and3A_316 : i32
    %mul3A_318 = arith.constant 86 : i32
    %mul3A_319 = arith.muli %and3A_317, %mul3A_318 : i32
    %add3A_320 = arith.constant 2666 : i32
    %add3A_321 = arith.addi %add3A_320, %mul3A_319 : i32
    %mul3A_322 = arith.constant 86 : i32
    %mul3A_323 = arith.muli %shift_right_arithmetic3A_315, %mul3A_322 : i32
    %add3A_324 = arith.constant 5332 : i32
    %add3A_325 = arith.addi %add3A_324, %mul3A_323 : i32
    %scan3A_326 = arith.constant 0 : i32
    %scan3A_327 = arith.constant 0 : i32
    %scan3A_328 = arith.constant 32 : i32
    %scan3A_329 = arith.addi %scan3A_327, %scan3A_328 : i32
    %scan3A_330 = arith.constant 1 : i32
    %scan3A_331 = scf.for %scan3A_1551 = %scan3A_327 to %scan3A_329 step %scan3A_330 iter_args(%scan3A_1552 = %scan3A_326) -> (i32)  : i32 {
      %mul3A_1553 = arith.constant 86 : i32
      %mul3A_1554 = arith.muli %scan3A_1551, %mul3A_1553 : i32
      %add3A_1555 = arith.constant 96 : i32
      %add3A_1556 = arith.addi %add3A_1555, %scan3A_1551 : i32
      %add3A_1557 = arith.constant 0 : i32
      %add3A_1558 = vector.broadcast %add3A_1557 : i32 to vector<16xi32>
      %add3A_1559 = arith.addi %iota3A, %add3A_1558 : vector<16xi32>
      %add3A_1560 = arith.constant 0 : i32
      %add3A_1561 = arith.addi %mul3A_1554, %add3A_1560 : i32
      %get3A = arith.index_cast %add3A_1561 : i32 to index
      %get3A_1562 = tpu.vector_load %arg6[%get3A] {strides = array<i32>} : memref<6280xf32, #tpu.memory_space<vmem>>, vector<16xf32>,
      %get3A_1563 = vector.shape_cast %get3A_1562 : vector<16xf32> to vector<16xf32>
      %swap3A = arith.index_cast %add3A_1556 : i32 to index
      %swap3A_1564 = arith.constant 0 : index
      %swap3A_1565 = tpu.vector_load %arg7[%swap3A, %swap3A_1564] {strides = array<i32>} : memref<288x256xf32, #tpu.memory_space<vmem>>, vector<1x16xf32>,
      %swap3A_1566 = vector.shape_cast %swap3A_1565 : vector<1x16xf32> to vector<16xf32>
      %swap3A_1567 = vector.shape_cast %get3A_1563 : vector<16xf32> to vector<1x16xf32>
      tpu.vector_store %arg7[%swap3A, %swap3A_1564], %swap3A_1567 {strides = array<i32>} : memref<288x256xf32, #tpu.memory_space<vmem>>, vector<1x16xf32>,
      %add3A_1568 = arith.constant 16 : i32
      %add3A_1569 = vector.broadcast %add3A_1568 : i32 to vector<16xi32>
      %add3A_1570 = arith.addi %iota3A, %add3A_1569 : vector<16xi32>
      %add3A_1571 = arith.constant 16 : i32
      %add3A_1572 = arith.addi %mul3A_1554, %add3A_1571 : i32
      %get3A_1573 = arith.index_cast %add3A_1572 : i32 to index
      %get3A_1574 = tpu.vector_load %arg6[%get3A_1573] {strides = array<i32>} : memref<6280xf32, #tpu.memory_space<vmem>>, vector<16xf32>,
      %get3A_1575 = vector.shape_cast %get3A_1574 : vector<16xf32> to vector<16xf32>
      %swap3A_1576 = arith.index_cast %add3A_1556 : i32 to index
      %swap3A_1577 = arith.constant 16 : index
      %swap3A_1578 = tpu.vector_load %arg7[%swap3A_1576, %swap3A_1577] {strides = array<i32>} : memref<288x256xf32, #tpu.memory_space<vmem>>, vector<1x16xf32>,
      %swap3A_1579 = vector.shape_cast %swap3A_1578 : vector<1x16xf32> to vector<16xf32>
      %swap3A_1580 = vector.shape_cast %get3A_1575 : vector<16xf32> to vector<1x16xf32>
      tpu.vector_store %arg7[%swap3A_1576, %swap3A_1577], %swap3A_1580 {strides = array<i32>} : memref<288x256xf32, #tpu.memory_space<vmem>>, vector<1x16xf32>,
      %add3A_1581 = arith.constant 32 : i32
      %add3A_1582 = vector.broadcast %add3A_1581 : i32 to vector<16xi32>
      %add3A_1583 = arith.addi %iota3A, %add3A_1582 : vector<16xi32>
      %add3A_1584 = arith.constant 32 : i32
      %add3A_1585 = arith.addi %mul3A_1554, %add3A_1584 : i32
      %get3A_1586 = arith.index_cast %add3A_1585 : i32 to index
      %get3A_1587 = tpu.vector_load %arg6[%get3A_1586] {strides = array<i32>} : memref<6280xf32, #tpu.memory_space<vmem>>, vector<16xf32>,
      %get3A_1588 = vector.shape_cast %get3A_1587 : vector<16xf32> to vector<16xf32>
      %swap3A_1589 = arith.index_cast %add3A_1556 : i32 to index
      %swap3A_1590 = arith.constant 32 : index
      %swap3A_1591 = tpu.vector_load %arg7[%swap3A_1589, %swap3A_1590] {strides = array<i32>} : memref<288x256xf32, #tpu.memory_space<vmem>>, vector<1x16xf32>,
      %swap3A_1592 = vector.shape_cast %swap3A_1591 : vector<1x16xf32> to vector<16xf32>
      %swap3A_1593 = vector.shape_cast %get3A_1588 : vector<16xf32> to vector<1x16xf32>
      tpu.vector_store %arg7[%swap3A_1589, %swap3A_1590], %swap3A_1593 {strides = array<i32>} : memref<288x256xf32, #tpu.memory_space<vmem>>, vector<1x16xf32>,
      %add3A_1594 = arith.constant 48 : i32
      %add3A_1595 = vector.broadcast %add3A_1594 : i32 to vector<16xi32>
      %add3A_1596 = arith.addi %iota3A, %add3A_1595 : vector<16xi32>
      %add3A_1597 = arith.constant 48 : i32
      %add3A_1598 = arith.addi %mul3A_1554, %add3A_1597 : i32
      %get3A_1599 = arith.index_cast %add3A_1598 : i32 to index
      %get3A_1600 = tpu.vector_load %arg6[%get3A_1599] {strides = array<i32>} : memref<6280xf32, #tpu.memory_space<vmem>>, vector<16xf32>,
      %get3A_1601 = vector.shape_cast %get3A_1600 : vector<16xf32> to vector<16xf32>
      %swap3A_1602 = arith.index_cast %add3A_1556 : i32 to index
      %swap3A_1603 = arith.constant 48 : index
      %swap3A_1604 = tpu.vector_load %arg7[%swap3A_1602, %swap3A_1603] {strides = array<i32>} : memref<288x256xf32, #tpu.memory_space<vmem>>, vector<1x16xf32>,
      %swap3A_1605 = vector.shape_cast %swap3A_1604 : vector<1x16xf32> to vector<16xf32>
      %swap3A_1606 = vector.shape_cast %get3A_1601 : vector<16xf32> to vector<1x16xf32>
      tpu.vector_store %arg7[%swap3A_1602, %swap3A_1603], %swap3A_1606 {strides = array<i32>} : memref<288x256xf32, #tpu.memory_space<vmem>>, vector<1x16xf32>,
      %add3A_1607 = arith.constant 64 : i32
      %add3A_1608 = vector.broadcast %add3A_1607 : i32 to vector<16xi32>
      %add3A_1609 = arith.addi %iota3A, %add3A_1608 : vector<16xi32>
      %add3A_1610 = arith.constant 64 : i32
      %add3A_1611 = arith.addi %mul3A_1554, %add3A_1610 : i32
      %get3A_1612 = arith.index_cast %add3A_1611 : i32 to index
      %get3A_1613 = tpu.vector_load %arg6[%get3A_1612] {strides = array<i32>} : memref<6280xf32, #tpu.memory_space<vmem>>, vector<16xf32>,
      %get3A_1614 = vector.shape_cast %get3A_1613 : vector<16xf32> to vector<16xf32>
      %swap3A_1615 = arith.index_cast %add3A_1556 : i32 to index
      %swap3A_1616 = arith.constant 64 : index
      %swap3A_1617 = tpu.vector_load %arg7[%swap3A_1615, %swap3A_1616] {strides = array<i32>} : memref<288x256xf32, #tpu.memory_space<vmem>>, vector<1x16xf32>,
      %swap3A_1618 = vector.shape_cast %swap3A_1617 : vector<1x16xf32> to vector<16xf32>
      %swap3A_1619 = vector.shape_cast %get3A_1614 : vector<16xf32> to vector<1x16xf32>
      tpu.vector_store %arg7[%swap3A_1615, %swap3A_1616], %swap3A_1619 {strides = array<i32>} : memref<288x256xf32, #tpu.memory_space<vmem>>, vector<1x16xf32>,
      %add3A_1620 = arith.constant 80 : i32
      %add3A_1621 = vector.broadcast %add3A_1620 : i32 to vector<16xi32>
      %add3A_1622 = arith.addi %iota3A, %add3A_1621 : vector<16xi32>
      %add3A_1623 = arith.constant 80 : i32
      %add3A_1624 = arith.addi %mul3A_1554, %add3A_1623 : i32
      %get3A_1625 = arith.index_cast %add3A_1624 : i32 to index
      %get3A_1626 = tpu.vector_load %arg6[%get3A_1625] {strides = array<i32>} : memref<6280xf32, #tpu.memory_space<vmem>>, vector<16xf32>,
      %get3A_1627 = vector.shape_cast %get3A_1626 : vector<16xf32> to vector<16xf32>
      %add3A_1628 = arith.constant 80 : i32
      %add3A_1629 = arith.addi %add3A_321, %add3A_1628 : i32
      %get3A_1630 = arith.index_cast %add3A_1629 : i32 to index
      %get3A_1631 = tpu.vector_load %arg6[%get3A_1630] {strides = array<i32>} : memref<6280xf32, #tpu.memory_space<vmem>>, vector<16xf32>,
      %get3A_1632 = vector.shape_cast %get3A_1631 : vector<16xf32> to vector<16xf32>
      %lt3A = arith.constant 86 : i32
      %lt3A_1633 = vector.broadcast %lt3A : i32 to vector<16xi32>
      %lt3A_1634 = arith.cmpi slt, %add3A_1622, %lt3A_1633 : vector<16xi32>
      %select_n3A = arith.select %lt3A_1634, %get3A_1627, %get3A_1632 : vector<16xi1>, vector<16xf32>
      %swap3A_1635 = arith.index_cast %add3A_1556 : i32 to index
      %swap3A_1636 = arith.constant 80 : index
      %swap3A_1637 = tpu.vector_load %arg7[%swap3A_1635, %swap3A_1636] {strides = array<i32>} : memref<288x256xf32, #tpu.memory_space<vmem>>, vector<1x16xf32>,
      %swap3A_1638 = vector.shape_cast %swap3A_1637 : vector<1x16xf32> to vector<16xf32>
      %swap3A_1639 = vector.shape_cast %select_n3A : vector<16xf32> to vector<1x16xf32>
      tpu.vector_store %arg7[%swap3A_1635, %swap3A_1636], %swap3A_1639 {strides = array<i32>} : memref<288x256xf32, #tpu.memory_space<vmem>>, vector<1x16xf32>,
      %add3A_1640 = arith.constant 96 : i32
      %add3A_1641 = vector.broadcast %add3A_1640 : i32 to vector<16xi32>
      %add3A_1642 = arith.addi %iota3A, %add3A_1641 : vector<16xi32>
      %add3A_1643 = arith.constant 96 : i32
      %add3A_1644 = arith.addi %add3A_321, %add3A_1643 : i32
      %get3A_1645 = arith.index_cast %add3A_1644 : i32 to index
      %get3A_1646 = tpu.vector_load %arg6[%get3A_1645] {strides = array<i32>} : memref<6280xf32, #tpu.memory_space<vmem>>, vector<16xf32>,
      %get3A_1647 = vector.shape_cast %get3A_1646 : vector<16xf32> to vector<16xf32>
      %swap3A_1648 = arith.index_cast %add3A_1556 : i32 to index
      %swap3A_1649 = arith.constant 96 : index
      %swap3A_1650 = tpu.vector_load %arg7[%swap3A_1648, %swap3A_1649] {strides = array<i32>} : memref<288x256xf32, #tpu.memory_space<vmem>>, vector<1x16xf32>,
      %swap3A_1651 = vector.shape_cast %swap3A_1650 : vector<1x16xf32> to vector<16xf32>
      %swap3A_1652 = vector.shape_cast %get3A_1647 : vector<16xf32> to vector<1x16xf32>
      tpu.vector_store %arg7[%swap3A_1648, %swap3A_1649], %swap3A_1652 {strides = array<i32>} : memref<288x256xf32, #tpu.memory_space<vmem>>, vector<1x16xf32>,
      %add3A_1653 = arith.constant 112 : i32
      %add3A_1654 = vector.broadcast %add3A_1653 : i32 to vector<16xi32>
      %add3A_1655 = arith.addi %iota3A, %add3A_1654 : vector<16xi32>
      %add3A_1656 = arith.constant 112 : i32
      %add3A_1657 = arith.addi %add3A_321, %add3A_1656 : i32
      %get3A_1658 = arith.index_cast %add3A_1657 : i32 to index
      %get3A_1659 = tpu.vector_load %arg6[%get3A_1658] {strides = array<i32>} : memref<6280xf32, #tpu.memory_space<vmem>>, vector<16xf32>,
      %get3A_1660 = vector.shape_cast %get3A_1659 : vector<16xf32> to vector<16xf32>
      %swap3A_1661 = arith.index_cast %add3A_1556 : i32 to index
      %swap3A_1662 = arith.constant 112 : index
      %swap3A_1663 = tpu.vector_load %arg7[%swap3A_1661, %swap3A_1662] {strides = array<i32>} : memref<288x256xf32, #tpu.memory_space<vmem>>, vector<1x16xf32>,
      %swap3A_1664 = vector.shape_cast %swap3A_1663 : vector<1x16xf32> to vector<16xf32>
      %swap3A_1665 = vector.shape_cast %get3A_1660 : vector<16xf32> to vector<1x16xf32>
      tpu.vector_store %arg7[%swap3A_1661, %swap3A_1662], %swap3A_1665 {strides = array<i32>} : memref<288x256xf32, #tpu.memory_space<vmem>>, vector<1x16xf32>,
      %add3A_1666 = arith.constant 128 : i32
      %add3A_1667 = vector.broadcast %add3A_1666 : i32 to vector<16xi32>
      %add3A_1668 = arith.addi %iota3A, %add3A_1667 : vector<16xi32>
      %add3A_1669 = arith.constant 128 : i32
      %add3A_1670 = arith.addi %add3A_321, %add3A_1669 : i32
      %get3A_1671 = arith.index_cast %add3A_1670 : i32 to index
      %get3A_1672 = tpu.vector_load %arg6[%get3A_1671] {strides = array<i32>} : memref<6280xf32, #tpu.memory_space<vmem>>, vector<16xf32>,
      %get3A_1673 = vector.shape_cast %get3A_1672 : vector<16xf32> to vector<16xf32>
      %swap3A_1674 = arith.index_cast %add3A_1556 : i32 to index
      %swap3A_1675 = arith.constant 128 : index
      %swap3A_1676 = tpu.vector_load %arg7[%swap3A_1674, %swap3A_1675] {strides = array<i32>} : memref<288x256xf32, #tpu.memory_space<vmem>>, vector<1x16xf32>,
      %swap3A_1677 = vector.shape_cast %swap3A_1676 : vector<1x16xf32> to vector<16xf32>
      %swap3A_1678 = vector.shape_cast %get3A_1673 : vector<16xf32> to vector<1x16xf32>
      tpu.vector_store %arg7[%swap3A_1674, %swap3A_1675], %swap3A_1678 {strides = array<i32>} : memref<288x256xf32, #tpu.memory_space<vmem>>, vector<1x16xf32>,
      %add3A_1679 = arith.constant 144 : i32
      %add3A_1680 = vector.broadcast %add3A_1679 : i32 to vector<16xi32>
      %add3A_1681 = arith.addi %iota3A, %add3A_1680 : vector<16xi32>
      %add3A_1682 = arith.constant 144 : i32
      %add3A_1683 = arith.addi %add3A_321, %add3A_1682 : i32
      %get3A_1684 = arith.index_cast %add3A_1683 : i32 to index
      %get3A_1685 = tpu.vector_load %arg6[%get3A_1684] {strides = array<i32>} : memref<6280xf32, #tpu.memory_space<vmem>>, vector<16xf32>,
      %get3A_1686 = vector.shape_cast %get3A_1685 : vector<16xf32> to vector<16xf32>
      %swap3A_1687 = arith.index_cast %add3A_1556 : i32 to index
      %swap3A_1688 = arith.constant 144 : index
      %swap3A_1689 = tpu.vector_load %arg7[%swap3A_1687, %swap3A_1688] {strides = array<i32>} : memref<288x256xf32, #tpu.memory_space<vmem>>, vector<1x16xf32>,
      %swap3A_1690 = vector.shape_cast %swap3A_1689 : vector<1x16xf32> to vector<16xf32>
      %swap3A_1691 = vector.shape_cast %get3A_1686 : vector<16xf32> to vector<1x16xf32>
      tpu.vector_store %arg7[%swap3A_1687, %swap3A_1688], %swap3A_1691 {strides = array<i32>} : memref<288x256xf32, #tpu.memory_space<vmem>>, vector<1x16xf32>,
      %add3A_1692 = arith.constant 160 : i32
      %add3A_1693 = vector.broadcast %add3A_1692 : i32 to vector<16xi32>
      %add3A_1694 = arith.addi %iota3A, %add3A_1693 : vector<16xi32>
      %add3A_1695 = arith.constant 160 : i32
      %add3A_1696 = arith.addi %add3A_321, %add3A_1695 : i32
      %get3A_1697 = arith.index_cast %add3A_1696 : i32 to index
      %get3A_1698 = tpu.vector_load %arg6[%get3A_1697] {strides = array<i32>} : memref<6280xf32, #tpu.memory_space<vmem>>, vector<16xf32>,
      %get3A_1699 = vector.shape_cast %get3A_1698 : vector<16xf32> to vector<16xf32>
      %add3A_1700 = arith.constant 160 : i32
      %add3A_1701 = arith.addi %add3A_325, %add3A_1700 : i32
      %get3A_1702 = arith.index_cast %add3A_1701 : i32 to index
      %get3A_1703 = tpu.vector_load %arg6[%get3A_1702] {strides = array<i32>} : memref<6280xf32, #tpu.memory_space<vmem>>, vector<16xf32>,
      %get3A_1704 = vector.shape_cast %get3A_1703 : vector<16xf32> to vector<16xf32>
      %lt3A_1705 = arith.constant 172 : i32
      %lt3A_1706 = vector.broadcast %lt3A_1705 : i32 to vector<16xi32>
      %lt3A_1707 = arith.cmpi slt, %add3A_1694, %lt3A_1706 : vector<16xi32>
      %select_n3A_1708 = arith.select %lt3A_1707, %get3A_1699, %get3A_1704 : vector<16xi1>, vector<16xf32>
      %swap3A_1709 = arith.index_cast %add3A_1556 : i32 to index
      %swap3A_1710 = arith.constant 160 : index
      %swap3A_1711 = tpu.vector_load %arg7[%swap3A_1709, %swap3A_1710] {strides = array<i32>} : memref<288x256xf32, #tpu.memory_space<vmem>>, vector<1x16xf32>,
      %swap3A_1712 = vector.shape_cast %swap3A_1711 : vector<1x16xf32> to vector<16xf32>
      %swap3A_1713 = vector.shape_cast %select_n3A_1708 : vector<16xf32> to vector<1x16xf32>
      tpu.vector_store %arg7[%swap3A_1709, %swap3A_1710], %swap3A_1713 {strides = array<i32>} : memref<288x256xf32, #tpu.memory_space<vmem>>, vector<1x16xf32>,
      %add3A_1714 = arith.constant 176 : i32
      %add3A_1715 = vector.broadcast %add3A_1714 : i32 to vector<16xi32>
      %add3A_1716 = arith.addi %iota3A, %add3A_1715 : vector<16xi32>
      %add3A_1717 = arith.constant 176 : i32
      %add3A_1718 = arith.addi %add3A_325, %add3A_1717 : i32
      %get3A_1719 = arith.index_cast %add3A_1718 : i32 to index
      %get3A_1720 = tpu.vector_load %arg6[%get3A_1719] {strides = array<i32>} : memref<6280xf32, #tpu.memory_space<vmem>>, vector<16xf32>,
      %get3A_1721 = vector.shape_cast %get3A_1720 : vector<16xf32> to vector<16xf32>
      %swap3A_1722 = arith.index_cast %add3A_1556 : i32 to index
      %swap3A_1723 = arith.constant 176 : index
      %swap3A_1724 = tpu.vector_load %arg7[%swap3A_1722, %swap3A_1723] {strides = array<i32>} : memref<288x256xf32, #tpu.memory_space<vmem>>, vector<1x16xf32>,
      %swap3A_1725 = vector.shape_cast %swap3A_1724 : vector<1x16xf32> to vector<16xf32>
      %swap3A_1726 = vector.shape_cast %get3A_1721 : vector<16xf32> to vector<1x16xf32>
      tpu.vector_store %arg7[%swap3A_1722, %swap3A_1723], %swap3A_1726 {strides = array<i32>} : memref<288x256xf32, #tpu.memory_space<vmem>>, vector<1x16xf32>,
      %add3A_1727 = arith.constant 192 : i32
      %add3A_1728 = vector.broadcast %add3A_1727 : i32 to vector<16xi32>
      %add3A_1729 = arith.addi %iota3A, %add3A_1728 : vector<16xi32>
      %add3A_1730 = arith.constant 192 : i32
      %add3A_1731 = arith.addi %add3A_325, %add3A_1730 : i32
      %get3A_1732 = arith.index_cast %add3A_1731 : i32 to index
      %get3A_1733 = tpu.vector_load %arg6[%get3A_1732] {strides = array<i32>} : memref<6280xf32, #tpu.memory_space<vmem>>, vector<16xf32>,
      %get3A_1734 = vector.shape_cast %get3A_1733 : vector<16xf32> to vector<16xf32>
      %swap3A_1735 = arith.index_cast %add3A_1556 : i32 to index
      %swap3A_1736 = arith.constant 192 : index
      %swap3A_1737 = tpu.vector_load %arg7[%swap3A_1735, %swap3A_1736] {strides = array<i32>} : memref<288x256xf32, #tpu.memory_space<vmem>>, vector<1x16xf32>,
      %swap3A_1738 = vector.shape_cast %swap3A_1737 : vector<1x16xf32> to vector<16xf32>
      %swap3A_1739 = vector.shape_cast %get3A_1734 : vector<16xf32> to vector<1x16xf32>
      tpu.vector_store %arg7[%swap3A_1735, %swap3A_1736], %swap3A_1739 {strides = array<i32>} : memref<288x256xf32, #tpu.memory_space<vmem>>, vector<1x16xf32>,
      %add3A_1740 = arith.constant 208 : i32
      %add3A_1741 = vector.broadcast %add3A_1740 : i32 to vector<16xi32>
      %add3A_1742 = arith.addi %iota3A, %add3A_1741 : vector<16xi32>
      %add3A_1743 = arith.constant 208 : i32
      %add3A_1744 = arith.addi %add3A_325, %add3A_1743 : i32
      %get3A_1745 = arith.index_cast %add3A_1744 : i32 to index
      %get3A_1746 = tpu.vector_load %arg6[%get3A_1745] {strides = array<i32>} : memref<6280xf32, #tpu.memory_space<vmem>>, vector<16xf32>,
      %get3A_1747 = vector.shape_cast %get3A_1746 : vector<16xf32> to vector<16xf32>
      %swap3A_1748 = arith.index_cast %add3A_1556 : i32 to index
      %swap3A_1749 = arith.constant 208 : index
      %swap3A_1750 = tpu.vector_load %arg7[%swap3A_1748, %swap3A_1749] {strides = array<i32>} : memref<288x256xf32, #tpu.memory_space<vmem>>, vector<1x16xf32>,
      %swap3A_1751 = vector.shape_cast %swap3A_1750 : vector<1x16xf32> to vector<16xf32>
      %swap3A_1752 = vector.shape_cast %get3A_1747 : vector<16xf32> to vector<1x16xf32>
      tpu.vector_store %arg7[%swap3A_1748, %swap3A_1749], %swap3A_1752 {strides = array<i32>} : memref<288x256xf32, #tpu.memory_space<vmem>>, vector<1x16xf32>,
      %add3A_1753 = arith.constant 224 : i32
      %add3A_1754 = vector.broadcast %add3A_1753 : i32 to vector<16xi32>
      %add3A_1755 = arith.addi %iota3A, %add3A_1754 : vector<16xi32>
      %add3A_1756 = arith.constant 224 : i32
      %add3A_1757 = arith.addi %add3A_325, %add3A_1756 : i32
      %get3A_1758 = arith.index_cast %add3A_1757 : i32 to index
      %get3A_1759 = tpu.vector_load %arg6[%get3A_1758] {strides = array<i32>} : memref<6280xf32, #tpu.memory_space<vmem>>, vector<16xf32>,
      %get3A_1760 = vector.shape_cast %get3A_1759 : vector<16xf32> to vector<16xf32>
      %swap3A_1761 = arith.index_cast %add3A_1556 : i32 to index
      %swap3A_1762 = arith.constant 224 : index
      %swap3A_1763 = tpu.vector_load %arg7[%swap3A_1761, %swap3A_1762] {strides = array<i32>} : memref<288x256xf32, #tpu.memory_space<vmem>>, vector<1x16xf32>,
      %swap3A_1764 = vector.shape_cast %swap3A_1763 : vector<1x16xf32> to vector<16xf32>
      %swap3A_1765 = vector.shape_cast %get3A_1760 : vector<16xf32> to vector<1x16xf32>
      tpu.vector_store %arg7[%swap3A_1761, %swap3A_1762], %swap3A_1765 {strides = array<i32>} : memref<288x256xf32, #tpu.memory_space<vmem>>, vector<1x16xf32>,
      %add3A_1766 = arith.constant 240 : i32
      %add3A_1767 = vector.broadcast %add3A_1766 : i32 to vector<16xi32>
      %add3A_1768 = arith.addi %iota3A, %add3A_1767 : vector<16xi32>
      %add3A_1769 = arith.constant 240 : i32
      %add3A_1770 = arith.addi %add3A_325, %add3A_1769 : i32
      %get3A_1771 = arith.index_cast %add3A_1770 : i32 to index
      %get3A_1772 = tpu.vector_load %arg6[%get3A_1771] {strides = array<i32>} : memref<6280xf32, #tpu.memory_space<vmem>>, vector<16xf32>,
      %get3A_1773 = vector.shape_cast %get3A_1772 : vector<16xf32> to vector<16xf32>
      %swap3A_1774 = arith.index_cast %add3A_1556 : i32 to index
      %swap3A_1775 = arith.constant 240 : index
      %swap3A_1776 = tpu.vector_load %arg7[%swap3A_1774, %swap3A_1775] {strides = array<i32>} : memref<288x256xf32, #tpu.memory_space<vmem>>, vector<1x16xf32>,
      %swap3A_1777 = vector.shape_cast %swap3A_1776 : vector<1x16xf32> to vector<16xf32>
      %swap3A_1778 = vector.shape_cast %get3A_1773 : vector<16xf32> to vector<1x16xf32>
      tpu.vector_store %arg7[%swap3A_1774, %swap3A_1775], %swap3A_1778 {strides = array<i32>} : memref<288x256xf32, #tpu.memory_space<vmem>>, vector<1x16xf32>,
      %scan3A_1779 = arith.constant 0 : i32
      scf.yield %scan3A_1779 : i32
    }
    %scan3A_332 = arith.constant 32 : i32
    %mul3A_333 = arith.constant 9 : i32
    %mul3A_334 = arith.muli %add3A, %mul3A_333 : i32
    %add3A_335 = arith.constant 4 : i32
    %add3A_336 = arith.addi %mul3A_334, %add3A_335 : i32
    %shift_right_arithmetic3A_337 = arith.constant 5 : i32
    %shift_right_arithmetic3A_338 = arith.shrsi %add3A_336, %shift_right_arithmetic3A_337 : i32
    %and3A_339 = arith.constant 31 : i32
    %and3A_340 = arith.andi %add3A_336, %and3A_339 : i32
    %mul3A_341 = arith.constant 86 : i32
    %mul3A_342 = arith.muli %and3A_340, %mul3A_341 : i32
    %add3A_343 = arith.constant 2666 : i32
    %add3A_344 = arith.addi %add3A_343, %mul3A_342 : i32
    %mul3A_345 = arith.constant 86 : i32
    %mul3A_346 = arith.muli %shift_right_arithmetic3A_338, %mul3A_345 : i32
    %add3A_347 = arith.constant 5332 : i32
    %add3A_348 = arith.addi %add3A_347, %mul3A_346 : i32
    %scan3A_349 = arith.constant 0 : i32
    %scan3A_350 = arith.constant 0 : i32
    %scan3A_351 = arith.constant 32 : i32
    %scan3A_352 = arith.addi %scan3A_350, %scan3A_351 : i32
    %scan3A_353 = arith.constant 1 : i32
    %scan3A_354 = scf.for %scan3A_1551 = %scan3A_350 to %scan3A_352 step %scan3A_353 iter_args(%scan3A_1552 = %scan3A_349) -> (i32)  : i32 {
      %mul3A_1553 = arith.constant 86 : i32
      %mul3A_1554 = arith.muli %scan3A_1551, %mul3A_1553 : i32
      %add3A_1555 = arith.constant 128 : i32
      %add3A_1556 = arith.addi %add3A_1555, %scan3A_1551 : i32
      %add3A_1557 = arith.constant 0 : i32
      %add3A_1558 = vector.broadcast %add3A_1557 : i32 to vector<16xi32>
      %add3A_1559 = arith.addi %iota3A, %add3A_1558 : vector<16xi32>
      %add3A_1560 = arith.constant 0 : i32
      %add3A_1561 = arith.addi %mul3A_1554, %add3A_1560 : i32
      %get3A = arith.index_cast %add3A_1561 : i32 to index
      %get3A_1562 = tpu.vector_load %arg6[%get3A] {strides = array<i32>} : memref<6280xf32, #tpu.memory_space<vmem>>, vector<16xf32>,
      %get3A_1563 = vector.shape_cast %get3A_1562 : vector<16xf32> to vector<16xf32>
      %swap3A = arith.index_cast %add3A_1556 : i32 to index
      %swap3A_1564 = arith.constant 0 : index
      %swap3A_1565 = tpu.vector_load %arg7[%swap3A, %swap3A_1564] {strides = array<i32>} : memref<288x256xf32, #tpu.memory_space<vmem>>, vector<1x16xf32>,
      %swap3A_1566 = vector.shape_cast %swap3A_1565 : vector<1x16xf32> to vector<16xf32>
      %swap3A_1567 = vector.shape_cast %get3A_1563 : vector<16xf32> to vector<1x16xf32>
      tpu.vector_store %arg7[%swap3A, %swap3A_1564], %swap3A_1567 {strides = array<i32>} : memref<288x256xf32, #tpu.memory_space<vmem>>, vector<1x16xf32>,
      %add3A_1568 = arith.constant 16 : i32
      %add3A_1569 = vector.broadcast %add3A_1568 : i32 to vector<16xi32>
      %add3A_1570 = arith.addi %iota3A, %add3A_1569 : vector<16xi32>
      %add3A_1571 = arith.constant 16 : i32
      %add3A_1572 = arith.addi %mul3A_1554, %add3A_1571 : i32
      %get3A_1573 = arith.index_cast %add3A_1572 : i32 to index
      %get3A_1574 = tpu.vector_load %arg6[%get3A_1573] {strides = array<i32>} : memref<6280xf32, #tpu.memory_space<vmem>>, vector<16xf32>,
      %get3A_1575 = vector.shape_cast %get3A_1574 : vector<16xf32> to vector<16xf32>
      %swap3A_1576 = arith.index_cast %add3A_1556 : i32 to index
      %swap3A_1577 = arith.constant 16 : index
      %swap3A_1578 = tpu.vector_load %arg7[%swap3A_1576, %swap3A_1577] {strides = array<i32>} : memref<288x256xf32, #tpu.memory_space<vmem>>, vector<1x16xf32>,
      %swap3A_1579 = vector.shape_cast %swap3A_1578 : vector<1x16xf32> to vector<16xf32>
      %swap3A_1580 = vector.shape_cast %get3A_1575 : vector<16xf32> to vector<1x16xf32>
      tpu.vector_store %arg7[%swap3A_1576, %swap3A_1577], %swap3A_1580 {strides = array<i32>} : memref<288x256xf32, #tpu.memory_space<vmem>>, vector<1x16xf32>,
      %add3A_1581 = arith.constant 32 : i32
      %add3A_1582 = vector.broadcast %add3A_1581 : i32 to vector<16xi32>
      %add3A_1583 = arith.addi %iota3A, %add3A_1582 : vector<16xi32>
      %add3A_1584 = arith.constant 32 : i32
      %add3A_1585 = arith.addi %mul3A_1554, %add3A_1584 : i32
      %get3A_1586 = arith.index_cast %add3A_1585 : i32 to index
      %get3A_1587 = tpu.vector_load %arg6[%get3A_1586] {strides = array<i32>} : memref<6280xf32, #tpu.memory_space<vmem>>, vector<16xf32>,
      %get3A_1588 = vector.shape_cast %get3A_1587 : vector<16xf32> to vector<16xf32>
      %swap3A_1589 = arith.index_cast %add3A_1556 : i32 to index
      %swap3A_1590 = arith.constant 32 : index
      %swap3A_1591 = tpu.vector_load %arg7[%swap3A_1589, %swap3A_1590] {strides = array<i32>} : memref<288x256xf32, #tpu.memory_space<vmem>>, vector<1x16xf32>,
      %swap3A_1592 = vector.shape_cast %swap3A_1591 : vector<1x16xf32> to vector<16xf32>
      %swap3A_1593 = vector.shape_cast %get3A_1588 : vector<16xf32> to vector<1x16xf32>
      tpu.vector_store %arg7[%swap3A_1589, %swap3A_1590], %swap3A_1593 {strides = array<i32>} : memref<288x256xf32, #tpu.memory_space<vmem>>, vector<1x16xf32>,
      %add3A_1594 = arith.constant 48 : i32
      %add3A_1595 = vector.broadcast %add3A_1594 : i32 to vector<16xi32>
      %add3A_1596 = arith.addi %iota3A, %add3A_1595 : vector<16xi32>
      %add3A_1597 = arith.constant 48 : i32
      %add3A_1598 = arith.addi %mul3A_1554, %add3A_1597 : i32
      %get3A_1599 = arith.index_cast %add3A_1598 : i32 to index
      %get3A_1600 = tpu.vector_load %arg6[%get3A_1599] {strides = array<i32>} : memref<6280xf32, #tpu.memory_space<vmem>>, vector<16xf32>,
      %get3A_1601 = vector.shape_cast %get3A_1600 : vector<16xf32> to vector<16xf32>
      %swap3A_1602 = arith.index_cast %add3A_1556 : i32 to index
      %swap3A_1603 = arith.constant 48 : index
      %swap3A_1604 = tpu.vector_load %arg7[%swap3A_1602, %swap3A_1603] {strides = array<i32>} : memref<288x256xf32, #tpu.memory_space<vmem>>, vector<1x16xf32>,
      %swap3A_1605 = vector.shape_cast %swap3A_1604 : vector<1x16xf32> to vector<16xf32>
      %swap3A_1606 = vector.shape_cast %get3A_1601 : vector<16xf32> to vector<1x16xf32>
      tpu.vector_store %arg7[%swap3A_1602, %swap3A_1603], %swap3A_1606 {strides = array<i32>} : memref<288x256xf32, #tpu.memory_space<vmem>>, vector<1x16xf32>,
      %add3A_1607 = arith.constant 64 : i32
      %add3A_1608 = vector.broadcast %add3A_1607 : i32 to vector<16xi32>
      %add3A_1609 = arith.addi %iota3A, %add3A_1608 : vector<16xi32>
      %add3A_1610 = arith.constant 64 : i32
      %add3A_1611 = arith.addi %mul3A_1554, %add3A_1610 : i32
      %get3A_1612 = arith.index_cast %add3A_1611 : i32 to index
      %get3A_1613 = tpu.vector_load %arg6[%get3A_1612] {strides = array<i32>} : memref<6280xf32, #tpu.memory_space<vmem>>, vector<16xf32>,
      %get3A_1614 = vector.shape_cast %get3A_1613 : vector<16xf32> to vector<16xf32>
      %swap3A_1615 = arith.index_cast %add3A_1556 : i32 to index
      %swap3A_1616 = arith.constant 64 : index
      %swap3A_1617 = tpu.vector_load %arg7[%swap3A_1615, %swap3A_1616] {strides = array<i32>} : memref<288x256xf32, #tpu.memory_space<vmem>>, vector<1x16xf32>,
      %swap3A_1618 = vector.shape_cast %swap3A_1617 : vector<1x16xf32> to vector<16xf32>
      %swap3A_1619 = vector.shape_cast %get3A_1614 : vector<16xf32> to vector<1x16xf32>
      tpu.vector_store %arg7[%swap3A_1615, %swap3A_1616], %swap3A_1619 {strides = array<i32>} : memref<288x256xf32, #tpu.memory_space<vmem>>, vector<1x16xf32>,
      %add3A_1620 = arith.constant 80 : i32
      %add3A_1621 = vector.broadcast %add3A_1620 : i32 to vector<16xi32>
      %add3A_1622 = arith.addi %iota3A, %add3A_1621 : vector<16xi32>
      %add3A_1623 = arith.constant 80 : i32
      %add3A_1624 = arith.addi %mul3A_1554, %add3A_1623 : i32
      %get3A_1625 = arith.index_cast %add3A_1624 : i32 to index
      %get3A_1626 = tpu.vector_load %arg6[%get3A_1625] {strides = array<i32>} : memref<6280xf32, #tpu.memory_space<vmem>>, vector<16xf32>,
      %get3A_1627 = vector.shape_cast %get3A_1626 : vector<16xf32> to vector<16xf32>
      %add3A_1628 = arith.constant 80 : i32
      %add3A_1629 = arith.addi %add3A_344, %add3A_1628 : i32
      %get3A_1630 = arith.index_cast %add3A_1629 : i32 to index
      %get3A_1631 = tpu.vector_load %arg6[%get3A_1630] {strides = array<i32>} : memref<6280xf32, #tpu.memory_space<vmem>>, vector<16xf32>,
      %get3A_1632 = vector.shape_cast %get3A_1631 : vector<16xf32> to vector<16xf32>
      %lt3A = arith.constant 86 : i32
      %lt3A_1633 = vector.broadcast %lt3A : i32 to vector<16xi32>
      %lt3A_1634 = arith.cmpi slt, %add3A_1622, %lt3A_1633 : vector<16xi32>
      %select_n3A = arith.select %lt3A_1634, %get3A_1627, %get3A_1632 : vector<16xi1>, vector<16xf32>
      %swap3A_1635 = arith.index_cast %add3A_1556 : i32 to index
      %swap3A_1636 = arith.constant 80 : index
      %swap3A_1637 = tpu.vector_load %arg7[%swap3A_1635, %swap3A_1636] {strides = array<i32>} : memref<288x256xf32, #tpu.memory_space<vmem>>, vector<1x16xf32>,
      %swap3A_1638 = vector.shape_cast %swap3A_1637 : vector<1x16xf32> to vector<16xf32>
      %swap3A_1639 = vector.shape_cast %select_n3A : vector<16xf32> to vector<1x16xf32>
      tpu.vector_store %arg7[%swap3A_1635, %swap3A_1636], %swap3A_1639 {strides = array<i32>} : memref<288x256xf32, #tpu.memory_space<vmem>>, vector<1x16xf32>,
      %add3A_1640 = arith.constant 96 : i32
      %add3A_1641 = vector.broadcast %add3A_1640 : i32 to vector<16xi32>
      %add3A_1642 = arith.addi %iota3A, %add3A_1641 : vector<16xi32>
      %add3A_1643 = arith.constant 96 : i32
      %add3A_1644 = arith.addi %add3A_344, %add3A_1643 : i32
      %get3A_1645 = arith.index_cast %add3A_1644 : i32 to index
      %get3A_1646 = tpu.vector_load %arg6[%get3A_1645] {strides = array<i32>} : memref<6280xf32, #tpu.memory_space<vmem>>, vector<16xf32>,
      %get3A_1647 = vector.shape_cast %get3A_1646 : vector<16xf32> to vector<16xf32>
      %swap3A_1648 = arith.index_cast %add3A_1556 : i32 to index
      %swap3A_1649 = arith.constant 96 : index
      %swap3A_1650 = tpu.vector_load %arg7[%swap3A_1648, %swap3A_1649] {strides = array<i32>} : memref<288x256xf32, #tpu.memory_space<vmem>>, vector<1x16xf32>,
      %swap3A_1651 = vector.shape_cast %swap3A_1650 : vector<1x16xf32> to vector<16xf32>
      %swap3A_1652 = vector.shape_cast %get3A_1647 : vector<16xf32> to vector<1x16xf32>
      tpu.vector_store %arg7[%swap3A_1648, %swap3A_1649], %swap3A_1652 {strides = array<i32>} : memref<288x256xf32, #tpu.memory_space<vmem>>, vector<1x16xf32>,
      %add3A_1653 = arith.constant 112 : i32
      %add3A_1654 = vector.broadcast %add3A_1653 : i32 to vector<16xi32>
      %add3A_1655 = arith.addi %iota3A, %add3A_1654 : vector<16xi32>
      %add3A_1656 = arith.constant 112 : i32
      %add3A_1657 = arith.addi %add3A_344, %add3A_1656 : i32
      %get3A_1658 = arith.index_cast %add3A_1657 : i32 to index
      %get3A_1659 = tpu.vector_load %arg6[%get3A_1658] {strides = array<i32>} : memref<6280xf32, #tpu.memory_space<vmem>>, vector<16xf32>,
      %get3A_1660 = vector.shape_cast %get3A_1659 : vector<16xf32> to vector<16xf32>
      %swap3A_1661 = arith.index_cast %add3A_1556 : i32 to index
      %swap3A_1662 = arith.constant 112 : index
      %swap3A_1663 = tpu.vector_load %arg7[%swap3A_1661, %swap3A_1662] {strides = array<i32>} : memref<288x256xf32, #tpu.memory_space<vmem>>, vector<1x16xf32>,
      %swap3A_1664 = vector.shape_cast %swap3A_1663 : vector<1x16xf32> to vector<16xf32>
      %swap3A_1665 = vector.shape_cast %get3A_1660 : vector<16xf32> to vector<1x16xf32>
      tpu.vector_store %arg7[%swap3A_1661, %swap3A_1662], %swap3A_1665 {strides = array<i32>} : memref<288x256xf32, #tpu.memory_space<vmem>>, vector<1x16xf32>,
      %add3A_1666 = arith.constant 128 : i32
      %add3A_1667 = vector.broadcast %add3A_1666 : i32 to vector<16xi32>
      %add3A_1668 = arith.addi %iota3A, %add3A_1667 : vector<16xi32>
      %add3A_1669 = arith.constant 128 : i32
      %add3A_1670 = arith.addi %add3A_344, %add3A_1669 : i32
      %get3A_1671 = arith.index_cast %add3A_1670 : i32 to index
      %get3A_1672 = tpu.vector_load %arg6[%get3A_1671] {strides = array<i32>} : memref<6280xf32, #tpu.memory_space<vmem>>, vector<16xf32>,
      %get3A_1673 = vector.shape_cast %get3A_1672 : vector<16xf32> to vector<16xf32>
      %swap3A_1674 = arith.index_cast %add3A_1556 : i32 to index
      %swap3A_1675 = arith.constant 128 : index
      %swap3A_1676 = tpu.vector_load %arg7[%swap3A_1674, %swap3A_1675] {strides = array<i32>} : memref<288x256xf32, #tpu.memory_space<vmem>>, vector<1x16xf32>,
      %swap3A_1677 = vector.shape_cast %swap3A_1676 : vector<1x16xf32> to vector<16xf32>
      %swap3A_1678 = vector.shape_cast %get3A_1673 : vector<16xf32> to vector<1x16xf32>
      tpu.vector_store %arg7[%swap3A_1674, %swap3A_1675], %swap3A_1678 {strides = array<i32>} : memref<288x256xf32, #tpu.memory_space<vmem>>, vector<1x16xf32>,
      %add3A_1679 = arith.constant 144 : i32
      %add3A_1680 = vector.broadcast %add3A_1679 : i32 to vector<16xi32>
      %add3A_1681 = arith.addi %iota3A, %add3A_1680 : vector<16xi32>
      %add3A_1682 = arith.constant 144 : i32
      %add3A_1683 = arith.addi %add3A_344, %add3A_1682 : i32
      %get3A_1684 = arith.index_cast %add3A_1683 : i32 to index
      %get3A_1685 = tpu.vector_load %arg6[%get3A_1684] {strides = array<i32>} : memref<6280xf32, #tpu.memory_space<vmem>>, vector<16xf32>,
      %get3A_1686 = vector.shape_cast %get3A_1685 : vector<16xf32> to vector<16xf32>
      %swap3A_1687 = arith.index_cast %add3A_1556 : i32 to index
      %swap3A_1688 = arith.constant 144 : index
      %swap3A_1689 = tpu.vector_load %arg7[%swap3A_1687, %swap3A_1688] {strides = array<i32>} : memref<288x256xf32, #tpu.memory_space<vmem>>, vector<1x16xf32>,
      %swap3A_1690 = vector.shape_cast %swap3A_1689 : vector<1x16xf32> to vector<16xf32>
      %swap3A_1691 = vector.shape_cast %get3A_1686 : vector<16xf32> to vector<1x16xf32>
      tpu.vector_store %arg7[%swap3A_1687, %swap3A_1688], %swap3A_1691 {strides = array<i32>} : memref<288x256xf32, #tpu.memory_space<vmem>>, vector<1x16xf32>,
      %add3A_1692 = arith.constant 160 : i32
      %add3A_1693 = vector.broadcast %add3A_1692 : i32 to vector<16xi32>
      %add3A_1694 = arith.addi %iota3A, %add3A_1693 : vector<16xi32>
      %add3A_1695 = arith.constant 160 : i32
      %add3A_1696 = arith.addi %add3A_344, %add3A_1695 : i32
      %get3A_1697 = arith.index_cast %add3A_1696 : i32 to index
      %get3A_1698 = tpu.vector_load %arg6[%get3A_1697] {strides = array<i32>} : memref<6280xf32, #tpu.memory_space<vmem>>, vector<16xf32>,
      %get3A_1699 = vector.shape_cast %get3A_1698 : vector<16xf32> to vector<16xf32>
      %add3A_1700 = arith.constant 160 : i32
      %add3A_1701 = arith.addi %add3A_348, %add3A_1700 : i32
      %get3A_1702 = arith.index_cast %add3A_1701 : i32 to index
      %get3A_1703 = tpu.vector_load %arg6[%get3A_1702] {strides = array<i32>} : memref<6280xf32, #tpu.memory_space<vmem>>, vector<16xf32>,
      %get3A_1704 = vector.shape_cast %get3A_1703 : vector<16xf32> to vector<16xf32>
      %lt3A_1705 = arith.constant 172 : i32
      %lt3A_1706 = vector.broadcast %lt3A_1705 : i32 to vector<16xi32>
      %lt3A_1707 = arith.cmpi slt, %add3A_1694, %lt3A_1706 : vector<16xi32>
      %select_n3A_1708 = arith.select %lt3A_1707, %get3A_1699, %get3A_1704 : vector<16xi1>, vector<16xf32>
      %swap3A_1709 = arith.index_cast %add3A_1556 : i32 to index
      %swap3A_1710 = arith.constant 160 : index
      %swap3A_1711 = tpu.vector_load %arg7[%swap3A_1709, %swap3A_1710] {strides = array<i32>} : memref<288x256xf32, #tpu.memory_space<vmem>>, vector<1x16xf32>,
      %swap3A_1712 = vector.shape_cast %swap3A_1711 : vector<1x16xf32> to vector<16xf32>
      %swap3A_1713 = vector.shape_cast %select_n3A_1708 : vector<16xf32> to vector<1x16xf32>
      tpu.vector_store %arg7[%swap3A_1709, %swap3A_1710], %swap3A_1713 {strides = array<i32>} : memref<288x256xf32, #tpu.memory_space<vmem>>, vector<1x16xf32>,
      %add3A_1714 = arith.constant 176 : i32
      %add3A_1715 = vector.broadcast %add3A_1714 : i32 to vector<16xi32>
      %add3A_1716 = arith.addi %iota3A, %add3A_1715 : vector<16xi32>
      %add3A_1717 = arith.constant 176 : i32
      %add3A_1718 = arith.addi %add3A_348, %add3A_1717 : i32
      %get3A_1719 = arith.index_cast %add3A_1718 : i32 to index
      %get3A_1720 = tpu.vector_load %arg6[%get3A_1719] {strides = array<i32>} : memref<6280xf32, #tpu.memory_space<vmem>>, vector<16xf32>,
      %get3A_1721 = vector.shape_cast %get3A_1720 : vector<16xf32> to vector<16xf32>
      %swap3A_1722 = arith.index_cast %add3A_1556 : i32 to index
      %swap3A_1723 = arith.constant 176 : index
      %swap3A_1724 = tpu.vector_load %arg7[%swap3A_1722, %swap3A_1723] {strides = array<i32>} : memref<288x256xf32, #tpu.memory_space<vmem>>, vector<1x16xf32>,
      %swap3A_1725 = vector.shape_cast %swap3A_1724 : vector<1x16xf32> to vector<16xf32>
      %swap3A_1726 = vector.shape_cast %get3A_1721 : vector<16xf32> to vector<1x16xf32>
      tpu.vector_store %arg7[%swap3A_1722, %swap3A_1723], %swap3A_1726 {strides = array<i32>} : memref<288x256xf32, #tpu.memory_space<vmem>>, vector<1x16xf32>,
      %add3A_1727 = arith.constant 192 : i32
      %add3A_1728 = vector.broadcast %add3A_1727 : i32 to vector<16xi32>
      %add3A_1729 = arith.addi %iota3A, %add3A_1728 : vector<16xi32>
      %add3A_1730 = arith.constant 192 : i32
      %add3A_1731 = arith.addi %add3A_348, %add3A_1730 : i32
      %get3A_1732 = arith.index_cast %add3A_1731 : i32 to index
      %get3A_1733 = tpu.vector_load %arg6[%get3A_1732] {strides = array<i32>} : memref<6280xf32, #tpu.memory_space<vmem>>, vector<16xf32>,
      %get3A_1734 = vector.shape_cast %get3A_1733 : vector<16xf32> to vector<16xf32>
      %swap3A_1735 = arith.index_cast %add3A_1556 : i32 to index
      %swap3A_1736 = arith.constant 192 : index
      %swap3A_1737 = tpu.vector_load %arg7[%swap3A_1735, %swap3A_1736] {strides = array<i32>} : memref<288x256xf32, #tpu.memory_space<vmem>>, vector<1x16xf32>,
      %swap3A_1738 = vector.shape_cast %swap3A_1737 : vector<1x16xf32> to vector<16xf32>
      %swap3A_1739 = vector.shape_cast %get3A_1734 : vector<16xf32> to vector<1x16xf32>
      tpu.vector_store %arg7[%swap3A_1735, %swap3A_1736], %swap3A_1739 {strides = array<i32>} : memref<288x256xf32, #tpu.memory_space<vmem>>, vector<1x16xf32>,
      %add3A_1740 = arith.constant 208 : i32
      %add3A_1741 = vector.broadcast %add3A_1740 : i32 to vector<16xi32>
      %add3A_1742 = arith.addi %iota3A, %add3A_1741 : vector<16xi32>
      %add3A_1743 = arith.constant 208 : i32
      %add3A_1744 = arith.addi %add3A_348, %add3A_1743 : i32
      %get3A_1745 = arith.index_cast %add3A_1744 : i32 to index
      %get3A_1746 = tpu.vector_load %arg6[%get3A_1745] {strides = array<i32>} : memref<6280xf32, #tpu.memory_space<vmem>>, vector<16xf32>,
      %get3A_1747 = vector.shape_cast %get3A_1746 : vector<16xf32> to vector<16xf32>
      %swap3A_1748 = arith.index_cast %add3A_1556 : i32 to index
      %swap3A_1749 = arith.constant 208 : index
      %swap3A_1750 = tpu.vector_load %arg7[%swap3A_1748, %swap3A_1749] {strides = array<i32>} : memref<288x256xf32, #tpu.memory_space<vmem>>, vector<1x16xf32>,
      %swap3A_1751 = vector.shape_cast %swap3A_1750 : vector<1x16xf32> to vector<16xf32>
      %swap3A_1752 = vector.shape_cast %get3A_1747 : vector<16xf32> to vector<1x16xf32>
      tpu.vector_store %arg7[%swap3A_1748, %swap3A_1749], %swap3A_1752 {strides = array<i32>} : memref<288x256xf32, #tpu.memory_space<vmem>>, vector<1x16xf32>,
      %add3A_1753 = arith.constant 224 : i32
      %add3A_1754 = vector.broadcast %add3A_1753 : i32 to vector<16xi32>
      %add3A_1755 = arith.addi %iota3A, %add3A_1754 : vector<16xi32>
      %add3A_1756 = arith.constant 224 : i32
      %add3A_1757 = arith.addi %add3A_348, %add3A_1756 : i32
      %get3A_1758 = arith.index_cast %add3A_1757 : i32 to index
      %get3A_1759 = tpu.vector_load %arg6[%get3A_1758] {strides = array<i32>} : memref<6280xf32, #tpu.memory_space<vmem>>, vector<16xf32>,
      %get3A_1760 = vector.shape_cast %get3A_1759 : vector<16xf32> to vector<16xf32>
      %swap3A_1761 = arith.index_cast %add3A_1556 : i32 to index
      %swap3A_1762 = arith.constant 224 : index
      %swap3A_1763 = tpu.vector_load %arg7[%swap3A_1761, %swap3A_1762] {strides = array<i32>} : memref<288x256xf32, #tpu.memory_space<vmem>>, vector<1x16xf32>,
      %swap3A_1764 = vector.shape_cast %swap3A_1763 : vector<1x16xf32> to vector<16xf32>
      %swap3A_1765 = vector.shape_cast %get3A_1760 : vector<16xf32> to vector<1x16xf32>
      tpu.vector_store %arg7[%swap3A_1761, %swap3A_1762], %swap3A_1765 {strides = array<i32>} : memref<288x256xf32, #tpu.memory_space<vmem>>, vector<1x16xf32>,
      %add3A_1766 = arith.constant 240 : i32
      %add3A_1767 = vector.broadcast %add3A_1766 : i32 to vector<16xi32>
      %add3A_1768 = arith.addi %iota3A, %add3A_1767 : vector<16xi32>
      %add3A_1769 = arith.constant 240 : i32
      %add3A_1770 = arith.addi %add3A_348, %add3A_1769 : i32
      %get3A_1771 = arith.index_cast %add3A_1770 : i32 to index
      %get3A_1772 = tpu.vector_load %arg6[%get3A_1771] {strides = array<i32>} : memref<6280xf32, #tpu.memory_space<vmem>>, vector<16xf32>,
      %get3A_1773 = vector.shape_cast %get3A_1772 : vector<16xf32> to vector<16xf32>
      %swap3A_1774 = arith.index_cast %add3A_1556 : i32 to index
      %swap3A_1775 = arith.constant 240 : index
      %swap3A_1776 = tpu.vector_load %arg7[%swap3A_1774, %swap3A_1775] {strides = array<i32>} : memref<288x256xf32, #tpu.memory_space<vmem>>, vector<1x16xf32>,
      %swap3A_1777 = vector.shape_cast %swap3A_1776 : vector<1x16xf32> to vector<16xf32>
      %swap3A_1778 = vector.shape_cast %get3A_1773 : vector<16xf32> to vector<1x16xf32>
      tpu.vector_store %arg7[%swap3A_1774, %swap3A_1775], %swap3A_1778 {strides = array<i32>} : memref<288x256xf32, #tpu.memory_space<vmem>>, vector<1x16xf32>,
      %scan3A_1779 = arith.constant 0 : i32
      scf.yield %scan3A_1779 : i32
    }
    %scan3A_355 = arith.constant 32 : i32
    %mul3A_356 = arith.constant 9 : i32
    %mul3A_357 = arith.muli %add3A, %mul3A_356 : i32
    %add3A_358 = arith.constant 5 : i32
    %add3A_359 = arith.addi %mul3A_357, %add3A_358 : i32
    %shift_right_arithmetic3A_360 = arith.constant 5 : i32
    %shift_right_arithmetic3A_361 = arith.shrsi %add3A_359, %shift_right_arithmetic3A_360 : i32
    %and3A_362 = arith.constant 31 : i32
    %and3A_363 = arith.andi %add3A_359, %and3A_362 : i32
    %mul3A_364 = arith.constant 86 : i32
    %mul3A_365 = arith.muli %and3A_363, %mul3A_364 : i32
    %add3A_366 = arith.constant 2666 : i32
    %add3A_367 = arith.addi %add3A_366, %mul3A_365 : i32
    %mul3A_368 = arith.constant 86 : i32
    %mul3A_369 = arith.muli %shift_right_arithmetic3A_361, %mul3A_368 : i32
    %add3A_370 = arith.constant 5332 : i32
    %add3A_371 = arith.addi %add3A_370, %mul3A_369 : i32
    %scan3A_372 = arith.constant 0 : i32
    %scan3A_373 = arith.constant 0 : i32
    %scan3A_374 = arith.constant 32 : i32
    %scan3A_375 = arith.addi %scan3A_373, %scan3A_374 : i32
    %scan3A_376 = arith.constant 1 : i32
    %scan3A_377 = scf.for %scan3A_1551 = %scan3A_373 to %scan3A_375 step %scan3A_376 iter_args(%scan3A_1552 = %scan3A_372) -> (i32)  : i32 {
      %mul3A_1553 = arith.constant 86 : i32
      %mul3A_1554 = arith.muli %scan3A_1551, %mul3A_1553 : i32
      %add3A_1555 = arith.constant 160 : i32
      %add3A_1556 = arith.addi %add3A_1555, %scan3A_1551 : i32
      %add3A_1557 = arith.constant 0 : i32
      %add3A_1558 = vector.broadcast %add3A_1557 : i32 to vector<16xi32>
      %add3A_1559 = arith.addi %iota3A, %add3A_1558 : vector<16xi32>
      %add3A_1560 = arith.constant 0 : i32
      %add3A_1561 = arith.addi %mul3A_1554, %add3A_1560 : i32
      %get3A = arith.index_cast %add3A_1561 : i32 to index
      %get3A_1562 = tpu.vector_load %arg6[%get3A] {strides = array<i32>} : memref<6280xf32, #tpu.memory_space<vmem>>, vector<16xf32>,
      %get3A_1563 = vector.shape_cast %get3A_1562 : vector<16xf32> to vector<16xf32>
      %swap3A = arith.index_cast %add3A_1556 : i32 to index
      %swap3A_1564 = arith.constant 0 : index
      %swap3A_1565 = tpu.vector_load %arg7[%swap3A, %swap3A_1564] {strides = array<i32>} : memref<288x256xf32, #tpu.memory_space<vmem>>, vector<1x16xf32>,
      %swap3A_1566 = vector.shape_cast %swap3A_1565 : vector<1x16xf32> to vector<16xf32>
      %swap3A_1567 = vector.shape_cast %get3A_1563 : vector<16xf32> to vector<1x16xf32>
      tpu.vector_store %arg7[%swap3A, %swap3A_1564], %swap3A_1567 {strides = array<i32>} : memref<288x256xf32, #tpu.memory_space<vmem>>, vector<1x16xf32>,
      %add3A_1568 = arith.constant 16 : i32
      %add3A_1569 = vector.broadcast %add3A_1568 : i32 to vector<16xi32>
      %add3A_1570 = arith.addi %iota3A, %add3A_1569 : vector<16xi32>
      %add3A_1571 = arith.constant 16 : i32
      %add3A_1572 = arith.addi %mul3A_1554, %add3A_1571 : i32
      %get3A_1573 = arith.index_cast %add3A_1572 : i32 to index
      %get3A_1574 = tpu.vector_load %arg6[%get3A_1573] {strides = array<i32>} : memref<6280xf32, #tpu.memory_space<vmem>>, vector<16xf32>,
      %get3A_1575 = vector.shape_cast %get3A_1574 : vector<16xf32> to vector<16xf32>
      %swap3A_1576 = arith.index_cast %add3A_1556 : i32 to index
      %swap3A_1577 = arith.constant 16 : index
      %swap3A_1578 = tpu.vector_load %arg7[%swap3A_1576, %swap3A_1577] {strides = array<i32>} : memref<288x256xf32, #tpu.memory_space<vmem>>, vector<1x16xf32>,
      %swap3A_1579 = vector.shape_cast %swap3A_1578 : vector<1x16xf32> to vector<16xf32>
      %swap3A_1580 = vector.shape_cast %get3A_1575 : vector<16xf32> to vector<1x16xf32>
      tpu.vector_store %arg7[%swap3A_1576, %swap3A_1577], %swap3A_1580 {strides = array<i32>} : memref<288x256xf32, #tpu.memory_space<vmem>>, vector<1x16xf32>,
      %add3A_1581 = arith.constant 32 : i32
      %add3A_1582 = vector.broadcast %add3A_1581 : i32 to vector<16xi32>
      %add3A_1583 = arith.addi %iota3A, %add3A_1582 : vector<16xi32>
      %add3A_1584 = arith.constant 32 : i32
      %add3A_1585 = arith.addi %mul3A_1554, %add3A_1584 : i32
      %get3A_1586 = arith.index_cast %add3A_1585 : i32 to index
      %get3A_1587 = tpu.vector_load %arg6[%get3A_1586] {strides = array<i32>} : memref<6280xf32, #tpu.memory_space<vmem>>, vector<16xf32>,
      %get3A_1588 = vector.shape_cast %get3A_1587 : vector<16xf32> to vector<16xf32>
      %swap3A_1589 = arith.index_cast %add3A_1556 : i32 to index
      %swap3A_1590 = arith.constant 32 : index
      %swap3A_1591 = tpu.vector_load %arg7[%swap3A_1589, %swap3A_1590] {strides = array<i32>} : memref<288x256xf32, #tpu.memory_space<vmem>>, vector<1x16xf32>,
      %swap3A_1592 = vector.shape_cast %swap3A_1591 : vector<1x16xf32> to vector<16xf32>
      %swap3A_1593 = vector.shape_cast %get3A_1588 : vector<16xf32> to vector<1x16xf32>
      tpu.vector_store %arg7[%swap3A_1589, %swap3A_1590], %swap3A_1593 {strides = array<i32>} : memref<288x256xf32, #tpu.memory_space<vmem>>, vector<1x16xf32>,
      %add3A_1594 = arith.constant 48 : i32
      %add3A_1595 = vector.broadcast %add3A_1594 : i32 to vector<16xi32>
      %add3A_1596 = arith.addi %iota3A, %add3A_1595 : vector<16xi32>
      %add3A_1597 = arith.constant 48 : i32
      %add3A_1598 = arith.addi %mul3A_1554, %add3A_1597 : i32
      %get3A_1599 = arith.index_cast %add3A_1598 : i32 to index
      %get3A_1600 = tpu.vector_load %arg6[%get3A_1599] {strides = array<i32>} : memref<6280xf32, #tpu.memory_space<vmem>>, vector<16xf32>,
      %get3A_1601 = vector.shape_cast %get3A_1600 : vector<16xf32> to vector<16xf32>
      %swap3A_1602 = arith.index_cast %add3A_1556 : i32 to index
      %swap3A_1603 = arith.constant 48 : index
      %swap3A_1604 = tpu.vector_load %arg7[%swap3A_1602, %swap3A_1603] {strides = array<i32>} : memref<288x256xf32, #tpu.memory_space<vmem>>, vector<1x16xf32>,
      %swap3A_1605 = vector.shape_cast %swap3A_1604 : vector<1x16xf32> to vector<16xf32>
      %swap3A_1606 = vector.shape_cast %get3A_1601 : vector<16xf32> to vector<1x16xf32>
      tpu.vector_store %arg7[%swap3A_1602, %swap3A_1603], %swap3A_1606 {strides = array<i32>} : memref<288x256xf32, #tpu.memory_space<vmem>>, vector<1x16xf32>,
      %add3A_1607 = arith.constant 64 : i32
      %add3A_1608 = vector.broadcast %add3A_1607 : i32 to vector<16xi32>
      %add3A_1609 = arith.addi %iota3A, %add3A_1608 : vector<16xi32>
      %add3A_1610 = arith.constant 64 : i32
      %add3A_1611 = arith.addi %mul3A_1554, %add3A_1610 : i32
      %get3A_1612 = arith.index_cast %add3A_1611 : i32 to index
      %get3A_1613 = tpu.vector_load %arg6[%get3A_1612] {strides = array<i32>} : memref<6280xf32, #tpu.memory_space<vmem>>, vector<16xf32>,
      %get3A_1614 = vector.shape_cast %get3A_1613 : vector<16xf32> to vector<16xf32>
      %swap3A_1615 = arith.index_cast %add3A_1556 : i32 to index
      %swap3A_1616 = arith.constant 64 : index
      %swap3A_1617 = tpu.vector_load %arg7[%swap3A_1615, %swap3A_1616] {strides = array<i32>} : memref<288x256xf32, #tpu.memory_space<vmem>>, vector<1x16xf32>,
      %swap3A_1618 = vector.shape_cast %swap3A_1617 : vector<1x16xf32> to vector<16xf32>
      %swap3A_1619 = vector.shape_cast %get3A_1614 : vector<16xf32> to vector<1x16xf32>
      tpu.vector_store %arg7[%swap3A_1615, %swap3A_1616], %swap3A_1619 {strides = array<i32>} : memref<288x256xf32, #tpu.memory_space<vmem>>, vector<1x16xf32>,
      %add3A_1620 = arith.constant 80 : i32
      %add3A_1621 = vector.broadcast %add3A_1620 : i32 to vector<16xi32>
      %add3A_1622 = arith.addi %iota3A, %add3A_1621 : vector<16xi32>
      %add3A_1623 = arith.constant 80 : i32
      %add3A_1624 = arith.addi %mul3A_1554, %add3A_1623 : i32
      %get3A_1625 = arith.index_cast %add3A_1624 : i32 to index
      %get3A_1626 = tpu.vector_load %arg6[%get3A_1625] {strides = array<i32>} : memref<6280xf32, #tpu.memory_space<vmem>>, vector<16xf32>,
      %get3A_1627 = vector.shape_cast %get3A_1626 : vector<16xf32> to vector<16xf32>
      %add3A_1628 = arith.constant 80 : i32
      %add3A_1629 = arith.addi %add3A_367, %add3A_1628 : i32
      %get3A_1630 = arith.index_cast %add3A_1629 : i32 to index
      %get3A_1631 = tpu.vector_load %arg6[%get3A_1630] {strides = array<i32>} : memref<6280xf32, #tpu.memory_space<vmem>>, vector<16xf32>,
      %get3A_1632 = vector.shape_cast %get3A_1631 : vector<16xf32> to vector<16xf32>
      %lt3A = arith.constant 86 : i32
      %lt3A_1633 = vector.broadcast %lt3A : i32 to vector<16xi32>
      %lt3A_1634 = arith.cmpi slt, %add3A_1622, %lt3A_1633 : vector<16xi32>
      %select_n3A = arith.select %lt3A_1634, %get3A_1627, %get3A_1632 : vector<16xi1>, vector<16xf32>
      %swap3A_1635 = arith.index_cast %add3A_1556 : i32 to index
      %swap3A_1636 = arith.constant 80 : index
      %swap3A_1637 = tpu.vector_load %arg7[%swap3A_1635, %swap3A_1636] {strides = array<i32>} : memref<288x256xf32, #tpu.memory_space<vmem>>, vector<1x16xf32>,
      %swap3A_1638 = vector.shape_cast %swap3A_1637 : vector<1x16xf32> to vector<16xf32>
      %swap3A_1639 = vector.shape_cast %select_n3A : vector<16xf32> to vector<1x16xf32>
      tpu.vector_store %arg7[%swap3A_1635, %swap3A_1636], %swap3A_1639 {strides = array<i32>} : memref<288x256xf32, #tpu.memory_space<vmem>>, vector<1x16xf32>,
      %add3A_1640 = arith.constant 96 : i32
      %add3A_1641 = vector.broadcast %add3A_1640 : i32 to vector<16xi32>
      %add3A_1642 = arith.addi %iota3A, %add3A_1641 : vector<16xi32>
      %add3A_1643 = arith.constant 96 : i32
      %add3A_1644 = arith.addi %add3A_367, %add3A_1643 : i32
      %get3A_1645 = arith.index_cast %add3A_1644 : i32 to index
      %get3A_1646 = tpu.vector_load %arg6[%get3A_1645] {strides = array<i32>} : memref<6280xf32, #tpu.memory_space<vmem>>, vector<16xf32>,
      %get3A_1647 = vector.shape_cast %get3A_1646 : vector<16xf32> to vector<16xf32>
      %swap3A_1648 = arith.index_cast %add3A_1556 : i32 to index
      %swap3A_1649 = arith.constant 96 : index
      %swap3A_1650 = tpu.vector_load %arg7[%swap3A_1648, %swap3A_1649] {strides = array<i32>} : memref<288x256xf32, #tpu.memory_space<vmem>>, vector<1x16xf32>,
      %swap3A_1651 = vector.shape_cast %swap3A_1650 : vector<1x16xf32> to vector<16xf32>
      %swap3A_1652 = vector.shape_cast %get3A_1647 : vector<16xf32> to vector<1x16xf32>
      tpu.vector_store %arg7[%swap3A_1648, %swap3A_1649], %swap3A_1652 {strides = array<i32>} : memref<288x256xf32, #tpu.memory_space<vmem>>, vector<1x16xf32>,
      %add3A_1653 = arith.constant 112 : i32
      %add3A_1654 = vector.broadcast %add3A_1653 : i32 to vector<16xi32>
      %add3A_1655 = arith.addi %iota3A, %add3A_1654 : vector<16xi32>
      %add3A_1656 = arith.constant 112 : i32
      %add3A_1657 = arith.addi %add3A_367, %add3A_1656 : i32
      %get3A_1658 = arith.index_cast %add3A_1657 : i32 to index
      %get3A_1659 = tpu.vector_load %arg6[%get3A_1658] {strides = array<i32>} : memref<6280xf32, #tpu.memory_space<vmem>>, vector<16xf32>,
      %get3A_1660 = vector.shape_cast %get3A_1659 : vector<16xf32> to vector<16xf32>
      %swap3A_1661 = arith.index_cast %add3A_1556 : i32 to index
      %swap3A_1662 = arith.constant 112 : index
      %swap3A_1663 = tpu.vector_load %arg7[%swap3A_1661, %swap3A_1662] {strides = array<i32>} : memref<288x256xf32, #tpu.memory_space<vmem>>, vector<1x16xf32>,
      %swap3A_1664 = vector.shape_cast %swap3A_1663 : vector<1x16xf32> to vector<16xf32>
      %swap3A_1665 = vector.shape_cast %get3A_1660 : vector<16xf32> to vector<1x16xf32>
      tpu.vector_store %arg7[%swap3A_1661, %swap3A_1662], %swap3A_1665 {strides = array<i32>} : memref<288x256xf32, #tpu.memory_space<vmem>>, vector<1x16xf32>,
      %add3A_1666 = arith.constant 128 : i32
      %add3A_1667 = vector.broadcast %add3A_1666 : i32 to vector<16xi32>
      %add3A_1668 = arith.addi %iota3A, %add3A_1667 : vector<16xi32>
      %add3A_1669 = arith.constant 128 : i32
      %add3A_1670 = arith.addi %add3A_367, %add3A_1669 : i32
      %get3A_1671 = arith.index_cast %add3A_1670 : i32 to index
      %get3A_1672 = tpu.vector_load %arg6[%get3A_1671] {strides = array<i32>} : memref<6280xf32, #tpu.memory_space<vmem>>, vector<16xf32>,
      %get3A_1673 = vector.shape_cast %get3A_1672 : vector<16xf32> to vector<16xf32>
      %swap3A_1674 = arith.index_cast %add3A_1556 : i32 to index
      %swap3A_1675 = arith.constant 128 : index
      %swap3A_1676 = tpu.vector_load %arg7[%swap3A_1674, %swap3A_1675] {strides = array<i32>} : memref<288x256xf32, #tpu.memory_space<vmem>>, vector<1x16xf32>,
      %swap3A_1677 = vector.shape_cast %swap3A_1676 : vector<1x16xf32> to vector<16xf32>
      %swap3A_1678 = vector.shape_cast %get3A_1673 : vector<16xf32> to vector<1x16xf32>
      tpu.vector_store %arg7[%swap3A_1674, %swap3A_1675], %swap3A_1678 {strides = array<i32>} : memref<288x256xf32, #tpu.memory_space<vmem>>, vector<1x16xf32>,
      %add3A_1679 = arith.constant 144 : i32
      %add3A_1680 = vector.broadcast %add3A_1679 : i32 to vector<16xi32>
      %add3A_1681 = arith.addi %iota3A, %add3A_1680 : vector<16xi32>
      %add3A_1682 = arith.constant 144 : i32
      %add3A_1683 = arith.addi %add3A_367, %add3A_1682 : i32
      %get3A_1684 = arith.index_cast %add3A_1683 : i32 to index
      %get3A_1685 = tpu.vector_load %arg6[%get3A_1684] {strides = array<i32>} : memref<6280xf32, #tpu.memory_space<vmem>>, vector<16xf32>,
      %get3A_1686 = vector.shape_cast %get3A_1685 : vector<16xf32> to vector<16xf32>
      %swap3A_1687 = arith.index_cast %add3A_1556 : i32 to index
      %swap3A_1688 = arith.constant 144 : index
      %swap3A_1689 = tpu.vector_load %arg7[%swap3A_1687, %swap3A_1688] {strides = array<i32>} : memref<288x256xf32, #tpu.memory_space<vmem>>, vector<1x16xf32>,
      %swap3A_1690 = vector.shape_cast %swap3A_1689 : vector<1x16xf32> to vector<16xf32>
      %swap3A_1691 = vector.shape_cast %get3A_1686 : vector<16xf32> to vector<1x16xf32>
      tpu.vector_store %arg7[%swap3A_1687, %swap3A_1688], %swap3A_1691 {strides = array<i32>} : memref<288x256xf32, #tpu.memory_space<vmem>>, vector<1x16xf32>,
      %add3A_1692 = arith.constant 160 : i32
      %add3A_1693 = vector.broadcast %add3A_1692 : i32 to vector<16xi32>
      %add3A_1694 = arith.addi %iota3A, %add3A_1693 : vector<16xi32>
      %add3A_1695 = arith.constant 160 : i32
      %add3A_1696 = arith.addi %add3A_367, %add3A_1695 : i32
      %get3A_1697 = arith.index_cast %add3A_1696 : i32 to index
      %get3A_1698 = tpu.vector_load %arg6[%get3A_1697] {strides = array<i32>} : memref<6280xf32, #tpu.memory_space<vmem>>, vector<16xf32>,
      %get3A_1699 = vector.shape_cast %get3A_1698 : vector<16xf32> to vector<16xf32>
      %add3A_1700 = arith.constant 160 : i32
      %add3A_1701 = arith.addi %add3A_371, %add3A_1700 : i32
      %get3A_1702 = arith.index_cast %add3A_1701 : i32 to index
      %get3A_1703 = tpu.vector_load %arg6[%get3A_1702] {strides = array<i32>} : memref<6280xf32, #tpu.memory_space<vmem>>, vector<16xf32>,
      %get3A_1704 = vector.shape_cast %get3A_1703 : vector<16xf32> to vector<16xf32>
      %lt3A_1705 = arith.constant 172 : i32
      %lt3A_1706 = vector.broadcast %lt3A_1705 : i32 to vector<16xi32>
      %lt3A_1707 = arith.cmpi slt, %add3A_1694, %lt3A_1706 : vector<16xi32>
      %select_n3A_1708 = arith.select %lt3A_1707, %get3A_1699, %get3A_1704 : vector<16xi1>, vector<16xf32>
      %swap3A_1709 = arith.index_cast %add3A_1556 : i32 to index
      %swap3A_1710 = arith.constant 160 : index
      %swap3A_1711 = tpu.vector_load %arg7[%swap3A_1709, %swap3A_1710] {strides = array<i32>} : memref<288x256xf32, #tpu.memory_space<vmem>>, vector<1x16xf32>,
      %swap3A_1712 = vector.shape_cast %swap3A_1711 : vector<1x16xf32> to vector<16xf32>
      %swap3A_1713 = vector.shape_cast %select_n3A_1708 : vector<16xf32> to vector<1x16xf32>
      tpu.vector_store %arg7[%swap3A_1709, %swap3A_1710], %swap3A_1713 {strides = array<i32>} : memref<288x256xf32, #tpu.memory_space<vmem>>, vector<1x16xf32>,
      %add3A_1714 = arith.constant 176 : i32
      %add3A_1715 = vector.broadcast %add3A_1714 : i32 to vector<16xi32>
      %add3A_1716 = arith.addi %iota3A, %add3A_1715 : vector<16xi32>
      %add3A_1717 = arith.constant 176 : i32
      %add3A_1718 = arith.addi %add3A_371, %add3A_1717 : i32
      %get3A_1719 = arith.index_cast %add3A_1718 : i32 to index
      %get3A_1720 = tpu.vector_load %arg6[%get3A_1719] {strides = array<i32>} : memref<6280xf32, #tpu.memory_space<vmem>>, vector<16xf32>,
      %get3A_1721 = vector.shape_cast %get3A_1720 : vector<16xf32> to vector<16xf32>
      %swap3A_1722 = arith.index_cast %add3A_1556 : i32 to index
      %swap3A_1723 = arith.constant 176 : index
      %swap3A_1724 = tpu.vector_load %arg7[%swap3A_1722, %swap3A_1723] {strides = array<i32>} : memref<288x256xf32, #tpu.memory_space<vmem>>, vector<1x16xf32>,
      %swap3A_1725 = vector.shape_cast %swap3A_1724 : vector<1x16xf32> to vector<16xf32>
      %swap3A_1726 = vector.shape_cast %get3A_1721 : vector<16xf32> to vector<1x16xf32>
      tpu.vector_store %arg7[%swap3A_1722, %swap3A_1723], %swap3A_1726 {strides = array<i32>} : memref<288x256xf32, #tpu.memory_space<vmem>>, vector<1x16xf32>,
      %add3A_1727 = arith.constant 192 : i32
      %add3A_1728 = vector.broadcast %add3A_1727 : i32 to vector<16xi32>
      %add3A_1729 = arith.addi %iota3A, %add3A_1728 : vector<16xi32>
      %add3A_1730 = arith.constant 192 : i32
      %add3A_1731 = arith.addi %add3A_371, %add3A_1730 : i32
      %get3A_1732 = arith.index_cast %add3A_1731 : i32 to index
      %get3A_1733 = tpu.vector_load %arg6[%get3A_1732] {strides = array<i32>} : memref<6280xf32, #tpu.memory_space<vmem>>, vector<16xf32>,
      %get3A_1734 = vector.shape_cast %get3A_1733 : vector<16xf32> to vector<16xf32>
      %swap3A_1735 = arith.index_cast %add3A_1556 : i32 to index
      %swap3A_1736 = arith.constant 192 : index
      %swap3A_1737 = tpu.vector_load %arg7[%swap3A_1735, %swap3A_1736] {strides = array<i32>} : memref<288x256xf32, #tpu.memory_space<vmem>>, vector<1x16xf32>,
      %swap3A_1738 = vector.shape_cast %swap3A_1737 : vector<1x16xf32> to vector<16xf32>
      %swap3A_1739 = vector.shape_cast %get3A_1734 : vector<16xf32> to vector<1x16xf32>
      tpu.vector_store %arg7[%swap3A_1735, %swap3A_1736], %swap3A_1739 {strides = array<i32>} : memref<288x256xf32, #tpu.memory_space<vmem>>, vector<1x16xf32>,
      %add3A_1740 = arith.constant 208 : i32
      %add3A_1741 = vector.broadcast %add3A_1740 : i32 to vector<16xi32>
      %add3A_1742 = arith.addi %iota3A, %add3A_1741 : vector<16xi32>
      %add3A_1743 = arith.constant 208 : i32
      %add3A_1744 = arith.addi %add3A_371, %add3A_1743 : i32
      %get3A_1745 = arith.index_cast %add3A_1744 : i32 to index
      %get3A_1746 = tpu.vector_load %arg6[%get3A_1745] {strides = array<i32>} : memref<6280xf32, #tpu.memory_space<vmem>>, vector<16xf32>,
      %get3A_1747 = vector.shape_cast %get3A_1746 : vector<16xf32> to vector<16xf32>
      %swap3A_1748 = arith.index_cast %add3A_1556 : i32 to index
      %swap3A_1749 = arith.constant 208 : index
      %swap3A_1750 = tpu.vector_load %arg7[%swap3A_1748, %swap3A_1749] {strides = array<i32>} : memref<288x256xf32, #tpu.memory_space<vmem>>, vector<1x16xf32>,
      %swap3A_1751 = vector.shape_cast %swap3A_1750 : vector<1x16xf32> to vector<16xf32>
      %swap3A_1752 = vector.shape_cast %get3A_1747 : vector<16xf32> to vector<1x16xf32>
      tpu.vector_store %arg7[%swap3A_1748, %swap3A_1749], %swap3A_1752 {strides = array<i32>} : memref<288x256xf32, #tpu.memory_space<vmem>>, vector<1x16xf32>,
      %add3A_1753 = arith.constant 224 : i32
      %add3A_1754 = vector.broadcast %add3A_1753 : i32 to vector<16xi32>
      %add3A_1755 = arith.addi %iota3A, %add3A_1754 : vector<16xi32>
      %add3A_1756 = arith.constant 224 : i32
      %add3A_1757 = arith.addi %add3A_371, %add3A_1756 : i32
      %get3A_1758 = arith.index_cast %add3A_1757 : i32 to index
      %get3A_1759 = tpu.vector_load %arg6[%get3A_1758] {strides = array<i32>} : memref<6280xf32, #tpu.memory_space<vmem>>, vector<16xf32>,
      %get3A_1760 = vector.shape_cast %get3A_1759 : vector<16xf32> to vector<16xf32>
      %swap3A_1761 = arith.index_cast %add3A_1556 : i32 to index
      %swap3A_1762 = arith.constant 224 : index
      %swap3A_1763 = tpu.vector_load %arg7[%swap3A_1761, %swap3A_1762] {strides = array<i32>} : memref<288x256xf32, #tpu.memory_space<vmem>>, vector<1x16xf32>,
      %swap3A_1764 = vector.shape_cast %swap3A_1763 : vector<1x16xf32> to vector<16xf32>
      %swap3A_1765 = vector.shape_cast %get3A_1760 : vector<16xf32> to vector<1x16xf32>
      tpu.vector_store %arg7[%swap3A_1761, %swap3A_1762], %swap3A_1765 {strides = array<i32>} : memref<288x256xf32, #tpu.memory_space<vmem>>, vector<1x16xf32>,
      %add3A_1766 = arith.constant 240 : i32
      %add3A_1767 = vector.broadcast %add3A_1766 : i32 to vector<16xi32>
      %add3A_1768 = arith.addi %iota3A, %add3A_1767 : vector<16xi32>
      %add3A_1769 = arith.constant 240 : i32
      %add3A_1770 = arith.addi %add3A_371, %add3A_1769 : i32
      %get3A_1771 = arith.index_cast %add3A_1770 : i32 to index
      %get3A_1772 = tpu.vector_load %arg6[%get3A_1771] {strides = array<i32>} : memref<6280xf32, #tpu.memory_space<vmem>>, vector<16xf32>,
      %get3A_1773 = vector.shape_cast %get3A_1772 : vector<16xf32> to vector<16xf32>
      %swap3A_1774 = arith.index_cast %add3A_1556 : i32 to index
      %swap3A_1775 = arith.constant 240 : index
      %swap3A_1776 = tpu.vector_load %arg7[%swap3A_1774, %swap3A_1775] {strides = array<i32>} : memref<288x256xf32, #tpu.memory_space<vmem>>, vector<1x16xf32>,
      %swap3A_1777 = vector.shape_cast %swap3A_1776 : vector<1x16xf32> to vector<16xf32>
      %swap3A_1778 = vector.shape_cast %get3A_1773 : vector<16xf32> to vector<1x16xf32>
      tpu.vector_store %arg7[%swap3A_1774, %swap3A_1775], %swap3A_1778 {strides = array<i32>} : memref<288x256xf32, #tpu.memory_space<vmem>>, vector<1x16xf32>,
      %scan3A_1779 = arith.constant 0 : i32
      scf.yield %scan3A_1779 : i32
    }
    %scan3A_378 = arith.constant 32 : i32
    %add3A_379 = arith.constant 96 : i32
    %add3A_380 = arith.addi %mul3A_4, %add3A_379 : i32
    %dma_start3A_381 = arith.constant 0 : i32
    %dma_start3A_382 = arith.constant 96 : i32
    %dma_start3A_383 = arith.constant 0 : i32
    %dma_start3A_384 = tpu.memref_slice %arg7[%dma_start3A_382, %dma_start3A_383] : memref<288x256xf32, #tpu.memory_space<vmem>> -> memref<96x256xf32, #tpu.memory_space<vmem>>
    %dma_start3A_385 = arith.constant 0 : i32
    %dma_start3A_386 = tpu.memref_slice %arg5[%dma_start3A_381, %add3A_380, %dma_start3A_385] : memref<16x9216x256xf32, #tpu.memory_space<hbm>> -> memref<1x96x256xf32, #tpu.memory_space<hbm>>
    %dma_start3A_387 = tpu.memref_squeeze %dma_start3A_386 : memref<1x96x256xf32, #tpu.memory_space<hbm>> -> memref<96x256xf32, #tpu.memory_space<hbm>>
    %dma_start3A_388 = arith.constant 0 : i32
    %dma_start3A_389 = tpu.memref_slice %arg5[%dma_start3A_381, %add3A_380, %dma_start3A_388] : memref<16x9216x256xf32, #tpu.memory_space<hbm>> -> memref<1x96x256xf32, #tpu.memory_space<hbm>>
    %dma_start3A_390 = tpu.memref_squeeze %dma_start3A_389 : memref<1x96x256xf32, #tpu.memory_space<hbm>> -> memref<96x256xf32, #tpu.memory_space<hbm>>
    %dma_start3A_391 = arith.constant 96 : i32
    %dma_start3A_392 = arith.constant 0 : i32
    %dma_start3A_393 = tpu.memref_slice %arg7[%dma_start3A_391, %dma_start3A_392] : memref<288x256xf32, #tpu.memory_space<vmem>> -> memref<96x256xf32, #tpu.memory_space<vmem>>
    tpu.enqueue_dma source(%dma_start3A_393 : memref<96x256xf32, #tpu.memory_space<vmem>>) target(%dma_start3A_390 : memref<96x256xf32, #tpu.memory_space<hbm>>) target_semaphore(%arg8 : memref<!tpu.dma_semaphore, #tpu.memory_space<semaphore_mem>>)
    %add3A_394 = arith.constant 96 : i32
    %add3A_395 = arith.addi %mul3A_4, %add3A_394 : i32
    %dma_start3A_396 = arith.constant 1 : i32
    %dma_start3A_397 = arith.constant 96 : i32
    %dma_start3A_398 = arith.constant 0 : i32
    %dma_start3A_399 = tpu.memref_slice %arg7[%dma_start3A_397, %dma_start3A_398] : memref<288x256xf32, #tpu.memory_space<vmem>> -> memref<96x256xf32, #tpu.memory_space<vmem>>
    %dma_start3A_400 = arith.constant 0 : i32
    %dma_start3A_401 = tpu.memref_slice %arg5[%dma_start3A_396, %add3A_395, %dma_start3A_400] : memref<16x9216x256xf32, #tpu.memory_space<hbm>> -> memref<1x96x256xf32, #tpu.memory_space<hbm>>
    %dma_start3A_402 = tpu.memref_squeeze %dma_start3A_401 : memref<1x96x256xf32, #tpu.memory_space<hbm>> -> memref<96x256xf32, #tpu.memory_space<hbm>>
    %dma_start3A_403 = arith.constant 0 : i32
    %dma_start3A_404 = tpu.memref_slice %arg5[%dma_start3A_396, %add3A_395, %dma_start3A_403] : memref<16x9216x256xf32, #tpu.memory_space<hbm>> -> memref<1x96x256xf32, #tpu.memory_space<hbm>>
    %dma_start3A_405 = tpu.memref_squeeze %dma_start3A_404 : memref<1x96x256xf32, #tpu.memory_space<hbm>> -> memref<96x256xf32, #tpu.memory_space<hbm>>
    %dma_start3A_406 = arith.constant 96 : i32
    %dma_start3A_407 = arith.constant 0 : i32
    %dma_start3A_408 = tpu.memref_slice %arg7[%dma_start3A_406, %dma_start3A_407] : memref<288x256xf32, #tpu.memory_space<vmem>> -> memref<96x256xf32, #tpu.memory_space<vmem>>
    tpu.enqueue_dma source(%dma_start3A_408 : memref<96x256xf32, #tpu.memory_space<vmem>>) target(%dma_start3A_405 : memref<96x256xf32, #tpu.memory_space<hbm>>) target_semaphore(%arg8 : memref<!tpu.dma_semaphore, #tpu.memory_space<semaphore_mem>>)
    %add3A_409 = arith.constant 96 : i32
    %add3A_410 = arith.addi %mul3A_4, %add3A_409 : i32
    %dma_start3A_411 = arith.constant 2 : i32
    %dma_start3A_412 = arith.constant 96 : i32
    %dma_start3A_413 = arith.constant 0 : i32
    %dma_start3A_414 = tpu.memref_slice %arg7[%dma_start3A_412, %dma_start3A_413] : memref<288x256xf32, #tpu.memory_space<vmem>> -> memref<96x256xf32, #tpu.memory_space<vmem>>
    %dma_start3A_415 = arith.constant 0 : i32
    %dma_start3A_416 = tpu.memref_slice %arg5[%dma_start3A_411, %add3A_410, %dma_start3A_415] : memref<16x9216x256xf32, #tpu.memory_space<hbm>> -> memref<1x96x256xf32, #tpu.memory_space<hbm>>
    %dma_start3A_417 = tpu.memref_squeeze %dma_start3A_416 : memref<1x96x256xf32, #tpu.memory_space<hbm>> -> memref<96x256xf32, #tpu.memory_space<hbm>>
    %dma_start3A_418 = arith.constant 0 : i32
    %dma_start3A_419 = tpu.memref_slice %arg5[%dma_start3A_411, %add3A_410, %dma_start3A_418] : memref<16x9216x256xf32, #tpu.memory_space<hbm>> -> memref<1x96x256xf32, #tpu.memory_space<hbm>>
    %dma_start3A_420 = tpu.memref_squeeze %dma_start3A_419 : memref<1x96x256xf32, #tpu.memory_space<hbm>> -> memref<96x256xf32, #tpu.memory_space<hbm>>
    %dma_start3A_421 = arith.constant 96 : i32
    %dma_start3A_422 = arith.constant 0 : i32
    %dma_start3A_423 = tpu.memref_slice %arg7[%dma_start3A_421, %dma_start3A_422] : memref<288x256xf32, #tpu.memory_space<vmem>> -> memref<96x256xf32, #tpu.memory_space<vmem>>
    tpu.enqueue_dma source(%dma_start3A_423 : memref<96x256xf32, #tpu.memory_space<vmem>>) target(%dma_start3A_420 : memref<96x256xf32, #tpu.memory_space<hbm>>) target_semaphore(%arg8 : memref<!tpu.dma_semaphore, #tpu.memory_space<semaphore_mem>>)
    %add3A_424 = arith.constant 96 : i32
    %add3A_425 = arith.addi %mul3A_4, %add3A_424 : i32
    %dma_start3A_426 = arith.constant 3 : i32
    %dma_start3A_427 = arith.constant 96 : i32
    %dma_start3A_428 = arith.constant 0 : i32
    %dma_start3A_429 = tpu.memref_slice %arg7[%dma_start3A_427, %dma_start3A_428] : memref<288x256xf32, #tpu.memory_space<vmem>> -> memref<96x256xf32, #tpu.memory_space<vmem>>
    %dma_start3A_430 = arith.constant 0 : i32
    %dma_start3A_431 = tpu.memref_slice %arg5[%dma_start3A_426, %add3A_425, %dma_start3A_430] : memref<16x9216x256xf32, #tpu.memory_space<hbm>> -> memref<1x96x256xf32, #tpu.memory_space<hbm>>
    %dma_start3A_432 = tpu.memref_squeeze %dma_start3A_431 : memref<1x96x256xf32, #tpu.memory_space<hbm>> -> memref<96x256xf32, #tpu.memory_space<hbm>>
    %dma_start3A_433 = arith.constant 0 : i32
    %dma_start3A_434 = tpu.memref_slice %arg5[%dma_start3A_426, %add3A_425, %dma_start3A_433] : memref<16x9216x256xf32, #tpu.memory_space<hbm>> -> memref<1x96x256xf32, #tpu.memory_space<hbm>>
    %dma_start3A_435 = tpu.memref_squeeze %dma_start3A_434 : memref<1x96x256xf32, #tpu.memory_space<hbm>> -> memref<96x256xf32, #tpu.memory_space<hbm>>
    %dma_start3A_436 = arith.constant 96 : i32
    %dma_start3A_437 = arith.constant 0 : i32
    %dma_start3A_438 = tpu.memref_slice %arg7[%dma_start3A_436, %dma_start3A_437] : memref<288x256xf32, #tpu.memory_space<vmem>> -> memref<96x256xf32, #tpu.memory_space<vmem>>
    tpu.enqueue_dma source(%dma_start3A_438 : memref<96x256xf32, #tpu.memory_space<vmem>>) target(%dma_start3A_435 : memref<96x256xf32, #tpu.memory_space<hbm>>) target_semaphore(%arg8 : memref<!tpu.dma_semaphore, #tpu.memory_space<semaphore_mem>>)
    %add3A_439 = arith.constant 96 : i32
    %add3A_440 = arith.addi %mul3A_4, %add3A_439 : i32
    %dma_start3A_441 = arith.constant 4 : i32
    %dma_start3A_442 = arith.constant 96 : i32
    %dma_start3A_443 = arith.constant 0 : i32
    %dma_start3A_444 = tpu.memref_slice %arg7[%dma_start3A_442, %dma_start3A_443] : memref<288x256xf32, #tpu.memory_space<vmem>> -> memref<96x256xf32, #tpu.memory_space<vmem>>
    %dma_start3A_445 = arith.constant 0 : i32
    %dma_start3A_446 = tpu.memref_slice %arg5[%dma_start3A_441, %add3A_440, %dma_start3A_445] : memref<16x9216x256xf32, #tpu.memory_space<hbm>> -> memref<1x96x256xf32, #tpu.memory_space<hbm>>
    %dma_start3A_447 = tpu.memref_squeeze %dma_start3A_446 : memref<1x96x256xf32, #tpu.memory_space<hbm>> -> memref<96x256xf32, #tpu.memory_space<hbm>>
    %dma_start3A_448 = arith.constant 0 : i32
    %dma_start3A_449 = tpu.memref_slice %arg5[%dma_start3A_441, %add3A_440, %dma_start3A_448] : memref<16x9216x256xf32, #tpu.memory_space<hbm>> -> memref<1x96x256xf32, #tpu.memory_space<hbm>>
    %dma_start3A_450 = tpu.memref_squeeze %dma_start3A_449 : memref<1x96x256xf32, #tpu.memory_space<hbm>> -> memref<96x256xf32, #tpu.memory_space<hbm>>
    %dma_start3A_451 = arith.constant 96 : i32
    %dma_start3A_452 = arith.constant 0 : i32
    %dma_start3A_453 = tpu.memref_slice %arg7[%dma_start3A_451, %dma_start3A_452] : memref<288x256xf32, #tpu.memory_space<vmem>> -> memref<96x256xf32, #tpu.memory_space<vmem>>
    tpu.enqueue_dma source(%dma_start3A_453 : memref<96x256xf32, #tpu.memory_space<vmem>>) target(%dma_start3A_450 : memref<96x256xf32, #tpu.memory_space<hbm>>) target_semaphore(%arg8 : memref<!tpu.dma_semaphore, #tpu.memory_space<semaphore_mem>>)
    %add3A_454 = arith.constant 96 : i32
    %add3A_455 = arith.addi %mul3A_4, %add3A_454 : i32
    %dma_start3A_456 = arith.constant 5 : i32
    %dma_start3A_457 = arith.constant 96 : i32
    %dma_start3A_458 = arith.constant 0 : i32
    %dma_start3A_459 = tpu.memref_slice %arg7[%dma_start3A_457, %dma_start3A_458] : memref<288x256xf32, #tpu.memory_space<vmem>> -> memref<96x256xf32, #tpu.memory_space<vmem>>
    %dma_start3A_460 = arith.constant 0 : i32
    %dma_start3A_461 = tpu.memref_slice %arg5[%dma_start3A_456, %add3A_455, %dma_start3A_460] : memref<16x9216x256xf32, #tpu.memory_space<hbm>> -> memref<1x96x256xf32, #tpu.memory_space<hbm>>
    %dma_start3A_462 = tpu.memref_squeeze %dma_start3A_461 : memref<1x96x256xf32, #tpu.memory_space<hbm>> -> memref<96x256xf32, #tpu.memory_space<hbm>>
    %dma_start3A_463 = arith.constant 0 : i32
    %dma_start3A_464 = tpu.memref_slice %arg5[%dma_start3A_456, %add3A_455, %dma_start3A_463] : memref<16x9216x256xf32, #tpu.memory_space<hbm>> -> memref<1x96x256xf32, #tpu.memory_space<hbm>>
    %dma_start3A_465 = tpu.memref_squeeze %dma_start3A_464 : memref<1x96x256xf32, #tpu.memory_space<hbm>> -> memref<96x256xf32, #tpu.memory_space<hbm>>
    %dma_start3A_466 = arith.constant 96 : i32
    %dma_start3A_467 = arith.constant 0 : i32
    %dma_start3A_468 = tpu.memref_slice %arg7[%dma_start3A_466, %dma_start3A_467] : memref<288x256xf32, #tpu.memory_space<vmem>> -> memref<96x256xf32, #tpu.memory_space<vmem>>
    tpu.enqueue_dma source(%dma_start3A_468 : memref<96x256xf32, #tpu.memory_space<vmem>>) target(%dma_start3A_465 : memref<96x256xf32, #tpu.memory_space<hbm>>) target_semaphore(%arg8 : memref<!tpu.dma_semaphore, #tpu.memory_space<semaphore_mem>>)
    %add3A_469 = arith.constant 96 : i32
    %add3A_470 = arith.addi %mul3A_4, %add3A_469 : i32
    %dma_start3A_471 = arith.constant 6 : i32
    %dma_start3A_472 = arith.constant 96 : i32
    %dma_start3A_473 = arith.constant 0 : i32
    %dma_start3A_474 = tpu.memref_slice %arg7[%dma_start3A_472, %dma_start3A_473] : memref<288x256xf32, #tpu.memory_space<vmem>> -> memref<96x256xf32, #tpu.memory_space<vmem>>
    %dma_start3A_475 = arith.constant 0 : i32
    %dma_start3A_476 = tpu.memref_slice %arg5[%dma_start3A_471, %add3A_470, %dma_start3A_475] : memref<16x9216x256xf32, #tpu.memory_space<hbm>> -> memref<1x96x256xf32, #tpu.memory_space<hbm>>
    %dma_start3A_477 = tpu.memref_squeeze %dma_start3A_476 : memref<1x96x256xf32, #tpu.memory_space<hbm>> -> memref<96x256xf32, #tpu.memory_space<hbm>>
    %dma_start3A_478 = arith.constant 0 : i32
    %dma_start3A_479 = tpu.memref_slice %arg5[%dma_start3A_471, %add3A_470, %dma_start3A_478] : memref<16x9216x256xf32, #tpu.memory_space<hbm>> -> memref<1x96x256xf32, #tpu.memory_space<hbm>>
    %dma_start3A_480 = tpu.memref_squeeze %dma_start3A_479 : memref<1x96x256xf32, #tpu.memory_space<hbm>> -> memref<96x256xf32, #tpu.memory_space<hbm>>
    %dma_start3A_481 = arith.constant 96 : i32
    %dma_start3A_482 = arith.constant 0 : i32
    %dma_start3A_483 = tpu.memref_slice %arg7[%dma_start3A_481, %dma_start3A_482] : memref<288x256xf32, #tpu.memory_space<vmem>> -> memref<96x256xf32, #tpu.memory_space<vmem>>
    tpu.enqueue_dma source(%dma_start3A_483 : memref<96x256xf32, #tpu.memory_space<vmem>>) target(%dma_start3A_480 : memref<96x256xf32, #tpu.memory_space<hbm>>) target_semaphore(%arg8 : memref<!tpu.dma_semaphore, #tpu.memory_space<semaphore_mem>>)
    %add3A_484 = arith.constant 96 : i32
    %add3A_485 = arith.addi %mul3A_4, %add3A_484 : i32
    %dma_start3A_486 = arith.constant 7 : i32
    %dma_start3A_487 = arith.constant 96 : i32
    %dma_start3A_488 = arith.constant 0 : i32
    %dma_start3A_489 = tpu.memref_slice %arg7[%dma_start3A_487, %dma_start3A_488] : memref<288x256xf32, #tpu.memory_space<vmem>> -> memref<96x256xf32, #tpu.memory_space<vmem>>
    %dma_start3A_490 = arith.constant 0 : i32
    %dma_start3A_491 = tpu.memref_slice %arg5[%dma_start3A_486, %add3A_485, %dma_start3A_490] : memref<16x9216x256xf32, #tpu.memory_space<hbm>> -> memref<1x96x256xf32, #tpu.memory_space<hbm>>
    %dma_start3A_492 = tpu.memref_squeeze %dma_start3A_491 : memref<1x96x256xf32, #tpu.memory_space<hbm>> -> memref<96x256xf32, #tpu.memory_space<hbm>>
    %dma_start3A_493 = arith.constant 0 : i32
    %dma_start3A_494 = tpu.memref_slice %arg5[%dma_start3A_486, %add3A_485, %dma_start3A_493] : memref<16x9216x256xf32, #tpu.memory_space<hbm>> -> memref<1x96x256xf32, #tpu.memory_space<hbm>>
    %dma_start3A_495 = tpu.memref_squeeze %dma_start3A_494 : memref<1x96x256xf32, #tpu.memory_space<hbm>> -> memref<96x256xf32, #tpu.memory_space<hbm>>
    %dma_start3A_496 = arith.constant 96 : i32
    %dma_start3A_497 = arith.constant 0 : i32
    %dma_start3A_498 = tpu.memref_slice %arg7[%dma_start3A_496, %dma_start3A_497] : memref<288x256xf32, #tpu.memory_space<vmem>> -> memref<96x256xf32, #tpu.memory_space<vmem>>
    tpu.enqueue_dma source(%dma_start3A_498 : memref<96x256xf32, #tpu.memory_space<vmem>>) target(%dma_start3A_495 : memref<96x256xf32, #tpu.memory_space<hbm>>) target_semaphore(%arg8 : memref<!tpu.dma_semaphore, #tpu.memory_space<semaphore_mem>>)
    %add3A_499 = arith.constant 96 : i32
    %add3A_500 = arith.addi %mul3A_4, %add3A_499 : i32
    %dma_start3A_501 = arith.constant 8 : i32
    %dma_start3A_502 = arith.constant 96 : i32
    %dma_start3A_503 = arith.constant 0 : i32
    %dma_start3A_504 = tpu.memref_slice %arg7[%dma_start3A_502, %dma_start3A_503] : memref<288x256xf32, #tpu.memory_space<vmem>> -> memref<96x256xf32, #tpu.memory_space<vmem>>
    %dma_start3A_505 = arith.constant 0 : i32
    %dma_start3A_506 = tpu.memref_slice %arg5[%dma_start3A_501, %add3A_500, %dma_start3A_505] : memref<16x9216x256xf32, #tpu.memory_space<hbm>> -> memref<1x96x256xf32, #tpu.memory_space<hbm>>
    %dma_start3A_507 = tpu.memref_squeeze %dma_start3A_506 : memref<1x96x256xf32, #tpu.memory_space<hbm>> -> memref<96x256xf32, #tpu.memory_space<hbm>>
    %dma_start3A_508 = arith.constant 0 : i32
    %dma_start3A_509 = tpu.memref_slice %arg5[%dma_start3A_501, %add3A_500, %dma_start3A_508] : memref<16x9216x256xf32, #tpu.memory_space<hbm>> -> memref<1x96x256xf32, #tpu.memory_space<hbm>>
    %dma_start3A_510 = tpu.memref_squeeze %dma_start3A_509 : memref<1x96x256xf32, #tpu.memory_space<hbm>> -> memref<96x256xf32, #tpu.memory_space<hbm>>
    %dma_start3A_511 = arith.constant 96 : i32
    %dma_start3A_512 = arith.constant 0 : i32
    %dma_start3A_513 = tpu.memref_slice %arg7[%dma_start3A_511, %dma_start3A_512] : memref<288x256xf32, #tpu.memory_space<vmem>> -> memref<96x256xf32, #tpu.memory_space<vmem>>
    tpu.enqueue_dma source(%dma_start3A_513 : memref<96x256xf32, #tpu.memory_space<vmem>>) target(%dma_start3A_510 : memref<96x256xf32, #tpu.memory_space<hbm>>) target_semaphore(%arg8 : memref<!tpu.dma_semaphore, #tpu.memory_space<semaphore_mem>>)
    %add3A_514 = arith.constant 96 : i32
    %add3A_515 = arith.addi %mul3A_4, %add3A_514 : i32
    %dma_start3A_516 = arith.constant 9 : i32
    %dma_start3A_517 = arith.constant 96 : i32
    %dma_start3A_518 = arith.constant 0 : i32
    %dma_start3A_519 = tpu.memref_slice %arg7[%dma_start3A_517, %dma_start3A_518] : memref<288x256xf32, #tpu.memory_space<vmem>> -> memref<96x256xf32, #tpu.memory_space<vmem>>
    %dma_start3A_520 = arith.constant 0 : i32
    %dma_start3A_521 = tpu.memref_slice %arg5[%dma_start3A_516, %add3A_515, %dma_start3A_520] : memref<16x9216x256xf32, #tpu.memory_space<hbm>> -> memref<1x96x256xf32, #tpu.memory_space<hbm>>
    %dma_start3A_522 = tpu.memref_squeeze %dma_start3A_521 : memref<1x96x256xf32, #tpu.memory_space<hbm>> -> memref<96x256xf32, #tpu.memory_space<hbm>>
    %dma_start3A_523 = arith.constant 0 : i32
    %dma_start3A_524 = tpu.memref_slice %arg5[%dma_start3A_516, %add3A_515, %dma_start3A_523] : memref<16x9216x256xf32, #tpu.memory_space<hbm>> -> memref<1x96x256xf32, #tpu.memory_space<hbm>>
    %dma_start3A_525 = tpu.memref_squeeze %dma_start3A_524 : memref<1x96x256xf32, #tpu.memory_space<hbm>> -> memref<96x256xf32, #tpu.memory_space<hbm>>
    %dma_start3A_526 = arith.constant 96 : i32
    %dma_start3A_527 = arith.constant 0 : i32
    %dma_start3A_528 = tpu.memref_slice %arg7[%dma_start3A_526, %dma_start3A_527] : memref<288x256xf32, #tpu.memory_space<vmem>> -> memref<96x256xf32, #tpu.memory_space<vmem>>
    tpu.enqueue_dma source(%dma_start3A_528 : memref<96x256xf32, #tpu.memory_space<vmem>>) target(%dma_start3A_525 : memref<96x256xf32, #tpu.memory_space<hbm>>) target_semaphore(%arg8 : memref<!tpu.dma_semaphore, #tpu.memory_space<semaphore_mem>>)
    %add3A_529 = arith.constant 96 : i32
    %add3A_530 = arith.addi %mul3A_4, %add3A_529 : i32
    %dma_start3A_531 = arith.constant 10 : i32
    %dma_start3A_532 = arith.constant 96 : i32
    %dma_start3A_533 = arith.constant 0 : i32
    %dma_start3A_534 = tpu.memref_slice %arg7[%dma_start3A_532, %dma_start3A_533] : memref<288x256xf32, #tpu.memory_space<vmem>> -> memref<96x256xf32, #tpu.memory_space<vmem>>
    %dma_start3A_535 = arith.constant 0 : i32
    %dma_start3A_536 = tpu.memref_slice %arg5[%dma_start3A_531, %add3A_530, %dma_start3A_535] : memref<16x9216x256xf32, #tpu.memory_space<hbm>> -> memref<1x96x256xf32, #tpu.memory_space<hbm>>
    %dma_start3A_537 = tpu.memref_squeeze %dma_start3A_536 : memref<1x96x256xf32, #tpu.memory_space<hbm>> -> memref<96x256xf32, #tpu.memory_space<hbm>>
    %dma_start3A_538 = arith.constant 0 : i32
    %dma_start3A_539 = tpu.memref_slice %arg5[%dma_start3A_531, %add3A_530, %dma_start3A_538] : memref<16x9216x256xf32, #tpu.memory_space<hbm>> -> memref<1x96x256xf32, #tpu.memory_space<hbm>>
    %dma_start3A_540 = tpu.memref_squeeze %dma_start3A_539 : memref<1x96x256xf32, #tpu.memory_space<hbm>> -> memref<96x256xf32, #tpu.memory_space<hbm>>
    %dma_start3A_541 = arith.constant 96 : i32
    %dma_start3A_542 = arith.constant 0 : i32
    %dma_start3A_543 = tpu.memref_slice %arg7[%dma_start3A_541, %dma_start3A_542] : memref<288x256xf32, #tpu.memory_space<vmem>> -> memref<96x256xf32, #tpu.memory_space<vmem>>
    tpu.enqueue_dma source(%dma_start3A_543 : memref<96x256xf32, #tpu.memory_space<vmem>>) target(%dma_start3A_540 : memref<96x256xf32, #tpu.memory_space<hbm>>) target_semaphore(%arg8 : memref<!tpu.dma_semaphore, #tpu.memory_space<semaphore_mem>>)
    %add3A_544 = arith.constant 96 : i32
    %add3A_545 = arith.addi %mul3A_4, %add3A_544 : i32
    %dma_start3A_546 = arith.constant 11 : i32
    %dma_start3A_547 = arith.constant 96 : i32
    %dma_start3A_548 = arith.constant 0 : i32
    %dma_start3A_549 = tpu.memref_slice %arg7[%dma_start3A_547, %dma_start3A_548] : memref<288x256xf32, #tpu.memory_space<vmem>> -> memref<96x256xf32, #tpu.memory_space<vmem>>
    %dma_start3A_550 = arith.constant 0 : i32
    %dma_start3A_551 = tpu.memref_slice %arg5[%dma_start3A_546, %add3A_545, %dma_start3A_550] : memref<16x9216x256xf32, #tpu.memory_space<hbm>> -> memref<1x96x256xf32, #tpu.memory_space<hbm>>
    %dma_start3A_552 = tpu.memref_squeeze %dma_start3A_551 : memref<1x96x256xf32, #tpu.memory_space<hbm>> -> memref<96x256xf32, #tpu.memory_space<hbm>>
    %dma_start3A_553 = arith.constant 0 : i32
    %dma_start3A_554 = tpu.memref_slice %arg5[%dma_start3A_546, %add3A_545, %dma_start3A_553] : memref<16x9216x256xf32, #tpu.memory_space<hbm>> -> memref<1x96x256xf32, #tpu.memory_space<hbm>>
    %dma_start3A_555 = tpu.memref_squeeze %dma_start3A_554 : memref<1x96x256xf32, #tpu.memory_space<hbm>> -> memref<96x256xf32, #tpu.memory_space<hbm>>
    %dma_start3A_556 = arith.constant 96 : i32
    %dma_start3A_557 = arith.constant 0 : i32
    %dma_start3A_558 = tpu.memref_slice %arg7[%dma_start3A_556, %dma_start3A_557] : memref<288x256xf32, #tpu.memory_space<vmem>> -> memref<96x256xf32, #tpu.memory_space<vmem>>
    tpu.enqueue_dma source(%dma_start3A_558 : memref<96x256xf32, #tpu.memory_space<vmem>>) target(%dma_start3A_555 : memref<96x256xf32, #tpu.memory_space<hbm>>) target_semaphore(%arg8 : memref<!tpu.dma_semaphore, #tpu.memory_space<semaphore_mem>>)
    %add3A_559 = arith.constant 96 : i32
    %add3A_560 = arith.addi %mul3A_4, %add3A_559 : i32
    %dma_start3A_561 = arith.constant 12 : i32
    %dma_start3A_562 = arith.constant 96 : i32
    %dma_start3A_563 = arith.constant 0 : i32
    %dma_start3A_564 = tpu.memref_slice %arg7[%dma_start3A_562, %dma_start3A_563] : memref<288x256xf32, #tpu.memory_space<vmem>> -> memref<96x256xf32, #tpu.memory_space<vmem>>
    %dma_start3A_565 = arith.constant 0 : i32
    %dma_start3A_566 = tpu.memref_slice %arg5[%dma_start3A_561, %add3A_560, %dma_start3A_565] : memref<16x9216x256xf32, #tpu.memory_space<hbm>> -> memref<1x96x256xf32, #tpu.memory_space<hbm>>
    %dma_start3A_567 = tpu.memref_squeeze %dma_start3A_566 : memref<1x96x256xf32, #tpu.memory_space<hbm>> -> memref<96x256xf32, #tpu.memory_space<hbm>>
    %dma_start3A_568 = arith.constant 0 : i32
    %dma_start3A_569 = tpu.memref_slice %arg5[%dma_start3A_561, %add3A_560, %dma_start3A_568] : memref<16x9216x256xf32, #tpu.memory_space<hbm>> -> memref<1x96x256xf32, #tpu.memory_space<hbm>>
    %dma_start3A_570 = tpu.memref_squeeze %dma_start3A_569 : memref<1x96x256xf32, #tpu.memory_space<hbm>> -> memref<96x256xf32, #tpu.memory_space<hbm>>
    %dma_start3A_571 = arith.constant 96 : i32
    %dma_start3A_572 = arith.constant 0 : i32
    %dma_start3A_573 = tpu.memref_slice %arg7[%dma_start3A_571, %dma_start3A_572] : memref<288x256xf32, #tpu.memory_space<vmem>> -> memref<96x256xf32, #tpu.memory_space<vmem>>
    tpu.enqueue_dma source(%dma_start3A_573 : memref<96x256xf32, #tpu.memory_space<vmem>>) target(%dma_start3A_570 : memref<96x256xf32, #tpu.memory_space<hbm>>) target_semaphore(%arg8 : memref<!tpu.dma_semaphore, #tpu.memory_space<semaphore_mem>>)
    %add3A_574 = arith.constant 96 : i32
    %add3A_575 = arith.addi %mul3A_4, %add3A_574 : i32
    %dma_start3A_576 = arith.constant 13 : i32
    %dma_start3A_577 = arith.constant 96 : i32
    %dma_start3A_578 = arith.constant 0 : i32
    %dma_start3A_579 = tpu.memref_slice %arg7[%dma_start3A_577, %dma_start3A_578] : memref<288x256xf32, #tpu.memory_space<vmem>> -> memref<96x256xf32, #tpu.memory_space<vmem>>
    %dma_start3A_580 = arith.constant 0 : i32
    %dma_start3A_581 = tpu.memref_slice %arg5[%dma_start3A_576, %add3A_575, %dma_start3A_580] : memref<16x9216x256xf32, #tpu.memory_space<hbm>> -> memref<1x96x256xf32, #tpu.memory_space<hbm>>
    %dma_start3A_582 = tpu.memref_squeeze %dma_start3A_581 : memref<1x96x256xf32, #tpu.memory_space<hbm>> -> memref<96x256xf32, #tpu.memory_space<hbm>>
    %dma_start3A_583 = arith.constant 0 : i32
    %dma_start3A_584 = tpu.memref_slice %arg5[%dma_start3A_576, %add3A_575, %dma_start3A_583] : memref<16x9216x256xf32, #tpu.memory_space<hbm>> -> memref<1x96x256xf32, #tpu.memory_space<hbm>>
    %dma_start3A_585 = tpu.memref_squeeze %dma_start3A_584 : memref<1x96x256xf32, #tpu.memory_space<hbm>> -> memref<96x256xf32, #tpu.memory_space<hbm>>
    %dma_start3A_586 = arith.constant 96 : i32
    %dma_start3A_587 = arith.constant 0 : i32
    %dma_start3A_588 = tpu.memref_slice %arg7[%dma_start3A_586, %dma_start3A_587] : memref<288x256xf32, #tpu.memory_space<vmem>> -> memref<96x256xf32, #tpu.memory_space<vmem>>
    tpu.enqueue_dma source(%dma_start3A_588 : memref<96x256xf32, #tpu.memory_space<vmem>>) target(%dma_start3A_585 : memref<96x256xf32, #tpu.memory_space<hbm>>) target_semaphore(%arg8 : memref<!tpu.dma_semaphore, #tpu.memory_space<semaphore_mem>>)
    %add3A_589 = arith.constant 96 : i32
    %add3A_590 = arith.addi %mul3A_4, %add3A_589 : i32
    %dma_start3A_591 = arith.constant 14 : i32
    %dma_start3A_592 = arith.constant 96 : i32
    %dma_start3A_593 = arith.constant 0 : i32
    %dma_start3A_594 = tpu.memref_slice %arg7[%dma_start3A_592, %dma_start3A_593] : memref<288x256xf32, #tpu.memory_space<vmem>> -> memref<96x256xf32, #tpu.memory_space<vmem>>
    %dma_start3A_595 = arith.constant 0 : i32
    %dma_start3A_596 = tpu.memref_slice %arg5[%dma_start3A_591, %add3A_590, %dma_start3A_595] : memref<16x9216x256xf32, #tpu.memory_space<hbm>> -> memref<1x96x256xf32, #tpu.memory_space<hbm>>
    %dma_start3A_597 = tpu.memref_squeeze %dma_start3A_596 : memref<1x96x256xf32, #tpu.memory_space<hbm>> -> memref<96x256xf32, #tpu.memory_space<hbm>>
    %dma_start3A_598 = arith.constant 0 : i32
    %dma_start3A_599 = tpu.memref_slice %arg5[%dma_start3A_591, %add3A_590, %dma_start3A_598] : memref<16x9216x256xf32, #tpu.memory_space<hbm>> -> memref<1x96x256xf32, #tpu.memory_space<hbm>>
    %dma_start3A_600 = tpu.memref_squeeze %dma_start3A_599 : memref<1x96x256xf32, #tpu.memory_space<hbm>> -> memref<96x256xf32, #tpu.memory_space<hbm>>
    %dma_start3A_601 = arith.constant 96 : i32
    %dma_start3A_602 = arith.constant 0 : i32
    %dma_start3A_603 = tpu.memref_slice %arg7[%dma_start3A_601, %dma_start3A_602] : memref<288x256xf32, #tpu.memory_space<vmem>> -> memref<96x256xf32, #tpu.memory_space<vmem>>
    tpu.enqueue_dma source(%dma_start3A_603 : memref<96x256xf32, #tpu.memory_space<vmem>>) target(%dma_start3A_600 : memref<96x256xf32, #tpu.memory_space<hbm>>) target_semaphore(%arg8 : memref<!tpu.dma_semaphore, #tpu.memory_space<semaphore_mem>>)
    %add3A_604 = arith.constant 96 : i32
    %add3A_605 = arith.addi %mul3A_4, %add3A_604 : i32
    %dma_start3A_606 = arith.constant 15 : i32
    %dma_start3A_607 = arith.constant 96 : i32
    %dma_start3A_608 = arith.constant 0 : i32
    %dma_start3A_609 = tpu.memref_slice %arg7[%dma_start3A_607, %dma_start3A_608] : memref<288x256xf32, #tpu.memory_space<vmem>> -> memref<96x256xf32, #tpu.memory_space<vmem>>
    %dma_start3A_610 = arith.constant 0 : i32
    %dma_start3A_611 = tpu.memref_slice %arg5[%dma_start3A_606, %add3A_605, %dma_start3A_610] : memref<16x9216x256xf32, #tpu.memory_space<hbm>> -> memref<1x96x256xf32, #tpu.memory_space<hbm>>
    %dma_start3A_612 = tpu.memref_squeeze %dma_start3A_611 : memref<1x96x256xf32, #tpu.memory_space<hbm>> -> memref<96x256xf32, #tpu.memory_space<hbm>>
    %dma_start3A_613 = arith.constant 0 : i32
    %dma_start3A_614 = tpu.memref_slice %arg5[%dma_start3A_606, %add3A_605, %dma_start3A_613] : memref<16x9216x256xf32, #tpu.memory_space<hbm>> -> memref<1x96x256xf32, #tpu.memory_space<hbm>>
    %dma_start3A_615 = tpu.memref_squeeze %dma_start3A_614 : memref<1x96x256xf32, #tpu.memory_space<hbm>> -> memref<96x256xf32, #tpu.memory_space<hbm>>
    %dma_start3A_616 = arith.constant 96 : i32
    %dma_start3A_617 = arith.constant 0 : i32
    %dma_start3A_618 = tpu.memref_slice %arg7[%dma_start3A_616, %dma_start3A_617] : memref<288x256xf32, #tpu.memory_space<vmem>> -> memref<96x256xf32, #tpu.memory_space<vmem>>
    tpu.enqueue_dma source(%dma_start3A_618 : memref<96x256xf32, #tpu.memory_space<vmem>>) target(%dma_start3A_615 : memref<96x256xf32, #tpu.memory_space<hbm>>) target_semaphore(%arg8 : memref<!tpu.dma_semaphore, #tpu.memory_space<semaphore_mem>>)
    %dma_wait3A = arith.constant 0 : i32
    %dma_wait3A_619 = arith.constant 0 : i32
    %dma_wait3A_620 = arith.constant 0 : i32
    %dma_wait3A_621 = tpu.memref_slice %arg7[%dma_wait3A_619, %dma_wait3A_620] : memref<288x256xf32, #tpu.memory_space<vmem>> -> memref<96x256xf32, #tpu.memory_space<vmem>>
    %dma_wait3A_622 = arith.constant 0 : i32
    %dma_wait3A_623 = tpu.memref_slice %arg5[%dma_wait3A, %add3A_72, %dma_wait3A_622] : memref<16x9216x256xf32, #tpu.memory_space<hbm>> -> memref<1x96x256xf32, #tpu.memory_space<hbm>>
    %dma_wait3A_624 = tpu.memref_squeeze %dma_wait3A_623 : memref<1x96x256xf32, #tpu.memory_space<hbm>> -> memref<96x256xf32, #tpu.memory_space<hbm>>
    %dma_wait3A_625 = arith.constant 0 : i32
    %dma_wait3A_626 = tpu.memref_slice %arg5[%dma_wait3A, %add3A_72, %dma_wait3A_625] : memref<16x9216x256xf32, #tpu.memory_space<hbm>> -> memref<1x96x256xf32, #tpu.memory_space<hbm>>
    %dma_wait3A_627 = tpu.memref_squeeze %dma_wait3A_626 : memref<1x96x256xf32, #tpu.memory_space<hbm>> -> memref<96x256xf32, #tpu.memory_space<hbm>>
    %dma_wait3A_628 = arith.constant 0 : i32
    %dma_wait3A_629 = arith.constant 0 : i32
    %dma_wait3A_630 = tpu.memref_slice %arg7[%dma_wait3A_628, %dma_wait3A_629] : memref<288x256xf32, #tpu.memory_space<vmem>> -> memref<96x256xf32, #tpu.memory_space<vmem>>
    tpu.wait_dma2 semaphore(%arg8 : memref<!tpu.dma_semaphore, #tpu.memory_space<semaphore_mem>>) src(%dma_wait3A_630 : memref<96x256xf32, #tpu.memory_space<vmem>>) dst(%dma_wait3A_627 : memref<96x256xf32, #tpu.memory_space<hbm>>)
    %dma_wait3A_631 = arith.constant 1 : i32
    %dma_wait3A_632 = arith.constant 0 : i32
    %dma_wait3A_633 = arith.constant 0 : i32
    %dma_wait3A_634 = tpu.memref_slice %arg7[%dma_wait3A_632, %dma_wait3A_633] : memref<288x256xf32, #tpu.memory_space<vmem>> -> memref<96x256xf32, #tpu.memory_space<vmem>>
    %dma_wait3A_635 = arith.constant 0 : i32
    %dma_wait3A_636 = tpu.memref_slice %arg5[%dma_wait3A_631, %add3A_86, %dma_wait3A_635] : memref<16x9216x256xf32, #tpu.memory_space<hbm>> -> memref<1x96x256xf32, #tpu.memory_space<hbm>>
    %dma_wait3A_637 = tpu.memref_squeeze %dma_wait3A_636 : memref<1x96x256xf32, #tpu.memory_space<hbm>> -> memref<96x256xf32, #tpu.memory_space<hbm>>
    %dma_wait3A_638 = arith.constant 0 : i32
    %dma_wait3A_639 = tpu.memref_slice %arg5[%dma_wait3A_631, %add3A_86, %dma_wait3A_638] : memref<16x9216x256xf32, #tpu.memory_space<hbm>> -> memref<1x96x256xf32, #tpu.memory_space<hbm>>
    %dma_wait3A_640 = tpu.memref_squeeze %dma_wait3A_639 : memref<1x96x256xf32, #tpu.memory_space<hbm>> -> memref<96x256xf32, #tpu.memory_space<hbm>>
    %dma_wait3A_641 = arith.constant 0 : i32
    %dma_wait3A_642 = arith.constant 0 : i32
    %dma_wait3A_643 = tpu.memref_slice %arg7[%dma_wait3A_641, %dma_wait3A_642] : memref<288x256xf32, #tpu.memory_space<vmem>> -> memref<96x256xf32, #tpu.memory_space<vmem>>
    tpu.wait_dma2 semaphore(%arg8 : memref<!tpu.dma_semaphore, #tpu.memory_space<semaphore_mem>>) src(%dma_wait3A_643 : memref<96x256xf32, #tpu.memory_space<vmem>>) dst(%dma_wait3A_640 : memref<96x256xf32, #tpu.memory_space<hbm>>)
    %dma_wait3A_644 = arith.constant 2 : i32
    %dma_wait3A_645 = arith.constant 0 : i32
    %dma_wait3A_646 = arith.constant 0 : i32
    %dma_wait3A_647 = tpu.memref_slice %arg7[%dma_wait3A_645, %dma_wait3A_646] : memref<288x256xf32, #tpu.memory_space<vmem>> -> memref<96x256xf32, #tpu.memory_space<vmem>>
    %dma_wait3A_648 = arith.constant 0 : i32
    %dma_wait3A_649 = tpu.memref_slice %arg5[%dma_wait3A_644, %add3A_101, %dma_wait3A_648] : memref<16x9216x256xf32, #tpu.memory_space<hbm>> -> memref<1x96x256xf32, #tpu.memory_space<hbm>>
    %dma_wait3A_650 = tpu.memref_squeeze %dma_wait3A_649 : memref<1x96x256xf32, #tpu.memory_space<hbm>> -> memref<96x256xf32, #tpu.memory_space<hbm>>
    %dma_wait3A_651 = arith.constant 0 : i32
    %dma_wait3A_652 = tpu.memref_slice %arg5[%dma_wait3A_644, %add3A_101, %dma_wait3A_651] : memref<16x9216x256xf32, #tpu.memory_space<hbm>> -> memref<1x96x256xf32, #tpu.memory_space<hbm>>
    %dma_wait3A_653 = tpu.memref_squeeze %dma_wait3A_652 : memref<1x96x256xf32, #tpu.memory_space<hbm>> -> memref<96x256xf32, #tpu.memory_space<hbm>>
    %dma_wait3A_654 = arith.constant 0 : i32
    %dma_wait3A_655 = arith.constant 0 : i32
    %dma_wait3A_656 = tpu.memref_slice %arg7[%dma_wait3A_654, %dma_wait3A_655] : memref<288x256xf32, #tpu.memory_space<vmem>> -> memref<96x256xf32, #tpu.memory_space<vmem>>
    tpu.wait_dma2 semaphore(%arg8 : memref<!tpu.dma_semaphore, #tpu.memory_space<semaphore_mem>>) src(%dma_wait3A_656 : memref<96x256xf32, #tpu.memory_space<vmem>>) dst(%dma_wait3A_653 : memref<96x256xf32, #tpu.memory_space<hbm>>)
    %dma_wait3A_657 = arith.constant 3 : i32
    %dma_wait3A_658 = arith.constant 0 : i32
    %dma_wait3A_659 = arith.constant 0 : i32
    %dma_wait3A_660 = tpu.memref_slice %arg7[%dma_wait3A_658, %dma_wait3A_659] : memref<288x256xf32, #tpu.memory_space<vmem>> -> memref<96x256xf32, #tpu.memory_space<vmem>>
    %dma_wait3A_661 = arith.constant 0 : i32
    %dma_wait3A_662 = tpu.memref_slice %arg5[%dma_wait3A_657, %add3A_116, %dma_wait3A_661] : memref<16x9216x256xf32, #tpu.memory_space<hbm>> -> memref<1x96x256xf32, #tpu.memory_space<hbm>>
    %dma_wait3A_663 = tpu.memref_squeeze %dma_wait3A_662 : memref<1x96x256xf32, #tpu.memory_space<hbm>> -> memref<96x256xf32, #tpu.memory_space<hbm>>
    %dma_wait3A_664 = arith.constant 0 : i32
    %dma_wait3A_665 = tpu.memref_slice %arg5[%dma_wait3A_657, %add3A_116, %dma_wait3A_664] : memref<16x9216x256xf32, #tpu.memory_space<hbm>> -> memref<1x96x256xf32, #tpu.memory_space<hbm>>
    %dma_wait3A_666 = tpu.memref_squeeze %dma_wait3A_665 : memref<1x96x256xf32, #tpu.memory_space<hbm>> -> memref<96x256xf32, #tpu.memory_space<hbm>>
    %dma_wait3A_667 = arith.constant 0 : i32
    %dma_wait3A_668 = arith.constant 0 : i32
    %dma_wait3A_669 = tpu.memref_slice %arg7[%dma_wait3A_667, %dma_wait3A_668] : memref<288x256xf32, #tpu.memory_space<vmem>> -> memref<96x256xf32, #tpu.memory_space<vmem>>
    tpu.wait_dma2 semaphore(%arg8 : memref<!tpu.dma_semaphore, #tpu.memory_space<semaphore_mem>>) src(%dma_wait3A_669 : memref<96x256xf32, #tpu.memory_space<vmem>>) dst(%dma_wait3A_666 : memref<96x256xf32, #tpu.memory_space<hbm>>)
    %dma_wait3A_670 = arith.constant 4 : i32
    %dma_wait3A_671 = arith.constant 0 : i32
    %dma_wait3A_672 = arith.constant 0 : i32
    %dma_wait3A_673 = tpu.memref_slice %arg7[%dma_wait3A_671, %dma_wait3A_672] : memref<288x256xf32, #tpu.memory_space<vmem>> -> memref<96x256xf32, #tpu.memory_space<vmem>>
    %dma_wait3A_674 = arith.constant 0 : i32
    %dma_wait3A_675 = tpu.memref_slice %arg5[%dma_wait3A_670, %add3A_131, %dma_wait3A_674] : memref<16x9216x256xf32, #tpu.memory_space<hbm>> -> memref<1x96x256xf32, #tpu.memory_space<hbm>>
    %dma_wait3A_676 = tpu.memref_squeeze %dma_wait3A_675 : memref<1x96x256xf32, #tpu.memory_space<hbm>> -> memref<96x256xf32, #tpu.memory_space<hbm>>
    %dma_wait3A_677 = arith.constant 0 : i32
    %dma_wait3A_678 = tpu.memref_slice %arg5[%dma_wait3A_670, %add3A_131, %dma_wait3A_677] : memref<16x9216x256xf32, #tpu.memory_space<hbm>> -> memref<1x96x256xf32, #tpu.memory_space<hbm>>
    %dma_wait3A_679 = tpu.memref_squeeze %dma_wait3A_678 : memref<1x96x256xf32, #tpu.memory_space<hbm>> -> memref<96x256xf32, #tpu.memory_space<hbm>>
    %dma_wait3A_680 = arith.constant 0 : i32
    %dma_wait3A_681 = arith.constant 0 : i32
    %dma_wait3A_682 = tpu.memref_slice %arg7[%dma_wait3A_680, %dma_wait3A_681] : memref<288x256xf32, #tpu.memory_space<vmem>> -> memref<96x256xf32, #tpu.memory_space<vmem>>
    tpu.wait_dma2 semaphore(%arg8 : memref<!tpu.dma_semaphore, #tpu.memory_space<semaphore_mem>>) src(%dma_wait3A_682 : memref<96x256xf32, #tpu.memory_space<vmem>>) dst(%dma_wait3A_679 : memref<96x256xf32, #tpu.memory_space<hbm>>)
    %dma_wait3A_683 = arith.constant 5 : i32
    %dma_wait3A_684 = arith.constant 0 : i32
    %dma_wait3A_685 = arith.constant 0 : i32
    %dma_wait3A_686 = tpu.memref_slice %arg7[%dma_wait3A_684, %dma_wait3A_685] : memref<288x256xf32, #tpu.memory_space<vmem>> -> memref<96x256xf32, #tpu.memory_space<vmem>>
    %dma_wait3A_687 = arith.constant 0 : i32
    %dma_wait3A_688 = tpu.memref_slice %arg5[%dma_wait3A_683, %add3A_146, %dma_wait3A_687] : memref<16x9216x256xf32, #tpu.memory_space<hbm>> -> memref<1x96x256xf32, #tpu.memory_space<hbm>>
    %dma_wait3A_689 = tpu.memref_squeeze %dma_wait3A_688 : memref<1x96x256xf32, #tpu.memory_space<hbm>> -> memref<96x256xf32, #tpu.memory_space<hbm>>
    %dma_wait3A_690 = arith.constant 0 : i32
    %dma_wait3A_691 = tpu.memref_slice %arg5[%dma_wait3A_683, %add3A_146, %dma_wait3A_690] : memref<16x9216x256xf32, #tpu.memory_space<hbm>> -> memref<1x96x256xf32, #tpu.memory_space<hbm>>
    %dma_wait3A_692 = tpu.memref_squeeze %dma_wait3A_691 : memref<1x96x256xf32, #tpu.memory_space<hbm>> -> memref<96x256xf32, #tpu.memory_space<hbm>>
    %dma_wait3A_693 = arith.constant 0 : i32
    %dma_wait3A_694 = arith.constant 0 : i32
    %dma_wait3A_695 = tpu.memref_slice %arg7[%dma_wait3A_693, %dma_wait3A_694] : memref<288x256xf32, #tpu.memory_space<vmem>> -> memref<96x256xf32, #tpu.memory_space<vmem>>
    tpu.wait_dma2 semaphore(%arg8 : memref<!tpu.dma_semaphore, #tpu.memory_space<semaphore_mem>>) src(%dma_wait3A_695 : memref<96x256xf32, #tpu.memory_space<vmem>>) dst(%dma_wait3A_692 : memref<96x256xf32, #tpu.memory_space<hbm>>)
    %dma_wait3A_696 = arith.constant 6 : i32
    %dma_wait3A_697 = arith.constant 0 : i32
    %dma_wait3A_698 = arith.constant 0 : i32
    %dma_wait3A_699 = tpu.memref_slice %arg7[%dma_wait3A_697, %dma_wait3A_698] : memref<288x256xf32, #tpu.memory_space<vmem>> -> memref<96x256xf32, #tpu.memory_space<vmem>>
    %dma_wait3A_700 = arith.constant 0 : i32
    %dma_wait3A_701 = tpu.memref_slice %arg5[%dma_wait3A_696, %add3A_161, %dma_wait3A_700] : memref<16x9216x256xf32, #tpu.memory_space<hbm>> -> memref<1x96x256xf32, #tpu.memory_space<hbm>>
    %dma_wait3A_702 = tpu.memref_squeeze %dma_wait3A_701 : memref<1x96x256xf32, #tpu.memory_space<hbm>> -> memref<96x256xf32, #tpu.memory_space<hbm>>
    %dma_wait3A_703 = arith.constant 0 : i32
    %dma_wait3A_704 = tpu.memref_slice %arg5[%dma_wait3A_696, %add3A_161, %dma_wait3A_703] : memref<16x9216x256xf32, #tpu.memory_space<hbm>> -> memref<1x96x256xf32, #tpu.memory_space<hbm>>
    %dma_wait3A_705 = tpu.memref_squeeze %dma_wait3A_704 : memref<1x96x256xf32, #tpu.memory_space<hbm>> -> memref<96x256xf32, #tpu.memory_space<hbm>>
    %dma_wait3A_706 = arith.constant 0 : i32
    %dma_wait3A_707 = arith.constant 0 : i32
    %dma_wait3A_708 = tpu.memref_slice %arg7[%dma_wait3A_706, %dma_wait3A_707] : memref<288x256xf32, #tpu.memory_space<vmem>> -> memref<96x256xf32, #tpu.memory_space<vmem>>
    tpu.wait_dma2 semaphore(%arg8 : memref<!tpu.dma_semaphore, #tpu.memory_space<semaphore_mem>>) src(%dma_wait3A_708 : memref<96x256xf32, #tpu.memory_space<vmem>>) dst(%dma_wait3A_705 : memref<96x256xf32, #tpu.memory_space<hbm>>)
    %dma_wait3A_709 = arith.constant 7 : i32
    %dma_wait3A_710 = arith.constant 0 : i32
    %dma_wait3A_711 = arith.constant 0 : i32
    %dma_wait3A_712 = tpu.memref_slice %arg7[%dma_wait3A_710, %dma_wait3A_711] : memref<288x256xf32, #tpu.memory_space<vmem>> -> memref<96x256xf32, #tpu.memory_space<vmem>>
    %dma_wait3A_713 = arith.constant 0 : i32
    %dma_wait3A_714 = tpu.memref_slice %arg5[%dma_wait3A_709, %add3A_176, %dma_wait3A_713] : memref<16x9216x256xf32, #tpu.memory_space<hbm>> -> memref<1x96x256xf32, #tpu.memory_space<hbm>>
    %dma_wait3A_715 = tpu.memref_squeeze %dma_wait3A_714 : memref<1x96x256xf32, #tpu.memory_space<hbm>> -> memref<96x256xf32, #tpu.memory_space<hbm>>
    %dma_wait3A_716 = arith.constant 0 : i32
    %dma_wait3A_717 = tpu.memref_slice %arg5[%dma_wait3A_709, %add3A_176, %dma_wait3A_716] : memref<16x9216x256xf32, #tpu.memory_space<hbm>> -> memref<1x96x256xf32, #tpu.memory_space<hbm>>
    %dma_wait3A_718 = tpu.memref_squeeze %dma_wait3A_717 : memref<1x96x256xf32, #tpu.memory_space<hbm>> -> memref<96x256xf32, #tpu.memory_space<hbm>>
    %dma_wait3A_719 = arith.constant 0 : i32
    %dma_wait3A_720 = arith.constant 0 : i32
    %dma_wait3A_721 = tpu.memref_slice %arg7[%dma_wait3A_719, %dma_wait3A_720] : memref<288x256xf32, #tpu.memory_space<vmem>> -> memref<96x256xf32, #tpu.memory_space<vmem>>
    tpu.wait_dma2 semaphore(%arg8 : memref<!tpu.dma_semaphore, #tpu.memory_space<semaphore_mem>>) src(%dma_wait3A_721 : memref<96x256xf32, #tpu.memory_space<vmem>>) dst(%dma_wait3A_718 : memref<96x256xf32, #tpu.memory_space<hbm>>)
    %dma_wait3A_722 = arith.constant 8 : i32
    %dma_wait3A_723 = arith.constant 0 : i32
    %dma_wait3A_724 = arith.constant 0 : i32
    %dma_wait3A_725 = tpu.memref_slice %arg7[%dma_wait3A_723, %dma_wait3A_724] : memref<288x256xf32, #tpu.memory_space<vmem>> -> memref<96x256xf32, #tpu.memory_space<vmem>>
    %dma_wait3A_726 = arith.constant 0 : i32
    %dma_wait3A_727 = tpu.memref_slice %arg5[%dma_wait3A_722, %add3A_191, %dma_wait3A_726] : memref<16x9216x256xf32, #tpu.memory_space<hbm>> -> memref<1x96x256xf32, #tpu.memory_space<hbm>>
    %dma_wait3A_728 = tpu.memref_squeeze %dma_wait3A_727 : memref<1x96x256xf32, #tpu.memory_space<hbm>> -> memref<96x256xf32, #tpu.memory_space<hbm>>
    %dma_wait3A_729 = arith.constant 0 : i32
    %dma_wait3A_730 = tpu.memref_slice %arg5[%dma_wait3A_722, %add3A_191, %dma_wait3A_729] : memref<16x9216x256xf32, #tpu.memory_space<hbm>> -> memref<1x96x256xf32, #tpu.memory_space<hbm>>
    %dma_wait3A_731 = tpu.memref_squeeze %dma_wait3A_730 : memref<1x96x256xf32, #tpu.memory_space<hbm>> -> memref<96x256xf32, #tpu.memory_space<hbm>>
    %dma_wait3A_732 = arith.constant 0 : i32
    %dma_wait3A_733 = arith.constant 0 : i32
    %dma_wait3A_734 = tpu.memref_slice %arg7[%dma_wait3A_732, %dma_wait3A_733] : memref<288x256xf32, #tpu.memory_space<vmem>> -> memref<96x256xf32, #tpu.memory_space<vmem>>
    tpu.wait_dma2 semaphore(%arg8 : memref<!tpu.dma_semaphore, #tpu.memory_space<semaphore_mem>>) src(%dma_wait3A_734 : memref<96x256xf32, #tpu.memory_space<vmem>>) dst(%dma_wait3A_731 : memref<96x256xf32, #tpu.memory_space<hbm>>)
    %dma_wait3A_735 = arith.constant 9 : i32
    %dma_wait3A_736 = arith.constant 0 : i32
    %dma_wait3A_737 = arith.constant 0 : i32
    %dma_wait3A_738 = tpu.memref_slice %arg7[%dma_wait3A_736, %dma_wait3A_737] : memref<288x256xf32, #tpu.memory_space<vmem>> -> memref<96x256xf32, #tpu.memory_space<vmem>>
    %dma_wait3A_739 = arith.constant 0 : i32
    %dma_wait3A_740 = tpu.memref_slice %arg5[%dma_wait3A_735, %add3A_206, %dma_wait3A_739] : memref<16x9216x256xf32, #tpu.memory_space<hbm>> -> memref<1x96x256xf32, #tpu.memory_space<hbm>>
    %dma_wait3A_741 = tpu.memref_squeeze %dma_wait3A_740 : memref<1x96x256xf32, #tpu.memory_space<hbm>> -> memref<96x256xf32, #tpu.memory_space<hbm>>
    %dma_wait3A_742 = arith.constant 0 : i32
    %dma_wait3A_743 = tpu.memref_slice %arg5[%dma_wait3A_735, %add3A_206, %dma_wait3A_742] : memref<16x9216x256xf32, #tpu.memory_space<hbm>> -> memref<1x96x256xf32, #tpu.memory_space<hbm>>
    %dma_wait3A_744 = tpu.memref_squeeze %dma_wait3A_743 : memref<1x96x256xf32, #tpu.memory_space<hbm>> -> memref<96x256xf32, #tpu.memory_space<hbm>>
    %dma_wait3A_745 = arith.constant 0 : i32
    %dma_wait3A_746 = arith.constant 0 : i32
    %dma_wait3A_747 = tpu.memref_slice %arg7[%dma_wait3A_745, %dma_wait3A_746] : memref<288x256xf32, #tpu.memory_space<vmem>> -> memref<96x256xf32, #tpu.memory_space<vmem>>
    tpu.wait_dma2 semaphore(%arg8 : memref<!tpu.dma_semaphore, #tpu.memory_space<semaphore_mem>>) src(%dma_wait3A_747 : memref<96x256xf32, #tpu.memory_space<vmem>>) dst(%dma_wait3A_744 : memref<96x256xf32, #tpu.memory_space<hbm>>)
    %dma_wait3A_748 = arith.constant 10 : i32
    %dma_wait3A_749 = arith.constant 0 : i32
    %dma_wait3A_750 = arith.constant 0 : i32
    %dma_wait3A_751 = tpu.memref_slice %arg7[%dma_wait3A_749, %dma_wait3A_750] : memref<288x256xf32, #tpu.memory_space<vmem>> -> memref<96x256xf32, #tpu.memory_space<vmem>>
    %dma_wait3A_752 = arith.constant 0 : i32
    %dma_wait3A_753 = tpu.memref_slice %arg5[%dma_wait3A_748, %add3A_221, %dma_wait3A_752] : memref<16x9216x256xf32, #tpu.memory_space<hbm>> -> memref<1x96x256xf32, #tpu.memory_space<hbm>>
    %dma_wait3A_754 = tpu.memref_squeeze %dma_wait3A_753 : memref<1x96x256xf32, #tpu.memory_space<hbm>> -> memref<96x256xf32, #tpu.memory_space<hbm>>
    %dma_wait3A_755 = arith.constant 0 : i32
    %dma_wait3A_756 = tpu.memref_slice %arg5[%dma_wait3A_748, %add3A_221, %dma_wait3A_755] : memref<16x9216x256xf32, #tpu.memory_space<hbm>> -> memref<1x96x256xf32, #tpu.memory_space<hbm>>
    %dma_wait3A_757 = tpu.memref_squeeze %dma_wait3A_756 : memref<1x96x256xf32, #tpu.memory_space<hbm>> -> memref<96x256xf32, #tpu.memory_space<hbm>>
    %dma_wait3A_758 = arith.constant 0 : i32
    %dma_wait3A_759 = arith.constant 0 : i32
    %dma_wait3A_760 = tpu.memref_slice %arg7[%dma_wait3A_758, %dma_wait3A_759] : memref<288x256xf32, #tpu.memory_space<vmem>> -> memref<96x256xf32, #tpu.memory_space<vmem>>
    tpu.wait_dma2 semaphore(%arg8 : memref<!tpu.dma_semaphore, #tpu.memory_space<semaphore_mem>>) src(%dma_wait3A_760 : memref<96x256xf32, #tpu.memory_space<vmem>>) dst(%dma_wait3A_757 : memref<96x256xf32, #tpu.memory_space<hbm>>)
    %dma_wait3A_761 = arith.constant 11 : i32
    %dma_wait3A_762 = arith.constant 0 : i32
    %dma_wait3A_763 = arith.constant 0 : i32
    %dma_wait3A_764 = tpu.memref_slice %arg7[%dma_wait3A_762, %dma_wait3A_763] : memref<288x256xf32, #tpu.memory_space<vmem>> -> memref<96x256xf32, #tpu.memory_space<vmem>>
    %dma_wait3A_765 = arith.constant 0 : i32
    %dma_wait3A_766 = tpu.memref_slice %arg5[%dma_wait3A_761, %add3A_236, %dma_wait3A_765] : memref<16x9216x256xf32, #tpu.memory_space<hbm>> -> memref<1x96x256xf32, #tpu.memory_space<hbm>>
    %dma_wait3A_767 = tpu.memref_squeeze %dma_wait3A_766 : memref<1x96x256xf32, #tpu.memory_space<hbm>> -> memref<96x256xf32, #tpu.memory_space<hbm>>
    %dma_wait3A_768 = arith.constant 0 : i32
    %dma_wait3A_769 = tpu.memref_slice %arg5[%dma_wait3A_761, %add3A_236, %dma_wait3A_768] : memref<16x9216x256xf32, #tpu.memory_space<hbm>> -> memref<1x96x256xf32, #tpu.memory_space<hbm>>
    %dma_wait3A_770 = tpu.memref_squeeze %dma_wait3A_769 : memref<1x96x256xf32, #tpu.memory_space<hbm>> -> memref<96x256xf32, #tpu.memory_space<hbm>>
    %dma_wait3A_771 = arith.constant 0 : i32
    %dma_wait3A_772 = arith.constant 0 : i32
    %dma_wait3A_773 = tpu.memref_slice %arg7[%dma_wait3A_771, %dma_wait3A_772] : memref<288x256xf32, #tpu.memory_space<vmem>> -> memref<96x256xf32, #tpu.memory_space<vmem>>
    tpu.wait_dma2 semaphore(%arg8 : memref<!tpu.dma_semaphore, #tpu.memory_space<semaphore_mem>>) src(%dma_wait3A_773 : memref<96x256xf32, #tpu.memory_space<vmem>>) dst(%dma_wait3A_770 : memref<96x256xf32, #tpu.memory_space<hbm>>)
    %dma_wait3A_774 = arith.constant 12 : i32
    %dma_wait3A_775 = arith.constant 0 : i32
    %dma_wait3A_776 = arith.constant 0 : i32
    %dma_wait3A_777 = tpu.memref_slice %arg7[%dma_wait3A_775, %dma_wait3A_776] : memref<288x256xf32, #tpu.memory_space<vmem>> -> memref<96x256xf32, #tpu.memory_space<vmem>>
    %dma_wait3A_778 = arith.constant 0 : i32
    %dma_wait3A_779 = tpu.memref_slice %arg5[%dma_wait3A_774, %add3A_251, %dma_wait3A_778] : memref<16x9216x256xf32, #tpu.memory_space<hbm>> -> memref<1x96x256xf32, #tpu.memory_space<hbm>>
    %dma_wait3A_780 = tpu.memref_squeeze %dma_wait3A_779 : memref<1x96x256xf32, #tpu.memory_space<hbm>> -> memref<96x256xf32, #tpu.memory_space<hbm>>
    %dma_wait3A_781 = arith.constant 0 : i32
    %dma_wait3A_782 = tpu.memref_slice %arg5[%dma_wait3A_774, %add3A_251, %dma_wait3A_781] : memref<16x9216x256xf32, #tpu.memory_space<hbm>> -> memref<1x96x256xf32, #tpu.memory_space<hbm>>
    %dma_wait3A_783 = tpu.memref_squeeze %dma_wait3A_782 : memref<1x96x256xf32, #tpu.memory_space<hbm>> -> memref<96x256xf32, #tpu.memory_space<hbm>>
    %dma_wait3A_784 = arith.constant 0 : i32
    %dma_wait3A_785 = arith.constant 0 : i32
    %dma_wait3A_786 = tpu.memref_slice %arg7[%dma_wait3A_784, %dma_wait3A_785] : memref<288x256xf32, #tpu.memory_space<vmem>> -> memref<96x256xf32, #tpu.memory_space<vmem>>
    tpu.wait_dma2 semaphore(%arg8 : memref<!tpu.dma_semaphore, #tpu.memory_space<semaphore_mem>>) src(%dma_wait3A_786 : memref<96x256xf32, #tpu.memory_space<vmem>>) dst(%dma_wait3A_783 : memref<96x256xf32, #tpu.memory_space<hbm>>)
    %dma_wait3A_787 = arith.constant 13 : i32
    %dma_wait3A_788 = arith.constant 0 : i32
    %dma_wait3A_789 = arith.constant 0 : i32
    %dma_wait3A_790 = tpu.memref_slice %arg7[%dma_wait3A_788, %dma_wait3A_789] : memref<288x256xf32, #tpu.memory_space<vmem>> -> memref<96x256xf32, #tpu.memory_space<vmem>>
    %dma_wait3A_791 = arith.constant 0 : i32
    %dma_wait3A_792 = tpu.memref_slice %arg5[%dma_wait3A_787, %add3A_266, %dma_wait3A_791] : memref<16x9216x256xf32, #tpu.memory_space<hbm>> -> memref<1x96x256xf32, #tpu.memory_space<hbm>>
    %dma_wait3A_793 = tpu.memref_squeeze %dma_wait3A_792 : memref<1x96x256xf32, #tpu.memory_space<hbm>> -> memref<96x256xf32, #tpu.memory_space<hbm>>
    %dma_wait3A_794 = arith.constant 0 : i32
    %dma_wait3A_795 = tpu.memref_slice %arg5[%dma_wait3A_787, %add3A_266, %dma_wait3A_794] : memref<16x9216x256xf32, #tpu.memory_space<hbm>> -> memref<1x96x256xf32, #tpu.memory_space<hbm>>
    %dma_wait3A_796 = tpu.memref_squeeze %dma_wait3A_795 : memref<1x96x256xf32, #tpu.memory_space<hbm>> -> memref<96x256xf32, #tpu.memory_space<hbm>>
    %dma_wait3A_797 = arith.constant 0 : i32
    %dma_wait3A_798 = arith.constant 0 : i32
    %dma_wait3A_799 = tpu.memref_slice %arg7[%dma_wait3A_797, %dma_wait3A_798] : memref<288x256xf32, #tpu.memory_space<vmem>> -> memref<96x256xf32, #tpu.memory_space<vmem>>
    tpu.wait_dma2 semaphore(%arg8 : memref<!tpu.dma_semaphore, #tpu.memory_space<semaphore_mem>>) src(%dma_wait3A_799 : memref<96x256xf32, #tpu.memory_space<vmem>>) dst(%dma_wait3A_796 : memref<96x256xf32, #tpu.memory_space<hbm>>)
    %dma_wait3A_800 = arith.constant 14 : i32
    %dma_wait3A_801 = arith.constant 0 : i32
    %dma_wait3A_802 = arith.constant 0 : i32
    %dma_wait3A_803 = tpu.memref_slice %arg7[%dma_wait3A_801, %dma_wait3A_802] : memref<288x256xf32, #tpu.memory_space<vmem>> -> memref<96x256xf32, #tpu.memory_space<vmem>>
    %dma_wait3A_804 = arith.constant 0 : i32
    %dma_wait3A_805 = tpu.memref_slice %arg5[%dma_wait3A_800, %add3A_281, %dma_wait3A_804] : memref<16x9216x256xf32, #tpu.memory_space<hbm>> -> memref<1x96x256xf32, #tpu.memory_space<hbm>>
    %dma_wait3A_806 = tpu.memref_squeeze %dma_wait3A_805 : memref<1x96x256xf32, #tpu.memory_space<hbm>> -> memref<96x256xf32, #tpu.memory_space<hbm>>
    %dma_wait3A_807 = arith.constant 0 : i32
    %dma_wait3A_808 = tpu.memref_slice %arg5[%dma_wait3A_800, %add3A_281, %dma_wait3A_807] : memref<16x9216x256xf32, #tpu.memory_space<hbm>> -> memref<1x96x256xf32, #tpu.memory_space<hbm>>
    %dma_wait3A_809 = tpu.memref_squeeze %dma_wait3A_808 : memref<1x96x256xf32, #tpu.memory_space<hbm>> -> memref<96x256xf32, #tpu.memory_space<hbm>>
    %dma_wait3A_810 = arith.constant 0 : i32
    %dma_wait3A_811 = arith.constant 0 : i32
    %dma_wait3A_812 = tpu.memref_slice %arg7[%dma_wait3A_810, %dma_wait3A_811] : memref<288x256xf32, #tpu.memory_space<vmem>> -> memref<96x256xf32, #tpu.memory_space<vmem>>
    tpu.wait_dma2 semaphore(%arg8 : memref<!tpu.dma_semaphore, #tpu.memory_space<semaphore_mem>>) src(%dma_wait3A_812 : memref<96x256xf32, #tpu.memory_space<vmem>>) dst(%dma_wait3A_809 : memref<96x256xf32, #tpu.memory_space<hbm>>)
    %dma_wait3A_813 = arith.constant 15 : i32
    %dma_wait3A_814 = arith.constant 0 : i32
    %dma_wait3A_815 = arith.constant 0 : i32
    %dma_wait3A_816 = tpu.memref_slice %arg7[%dma_wait3A_814, %dma_wait3A_815] : memref<288x256xf32, #tpu.memory_space<vmem>> -> memref<96x256xf32, #tpu.memory_space<vmem>>
    %dma_wait3A_817 = arith.constant 0 : i32
    %dma_wait3A_818 = tpu.memref_slice %arg5[%dma_wait3A_813, %add3A_296, %dma_wait3A_817] : memref<16x9216x256xf32, #tpu.memory_space<hbm>> -> memref<1x96x256xf32, #tpu.memory_space<hbm>>
    %dma_wait3A_819 = tpu.memref_squeeze %dma_wait3A_818 : memref<1x96x256xf32, #tpu.memory_space<hbm>> -> memref<96x256xf32, #tpu.memory_space<hbm>>
    %dma_wait3A_820 = arith.constant 0 : i32
    %dma_wait3A_821 = tpu.memref_slice %arg5[%dma_wait3A_813, %add3A_296, %dma_wait3A_820] : memref<16x9216x256xf32, #tpu.memory_space<hbm>> -> memref<1x96x256xf32, #tpu.memory_space<hbm>>
    %dma_wait3A_822 = tpu.memref_squeeze %dma_wait3A_821 : memref<1x96x256xf32, #tpu.memory_space<hbm>> -> memref<96x256xf32, #tpu.memory_space<hbm>>
    %dma_wait3A_823 = arith.constant 0 : i32
    %dma_wait3A_824 = arith.constant 0 : i32
    %dma_wait3A_825 = tpu.memref_slice %arg7[%dma_wait3A_823, %dma_wait3A_824] : memref<288x256xf32, #tpu.memory_space<vmem>> -> memref<96x256xf32, #tpu.memory_space<vmem>>
    tpu.wait_dma2 semaphore(%arg8 : memref<!tpu.dma_semaphore, #tpu.memory_space<semaphore_mem>>) src(%dma_wait3A_825 : memref<96x256xf32, #tpu.memory_space<vmem>>) dst(%dma_wait3A_822 : memref<96x256xf32, #tpu.memory_space<hbm>>)
    %mul3A_826 = arith.constant 9 : i32
    %mul3A_827 = arith.muli %add3A, %mul3A_826 : i32
    %add3A_828 = arith.constant 6 : i32
    %add3A_829 = arith.addi %mul3A_827, %add3A_828 : i32
    %shift_right_arithmetic3A_830 = arith.constant 5 : i32
    %shift_right_arithmetic3A_831 = arith.shrsi %add3A_829, %shift_right_arithmetic3A_830 : i32
    %and3A_832 = arith.constant 31 : i32
    %and3A_833 = arith.andi %add3A_829, %and3A_832 : i32
    %mul3A_834 = arith.constant 86 : i32
    %mul3A_835 = arith.muli %and3A_833, %mul3A_834 : i32
    %add3A_836 = arith.constant 2666 : i32
    %add3A_837 = arith.addi %add3A_836, %mul3A_835 : i32
    %mul3A_838 = arith.constant 86 : i32
    %mul3A_839 = arith.muli %shift_right_arithmetic3A_831, %mul3A_838 : i32
    %add3A_840 = arith.constant 5332 : i32
    %add3A_841 = arith.addi %add3A_840, %mul3A_839 : i32
    %scan3A_842 = arith.constant 0 : i32
    %scan3A_843 = arith.constant 0 : i32
    %scan3A_844 = arith.constant 32 : i32
    %scan3A_845 = arith.addi %scan3A_843, %scan3A_844 : i32
    %scan3A_846 = arith.constant 1 : i32
    %scan3A_847 = scf.for %scan3A_1551 = %scan3A_843 to %scan3A_845 step %scan3A_846 iter_args(%scan3A_1552 = %scan3A_842) -> (i32)  : i32 {
      %mul3A_1553 = arith.constant 86 : i32
      %mul3A_1554 = arith.muli %scan3A_1551, %mul3A_1553 : i32
      %add3A_1555 = arith.constant 192 : i32
      %add3A_1556 = arith.addi %add3A_1555, %scan3A_1551 : i32
      %add3A_1557 = arith.constant 0 : i32
      %add3A_1558 = vector.broadcast %add3A_1557 : i32 to vector<16xi32>
      %add3A_1559 = arith.addi %iota3A, %add3A_1558 : vector<16xi32>
      %add3A_1560 = arith.constant 0 : i32
      %add3A_1561 = arith.addi %mul3A_1554, %add3A_1560 : i32
      %get3A = arith.index_cast %add3A_1561 : i32 to index
      %get3A_1562 = tpu.vector_load %arg6[%get3A] {strides = array<i32>} : memref<6280xf32, #tpu.memory_space<vmem>>, vector<16xf32>,
      %get3A_1563 = vector.shape_cast %get3A_1562 : vector<16xf32> to vector<16xf32>
      %swap3A = arith.index_cast %add3A_1556 : i32 to index
      %swap3A_1564 = arith.constant 0 : index
      %swap3A_1565 = tpu.vector_load %arg7[%swap3A, %swap3A_1564] {strides = array<i32>} : memref<288x256xf32, #tpu.memory_space<vmem>>, vector<1x16xf32>,
      %swap3A_1566 = vector.shape_cast %swap3A_1565 : vector<1x16xf32> to vector<16xf32>
      %swap3A_1567 = vector.shape_cast %get3A_1563 : vector<16xf32> to vector<1x16xf32>
      tpu.vector_store %arg7[%swap3A, %swap3A_1564], %swap3A_1567 {strides = array<i32>} : memref<288x256xf32, #tpu.memory_space<vmem>>, vector<1x16xf32>,
      %add3A_1568 = arith.constant 16 : i32
      %add3A_1569 = vector.broadcast %add3A_1568 : i32 to vector<16xi32>
      %add3A_1570 = arith.addi %iota3A, %add3A_1569 : vector<16xi32>
      %add3A_1571 = arith.constant 16 : i32
      %add3A_1572 = arith.addi %mul3A_1554, %add3A_1571 : i32
      %get3A_1573 = arith.index_cast %add3A_1572 : i32 to index
      %get3A_1574 = tpu.vector_load %arg6[%get3A_1573] {strides = array<i32>} : memref<6280xf32, #tpu.memory_space<vmem>>, vector<16xf32>,
      %get3A_1575 = vector.shape_cast %get3A_1574 : vector<16xf32> to vector<16xf32>
      %swap3A_1576 = arith.index_cast %add3A_1556 : i32 to index
      %swap3A_1577 = arith.constant 16 : index
      %swap3A_1578 = tpu.vector_load %arg7[%swap3A_1576, %swap3A_1577] {strides = array<i32>} : memref<288x256xf32, #tpu.memory_space<vmem>>, vector<1x16xf32>,
      %swap3A_1579 = vector.shape_cast %swap3A_1578 : vector<1x16xf32> to vector<16xf32>
      %swap3A_1580 = vector.shape_cast %get3A_1575 : vector<16xf32> to vector<1x16xf32>
      tpu.vector_store %arg7[%swap3A_1576, %swap3A_1577], %swap3A_1580 {strides = array<i32>} : memref<288x256xf32, #tpu.memory_space<vmem>>, vector<1x16xf32>,
      %add3A_1581 = arith.constant 32 : i32
      %add3A_1582 = vector.broadcast %add3A_1581 : i32 to vector<16xi32>
      %add3A_1583 = arith.addi %iota3A, %add3A_1582 : vector<16xi32>
      %add3A_1584 = arith.constant 32 : i32
      %add3A_1585 = arith.addi %mul3A_1554, %add3A_1584 : i32
      %get3A_1586 = arith.index_cast %add3A_1585 : i32 to index
      %get3A_1587 = tpu.vector_load %arg6[%get3A_1586] {strides = array<i32>} : memref<6280xf32, #tpu.memory_space<vmem>>, vector<16xf32>,
      %get3A_1588 = vector.shape_cast %get3A_1587 : vector<16xf32> to vector<16xf32>
      %swap3A_1589 = arith.index_cast %add3A_1556 : i32 to index
      %swap3A_1590 = arith.constant 32 : index
      %swap3A_1591 = tpu.vector_load %arg7[%swap3A_1589, %swap3A_1590] {strides = array<i32>} : memref<288x256xf32, #tpu.memory_space<vmem>>, vector<1x16xf32>,
      %swap3A_1592 = vector.shape_cast %swap3A_1591 : vector<1x16xf32> to vector<16xf32>
      %swap3A_1593 = vector.shape_cast %get3A_1588 : vector<16xf32> to vector<1x16xf32>
      tpu.vector_store %arg7[%swap3A_1589, %swap3A_1590], %swap3A_1593 {strides = array<i32>} : memref<288x256xf32, #tpu.memory_space<vmem>>, vector<1x16xf32>,
      %add3A_1594 = arith.constant 48 : i32
      %add3A_1595 = vector.broadcast %add3A_1594 : i32 to vector<16xi32>
      %add3A_1596 = arith.addi %iota3A, %add3A_1595 : vector<16xi32>
      %add3A_1597 = arith.constant 48 : i32
      %add3A_1598 = arith.addi %mul3A_1554, %add3A_1597 : i32
      %get3A_1599 = arith.index_cast %add3A_1598 : i32 to index
      %get3A_1600 = tpu.vector_load %arg6[%get3A_1599] {strides = array<i32>} : memref<6280xf32, #tpu.memory_space<vmem>>, vector<16xf32>,
      %get3A_1601 = vector.shape_cast %get3A_1600 : vector<16xf32> to vector<16xf32>
      %swap3A_1602 = arith.index_cast %add3A_1556 : i32 to index
      %swap3A_1603 = arith.constant 48 : index
      %swap3A_1604 = tpu.vector_load %arg7[%swap3A_1602, %swap3A_1603] {strides = array<i32>} : memref<288x256xf32, #tpu.memory_space<vmem>>, vector<1x16xf32>,
      %swap3A_1605 = vector.shape_cast %swap3A_1604 : vector<1x16xf32> to vector<16xf32>
      %swap3A_1606 = vector.shape_cast %get3A_1601 : vector<16xf32> to vector<1x16xf32>
      tpu.vector_store %arg7[%swap3A_1602, %swap3A_1603], %swap3A_1606 {strides = array<i32>} : memref<288x256xf32, #tpu.memory_space<vmem>>, vector<1x16xf32>,
      %add3A_1607 = arith.constant 64 : i32
      %add3A_1608 = vector.broadcast %add3A_1607 : i32 to vector<16xi32>
      %add3A_1609 = arith.addi %iota3A, %add3A_1608 : vector<16xi32>
      %add3A_1610 = arith.constant 64 : i32
      %add3A_1611 = arith.addi %mul3A_1554, %add3A_1610 : i32
      %get3A_1612 = arith.index_cast %add3A_1611 : i32 to index
      %get3A_1613 = tpu.vector_load %arg6[%get3A_1612] {strides = array<i32>} : memref<6280xf32, #tpu.memory_space<vmem>>, vector<16xf32>,
      %get3A_1614 = vector.shape_cast %get3A_1613 : vector<16xf32> to vector<16xf32>
      %swap3A_1615 = arith.index_cast %add3A_1556 : i32 to index
      %swap3A_1616 = arith.constant 64 : index
      %swap3A_1617 = tpu.vector_load %arg7[%swap3A_1615, %swap3A_1616] {strides = array<i32>} : memref<288x256xf32, #tpu.memory_space<vmem>>, vector<1x16xf32>,
      %swap3A_1618 = vector.shape_cast %swap3A_1617 : vector<1x16xf32> to vector<16xf32>
      %swap3A_1619 = vector.shape_cast %get3A_1614 : vector<16xf32> to vector<1x16xf32>
      tpu.vector_store %arg7[%swap3A_1615, %swap3A_1616], %swap3A_1619 {strides = array<i32>} : memref<288x256xf32, #tpu.memory_space<vmem>>, vector<1x16xf32>,
      %add3A_1620 = arith.constant 80 : i32
      %add3A_1621 = vector.broadcast %add3A_1620 : i32 to vector<16xi32>
      %add3A_1622 = arith.addi %iota3A, %add3A_1621 : vector<16xi32>
      %add3A_1623 = arith.constant 80 : i32
      %add3A_1624 = arith.addi %mul3A_1554, %add3A_1623 : i32
      %get3A_1625 = arith.index_cast %add3A_1624 : i32 to index
      %get3A_1626 = tpu.vector_load %arg6[%get3A_1625] {strides = array<i32>} : memref<6280xf32, #tpu.memory_space<vmem>>, vector<16xf32>,
      %get3A_1627 = vector.shape_cast %get3A_1626 : vector<16xf32> to vector<16xf32>
      %add3A_1628 = arith.constant 80 : i32
      %add3A_1629 = arith.addi %add3A_837, %add3A_1628 : i32
      %get3A_1630 = arith.index_cast %add3A_1629 : i32 to index
      %get3A_1631 = tpu.vector_load %arg6[%get3A_1630] {strides = array<i32>} : memref<6280xf32, #tpu.memory_space<vmem>>, vector<16xf32>,
      %get3A_1632 = vector.shape_cast %get3A_1631 : vector<16xf32> to vector<16xf32>
      %lt3A = arith.constant 86 : i32
      %lt3A_1633 = vector.broadcast %lt3A : i32 to vector<16xi32>
      %lt3A_1634 = arith.cmpi slt, %add3A_1622, %lt3A_1633 : vector<16xi32>
      %select_n3A = arith.select %lt3A_1634, %get3A_1627, %get3A_1632 : vector<16xi1>, vector<16xf32>
      %swap3A_1635 = arith.index_cast %add3A_1556 : i32 to index
      %swap3A_1636 = arith.constant 80 : index
      %swap3A_1637 = tpu.vector_load %arg7[%swap3A_1635, %swap3A_1636] {strides = array<i32>} : memref<288x256xf32, #tpu.memory_space<vmem>>, vector<1x16xf32>,
      %swap3A_1638 = vector.shape_cast %swap3A_1637 : vector<1x16xf32> to vector<16xf32>
      %swap3A_1639 = vector.shape_cast %select_n3A : vector<16xf32> to vector<1x16xf32>
      tpu.vector_store %arg7[%swap3A_1635, %swap3A_1636], %swap3A_1639 {strides = array<i32>} : memref<288x256xf32, #tpu.memory_space<vmem>>, vector<1x16xf32>,
      %add3A_1640 = arith.constant 96 : i32
      %add3A_1641 = vector.broadcast %add3A_1640 : i32 to vector<16xi32>
      %add3A_1642 = arith.addi %iota3A, %add3A_1641 : vector<16xi32>
      %add3A_1643 = arith.constant 96 : i32
      %add3A_1644 = arith.addi %add3A_837, %add3A_1643 : i32
      %get3A_1645 = arith.index_cast %add3A_1644 : i32 to index
      %get3A_1646 = tpu.vector_load %arg6[%get3A_1645] {strides = array<i32>} : memref<6280xf32, #tpu.memory_space<vmem>>, vector<16xf32>,
      %get3A_1647 = vector.shape_cast %get3A_1646 : vector<16xf32> to vector<16xf32>
      %swap3A_1648 = arith.index_cast %add3A_1556 : i32 to index
      %swap3A_1649 = arith.constant 96 : index
      %swap3A_1650 = tpu.vector_load %arg7[%swap3A_1648, %swap3A_1649] {strides = array<i32>} : memref<288x256xf32, #tpu.memory_space<vmem>>, vector<1x16xf32>,
      %swap3A_1651 = vector.shape_cast %swap3A_1650 : vector<1x16xf32> to vector<16xf32>
      %swap3A_1652 = vector.shape_cast %get3A_1647 : vector<16xf32> to vector<1x16xf32>
      tpu.vector_store %arg7[%swap3A_1648, %swap3A_1649], %swap3A_1652 {strides = array<i32>} : memref<288x256xf32, #tpu.memory_space<vmem>>, vector<1x16xf32>,
      %add3A_1653 = arith.constant 112 : i32
      %add3A_1654 = vector.broadcast %add3A_1653 : i32 to vector<16xi32>
      %add3A_1655 = arith.addi %iota3A, %add3A_1654 : vector<16xi32>
      %add3A_1656 = arith.constant 112 : i32
      %add3A_1657 = arith.addi %add3A_837, %add3A_1656 : i32
      %get3A_1658 = arith.index_cast %add3A_1657 : i32 to index
      %get3A_1659 = tpu.vector_load %arg6[%get3A_1658] {strides = array<i32>} : memref<6280xf32, #tpu.memory_space<vmem>>, vector<16xf32>,
      %get3A_1660 = vector.shape_cast %get3A_1659 : vector<16xf32> to vector<16xf32>
      %swap3A_1661 = arith.index_cast %add3A_1556 : i32 to index
      %swap3A_1662 = arith.constant 112 : index
      %swap3A_1663 = tpu.vector_load %arg7[%swap3A_1661, %swap3A_1662] {strides = array<i32>} : memref<288x256xf32, #tpu.memory_space<vmem>>, vector<1x16xf32>,
      %swap3A_1664 = vector.shape_cast %swap3A_1663 : vector<1x16xf32> to vector<16xf32>
      %swap3A_1665 = vector.shape_cast %get3A_1660 : vector<16xf32> to vector<1x16xf32>
      tpu.vector_store %arg7[%swap3A_1661, %swap3A_1662], %swap3A_1665 {strides = array<i32>} : memref<288x256xf32, #tpu.memory_space<vmem>>, vector<1x16xf32>,
      %add3A_1666 = arith.constant 128 : i32
      %add3A_1667 = vector.broadcast %add3A_1666 : i32 to vector<16xi32>
      %add3A_1668 = arith.addi %iota3A, %add3A_1667 : vector<16xi32>
      %add3A_1669 = arith.constant 128 : i32
      %add3A_1670 = arith.addi %add3A_837, %add3A_1669 : i32
      %get3A_1671 = arith.index_cast %add3A_1670 : i32 to index
      %get3A_1672 = tpu.vector_load %arg6[%get3A_1671] {strides = array<i32>} : memref<6280xf32, #tpu.memory_space<vmem>>, vector<16xf32>,
      %get3A_1673 = vector.shape_cast %get3A_1672 : vector<16xf32> to vector<16xf32>
      %swap3A_1674 = arith.index_cast %add3A_1556 : i32 to index
      %swap3A_1675 = arith.constant 128 : index
      %swap3A_1676 = tpu.vector_load %arg7[%swap3A_1674, %swap3A_1675] {strides = array<i32>} : memref<288x256xf32, #tpu.memory_space<vmem>>, vector<1x16xf32>,
      %swap3A_1677 = vector.shape_cast %swap3A_1676 : vector<1x16xf32> to vector<16xf32>
      %swap3A_1678 = vector.shape_cast %get3A_1673 : vector<16xf32> to vector<1x16xf32>
      tpu.vector_store %arg7[%swap3A_1674, %swap3A_1675], %swap3A_1678 {strides = array<i32>} : memref<288x256xf32, #tpu.memory_space<vmem>>, vector<1x16xf32>,
      %add3A_1679 = arith.constant 144 : i32
      %add3A_1680 = vector.broadcast %add3A_1679 : i32 to vector<16xi32>
      %add3A_1681 = arith.addi %iota3A, %add3A_1680 : vector<16xi32>
      %add3A_1682 = arith.constant 144 : i32
      %add3A_1683 = arith.addi %add3A_837, %add3A_1682 : i32
      %get3A_1684 = arith.index_cast %add3A_1683 : i32 to index
      %get3A_1685 = tpu.vector_load %arg6[%get3A_1684] {strides = array<i32>} : memref<6280xf32, #tpu.memory_space<vmem>>, vector<16xf32>,
      %get3A_1686 = vector.shape_cast %get3A_1685 : vector<16xf32> to vector<16xf32>
      %swap3A_1687 = arith.index_cast %add3A_1556 : i32 to index
      %swap3A_1688 = arith.constant 144 : index
      %swap3A_1689 = tpu.vector_load %arg7[%swap3A_1687, %swap3A_1688] {strides = array<i32>} : memref<288x256xf32, #tpu.memory_space<vmem>>, vector<1x16xf32>,
      %swap3A_1690 = vector.shape_cast %swap3A_1689 : vector<1x16xf32> to vector<16xf32>
      %swap3A_1691 = vector.shape_cast %get3A_1686 : vector<16xf32> to vector<1x16xf32>
      tpu.vector_store %arg7[%swap3A_1687, %swap3A_1688], %swap3A_1691 {strides = array<i32>} : memref<288x256xf32, #tpu.memory_space<vmem>>, vector<1x16xf32>,
      %add3A_1692 = arith.constant 160 : i32
      %add3A_1693 = vector.broadcast %add3A_1692 : i32 to vector<16xi32>
      %add3A_1694 = arith.addi %iota3A, %add3A_1693 : vector<16xi32>
      %add3A_1695 = arith.constant 160 : i32
      %add3A_1696 = arith.addi %add3A_837, %add3A_1695 : i32
      %get3A_1697 = arith.index_cast %add3A_1696 : i32 to index
      %get3A_1698 = tpu.vector_load %arg6[%get3A_1697] {strides = array<i32>} : memref<6280xf32, #tpu.memory_space<vmem>>, vector<16xf32>,
      %get3A_1699 = vector.shape_cast %get3A_1698 : vector<16xf32> to vector<16xf32>
      %add3A_1700 = arith.constant 160 : i32
      %add3A_1701 = arith.addi %add3A_841, %add3A_1700 : i32
      %get3A_1702 = arith.index_cast %add3A_1701 : i32 to index
      %get3A_1703 = tpu.vector_load %arg6[%get3A_1702] {strides = array<i32>} : memref<6280xf32, #tpu.memory_space<vmem>>, vector<16xf32>,
      %get3A_1704 = vector.shape_cast %get3A_1703 : vector<16xf32> to vector<16xf32>
      %lt3A_1705 = arith.constant 172 : i32
      %lt3A_1706 = vector.broadcast %lt3A_1705 : i32 to vector<16xi32>
      %lt3A_1707 = arith.cmpi slt, %add3A_1694, %lt3A_1706 : vector<16xi32>
      %select_n3A_1708 = arith.select %lt3A_1707, %get3A_1699, %get3A_1704 : vector<16xi1>, vector<16xf32>
      %swap3A_1709 = arith.index_cast %add3A_1556 : i32 to index
      %swap3A_1710 = arith.constant 160 : index
      %swap3A_1711 = tpu.vector_load %arg7[%swap3A_1709, %swap3A_1710] {strides = array<i32>} : memref<288x256xf32, #tpu.memory_space<vmem>>, vector<1x16xf32>,
      %swap3A_1712 = vector.shape_cast %swap3A_1711 : vector<1x16xf32> to vector<16xf32>
      %swap3A_1713 = vector.shape_cast %select_n3A_1708 : vector<16xf32> to vector<1x16xf32>
      tpu.vector_store %arg7[%swap3A_1709, %swap3A_1710], %swap3A_1713 {strides = array<i32>} : memref<288x256xf32, #tpu.memory_space<vmem>>, vector<1x16xf32>,
      %add3A_1714 = arith.constant 176 : i32
      %add3A_1715 = vector.broadcast %add3A_1714 : i32 to vector<16xi32>
      %add3A_1716 = arith.addi %iota3A, %add3A_1715 : vector<16xi32>
      %add3A_1717 = arith.constant 176 : i32
      %add3A_1718 = arith.addi %add3A_841, %add3A_1717 : i32
      %get3A_1719 = arith.index_cast %add3A_1718 : i32 to index
      %get3A_1720 = tpu.vector_load %arg6[%get3A_1719] {strides = array<i32>} : memref<6280xf32, #tpu.memory_space<vmem>>, vector<16xf32>,
      %get3A_1721 = vector.shape_cast %get3A_1720 : vector<16xf32> to vector<16xf32>
      %swap3A_1722 = arith.index_cast %add3A_1556 : i32 to index
      %swap3A_1723 = arith.constant 176 : index
      %swap3A_1724 = tpu.vector_load %arg7[%swap3A_1722, %swap3A_1723] {strides = array<i32>} : memref<288x256xf32, #tpu.memory_space<vmem>>, vector<1x16xf32>,
      %swap3A_1725 = vector.shape_cast %swap3A_1724 : vector<1x16xf32> to vector<16xf32>
      %swap3A_1726 = vector.shape_cast %get3A_1721 : vector<16xf32> to vector<1x16xf32>
      tpu.vector_store %arg7[%swap3A_1722, %swap3A_1723], %swap3A_1726 {strides = array<i32>} : memref<288x256xf32, #tpu.memory_space<vmem>>, vector<1x16xf32>,
      %add3A_1727 = arith.constant 192 : i32
      %add3A_1728 = vector.broadcast %add3A_1727 : i32 to vector<16xi32>
      %add3A_1729 = arith.addi %iota3A, %add3A_1728 : vector<16xi32>
      %add3A_1730 = arith.constant 192 : i32
      %add3A_1731 = arith.addi %add3A_841, %add3A_1730 : i32
      %get3A_1732 = arith.index_cast %add3A_1731 : i32 to index
      %get3A_1733 = tpu.vector_load %arg6[%get3A_1732] {strides = array<i32>} : memref<6280xf32, #tpu.memory_space<vmem>>, vector<16xf32>,
      %get3A_1734 = vector.shape_cast %get3A_1733 : vector<16xf32> to vector<16xf32>
      %swap3A_1735 = arith.index_cast %add3A_1556 : i32 to index
      %swap3A_1736 = arith.constant 192 : index
      %swap3A_1737 = tpu.vector_load %arg7[%swap3A_1735, %swap3A_1736] {strides = array<i32>} : memref<288x256xf32, #tpu.memory_space<vmem>>, vector<1x16xf32>,
      %swap3A_1738 = vector.shape_cast %swap3A_1737 : vector<1x16xf32> to vector<16xf32>
      %swap3A_1739 = vector.shape_cast %get3A_1734 : vector<16xf32> to vector<1x16xf32>
      tpu.vector_store %arg7[%swap3A_1735, %swap3A_1736], %swap3A_1739 {strides = array<i32>} : memref<288x256xf32, #tpu.memory_space<vmem>>, vector<1x16xf32>,
      %add3A_1740 = arith.constant 208 : i32
      %add3A_1741 = vector.broadcast %add3A_1740 : i32 to vector<16xi32>
      %add3A_1742 = arith.addi %iota3A, %add3A_1741 : vector<16xi32>
      %add3A_1743 = arith.constant 208 : i32
      %add3A_1744 = arith.addi %add3A_841, %add3A_1743 : i32
      %get3A_1745 = arith.index_cast %add3A_1744 : i32 to index
      %get3A_1746 = tpu.vector_load %arg6[%get3A_1745] {strides = array<i32>} : memref<6280xf32, #tpu.memory_space<vmem>>, vector<16xf32>,
      %get3A_1747 = vector.shape_cast %get3A_1746 : vector<16xf32> to vector<16xf32>
      %swap3A_1748 = arith.index_cast %add3A_1556 : i32 to index
      %swap3A_1749 = arith.constant 208 : index
      %swap3A_1750 = tpu.vector_load %arg7[%swap3A_1748, %swap3A_1749] {strides = array<i32>} : memref<288x256xf32, #tpu.memory_space<vmem>>, vector<1x16xf32>,
      %swap3A_1751 = vector.shape_cast %swap3A_1750 : vector<1x16xf32> to vector<16xf32>
      %swap3A_1752 = vector.shape_cast %get3A_1747 : vector<16xf32> to vector<1x16xf32>
      tpu.vector_store %arg7[%swap3A_1748, %swap3A_1749], %swap3A_1752 {strides = array<i32>} : memref<288x256xf32, #tpu.memory_space<vmem>>, vector<1x16xf32>,
      %add3A_1753 = arith.constant 224 : i32
      %add3A_1754 = vector.broadcast %add3A_1753 : i32 to vector<16xi32>
      %add3A_1755 = arith.addi %iota3A, %add3A_1754 : vector<16xi32>
      %add3A_1756 = arith.constant 224 : i32
      %add3A_1757 = arith.addi %add3A_841, %add3A_1756 : i32
      %get3A_1758 = arith.index_cast %add3A_1757 : i32 to index
      %get3A_1759 = tpu.vector_load %arg6[%get3A_1758] {strides = array<i32>} : memref<6280xf32, #tpu.memory_space<vmem>>, vector<16xf32>,
      %get3A_1760 = vector.shape_cast %get3A_1759 : vector<16xf32> to vector<16xf32>
      %swap3A_1761 = arith.index_cast %add3A_1556 : i32 to index
      %swap3A_1762 = arith.constant 224 : index
      %swap3A_1763 = tpu.vector_load %arg7[%swap3A_1761, %swap3A_1762] {strides = array<i32>} : memref<288x256xf32, #tpu.memory_space<vmem>>, vector<1x16xf32>,
      %swap3A_1764 = vector.shape_cast %swap3A_1763 : vector<1x16xf32> to vector<16xf32>
      %swap3A_1765 = vector.shape_cast %get3A_1760 : vector<16xf32> to vector<1x16xf32>
      tpu.vector_store %arg7[%swap3A_1761, %swap3A_1762], %swap3A_1765 {strides = array<i32>} : memref<288x256xf32, #tpu.memory_space<vmem>>, vector<1x16xf32>,
      %add3A_1766 = arith.constant 240 : i32
      %add3A_1767 = vector.broadcast %add3A_1766 : i32 to vector<16xi32>
      %add3A_1768 = arith.addi %iota3A, %add3A_1767 : vector<16xi32>
      %add3A_1769 = arith.constant 240 : i32
      %add3A_1770 = arith.addi %add3A_841, %add3A_1769 : i32
      %get3A_1771 = arith.index_cast %add3A_1770 : i32 to index
      %get3A_1772 = tpu.vector_load %arg6[%get3A_1771] {strides = array<i32>} : memref<6280xf32, #tpu.memory_space<vmem>>, vector<16xf32>,
      %get3A_1773 = vector.shape_cast %get3A_1772 : vector<16xf32> to vector<16xf32>
      %swap3A_1774 = arith.index_cast %add3A_1556 : i32 to index
      %swap3A_1775 = arith.constant 240 : index
      %swap3A_1776 = tpu.vector_load %arg7[%swap3A_1774, %swap3A_1775] {strides = array<i32>} : memref<288x256xf32, #tpu.memory_space<vmem>>, vector<1x16xf32>,
      %swap3A_1777 = vector.shape_cast %swap3A_1776 : vector<1x16xf32> to vector<16xf32>
      %swap3A_1778 = vector.shape_cast %get3A_1773 : vector<16xf32> to vector<1x16xf32>
      tpu.vector_store %arg7[%swap3A_1774, %swap3A_1775], %swap3A_1778 {strides = array<i32>} : memref<288x256xf32, #tpu.memory_space<vmem>>, vector<1x16xf32>,
      %scan3A_1779 = arith.constant 0 : i32
      scf.yield %scan3A_1779 : i32
    }
    %scan3A_848 = arith.constant 32 : i32
    %mul3A_849 = arith.constant 9 : i32
    %mul3A_850 = arith.muli %add3A, %mul3A_849 : i32
    %add3A_851 = arith.constant 7 : i32
    %add3A_852 = arith.addi %mul3A_850, %add3A_851 : i32
    %shift_right_arithmetic3A_853 = arith.constant 5 : i32
    %shift_right_arithmetic3A_854 = arith.shrsi %add3A_852, %shift_right_arithmetic3A_853 : i32
    %and3A_855 = arith.constant 31 : i32
    %and3A_856 = arith.andi %add3A_852, %and3A_855 : i32
    %mul3A_857 = arith.constant 86 : i32
    %mul3A_858 = arith.muli %and3A_856, %mul3A_857 : i32
    %add3A_859 = arith.constant 2666 : i32
    %add3A_860 = arith.addi %add3A_859, %mul3A_858 : i32
    %mul3A_861 = arith.constant 86 : i32
    %mul3A_862 = arith.muli %shift_right_arithmetic3A_854, %mul3A_861 : i32
    %add3A_863 = arith.constant 5332 : i32
    %add3A_864 = arith.addi %add3A_863, %mul3A_862 : i32
    %scan3A_865 = arith.constant 0 : i32
    %scan3A_866 = arith.constant 0 : i32
    %scan3A_867 = arith.constant 32 : i32
    %scan3A_868 = arith.addi %scan3A_866, %scan3A_867 : i32
    %scan3A_869 = arith.constant 1 : i32
    %scan3A_870 = scf.for %scan3A_1551 = %scan3A_866 to %scan3A_868 step %scan3A_869 iter_args(%scan3A_1552 = %scan3A_865) -> (i32)  : i32 {
      %mul3A_1553 = arith.constant 86 : i32
      %mul3A_1554 = arith.muli %scan3A_1551, %mul3A_1553 : i32
      %add3A_1555 = arith.constant 224 : i32
      %add3A_1556 = arith.addi %add3A_1555, %scan3A_1551 : i32
      %add3A_1557 = arith.constant 0 : i32
      %add3A_1558 = vector.broadcast %add3A_1557 : i32 to vector<16xi32>
      %add3A_1559 = arith.addi %iota3A, %add3A_1558 : vector<16xi32>
      %add3A_1560 = arith.constant 0 : i32
      %add3A_1561 = arith.addi %mul3A_1554, %add3A_1560 : i32
      %get3A = arith.index_cast %add3A_1561 : i32 to index
      %get3A_1562 = tpu.vector_load %arg6[%get3A] {strides = array<i32>} : memref<6280xf32, #tpu.memory_space<vmem>>, vector<16xf32>,
      %get3A_1563 = vector.shape_cast %get3A_1562 : vector<16xf32> to vector<16xf32>
      %swap3A = arith.index_cast %add3A_1556 : i32 to index
      %swap3A_1564 = arith.constant 0 : index
      %swap3A_1565 = tpu.vector_load %arg7[%swap3A, %swap3A_1564] {strides = array<i32>} : memref<288x256xf32, #tpu.memory_space<vmem>>, vector<1x16xf32>,
      %swap3A_1566 = vector.shape_cast %swap3A_1565 : vector<1x16xf32> to vector<16xf32>
      %swap3A_1567 = vector.shape_cast %get3A_1563 : vector<16xf32> to vector<1x16xf32>
      tpu.vector_store %arg7[%swap3A, %swap3A_1564], %swap3A_1567 {strides = array<i32>} : memref<288x256xf32, #tpu.memory_space<vmem>>, vector<1x16xf32>,
      %add3A_1568 = arith.constant 16 : i32
      %add3A_1569 = vector.broadcast %add3A_1568 : i32 to vector<16xi32>
      %add3A_1570 = arith.addi %iota3A, %add3A_1569 : vector<16xi32>
      %add3A_1571 = arith.constant 16 : i32
      %add3A_1572 = arith.addi %mul3A_1554, %add3A_1571 : i32
      %get3A_1573 = arith.index_cast %add3A_1572 : i32 to index
      %get3A_1574 = tpu.vector_load %arg6[%get3A_1573] {strides = array<i32>} : memref<6280xf32, #tpu.memory_space<vmem>>, vector<16xf32>,
      %get3A_1575 = vector.shape_cast %get3A_1574 : vector<16xf32> to vector<16xf32>
      %swap3A_1576 = arith.index_cast %add3A_1556 : i32 to index
      %swap3A_1577 = arith.constant 16 : index
      %swap3A_1578 = tpu.vector_load %arg7[%swap3A_1576, %swap3A_1577] {strides = array<i32>} : memref<288x256xf32, #tpu.memory_space<vmem>>, vector<1x16xf32>,
      %swap3A_1579 = vector.shape_cast %swap3A_1578 : vector<1x16xf32> to vector<16xf32>
      %swap3A_1580 = vector.shape_cast %get3A_1575 : vector<16xf32> to vector<1x16xf32>
      tpu.vector_store %arg7[%swap3A_1576, %swap3A_1577], %swap3A_1580 {strides = array<i32>} : memref<288x256xf32, #tpu.memory_space<vmem>>, vector<1x16xf32>,
      %add3A_1581 = arith.constant 32 : i32
      %add3A_1582 = vector.broadcast %add3A_1581 : i32 to vector<16xi32>
      %add3A_1583 = arith.addi %iota3A, %add3A_1582 : vector<16xi32>
      %add3A_1584 = arith.constant 32 : i32
      %add3A_1585 = arith.addi %mul3A_1554, %add3A_1584 : i32
      %get3A_1586 = arith.index_cast %add3A_1585 : i32 to index
      %get3A_1587 = tpu.vector_load %arg6[%get3A_1586] {strides = array<i32>} : memref<6280xf32, #tpu.memory_space<vmem>>, vector<16xf32>,
      %get3A_1588 = vector.shape_cast %get3A_1587 : vector<16xf32> to vector<16xf32>
      %swap3A_1589 = arith.index_cast %add3A_1556 : i32 to index
      %swap3A_1590 = arith.constant 32 : index
      %swap3A_1591 = tpu.vector_load %arg7[%swap3A_1589, %swap3A_1590] {strides = array<i32>} : memref<288x256xf32, #tpu.memory_space<vmem>>, vector<1x16xf32>,
      %swap3A_1592 = vector.shape_cast %swap3A_1591 : vector<1x16xf32> to vector<16xf32>
      %swap3A_1593 = vector.shape_cast %get3A_1588 : vector<16xf32> to vector<1x16xf32>
      tpu.vector_store %arg7[%swap3A_1589, %swap3A_1590], %swap3A_1593 {strides = array<i32>} : memref<288x256xf32, #tpu.memory_space<vmem>>, vector<1x16xf32>,
      %add3A_1594 = arith.constant 48 : i32
      %add3A_1595 = vector.broadcast %add3A_1594 : i32 to vector<16xi32>
      %add3A_1596 = arith.addi %iota3A, %add3A_1595 : vector<16xi32>
      %add3A_1597 = arith.constant 48 : i32
      %add3A_1598 = arith.addi %mul3A_1554, %add3A_1597 : i32
      %get3A_1599 = arith.index_cast %add3A_1598 : i32 to index
      %get3A_1600 = tpu.vector_load %arg6[%get3A_1599] {strides = array<i32>} : memref<6280xf32, #tpu.memory_space<vmem>>, vector<16xf32>,
      %get3A_1601 = vector.shape_cast %get3A_1600 : vector<16xf32> to vector<16xf32>
      %swap3A_1602 = arith.index_cast %add3A_1556 : i32 to index
      %swap3A_1603 = arith.constant 48 : index
      %swap3A_1604 = tpu.vector_load %arg7[%swap3A_1602, %swap3A_1603] {strides = array<i32>} : memref<288x256xf32, #tpu.memory_space<vmem>>, vector<1x16xf32>,
      %swap3A_1605 = vector.shape_cast %swap3A_1604 : vector<1x16xf32> to vector<16xf32>
      %swap3A_1606 = vector.shape_cast %get3A_1601 : vector<16xf32> to vector<1x16xf32>
      tpu.vector_store %arg7[%swap3A_1602, %swap3A_1603], %swap3A_1606 {strides = array<i32>} : memref<288x256xf32, #tpu.memory_space<vmem>>, vector<1x16xf32>,
      %add3A_1607 = arith.constant 64 : i32
      %add3A_1608 = vector.broadcast %add3A_1607 : i32 to vector<16xi32>
      %add3A_1609 = arith.addi %iota3A, %add3A_1608 : vector<16xi32>
      %add3A_1610 = arith.constant 64 : i32
      %add3A_1611 = arith.addi %mul3A_1554, %add3A_1610 : i32
      %get3A_1612 = arith.index_cast %add3A_1611 : i32 to index
      %get3A_1613 = tpu.vector_load %arg6[%get3A_1612] {strides = array<i32>} : memref<6280xf32, #tpu.memory_space<vmem>>, vector<16xf32>,
      %get3A_1614 = vector.shape_cast %get3A_1613 : vector<16xf32> to vector<16xf32>
      %swap3A_1615 = arith.index_cast %add3A_1556 : i32 to index
      %swap3A_1616 = arith.constant 64 : index
      %swap3A_1617 = tpu.vector_load %arg7[%swap3A_1615, %swap3A_1616] {strides = array<i32>} : memref<288x256xf32, #tpu.memory_space<vmem>>, vector<1x16xf32>,
      %swap3A_1618 = vector.shape_cast %swap3A_1617 : vector<1x16xf32> to vector<16xf32>
      %swap3A_1619 = vector.shape_cast %get3A_1614 : vector<16xf32> to vector<1x16xf32>
      tpu.vector_store %arg7[%swap3A_1615, %swap3A_1616], %swap3A_1619 {strides = array<i32>} : memref<288x256xf32, #tpu.memory_space<vmem>>, vector<1x16xf32>,
      %add3A_1620 = arith.constant 80 : i32
      %add3A_1621 = vector.broadcast %add3A_1620 : i32 to vector<16xi32>
      %add3A_1622 = arith.addi %iota3A, %add3A_1621 : vector<16xi32>
      %add3A_1623 = arith.constant 80 : i32
      %add3A_1624 = arith.addi %mul3A_1554, %add3A_1623 : i32
      %get3A_1625 = arith.index_cast %add3A_1624 : i32 to index
      %get3A_1626 = tpu.vector_load %arg6[%get3A_1625] {strides = array<i32>} : memref<6280xf32, #tpu.memory_space<vmem>>, vector<16xf32>,
      %get3A_1627 = vector.shape_cast %get3A_1626 : vector<16xf32> to vector<16xf32>
      %add3A_1628 = arith.constant 80 : i32
      %add3A_1629 = arith.addi %add3A_860, %add3A_1628 : i32
      %get3A_1630 = arith.index_cast %add3A_1629 : i32 to index
      %get3A_1631 = tpu.vector_load %arg6[%get3A_1630] {strides = array<i32>} : memref<6280xf32, #tpu.memory_space<vmem>>, vector<16xf32>,
      %get3A_1632 = vector.shape_cast %get3A_1631 : vector<16xf32> to vector<16xf32>
      %lt3A = arith.constant 86 : i32
      %lt3A_1633 = vector.broadcast %lt3A : i32 to vector<16xi32>
      %lt3A_1634 = arith.cmpi slt, %add3A_1622, %lt3A_1633 : vector<16xi32>
      %select_n3A = arith.select %lt3A_1634, %get3A_1627, %get3A_1632 : vector<16xi1>, vector<16xf32>
      %swap3A_1635 = arith.index_cast %add3A_1556 : i32 to index
      %swap3A_1636 = arith.constant 80 : index
      %swap3A_1637 = tpu.vector_load %arg7[%swap3A_1635, %swap3A_1636] {strides = array<i32>} : memref<288x256xf32, #tpu.memory_space<vmem>>, vector<1x16xf32>,
      %swap3A_1638 = vector.shape_cast %swap3A_1637 : vector<1x16xf32> to vector<16xf32>
      %swap3A_1639 = vector.shape_cast %select_n3A : vector<16xf32> to vector<1x16xf32>
      tpu.vector_store %arg7[%swap3A_1635, %swap3A_1636], %swap3A_1639 {strides = array<i32>} : memref<288x256xf32, #tpu.memory_space<vmem>>, vector<1x16xf32>,
      %add3A_1640 = arith.constant 96 : i32
      %add3A_1641 = vector.broadcast %add3A_1640 : i32 to vector<16xi32>
      %add3A_1642 = arith.addi %iota3A, %add3A_1641 : vector<16xi32>
      %add3A_1643 = arith.constant 96 : i32
      %add3A_1644 = arith.addi %add3A_860, %add3A_1643 : i32
      %get3A_1645 = arith.index_cast %add3A_1644 : i32 to index
      %get3A_1646 = tpu.vector_load %arg6[%get3A_1645] {strides = array<i32>} : memref<6280xf32, #tpu.memory_space<vmem>>, vector<16xf32>,
      %get3A_1647 = vector.shape_cast %get3A_1646 : vector<16xf32> to vector<16xf32>
      %swap3A_1648 = arith.index_cast %add3A_1556 : i32 to index
      %swap3A_1649 = arith.constant 96 : index
      %swap3A_1650 = tpu.vector_load %arg7[%swap3A_1648, %swap3A_1649] {strides = array<i32>} : memref<288x256xf32, #tpu.memory_space<vmem>>, vector<1x16xf32>,
      %swap3A_1651 = vector.shape_cast %swap3A_1650 : vector<1x16xf32> to vector<16xf32>
      %swap3A_1652 = vector.shape_cast %get3A_1647 : vector<16xf32> to vector<1x16xf32>
      tpu.vector_store %arg7[%swap3A_1648, %swap3A_1649], %swap3A_1652 {strides = array<i32>} : memref<288x256xf32, #tpu.memory_space<vmem>>, vector<1x16xf32>,
      %add3A_1653 = arith.constant 112 : i32
      %add3A_1654 = vector.broadcast %add3A_1653 : i32 to vector<16xi32>
      %add3A_1655 = arith.addi %iota3A, %add3A_1654 : vector<16xi32>
      %add3A_1656 = arith.constant 112 : i32
      %add3A_1657 = arith.addi %add3A_860, %add3A_1656 : i32
      %get3A_1658 = arith.index_cast %add3A_1657 : i32 to index
      %get3A_1659 = tpu.vector_load %arg6[%get3A_1658] {strides = array<i32>} : memref<6280xf32, #tpu.memory_space<vmem>>, vector<16xf32>,
      %get3A_1660 = vector.shape_cast %get3A_1659 : vector<16xf32> to vector<16xf32>
      %swap3A_1661 = arith.index_cast %add3A_1556 : i32 to index
      %swap3A_1662 = arith.constant 112 : index
      %swap3A_1663 = tpu.vector_load %arg7[%swap3A_1661, %swap3A_1662] {strides = array<i32>} : memref<288x256xf32, #tpu.memory_space<vmem>>, vector<1x16xf32>,
      %swap3A_1664 = vector.shape_cast %swap3A_1663 : vector<1x16xf32> to vector<16xf32>
      %swap3A_1665 = vector.shape_cast %get3A_1660 : vector<16xf32> to vector<1x16xf32>
      tpu.vector_store %arg7[%swap3A_1661, %swap3A_1662], %swap3A_1665 {strides = array<i32>} : memref<288x256xf32, #tpu.memory_space<vmem>>, vector<1x16xf32>,
      %add3A_1666 = arith.constant 128 : i32
      %add3A_1667 = vector.broadcast %add3A_1666 : i32 to vector<16xi32>
      %add3A_1668 = arith.addi %iota3A, %add3A_1667 : vector<16xi32>
      %add3A_1669 = arith.constant 128 : i32
      %add3A_1670 = arith.addi %add3A_860, %add3A_1669 : i32
      %get3A_1671 = arith.index_cast %add3A_1670 : i32 to index
      %get3A_1672 = tpu.vector_load %arg6[%get3A_1671] {strides = array<i32>} : memref<6280xf32, #tpu.memory_space<vmem>>, vector<16xf32>,
      %get3A_1673 = vector.shape_cast %get3A_1672 : vector<16xf32> to vector<16xf32>
      %swap3A_1674 = arith.index_cast %add3A_1556 : i32 to index
      %swap3A_1675 = arith.constant 128 : index
      %swap3A_1676 = tpu.vector_load %arg7[%swap3A_1674, %swap3A_1675] {strides = array<i32>} : memref<288x256xf32, #tpu.memory_space<vmem>>, vector<1x16xf32>,
      %swap3A_1677 = vector.shape_cast %swap3A_1676 : vector<1x16xf32> to vector<16xf32>
      %swap3A_1678 = vector.shape_cast %get3A_1673 : vector<16xf32> to vector<1x16xf32>
      tpu.vector_store %arg7[%swap3A_1674, %swap3A_1675], %swap3A_1678 {strides = array<i32>} : memref<288x256xf32, #tpu.memory_space<vmem>>, vector<1x16xf32>,
      %add3A_1679 = arith.constant 144 : i32
      %add3A_1680 = vector.broadcast %add3A_1679 : i32 to vector<16xi32>
      %add3A_1681 = arith.addi %iota3A, %add3A_1680 : vector<16xi32>
      %add3A_1682 = arith.constant 144 : i32
      %add3A_1683 = arith.addi %add3A_860, %add3A_1682 : i32
      %get3A_1684 = arith.index_cast %add3A_1683 : i32 to index
      %get3A_1685 = tpu.vector_load %arg6[%get3A_1684] {strides = array<i32>} : memref<6280xf32, #tpu.memory_space<vmem>>, vector<16xf32>,
      %get3A_1686 = vector.shape_cast %get3A_1685 : vector<16xf32> to vector<16xf32>
      %swap3A_1687 = arith.index_cast %add3A_1556 : i32 to index
      %swap3A_1688 = arith.constant 144 : index
      %swap3A_1689 = tpu.vector_load %arg7[%swap3A_1687, %swap3A_1688] {strides = array<i32>} : memref<288x256xf32, #tpu.memory_space<vmem>>, vector<1x16xf32>,
      %swap3A_1690 = vector.shape_cast %swap3A_1689 : vector<1x16xf32> to vector<16xf32>
      %swap3A_1691 = vector.shape_cast %get3A_1686 : vector<16xf32> to vector<1x16xf32>
      tpu.vector_store %arg7[%swap3A_1687, %swap3A_1688], %swap3A_1691 {strides = array<i32>} : memref<288x256xf32, #tpu.memory_space<vmem>>, vector<1x16xf32>,
      %add3A_1692 = arith.constant 160 : i32
      %add3A_1693 = vector.broadcast %add3A_1692 : i32 to vector<16xi32>
      %add3A_1694 = arith.addi %iota3A, %add3A_1693 : vector<16xi32>
      %add3A_1695 = arith.constant 160 : i32
      %add3A_1696 = arith.addi %add3A_860, %add3A_1695 : i32
      %get3A_1697 = arith.index_cast %add3A_1696 : i32 to index
      %get3A_1698 = tpu.vector_load %arg6[%get3A_1697] {strides = array<i32>} : memref<6280xf32, #tpu.memory_space<vmem>>, vector<16xf32>,
      %get3A_1699 = vector.shape_cast %get3A_1698 : vector<16xf32> to vector<16xf32>
      %add3A_1700 = arith.constant 160 : i32
      %add3A_1701 = arith.addi %add3A_864, %add3A_1700 : i32
      %get3A_1702 = arith.index_cast %add3A_1701 : i32 to index
      %get3A_1703 = tpu.vector_load %arg6[%get3A_1702] {strides = array<i32>} : memref<6280xf32, #tpu.memory_space<vmem>>, vector<16xf32>,
      %get3A_1704 = vector.shape_cast %get3A_1703 : vector<16xf32> to vector<16xf32>
      %lt3A_1705 = arith.constant 172 : i32
      %lt3A_1706 = vector.broadcast %lt3A_1705 : i32 to vector<16xi32>
      %lt3A_1707 = arith.cmpi slt, %add3A_1694, %lt3A_1706 : vector<16xi32>
      %select_n3A_1708 = arith.select %lt3A_1707, %get3A_1699, %get3A_1704 : vector<16xi1>, vector<16xf32>
      %swap3A_1709 = arith.index_cast %add3A_1556 : i32 to index
      %swap3A_1710 = arith.constant 160 : index
      %swap3A_1711 = tpu.vector_load %arg7[%swap3A_1709, %swap3A_1710] {strides = array<i32>} : memref<288x256xf32, #tpu.memory_space<vmem>>, vector<1x16xf32>,
      %swap3A_1712 = vector.shape_cast %swap3A_1711 : vector<1x16xf32> to vector<16xf32>
      %swap3A_1713 = vector.shape_cast %select_n3A_1708 : vector<16xf32> to vector<1x16xf32>
      tpu.vector_store %arg7[%swap3A_1709, %swap3A_1710], %swap3A_1713 {strides = array<i32>} : memref<288x256xf32, #tpu.memory_space<vmem>>, vector<1x16xf32>,
      %add3A_1714 = arith.constant 176 : i32
      %add3A_1715 = vector.broadcast %add3A_1714 : i32 to vector<16xi32>
      %add3A_1716 = arith.addi %iota3A, %add3A_1715 : vector<16xi32>
      %add3A_1717 = arith.constant 176 : i32
      %add3A_1718 = arith.addi %add3A_864, %add3A_1717 : i32
      %get3A_1719 = arith.index_cast %add3A_1718 : i32 to index
      %get3A_1720 = tpu.vector_load %arg6[%get3A_1719] {strides = array<i32>} : memref<6280xf32, #tpu.memory_space<vmem>>, vector<16xf32>,
      %get3A_1721 = vector.shape_cast %get3A_1720 : vector<16xf32> to vector<16xf32>
      %swap3A_1722 = arith.index_cast %add3A_1556 : i32 to index
      %swap3A_1723 = arith.constant 176 : index
      %swap3A_1724 = tpu.vector_load %arg7[%swap3A_1722, %swap3A_1723] {strides = array<i32>} : memref<288x256xf32, #tpu.memory_space<vmem>>, vector<1x16xf32>,
      %swap3A_1725 = vector.shape_cast %swap3A_1724 : vector<1x16xf32> to vector<16xf32>
      %swap3A_1726 = vector.shape_cast %get3A_1721 : vector<16xf32> to vector<1x16xf32>
      tpu.vector_store %arg7[%swap3A_1722, %swap3A_1723], %swap3A_1726 {strides = array<i32>} : memref<288x256xf32, #tpu.memory_space<vmem>>, vector<1x16xf32>,
      %add3A_1727 = arith.constant 192 : i32
      %add3A_1728 = vector.broadcast %add3A_1727 : i32 to vector<16xi32>
      %add3A_1729 = arith.addi %iota3A, %add3A_1728 : vector<16xi32>
      %add3A_1730 = arith.constant 192 : i32
      %add3A_1731 = arith.addi %add3A_864, %add3A_1730 : i32
      %get3A_1732 = arith.index_cast %add3A_1731 : i32 to index
      %get3A_1733 = tpu.vector_load %arg6[%get3A_1732] {strides = array<i32>} : memref<6280xf32, #tpu.memory_space<vmem>>, vector<16xf32>,
      %get3A_1734 = vector.shape_cast %get3A_1733 : vector<16xf32> to vector<16xf32>
      %swap3A_1735 = arith.index_cast %add3A_1556 : i32 to index
      %swap3A_1736 = arith.constant 192 : index
      %swap3A_1737 = tpu.vector_load %arg7[%swap3A_1735, %swap3A_1736] {strides = array<i32>} : memref<288x256xf32, #tpu.memory_space<vmem>>, vector<1x16xf32>,
      %swap3A_1738 = vector.shape_cast %swap3A_1737 : vector<1x16xf32> to vector<16xf32>
      %swap3A_1739 = vector.shape_cast %get3A_1734 : vector<16xf32> to vector<1x16xf32>
      tpu.vector_store %arg7[%swap3A_1735, %swap3A_1736], %swap3A_1739 {strides = array<i32>} : memref<288x256xf32, #tpu.memory_space<vmem>>, vector<1x16xf32>,
      %add3A_1740 = arith.constant 208 : i32
      %add3A_1741 = vector.broadcast %add3A_1740 : i32 to vector<16xi32>
      %add3A_1742 = arith.addi %iota3A, %add3A_1741 : vector<16xi32>
      %add3A_1743 = arith.constant 208 : i32
      %add3A_1744 = arith.addi %add3A_864, %add3A_1743 : i32
      %get3A_1745 = arith.index_cast %add3A_1744 : i32 to index
      %get3A_1746 = tpu.vector_load %arg6[%get3A_1745] {strides = array<i32>} : memref<6280xf32, #tpu.memory_space<vmem>>, vector<16xf32>,
      %get3A_1747 = vector.shape_cast %get3A_1746 : vector<16xf32> to vector<16xf32>
      %swap3A_1748 = arith.index_cast %add3A_1556 : i32 to index
      %swap3A_1749 = arith.constant 208 : index
      %swap3A_1750 = tpu.vector_load %arg7[%swap3A_1748, %swap3A_1749] {strides = array<i32>} : memref<288x256xf32, #tpu.memory_space<vmem>>, vector<1x16xf32>,
      %swap3A_1751 = vector.shape_cast %swap3A_1750 : vector<1x16xf32> to vector<16xf32>
      %swap3A_1752 = vector.shape_cast %get3A_1747 : vector<16xf32> to vector<1x16xf32>
      tpu.vector_store %arg7[%swap3A_1748, %swap3A_1749], %swap3A_1752 {strides = array<i32>} : memref<288x256xf32, #tpu.memory_space<vmem>>, vector<1x16xf32>,
      %add3A_1753 = arith.constant 224 : i32
      %add3A_1754 = vector.broadcast %add3A_1753 : i32 to vector<16xi32>
      %add3A_1755 = arith.addi %iota3A, %add3A_1754 : vector<16xi32>
      %add3A_1756 = arith.constant 224 : i32
      %add3A_1757 = arith.addi %add3A_864, %add3A_1756 : i32
      %get3A_1758 = arith.index_cast %add3A_1757 : i32 to index
      %get3A_1759 = tpu.vector_load %arg6[%get3A_1758] {strides = array<i32>} : memref<6280xf32, #tpu.memory_space<vmem>>, vector<16xf32>,
      %get3A_1760 = vector.shape_cast %get3A_1759 : vector<16xf32> to vector<16xf32>
      %swap3A_1761 = arith.index_cast %add3A_1556 : i32 to index
      %swap3A_1762 = arith.constant 224 : index
      %swap3A_1763 = tpu.vector_load %arg7[%swap3A_1761, %swap3A_1762] {strides = array<i32>} : memref<288x256xf32, #tpu.memory_space<vmem>>, vector<1x16xf32>,
      %swap3A_1764 = vector.shape_cast %swap3A_1763 : vector<1x16xf32> to vector<16xf32>
      %swap3A_1765 = vector.shape_cast %get3A_1760 : vector<16xf32> to vector<1x16xf32>
      tpu.vector_store %arg7[%swap3A_1761, %swap3A_1762], %swap3A_1765 {strides = array<i32>} : memref<288x256xf32, #tpu.memory_space<vmem>>, vector<1x16xf32>,
      %add3A_1766 = arith.constant 240 : i32
      %add3A_1767 = vector.broadcast %add3A_1766 : i32 to vector<16xi32>
      %add3A_1768 = arith.addi %iota3A, %add3A_1767 : vector<16xi32>
      %add3A_1769 = arith.constant 240 : i32
      %add3A_1770 = arith.addi %add3A_864, %add3A_1769 : i32
      %get3A_1771 = arith.index_cast %add3A_1770 : i32 to index
      %get3A_1772 = tpu.vector_load %arg6[%get3A_1771] {strides = array<i32>} : memref<6280xf32, #tpu.memory_space<vmem>>, vector<16xf32>,
      %get3A_1773 = vector.shape_cast %get3A_1772 : vector<16xf32> to vector<16xf32>
      %swap3A_1774 = arith.index_cast %add3A_1556 : i32 to index
      %swap3A_1775 = arith.constant 240 : index
      %swap3A_1776 = tpu.vector_load %arg7[%swap3A_1774, %swap3A_1775] {strides = array<i32>} : memref<288x256xf32, #tpu.memory_space<vmem>>, vector<1x16xf32>,
      %swap3A_1777 = vector.shape_cast %swap3A_1776 : vector<1x16xf32> to vector<16xf32>
      %swap3A_1778 = vector.shape_cast %get3A_1773 : vector<16xf32> to vector<1x16xf32>
      tpu.vector_store %arg7[%swap3A_1774, %swap3A_1775], %swap3A_1778 {strides = array<i32>} : memref<288x256xf32, #tpu.memory_space<vmem>>, vector<1x16xf32>,
      %scan3A_1779 = arith.constant 0 : i32
      scf.yield %scan3A_1779 : i32
    }
    %scan3A_871 = arith.constant 32 : i32
    %mul3A_872 = arith.constant 9 : i32
    %mul3A_873 = arith.muli %add3A, %mul3A_872 : i32
    %add3A_874 = arith.constant 8 : i32
    %add3A_875 = arith.addi %mul3A_873, %add3A_874 : i32
    %shift_right_arithmetic3A_876 = arith.constant 5 : i32
    %shift_right_arithmetic3A_877 = arith.shrsi %add3A_875, %shift_right_arithmetic3A_876 : i32
    %and3A_878 = arith.constant 31 : i32
    %and3A_879 = arith.andi %add3A_875, %and3A_878 : i32
    %mul3A_880 = arith.constant 86 : i32
    %mul3A_881 = arith.muli %and3A_879, %mul3A_880 : i32
    %add3A_882 = arith.constant 2666 : i32
    %add3A_883 = arith.addi %add3A_882, %mul3A_881 : i32
    %mul3A_884 = arith.constant 86 : i32
    %mul3A_885 = arith.muli %shift_right_arithmetic3A_877, %mul3A_884 : i32
    %add3A_886 = arith.constant 5332 : i32
    %add3A_887 = arith.addi %add3A_886, %mul3A_885 : i32
    %scan3A_888 = arith.constant 0 : i32
    %scan3A_889 = arith.constant 0 : i32
    %scan3A_890 = arith.constant 32 : i32
    %scan3A_891 = arith.addi %scan3A_889, %scan3A_890 : i32
    %scan3A_892 = arith.constant 1 : i32
    %scan3A_893 = scf.for %scan3A_1551 = %scan3A_889 to %scan3A_891 step %scan3A_892 iter_args(%scan3A_1552 = %scan3A_888) -> (i32)  : i32 {
      %mul3A_1553 = arith.constant 86 : i32
      %mul3A_1554 = arith.muli %scan3A_1551, %mul3A_1553 : i32
      %add3A_1555 = arith.constant 256 : i32
      %add3A_1556 = arith.addi %add3A_1555, %scan3A_1551 : i32
      %add3A_1557 = arith.constant 0 : i32
      %add3A_1558 = vector.broadcast %add3A_1557 : i32 to vector<16xi32>
      %add3A_1559 = arith.addi %iota3A, %add3A_1558 : vector<16xi32>
      %add3A_1560 = arith.constant 0 : i32
      %add3A_1561 = arith.addi %mul3A_1554, %add3A_1560 : i32
      %get3A = arith.index_cast %add3A_1561 : i32 to index
      %get3A_1562 = tpu.vector_load %arg6[%get3A] {strides = array<i32>} : memref<6280xf32, #tpu.memory_space<vmem>>, vector<16xf32>,
      %get3A_1563 = vector.shape_cast %get3A_1562 : vector<16xf32> to vector<16xf32>
      %swap3A = arith.index_cast %add3A_1556 : i32 to index
      %swap3A_1564 = arith.constant 0 : index
      %swap3A_1565 = tpu.vector_load %arg7[%swap3A, %swap3A_1564] {strides = array<i32>} : memref<288x256xf32, #tpu.memory_space<vmem>>, vector<1x16xf32>,
      %swap3A_1566 = vector.shape_cast %swap3A_1565 : vector<1x16xf32> to vector<16xf32>
      %swap3A_1567 = vector.shape_cast %get3A_1563 : vector<16xf32> to vector<1x16xf32>
      tpu.vector_store %arg7[%swap3A, %swap3A_1564], %swap3A_1567 {strides = array<i32>} : memref<288x256xf32, #tpu.memory_space<vmem>>, vector<1x16xf32>,
      %add3A_1568 = arith.constant 16 : i32
      %add3A_1569 = vector.broadcast %add3A_1568 : i32 to vector<16xi32>
      %add3A_1570 = arith.addi %iota3A, %add3A_1569 : vector<16xi32>
      %add3A_1571 = arith.constant 16 : i32
      %add3A_1572 = arith.addi %mul3A_1554, %add3A_1571 : i32
      %get3A_1573 = arith.index_cast %add3A_1572 : i32 to index
      %get3A_1574 = tpu.vector_load %arg6[%get3A_1573] {strides = array<i32>} : memref<6280xf32, #tpu.memory_space<vmem>>, vector<16xf32>,
      %get3A_1575 = vector.shape_cast %get3A_1574 : vector<16xf32> to vector<16xf32>
      %swap3A_1576 = arith.index_cast %add3A_1556 : i32 to index
      %swap3A_1577 = arith.constant 16 : index
      %swap3A_1578 = tpu.vector_load %arg7[%swap3A_1576, %swap3A_1577] {strides = array<i32>} : memref<288x256xf32, #tpu.memory_space<vmem>>, vector<1x16xf32>,
      %swap3A_1579 = vector.shape_cast %swap3A_1578 : vector<1x16xf32> to vector<16xf32>
      %swap3A_1580 = vector.shape_cast %get3A_1575 : vector<16xf32> to vector<1x16xf32>
      tpu.vector_store %arg7[%swap3A_1576, %swap3A_1577], %swap3A_1580 {strides = array<i32>} : memref<288x256xf32, #tpu.memory_space<vmem>>, vector<1x16xf32>,
      %add3A_1581 = arith.constant 32 : i32
      %add3A_1582 = vector.broadcast %add3A_1581 : i32 to vector<16xi32>
      %add3A_1583 = arith.addi %iota3A, %add3A_1582 : vector<16xi32>
      %add3A_1584 = arith.constant 32 : i32
      %add3A_1585 = arith.addi %mul3A_1554, %add3A_1584 : i32
      %get3A_1586 = arith.index_cast %add3A_1585 : i32 to index
      %get3A_1587 = tpu.vector_load %arg6[%get3A_1586] {strides = array<i32>} : memref<6280xf32, #tpu.memory_space<vmem>>, vector<16xf32>,
      %get3A_1588 = vector.shape_cast %get3A_1587 : vector<16xf32> to vector<16xf32>
      %swap3A_1589 = arith.index_cast %add3A_1556 : i32 to index
      %swap3A_1590 = arith.constant 32 : index
      %swap3A_1591 = tpu.vector_load %arg7[%swap3A_1589, %swap3A_1590] {strides = array<i32>} : memref<288x256xf32, #tpu.memory_space<vmem>>, vector<1x16xf32>,
      %swap3A_1592 = vector.shape_cast %swap3A_1591 : vector<1x16xf32> to vector<16xf32>
      %swap3A_1593 = vector.shape_cast %get3A_1588 : vector<16xf32> to vector<1x16xf32>
      tpu.vector_store %arg7[%swap3A_1589, %swap3A_1590], %swap3A_1593 {strides = array<i32>} : memref<288x256xf32, #tpu.memory_space<vmem>>, vector<1x16xf32>,
      %add3A_1594 = arith.constant 48 : i32
      %add3A_1595 = vector.broadcast %add3A_1594 : i32 to vector<16xi32>
      %add3A_1596 = arith.addi %iota3A, %add3A_1595 : vector<16xi32>
      %add3A_1597 = arith.constant 48 : i32
      %add3A_1598 = arith.addi %mul3A_1554, %add3A_1597 : i32
      %get3A_1599 = arith.index_cast %add3A_1598 : i32 to index
      %get3A_1600 = tpu.vector_load %arg6[%get3A_1599] {strides = array<i32>} : memref<6280xf32, #tpu.memory_space<vmem>>, vector<16xf32>,
      %get3A_1601 = vector.shape_cast %get3A_1600 : vector<16xf32> to vector<16xf32>
      %swap3A_1602 = arith.index_cast %add3A_1556 : i32 to index
      %swap3A_1603 = arith.constant 48 : index
      %swap3A_1604 = tpu.vector_load %arg7[%swap3A_1602, %swap3A_1603] {strides = array<i32>} : memref<288x256xf32, #tpu.memory_space<vmem>>, vector<1x16xf32>,
      %swap3A_1605 = vector.shape_cast %swap3A_1604 : vector<1x16xf32> to vector<16xf32>
      %swap3A_1606 = vector.shape_cast %get3A_1601 : vector<16xf32> to vector<1x16xf32>
      tpu.vector_store %arg7[%swap3A_1602, %swap3A_1603], %swap3A_1606 {strides = array<i32>} : memref<288x256xf32, #tpu.memory_space<vmem>>, vector<1x16xf32>,
      %add3A_1607 = arith.constant 64 : i32
      %add3A_1608 = vector.broadcast %add3A_1607 : i32 to vector<16xi32>
      %add3A_1609 = arith.addi %iota3A, %add3A_1608 : vector<16xi32>
      %add3A_1610 = arith.constant 64 : i32
      %add3A_1611 = arith.addi %mul3A_1554, %add3A_1610 : i32
      %get3A_1612 = arith.index_cast %add3A_1611 : i32 to index
      %get3A_1613 = tpu.vector_load %arg6[%get3A_1612] {strides = array<i32>} : memref<6280xf32, #tpu.memory_space<vmem>>, vector<16xf32>,
      %get3A_1614 = vector.shape_cast %get3A_1613 : vector<16xf32> to vector<16xf32>
      %swap3A_1615 = arith.index_cast %add3A_1556 : i32 to index
      %swap3A_1616 = arith.constant 64 : index
      %swap3A_1617 = tpu.vector_load %arg7[%swap3A_1615, %swap3A_1616] {strides = array<i32>} : memref<288x256xf32, #tpu.memory_space<vmem>>, vector<1x16xf32>,
      %swap3A_1618 = vector.shape_cast %swap3A_1617 : vector<1x16xf32> to vector<16xf32>
      %swap3A_1619 = vector.shape_cast %get3A_1614 : vector<16xf32> to vector<1x16xf32>
      tpu.vector_store %arg7[%swap3A_1615, %swap3A_1616], %swap3A_1619 {strides = array<i32>} : memref<288x256xf32, #tpu.memory_space<vmem>>, vector<1x16xf32>,
      %add3A_1620 = arith.constant 80 : i32
      %add3A_1621 = vector.broadcast %add3A_1620 : i32 to vector<16xi32>
      %add3A_1622 = arith.addi %iota3A, %add3A_1621 : vector<16xi32>
      %add3A_1623 = arith.constant 80 : i32
      %add3A_1624 = arith.addi %mul3A_1554, %add3A_1623 : i32
      %get3A_1625 = arith.index_cast %add3A_1624 : i32 to index
      %get3A_1626 = tpu.vector_load %arg6[%get3A_1625] {strides = array<i32>} : memref<6280xf32, #tpu.memory_space<vmem>>, vector<16xf32>,
      %get3A_1627 = vector.shape_cast %get3A_1626 : vector<16xf32> to vector<16xf32>
      %add3A_1628 = arith.constant 80 : i32
      %add3A_1629 = arith.addi %add3A_883, %add3A_1628 : i32
      %get3A_1630 = arith.index_cast %add3A_1629 : i32 to index
      %get3A_1631 = tpu.vector_load %arg6[%get3A_1630] {strides = array<i32>} : memref<6280xf32, #tpu.memory_space<vmem>>, vector<16xf32>,
      %get3A_1632 = vector.shape_cast %get3A_1631 : vector<16xf32> to vector<16xf32>
      %lt3A = arith.constant 86 : i32
      %lt3A_1633 = vector.broadcast %lt3A : i32 to vector<16xi32>
      %lt3A_1634 = arith.cmpi slt, %add3A_1622, %lt3A_1633 : vector<16xi32>
      %select_n3A = arith.select %lt3A_1634, %get3A_1627, %get3A_1632 : vector<16xi1>, vector<16xf32>
      %swap3A_1635 = arith.index_cast %add3A_1556 : i32 to index
      %swap3A_1636 = arith.constant 80 : index
      %swap3A_1637 = tpu.vector_load %arg7[%swap3A_1635, %swap3A_1636] {strides = array<i32>} : memref<288x256xf32, #tpu.memory_space<vmem>>, vector<1x16xf32>,
      %swap3A_1638 = vector.shape_cast %swap3A_1637 : vector<1x16xf32> to vector<16xf32>
      %swap3A_1639 = vector.shape_cast %select_n3A : vector<16xf32> to vector<1x16xf32>
      tpu.vector_store %arg7[%swap3A_1635, %swap3A_1636], %swap3A_1639 {strides = array<i32>} : memref<288x256xf32, #tpu.memory_space<vmem>>, vector<1x16xf32>,
      %add3A_1640 = arith.constant 96 : i32
      %add3A_1641 = vector.broadcast %add3A_1640 : i32 to vector<16xi32>
      %add3A_1642 = arith.addi %iota3A, %add3A_1641 : vector<16xi32>
      %add3A_1643 = arith.constant 96 : i32
      %add3A_1644 = arith.addi %add3A_883, %add3A_1643 : i32
      %get3A_1645 = arith.index_cast %add3A_1644 : i32 to index
      %get3A_1646 = tpu.vector_load %arg6[%get3A_1645] {strides = array<i32>} : memref<6280xf32, #tpu.memory_space<vmem>>, vector<16xf32>,
      %get3A_1647 = vector.shape_cast %get3A_1646 : vector<16xf32> to vector<16xf32>
      %swap3A_1648 = arith.index_cast %add3A_1556 : i32 to index
      %swap3A_1649 = arith.constant 96 : index
      %swap3A_1650 = tpu.vector_load %arg7[%swap3A_1648, %swap3A_1649] {strides = array<i32>} : memref<288x256xf32, #tpu.memory_space<vmem>>, vector<1x16xf32>,
      %swap3A_1651 = vector.shape_cast %swap3A_1650 : vector<1x16xf32> to vector<16xf32>
      %swap3A_1652 = vector.shape_cast %get3A_1647 : vector<16xf32> to vector<1x16xf32>
      tpu.vector_store %arg7[%swap3A_1648, %swap3A_1649], %swap3A_1652 {strides = array<i32>} : memref<288x256xf32, #tpu.memory_space<vmem>>, vector<1x16xf32>,
      %add3A_1653 = arith.constant 112 : i32
      %add3A_1654 = vector.broadcast %add3A_1653 : i32 to vector<16xi32>
      %add3A_1655 = arith.addi %iota3A, %add3A_1654 : vector<16xi32>
      %add3A_1656 = arith.constant 112 : i32
      %add3A_1657 = arith.addi %add3A_883, %add3A_1656 : i32
      %get3A_1658 = arith.index_cast %add3A_1657 : i32 to index
      %get3A_1659 = tpu.vector_load %arg6[%get3A_1658] {strides = array<i32>} : memref<6280xf32, #tpu.memory_space<vmem>>, vector<16xf32>,
      %get3A_1660 = vector.shape_cast %get3A_1659 : vector<16xf32> to vector<16xf32>
      %swap3A_1661 = arith.index_cast %add3A_1556 : i32 to index
      %swap3A_1662 = arith.constant 112 : index
      %swap3A_1663 = tpu.vector_load %arg7[%swap3A_1661, %swap3A_1662] {strides = array<i32>} : memref<288x256xf32, #tpu.memory_space<vmem>>, vector<1x16xf32>,
      %swap3A_1664 = vector.shape_cast %swap3A_1663 : vector<1x16xf32> to vector<16xf32>
      %swap3A_1665 = vector.shape_cast %get3A_1660 : vector<16xf32> to vector<1x16xf32>
      tpu.vector_store %arg7[%swap3A_1661, %swap3A_1662], %swap3A_1665 {strides = array<i32>} : memref<288x256xf32, #tpu.memory_space<vmem>>, vector<1x16xf32>,
      %add3A_1666 = arith.constant 128 : i32
      %add3A_1667 = vector.broadcast %add3A_1666 : i32 to vector<16xi32>
      %add3A_1668 = arith.addi %iota3A, %add3A_1667 : vector<16xi32>
      %add3A_1669 = arith.constant 128 : i32
      %add3A_1670 = arith.addi %add3A_883, %add3A_1669 : i32
      %get3A_1671 = arith.index_cast %add3A_1670 : i32 to index
      %get3A_1672 = tpu.vector_load %arg6[%get3A_1671] {strides = array<i32>} : memref<6280xf32, #tpu.memory_space<vmem>>, vector<16xf32>,
      %get3A_1673 = vector.shape_cast %get3A_1672 : vector<16xf32> to vector<16xf32>
      %swap3A_1674 = arith.index_cast %add3A_1556 : i32 to index
      %swap3A_1675 = arith.constant 128 : index
      %swap3A_1676 = tpu.vector_load %arg7[%swap3A_1674, %swap3A_1675] {strides = array<i32>} : memref<288x256xf32, #tpu.memory_space<vmem>>, vector<1x16xf32>,
      %swap3A_1677 = vector.shape_cast %swap3A_1676 : vector<1x16xf32> to vector<16xf32>
      %swap3A_1678 = vector.shape_cast %get3A_1673 : vector<16xf32> to vector<1x16xf32>
      tpu.vector_store %arg7[%swap3A_1674, %swap3A_1675], %swap3A_1678 {strides = array<i32>} : memref<288x256xf32, #tpu.memory_space<vmem>>, vector<1x16xf32>,
      %add3A_1679 = arith.constant 144 : i32
      %add3A_1680 = vector.broadcast %add3A_1679 : i32 to vector<16xi32>
      %add3A_1681 = arith.addi %iota3A, %add3A_1680 : vector<16xi32>
      %add3A_1682 = arith.constant 144 : i32
      %add3A_1683 = arith.addi %add3A_883, %add3A_1682 : i32
      %get3A_1684 = arith.index_cast %add3A_1683 : i32 to index
      %get3A_1685 = tpu.vector_load %arg6[%get3A_1684] {strides = array<i32>} : memref<6280xf32, #tpu.memory_space<vmem>>, vector<16xf32>,
      %get3A_1686 = vector.shape_cast %get3A_1685 : vector<16xf32> to vector<16xf32>
      %swap3A_1687 = arith.index_cast %add3A_1556 : i32 to index
      %swap3A_1688 = arith.constant 144 : index
      %swap3A_1689 = tpu.vector_load %arg7[%swap3A_1687, %swap3A_1688] {strides = array<i32>} : memref<288x256xf32, #tpu.memory_space<vmem>>, vector<1x16xf32>,
      %swap3A_1690 = vector.shape_cast %swap3A_1689 : vector<1x16xf32> to vector<16xf32>
      %swap3A_1691 = vector.shape_cast %get3A_1686 : vector<16xf32> to vector<1x16xf32>
      tpu.vector_store %arg7[%swap3A_1687, %swap3A_1688], %swap3A_1691 {strides = array<i32>} : memref<288x256xf32, #tpu.memory_space<vmem>>, vector<1x16xf32>,
      %add3A_1692 = arith.constant 160 : i32
      %add3A_1693 = vector.broadcast %add3A_1692 : i32 to vector<16xi32>
      %add3A_1694 = arith.addi %iota3A, %add3A_1693 : vector<16xi32>
      %add3A_1695 = arith.constant 160 : i32
      %add3A_1696 = arith.addi %add3A_883, %add3A_1695 : i32
      %get3A_1697 = arith.index_cast %add3A_1696 : i32 to index
      %get3A_1698 = tpu.vector_load %arg6[%get3A_1697] {strides = array<i32>} : memref<6280xf32, #tpu.memory_space<vmem>>, vector<16xf32>,
      %get3A_1699 = vector.shape_cast %get3A_1698 : vector<16xf32> to vector<16xf32>
      %add3A_1700 = arith.constant 160 : i32
      %add3A_1701 = arith.addi %add3A_887, %add3A_1700 : i32
      %get3A_1702 = arith.index_cast %add3A_1701 : i32 to index
      %get3A_1703 = tpu.vector_load %arg6[%get3A_1702] {strides = array<i32>} : memref<6280xf32, #tpu.memory_space<vmem>>, vector<16xf32>,
      %get3A_1704 = vector.shape_cast %get3A_1703 : vector<16xf32> to vector<16xf32>
      %lt3A_1705 = arith.constant 172 : i32
      %lt3A_1706 = vector.broadcast %lt3A_1705 : i32 to vector<16xi32>
      %lt3A_1707 = arith.cmpi slt, %add3A_1694, %lt3A_1706 : vector<16xi32>
      %select_n3A_1708 = arith.select %lt3A_1707, %get3A_1699, %get3A_1704 : vector<16xi1>, vector<16xf32>
      %swap3A_1709 = arith.index_cast %add3A_1556 : i32 to index
      %swap3A_1710 = arith.constant 160 : index
      %swap3A_1711 = tpu.vector_load %arg7[%swap3A_1709, %swap3A_1710] {strides = array<i32>} : memref<288x256xf32, #tpu.memory_space<vmem>>, vector<1x16xf32>,
      %swap3A_1712 = vector.shape_cast %swap3A_1711 : vector<1x16xf32> to vector<16xf32>
      %swap3A_1713 = vector.shape_cast %select_n3A_1708 : vector<16xf32> to vector<1x16xf32>
      tpu.vector_store %arg7[%swap3A_1709, %swap3A_1710], %swap3A_1713 {strides = array<i32>} : memref<288x256xf32, #tpu.memory_space<vmem>>, vector<1x16xf32>,
      %add3A_1714 = arith.constant 176 : i32
      %add3A_1715 = vector.broadcast %add3A_1714 : i32 to vector<16xi32>
      %add3A_1716 = arith.addi %iota3A, %add3A_1715 : vector<16xi32>
      %add3A_1717 = arith.constant 176 : i32
      %add3A_1718 = arith.addi %add3A_887, %add3A_1717 : i32
      %get3A_1719 = arith.index_cast %add3A_1718 : i32 to index
      %get3A_1720 = tpu.vector_load %arg6[%get3A_1719] {strides = array<i32>} : memref<6280xf32, #tpu.memory_space<vmem>>, vector<16xf32>,
      %get3A_1721 = vector.shape_cast %get3A_1720 : vector<16xf32> to vector<16xf32>
      %swap3A_1722 = arith.index_cast %add3A_1556 : i32 to index
      %swap3A_1723 = arith.constant 176 : index
      %swap3A_1724 = tpu.vector_load %arg7[%swap3A_1722, %swap3A_1723] {strides = array<i32>} : memref<288x256xf32, #tpu.memory_space<vmem>>, vector<1x16xf32>,
      %swap3A_1725 = vector.shape_cast %swap3A_1724 : vector<1x16xf32> to vector<16xf32>
      %swap3A_1726 = vector.shape_cast %get3A_1721 : vector<16xf32> to vector<1x16xf32>
      tpu.vector_store %arg7[%swap3A_1722, %swap3A_1723], %swap3A_1726 {strides = array<i32>} : memref<288x256xf32, #tpu.memory_space<vmem>>, vector<1x16xf32>,
      %add3A_1727 = arith.constant 192 : i32
      %add3A_1728 = vector.broadcast %add3A_1727 : i32 to vector<16xi32>
      %add3A_1729 = arith.addi %iota3A, %add3A_1728 : vector<16xi32>
      %add3A_1730 = arith.constant 192 : i32
      %add3A_1731 = arith.addi %add3A_887, %add3A_1730 : i32
      %get3A_1732 = arith.index_cast %add3A_1731 : i32 to index
      %get3A_1733 = tpu.vector_load %arg6[%get3A_1732] {strides = array<i32>} : memref<6280xf32, #tpu.memory_space<vmem>>, vector<16xf32>,
      %get3A_1734 = vector.shape_cast %get3A_1733 : vector<16xf32> to vector<16xf32>
      %swap3A_1735 = arith.index_cast %add3A_1556 : i32 to index
      %swap3A_1736 = arith.constant 192 : index
      %swap3A_1737 = tpu.vector_load %arg7[%swap3A_1735, %swap3A_1736] {strides = array<i32>} : memref<288x256xf32, #tpu.memory_space<vmem>>, vector<1x16xf32>,
      %swap3A_1738 = vector.shape_cast %swap3A_1737 : vector<1x16xf32> to vector<16xf32>
      %swap3A_1739 = vector.shape_cast %get3A_1734 : vector<16xf32> to vector<1x16xf32>
      tpu.vector_store %arg7[%swap3A_1735, %swap3A_1736], %swap3A_1739 {strides = array<i32>} : memref<288x256xf32, #tpu.memory_space<vmem>>, vector<1x16xf32>,
      %add3A_1740 = arith.constant 208 : i32
      %add3A_1741 = vector.broadcast %add3A_1740 : i32 to vector<16xi32>
      %add3A_1742 = arith.addi %iota3A, %add3A_1741 : vector<16xi32>
      %add3A_1743 = arith.constant 208 : i32
      %add3A_1744 = arith.addi %add3A_887, %add3A_1743 : i32
      %get3A_1745 = arith.index_cast %add3A_1744 : i32 to index
      %get3A_1746 = tpu.vector_load %arg6[%get3A_1745] {strides = array<i32>} : memref<6280xf32, #tpu.memory_space<vmem>>, vector<16xf32>,
      %get3A_1747 = vector.shape_cast %get3A_1746 : vector<16xf32> to vector<16xf32>
      %swap3A_1748 = arith.index_cast %add3A_1556 : i32 to index
      %swap3A_1749 = arith.constant 208 : index
      %swap3A_1750 = tpu.vector_load %arg7[%swap3A_1748, %swap3A_1749] {strides = array<i32>} : memref<288x256xf32, #tpu.memory_space<vmem>>, vector<1x16xf32>,
      %swap3A_1751 = vector.shape_cast %swap3A_1750 : vector<1x16xf32> to vector<16xf32>
      %swap3A_1752 = vector.shape_cast %get3A_1747 : vector<16xf32> to vector<1x16xf32>
      tpu.vector_store %arg7[%swap3A_1748, %swap3A_1749], %swap3A_1752 {strides = array<i32>} : memref<288x256xf32, #tpu.memory_space<vmem>>, vector<1x16xf32>,
      %add3A_1753 = arith.constant 224 : i32
      %add3A_1754 = vector.broadcast %add3A_1753 : i32 to vector<16xi32>
      %add3A_1755 = arith.addi %iota3A, %add3A_1754 : vector<16xi32>
      %add3A_1756 = arith.constant 224 : i32
      %add3A_1757 = arith.addi %add3A_887, %add3A_1756 : i32
      %get3A_1758 = arith.index_cast %add3A_1757 : i32 to index
      %get3A_1759 = tpu.vector_load %arg6[%get3A_1758] {strides = array<i32>} : memref<6280xf32, #tpu.memory_space<vmem>>, vector<16xf32>,
      %get3A_1760 = vector.shape_cast %get3A_1759 : vector<16xf32> to vector<16xf32>
      %swap3A_1761 = arith.index_cast %add3A_1556 : i32 to index
      %swap3A_1762 = arith.constant 224 : index
      %swap3A_1763 = tpu.vector_load %arg7[%swap3A_1761, %swap3A_1762] {strides = array<i32>} : memref<288x256xf32, #tpu.memory_space<vmem>>, vector<1x16xf32>,
      %swap3A_1764 = vector.shape_cast %swap3A_1763 : vector<1x16xf32> to vector<16xf32>
      %swap3A_1765 = vector.shape_cast %get3A_1760 : vector<16xf32> to vector<1x16xf32>
      tpu.vector_store %arg7[%swap3A_1761, %swap3A_1762], %swap3A_1765 {strides = array<i32>} : memref<288x256xf32, #tpu.memory_space<vmem>>, vector<1x16xf32>,
      %add3A_1766 = arith.constant 240 : i32
      %add3A_1767 = vector.broadcast %add3A_1766 : i32 to vector<16xi32>
      %add3A_1768 = arith.addi %iota3A, %add3A_1767 : vector<16xi32>
      %add3A_1769 = arith.constant 240 : i32
      %add3A_1770 = arith.addi %add3A_887, %add3A_1769 : i32
      %get3A_1771 = arith.index_cast %add3A_1770 : i32 to index
      %get3A_1772 = tpu.vector_load %arg6[%get3A_1771] {strides = array<i32>} : memref<6280xf32, #tpu.memory_space<vmem>>, vector<16xf32>,
      %get3A_1773 = vector.shape_cast %get3A_1772 : vector<16xf32> to vector<16xf32>
      %swap3A_1774 = arith.index_cast %add3A_1556 : i32 to index
      %swap3A_1775 = arith.constant 240 : index
      %swap3A_1776 = tpu.vector_load %arg7[%swap3A_1774, %swap3A_1775] {strides = array<i32>} : memref<288x256xf32, #tpu.memory_space<vmem>>, vector<1x16xf32>,
      %swap3A_1777 = vector.shape_cast %swap3A_1776 : vector<1x16xf32> to vector<16xf32>
      %swap3A_1778 = vector.shape_cast %get3A_1773 : vector<16xf32> to vector<1x16xf32>
      tpu.vector_store %arg7[%swap3A_1774, %swap3A_1775], %swap3A_1778 {strides = array<i32>} : memref<288x256xf32, #tpu.memory_space<vmem>>, vector<1x16xf32>,
      %scan3A_1779 = arith.constant 0 : i32
      scf.yield %scan3A_1779 : i32
    }
    %scan3A_894 = arith.constant 32 : i32
    %add3A_895 = arith.constant 192 : i32
    %add3A_896 = arith.addi %mul3A_4, %add3A_895 : i32
    %dma_start3A_897 = arith.constant 0 : i32
    %dma_start3A_898 = arith.constant 192 : i32
    %dma_start3A_899 = arith.constant 0 : i32
    %dma_start3A_900 = tpu.memref_slice %arg7[%dma_start3A_898, %dma_start3A_899] : memref<288x256xf32, #tpu.memory_space<vmem>> -> memref<96x256xf32, #tpu.memory_space<vmem>>
    %dma_start3A_901 = arith.constant 0 : i32
    %dma_start3A_902 = tpu.memref_slice %arg5[%dma_start3A_897, %add3A_896, %dma_start3A_901] : memref<16x9216x256xf32, #tpu.memory_space<hbm>> -> memref<1x96x256xf32, #tpu.memory_space<hbm>>
    %dma_start3A_903 = tpu.memref_squeeze %dma_start3A_902 : memref<1x96x256xf32, #tpu.memory_space<hbm>> -> memref<96x256xf32, #tpu.memory_space<hbm>>
    %dma_start3A_904 = arith.constant 0 : i32
    %dma_start3A_905 = tpu.memref_slice %arg5[%dma_start3A_897, %add3A_896, %dma_start3A_904] : memref<16x9216x256xf32, #tpu.memory_space<hbm>> -> memref<1x96x256xf32, #tpu.memory_space<hbm>>
    %dma_start3A_906 = tpu.memref_squeeze %dma_start3A_905 : memref<1x96x256xf32, #tpu.memory_space<hbm>> -> memref<96x256xf32, #tpu.memory_space<hbm>>
    %dma_start3A_907 = arith.constant 192 : i32
    %dma_start3A_908 = arith.constant 0 : i32
    %dma_start3A_909 = tpu.memref_slice %arg7[%dma_start3A_907, %dma_start3A_908] : memref<288x256xf32, #tpu.memory_space<vmem>> -> memref<96x256xf32, #tpu.memory_space<vmem>>
    tpu.enqueue_dma source(%dma_start3A_909 : memref<96x256xf32, #tpu.memory_space<vmem>>) target(%dma_start3A_906 : memref<96x256xf32, #tpu.memory_space<hbm>>) target_semaphore(%arg8 : memref<!tpu.dma_semaphore, #tpu.memory_space<semaphore_mem>>)
    %add3A_910 = arith.constant 192 : i32
    %add3A_911 = arith.addi %mul3A_4, %add3A_910 : i32
    %dma_start3A_912 = arith.constant 1 : i32
    %dma_start3A_913 = arith.constant 192 : i32
    %dma_start3A_914 = arith.constant 0 : i32
    %dma_start3A_915 = tpu.memref_slice %arg7[%dma_start3A_913, %dma_start3A_914] : memref<288x256xf32, #tpu.memory_space<vmem>> -> memref<96x256xf32, #tpu.memory_space<vmem>>
    %dma_start3A_916 = arith.constant 0 : i32
    %dma_start3A_917 = tpu.memref_slice %arg5[%dma_start3A_912, %add3A_911, %dma_start3A_916] : memref<16x9216x256xf32, #tpu.memory_space<hbm>> -> memref<1x96x256xf32, #tpu.memory_space<hbm>>
    %dma_start3A_918 = tpu.memref_squeeze %dma_start3A_917 : memref<1x96x256xf32, #tpu.memory_space<hbm>> -> memref<96x256xf32, #tpu.memory_space<hbm>>
    %dma_start3A_919 = arith.constant 0 : i32
    %dma_start3A_920 = tpu.memref_slice %arg5[%dma_start3A_912, %add3A_911, %dma_start3A_919] : memref<16x9216x256xf32, #tpu.memory_space<hbm>> -> memref<1x96x256xf32, #tpu.memory_space<hbm>>
    %dma_start3A_921 = tpu.memref_squeeze %dma_start3A_920 : memref<1x96x256xf32, #tpu.memory_space<hbm>> -> memref<96x256xf32, #tpu.memory_space<hbm>>
    %dma_start3A_922 = arith.constant 192 : i32
    %dma_start3A_923 = arith.constant 0 : i32
    %dma_start3A_924 = tpu.memref_slice %arg7[%dma_start3A_922, %dma_start3A_923] : memref<288x256xf32, #tpu.memory_space<vmem>> -> memref<96x256xf32, #tpu.memory_space<vmem>>
    tpu.enqueue_dma source(%dma_start3A_924 : memref<96x256xf32, #tpu.memory_space<vmem>>) target(%dma_start3A_921 : memref<96x256xf32, #tpu.memory_space<hbm>>) target_semaphore(%arg8 : memref<!tpu.dma_semaphore, #tpu.memory_space<semaphore_mem>>)
    %add3A_925 = arith.constant 192 : i32
    %add3A_926 = arith.addi %mul3A_4, %add3A_925 : i32
    %dma_start3A_927 = arith.constant 2 : i32
    %dma_start3A_928 = arith.constant 192 : i32
    %dma_start3A_929 = arith.constant 0 : i32
    %dma_start3A_930 = tpu.memref_slice %arg7[%dma_start3A_928, %dma_start3A_929] : memref<288x256xf32, #tpu.memory_space<vmem>> -> memref<96x256xf32, #tpu.memory_space<vmem>>
    %dma_start3A_931 = arith.constant 0 : i32
    %dma_start3A_932 = tpu.memref_slice %arg5[%dma_start3A_927, %add3A_926, %dma_start3A_931] : memref<16x9216x256xf32, #tpu.memory_space<hbm>> -> memref<1x96x256xf32, #tpu.memory_space<hbm>>
    %dma_start3A_933 = tpu.memref_squeeze %dma_start3A_932 : memref<1x96x256xf32, #tpu.memory_space<hbm>> -> memref<96x256xf32, #tpu.memory_space<hbm>>
    %dma_start3A_934 = arith.constant 0 : i32
    %dma_start3A_935 = tpu.memref_slice %arg5[%dma_start3A_927, %add3A_926, %dma_start3A_934] : memref<16x9216x256xf32, #tpu.memory_space<hbm>> -> memref<1x96x256xf32, #tpu.memory_space<hbm>>
    %dma_start3A_936 = tpu.memref_squeeze %dma_start3A_935 : memref<1x96x256xf32, #tpu.memory_space<hbm>> -> memref<96x256xf32, #tpu.memory_space<hbm>>
    %dma_start3A_937 = arith.constant 192 : i32
    %dma_start3A_938 = arith.constant 0 : i32
    %dma_start3A_939 = tpu.memref_slice %arg7[%dma_start3A_937, %dma_start3A_938] : memref<288x256xf32, #tpu.memory_space<vmem>> -> memref<96x256xf32, #tpu.memory_space<vmem>>
    tpu.enqueue_dma source(%dma_start3A_939 : memref<96x256xf32, #tpu.memory_space<vmem>>) target(%dma_start3A_936 : memref<96x256xf32, #tpu.memory_space<hbm>>) target_semaphore(%arg8 : memref<!tpu.dma_semaphore, #tpu.memory_space<semaphore_mem>>)
    %add3A_940 = arith.constant 192 : i32
    %add3A_941 = arith.addi %mul3A_4, %add3A_940 : i32
    %dma_start3A_942 = arith.constant 3 : i32
    %dma_start3A_943 = arith.constant 192 : i32
    %dma_start3A_944 = arith.constant 0 : i32
    %dma_start3A_945 = tpu.memref_slice %arg7[%dma_start3A_943, %dma_start3A_944] : memref<288x256xf32, #tpu.memory_space<vmem>> -> memref<96x256xf32, #tpu.memory_space<vmem>>
    %dma_start3A_946 = arith.constant 0 : i32
    %dma_start3A_947 = tpu.memref_slice %arg5[%dma_start3A_942, %add3A_941, %dma_start3A_946] : memref<16x9216x256xf32, #tpu.memory_space<hbm>> -> memref<1x96x256xf32, #tpu.memory_space<hbm>>
    %dma_start3A_948 = tpu.memref_squeeze %dma_start3A_947 : memref<1x96x256xf32, #tpu.memory_space<hbm>> -> memref<96x256xf32, #tpu.memory_space<hbm>>
    %dma_start3A_949 = arith.constant 0 : i32
    %dma_start3A_950 = tpu.memref_slice %arg5[%dma_start3A_942, %add3A_941, %dma_start3A_949] : memref<16x9216x256xf32, #tpu.memory_space<hbm>> -> memref<1x96x256xf32, #tpu.memory_space<hbm>>
    %dma_start3A_951 = tpu.memref_squeeze %dma_start3A_950 : memref<1x96x256xf32, #tpu.memory_space<hbm>> -> memref<96x256xf32, #tpu.memory_space<hbm>>
    %dma_start3A_952 = arith.constant 192 : i32
    %dma_start3A_953 = arith.constant 0 : i32
    %dma_start3A_954 = tpu.memref_slice %arg7[%dma_start3A_952, %dma_start3A_953] : memref<288x256xf32, #tpu.memory_space<vmem>> -> memref<96x256xf32, #tpu.memory_space<vmem>>
    tpu.enqueue_dma source(%dma_start3A_954 : memref<96x256xf32, #tpu.memory_space<vmem>>) target(%dma_start3A_951 : memref<96x256xf32, #tpu.memory_space<hbm>>) target_semaphore(%arg8 : memref<!tpu.dma_semaphore, #tpu.memory_space<semaphore_mem>>)
    %add3A_955 = arith.constant 192 : i32
    %add3A_956 = arith.addi %mul3A_4, %add3A_955 : i32
    %dma_start3A_957 = arith.constant 4 : i32
    %dma_start3A_958 = arith.constant 192 : i32
    %dma_start3A_959 = arith.constant 0 : i32
    %dma_start3A_960 = tpu.memref_slice %arg7[%dma_start3A_958, %dma_start3A_959] : memref<288x256xf32, #tpu.memory_space<vmem>> -> memref<96x256xf32, #tpu.memory_space<vmem>>
    %dma_start3A_961 = arith.constant 0 : i32
    %dma_start3A_962 = tpu.memref_slice %arg5[%dma_start3A_957, %add3A_956, %dma_start3A_961] : memref<16x9216x256xf32, #tpu.memory_space<hbm>> -> memref<1x96x256xf32, #tpu.memory_space<hbm>>
    %dma_start3A_963 = tpu.memref_squeeze %dma_start3A_962 : memref<1x96x256xf32, #tpu.memory_space<hbm>> -> memref<96x256xf32, #tpu.memory_space<hbm>>
    %dma_start3A_964 = arith.constant 0 : i32
    %dma_start3A_965 = tpu.memref_slice %arg5[%dma_start3A_957, %add3A_956, %dma_start3A_964] : memref<16x9216x256xf32, #tpu.memory_space<hbm>> -> memref<1x96x256xf32, #tpu.memory_space<hbm>>
    %dma_start3A_966 = tpu.memref_squeeze %dma_start3A_965 : memref<1x96x256xf32, #tpu.memory_space<hbm>> -> memref<96x256xf32, #tpu.memory_space<hbm>>
    %dma_start3A_967 = arith.constant 192 : i32
    %dma_start3A_968 = arith.constant 0 : i32
    %dma_start3A_969 = tpu.memref_slice %arg7[%dma_start3A_967, %dma_start3A_968] : memref<288x256xf32, #tpu.memory_space<vmem>> -> memref<96x256xf32, #tpu.memory_space<vmem>>
    tpu.enqueue_dma source(%dma_start3A_969 : memref<96x256xf32, #tpu.memory_space<vmem>>) target(%dma_start3A_966 : memref<96x256xf32, #tpu.memory_space<hbm>>) target_semaphore(%arg8 : memref<!tpu.dma_semaphore, #tpu.memory_space<semaphore_mem>>)
    %add3A_970 = arith.constant 192 : i32
    %add3A_971 = arith.addi %mul3A_4, %add3A_970 : i32
    %dma_start3A_972 = arith.constant 5 : i32
    %dma_start3A_973 = arith.constant 192 : i32
    %dma_start3A_974 = arith.constant 0 : i32
    %dma_start3A_975 = tpu.memref_slice %arg7[%dma_start3A_973, %dma_start3A_974] : memref<288x256xf32, #tpu.memory_space<vmem>> -> memref<96x256xf32, #tpu.memory_space<vmem>>
    %dma_start3A_976 = arith.constant 0 : i32
    %dma_start3A_977 = tpu.memref_slice %arg5[%dma_start3A_972, %add3A_971, %dma_start3A_976] : memref<16x9216x256xf32, #tpu.memory_space<hbm>> -> memref<1x96x256xf32, #tpu.memory_space<hbm>>
    %dma_start3A_978 = tpu.memref_squeeze %dma_start3A_977 : memref<1x96x256xf32, #tpu.memory_space<hbm>> -> memref<96x256xf32, #tpu.memory_space<hbm>>
    %dma_start3A_979 = arith.constant 0 : i32
    %dma_start3A_980 = tpu.memref_slice %arg5[%dma_start3A_972, %add3A_971, %dma_start3A_979] : memref<16x9216x256xf32, #tpu.memory_space<hbm>> -> memref<1x96x256xf32, #tpu.memory_space<hbm>>
    %dma_start3A_981 = tpu.memref_squeeze %dma_start3A_980 : memref<1x96x256xf32, #tpu.memory_space<hbm>> -> memref<96x256xf32, #tpu.memory_space<hbm>>
    %dma_start3A_982 = arith.constant 192 : i32
    %dma_start3A_983 = arith.constant 0 : i32
    %dma_start3A_984 = tpu.memref_slice %arg7[%dma_start3A_982, %dma_start3A_983] : memref<288x256xf32, #tpu.memory_space<vmem>> -> memref<96x256xf32, #tpu.memory_space<vmem>>
    tpu.enqueue_dma source(%dma_start3A_984 : memref<96x256xf32, #tpu.memory_space<vmem>>) target(%dma_start3A_981 : memref<96x256xf32, #tpu.memory_space<hbm>>) target_semaphore(%arg8 : memref<!tpu.dma_semaphore, #tpu.memory_space<semaphore_mem>>)
    %add3A_985 = arith.constant 192 : i32
    %add3A_986 = arith.addi %mul3A_4, %add3A_985 : i32
    %dma_start3A_987 = arith.constant 6 : i32
    %dma_start3A_988 = arith.constant 192 : i32
    %dma_start3A_989 = arith.constant 0 : i32
    %dma_start3A_990 = tpu.memref_slice %arg7[%dma_start3A_988, %dma_start3A_989] : memref<288x256xf32, #tpu.memory_space<vmem>> -> memref<96x256xf32, #tpu.memory_space<vmem>>
    %dma_start3A_991 = arith.constant 0 : i32
    %dma_start3A_992 = tpu.memref_slice %arg5[%dma_start3A_987, %add3A_986, %dma_start3A_991] : memref<16x9216x256xf32, #tpu.memory_space<hbm>> -> memref<1x96x256xf32, #tpu.memory_space<hbm>>
    %dma_start3A_993 = tpu.memref_squeeze %dma_start3A_992 : memref<1x96x256xf32, #tpu.memory_space<hbm>> -> memref<96x256xf32, #tpu.memory_space<hbm>>
    %dma_start3A_994 = arith.constant 0 : i32
    %dma_start3A_995 = tpu.memref_slice %arg5[%dma_start3A_987, %add3A_986, %dma_start3A_994] : memref<16x9216x256xf32, #tpu.memory_space<hbm>> -> memref<1x96x256xf32, #tpu.memory_space<hbm>>
    %dma_start3A_996 = tpu.memref_squeeze %dma_start3A_995 : memref<1x96x256xf32, #tpu.memory_space<hbm>> -> memref<96x256xf32, #tpu.memory_space<hbm>>
    %dma_start3A_997 = arith.constant 192 : i32
    %dma_start3A_998 = arith.constant 0 : i32
    %dma_start3A_999 = tpu.memref_slice %arg7[%dma_start3A_997, %dma_start3A_998] : memref<288x256xf32, #tpu.memory_space<vmem>> -> memref<96x256xf32, #tpu.memory_space<vmem>>
    tpu.enqueue_dma source(%dma_start3A_999 : memref<96x256xf32, #tpu.memory_space<vmem>>) target(%dma_start3A_996 : memref<96x256xf32, #tpu.memory_space<hbm>>) target_semaphore(%arg8 : memref<!tpu.dma_semaphore, #tpu.memory_space<semaphore_mem>>)
    %add3A_1000 = arith.constant 192 : i32
    %add3A_1001 = arith.addi %mul3A_4, %add3A_1000 : i32
    %dma_start3A_1002 = arith.constant 7 : i32
    %dma_start3A_1003 = arith.constant 192 : i32
    %dma_start3A_1004 = arith.constant 0 : i32
    %dma_start3A_1005 = tpu.memref_slice %arg7[%dma_start3A_1003, %dma_start3A_1004] : memref<288x256xf32, #tpu.memory_space<vmem>> -> memref<96x256xf32, #tpu.memory_space<vmem>>
    %dma_start3A_1006 = arith.constant 0 : i32
    %dma_start3A_1007 = tpu.memref_slice %arg5[%dma_start3A_1002, %add3A_1001, %dma_start3A_1006] : memref<16x9216x256xf32, #tpu.memory_space<hbm>> -> memref<1x96x256xf32, #tpu.memory_space<hbm>>
    %dma_start3A_1008 = tpu.memref_squeeze %dma_start3A_1007 : memref<1x96x256xf32, #tpu.memory_space<hbm>> -> memref<96x256xf32, #tpu.memory_space<hbm>>
    %dma_start3A_1009 = arith.constant 0 : i32
    %dma_start3A_1010 = tpu.memref_slice %arg5[%dma_start3A_1002, %add3A_1001, %dma_start3A_1009] : memref<16x9216x256xf32, #tpu.memory_space<hbm>> -> memref<1x96x256xf32, #tpu.memory_space<hbm>>
    %dma_start3A_1011 = tpu.memref_squeeze %dma_start3A_1010 : memref<1x96x256xf32, #tpu.memory_space<hbm>> -> memref<96x256xf32, #tpu.memory_space<hbm>>
    %dma_start3A_1012 = arith.constant 192 : i32
    %dma_start3A_1013 = arith.constant 0 : i32
    %dma_start3A_1014 = tpu.memref_slice %arg7[%dma_start3A_1012, %dma_start3A_1013] : memref<288x256xf32, #tpu.memory_space<vmem>> -> memref<96x256xf32, #tpu.memory_space<vmem>>
    tpu.enqueue_dma source(%dma_start3A_1014 : memref<96x256xf32, #tpu.memory_space<vmem>>) target(%dma_start3A_1011 : memref<96x256xf32, #tpu.memory_space<hbm>>) target_semaphore(%arg8 : memref<!tpu.dma_semaphore, #tpu.memory_space<semaphore_mem>>)
    %add3A_1015 = arith.constant 192 : i32
    %add3A_1016 = arith.addi %mul3A_4, %add3A_1015 : i32
    %dma_start3A_1017 = arith.constant 8 : i32
    %dma_start3A_1018 = arith.constant 192 : i32
    %dma_start3A_1019 = arith.constant 0 : i32
    %dma_start3A_1020 = tpu.memref_slice %arg7[%dma_start3A_1018, %dma_start3A_1019] : memref<288x256xf32, #tpu.memory_space<vmem>> -> memref<96x256xf32, #tpu.memory_space<vmem>>
    %dma_start3A_1021 = arith.constant 0 : i32
    %dma_start3A_1022 = tpu.memref_slice %arg5[%dma_start3A_1017, %add3A_1016, %dma_start3A_1021] : memref<16x9216x256xf32, #tpu.memory_space<hbm>> -> memref<1x96x256xf32, #tpu.memory_space<hbm>>
    %dma_start3A_1023 = tpu.memref_squeeze %dma_start3A_1022 : memref<1x96x256xf32, #tpu.memory_space<hbm>> -> memref<96x256xf32, #tpu.memory_space<hbm>>
    %dma_start3A_1024 = arith.constant 0 : i32
    %dma_start3A_1025 = tpu.memref_slice %arg5[%dma_start3A_1017, %add3A_1016, %dma_start3A_1024] : memref<16x9216x256xf32, #tpu.memory_space<hbm>> -> memref<1x96x256xf32, #tpu.memory_space<hbm>>
    %dma_start3A_1026 = tpu.memref_squeeze %dma_start3A_1025 : memref<1x96x256xf32, #tpu.memory_space<hbm>> -> memref<96x256xf32, #tpu.memory_space<hbm>>
    %dma_start3A_1027 = arith.constant 192 : i32
    %dma_start3A_1028 = arith.constant 0 : i32
    %dma_start3A_1029 = tpu.memref_slice %arg7[%dma_start3A_1027, %dma_start3A_1028] : memref<288x256xf32, #tpu.memory_space<vmem>> -> memref<96x256xf32, #tpu.memory_space<vmem>>
    tpu.enqueue_dma source(%dma_start3A_1029 : memref<96x256xf32, #tpu.memory_space<vmem>>) target(%dma_start3A_1026 : memref<96x256xf32, #tpu.memory_space<hbm>>) target_semaphore(%arg8 : memref<!tpu.dma_semaphore, #tpu.memory_space<semaphore_mem>>)
    %add3A_1030 = arith.constant 192 : i32
    %add3A_1031 = arith.addi %mul3A_4, %add3A_1030 : i32
    %dma_start3A_1032 = arith.constant 9 : i32
    %dma_start3A_1033 = arith.constant 192 : i32
    %dma_start3A_1034 = arith.constant 0 : i32
    %dma_start3A_1035 = tpu.memref_slice %arg7[%dma_start3A_1033, %dma_start3A_1034] : memref<288x256xf32, #tpu.memory_space<vmem>> -> memref<96x256xf32, #tpu.memory_space<vmem>>
    %dma_start3A_1036 = arith.constant 0 : i32
    %dma_start3A_1037 = tpu.memref_slice %arg5[%dma_start3A_1032, %add3A_1031, %dma_start3A_1036] : memref<16x9216x256xf32, #tpu.memory_space<hbm>> -> memref<1x96x256xf32, #tpu.memory_space<hbm>>
    %dma_start3A_1038 = tpu.memref_squeeze %dma_start3A_1037 : memref<1x96x256xf32, #tpu.memory_space<hbm>> -> memref<96x256xf32, #tpu.memory_space<hbm>>
    %dma_start3A_1039 = arith.constant 0 : i32
    %dma_start3A_1040 = tpu.memref_slice %arg5[%dma_start3A_1032, %add3A_1031, %dma_start3A_1039] : memref<16x9216x256xf32, #tpu.memory_space<hbm>> -> memref<1x96x256xf32, #tpu.memory_space<hbm>>
    %dma_start3A_1041 = tpu.memref_squeeze %dma_start3A_1040 : memref<1x96x256xf32, #tpu.memory_space<hbm>> -> memref<96x256xf32, #tpu.memory_space<hbm>>
    %dma_start3A_1042 = arith.constant 192 : i32
    %dma_start3A_1043 = arith.constant 0 : i32
    %dma_start3A_1044 = tpu.memref_slice %arg7[%dma_start3A_1042, %dma_start3A_1043] : memref<288x256xf32, #tpu.memory_space<vmem>> -> memref<96x256xf32, #tpu.memory_space<vmem>>
    tpu.enqueue_dma source(%dma_start3A_1044 : memref<96x256xf32, #tpu.memory_space<vmem>>) target(%dma_start3A_1041 : memref<96x256xf32, #tpu.memory_space<hbm>>) target_semaphore(%arg8 : memref<!tpu.dma_semaphore, #tpu.memory_space<semaphore_mem>>)
    %add3A_1045 = arith.constant 192 : i32
    %add3A_1046 = arith.addi %mul3A_4, %add3A_1045 : i32
    %dma_start3A_1047 = arith.constant 10 : i32
    %dma_start3A_1048 = arith.constant 192 : i32
    %dma_start3A_1049 = arith.constant 0 : i32
    %dma_start3A_1050 = tpu.memref_slice %arg7[%dma_start3A_1048, %dma_start3A_1049] : memref<288x256xf32, #tpu.memory_space<vmem>> -> memref<96x256xf32, #tpu.memory_space<vmem>>
    %dma_start3A_1051 = arith.constant 0 : i32
    %dma_start3A_1052 = tpu.memref_slice %arg5[%dma_start3A_1047, %add3A_1046, %dma_start3A_1051] : memref<16x9216x256xf32, #tpu.memory_space<hbm>> -> memref<1x96x256xf32, #tpu.memory_space<hbm>>
    %dma_start3A_1053 = tpu.memref_squeeze %dma_start3A_1052 : memref<1x96x256xf32, #tpu.memory_space<hbm>> -> memref<96x256xf32, #tpu.memory_space<hbm>>
    %dma_start3A_1054 = arith.constant 0 : i32
    %dma_start3A_1055 = tpu.memref_slice %arg5[%dma_start3A_1047, %add3A_1046, %dma_start3A_1054] : memref<16x9216x256xf32, #tpu.memory_space<hbm>> -> memref<1x96x256xf32, #tpu.memory_space<hbm>>
    %dma_start3A_1056 = tpu.memref_squeeze %dma_start3A_1055 : memref<1x96x256xf32, #tpu.memory_space<hbm>> -> memref<96x256xf32, #tpu.memory_space<hbm>>
    %dma_start3A_1057 = arith.constant 192 : i32
    %dma_start3A_1058 = arith.constant 0 : i32
    %dma_start3A_1059 = tpu.memref_slice %arg7[%dma_start3A_1057, %dma_start3A_1058] : memref<288x256xf32, #tpu.memory_space<vmem>> -> memref<96x256xf32, #tpu.memory_space<vmem>>
    tpu.enqueue_dma source(%dma_start3A_1059 : memref<96x256xf32, #tpu.memory_space<vmem>>) target(%dma_start3A_1056 : memref<96x256xf32, #tpu.memory_space<hbm>>) target_semaphore(%arg8 : memref<!tpu.dma_semaphore, #tpu.memory_space<semaphore_mem>>)
    %add3A_1060 = arith.constant 192 : i32
    %add3A_1061 = arith.addi %mul3A_4, %add3A_1060 : i32
    %dma_start3A_1062 = arith.constant 11 : i32
    %dma_start3A_1063 = arith.constant 192 : i32
    %dma_start3A_1064 = arith.constant 0 : i32
    %dma_start3A_1065 = tpu.memref_slice %arg7[%dma_start3A_1063, %dma_start3A_1064] : memref<288x256xf32, #tpu.memory_space<vmem>> -> memref<96x256xf32, #tpu.memory_space<vmem>>
    %dma_start3A_1066 = arith.constant 0 : i32
    %dma_start3A_1067 = tpu.memref_slice %arg5[%dma_start3A_1062, %add3A_1061, %dma_start3A_1066] : memref<16x9216x256xf32, #tpu.memory_space<hbm>> -> memref<1x96x256xf32, #tpu.memory_space<hbm>>
    %dma_start3A_1068 = tpu.memref_squeeze %dma_start3A_1067 : memref<1x96x256xf32, #tpu.memory_space<hbm>> -> memref<96x256xf32, #tpu.memory_space<hbm>>
    %dma_start3A_1069 = arith.constant 0 : i32
    %dma_start3A_1070 = tpu.memref_slice %arg5[%dma_start3A_1062, %add3A_1061, %dma_start3A_1069] : memref<16x9216x256xf32, #tpu.memory_space<hbm>> -> memref<1x96x256xf32, #tpu.memory_space<hbm>>
    %dma_start3A_1071 = tpu.memref_squeeze %dma_start3A_1070 : memref<1x96x256xf32, #tpu.memory_space<hbm>> -> memref<96x256xf32, #tpu.memory_space<hbm>>
    %dma_start3A_1072 = arith.constant 192 : i32
    %dma_start3A_1073 = arith.constant 0 : i32
    %dma_start3A_1074 = tpu.memref_slice %arg7[%dma_start3A_1072, %dma_start3A_1073] : memref<288x256xf32, #tpu.memory_space<vmem>> -> memref<96x256xf32, #tpu.memory_space<vmem>>
    tpu.enqueue_dma source(%dma_start3A_1074 : memref<96x256xf32, #tpu.memory_space<vmem>>) target(%dma_start3A_1071 : memref<96x256xf32, #tpu.memory_space<hbm>>) target_semaphore(%arg8 : memref<!tpu.dma_semaphore, #tpu.memory_space<semaphore_mem>>)
    %add3A_1075 = arith.constant 192 : i32
    %add3A_1076 = arith.addi %mul3A_4, %add3A_1075 : i32
    %dma_start3A_1077 = arith.constant 12 : i32
    %dma_start3A_1078 = arith.constant 192 : i32
    %dma_start3A_1079 = arith.constant 0 : i32
    %dma_start3A_1080 = tpu.memref_slice %arg7[%dma_start3A_1078, %dma_start3A_1079] : memref<288x256xf32, #tpu.memory_space<vmem>> -> memref<96x256xf32, #tpu.memory_space<vmem>>
    %dma_start3A_1081 = arith.constant 0 : i32
    %dma_start3A_1082 = tpu.memref_slice %arg5[%dma_start3A_1077, %add3A_1076, %dma_start3A_1081] : memref<16x9216x256xf32, #tpu.memory_space<hbm>> -> memref<1x96x256xf32, #tpu.memory_space<hbm>>
    %dma_start3A_1083 = tpu.memref_squeeze %dma_start3A_1082 : memref<1x96x256xf32, #tpu.memory_space<hbm>> -> memref<96x256xf32, #tpu.memory_space<hbm>>
    %dma_start3A_1084 = arith.constant 0 : i32
    %dma_start3A_1085 = tpu.memref_slice %arg5[%dma_start3A_1077, %add3A_1076, %dma_start3A_1084] : memref<16x9216x256xf32, #tpu.memory_space<hbm>> -> memref<1x96x256xf32, #tpu.memory_space<hbm>>
    %dma_start3A_1086 = tpu.memref_squeeze %dma_start3A_1085 : memref<1x96x256xf32, #tpu.memory_space<hbm>> -> memref<96x256xf32, #tpu.memory_space<hbm>>
    %dma_start3A_1087 = arith.constant 192 : i32
    %dma_start3A_1088 = arith.constant 0 : i32
    %dma_start3A_1089 = tpu.memref_slice %arg7[%dma_start3A_1087, %dma_start3A_1088] : memref<288x256xf32, #tpu.memory_space<vmem>> -> memref<96x256xf32, #tpu.memory_space<vmem>>
    tpu.enqueue_dma source(%dma_start3A_1089 : memref<96x256xf32, #tpu.memory_space<vmem>>) target(%dma_start3A_1086 : memref<96x256xf32, #tpu.memory_space<hbm>>) target_semaphore(%arg8 : memref<!tpu.dma_semaphore, #tpu.memory_space<semaphore_mem>>)
    %add3A_1090 = arith.constant 192 : i32
    %add3A_1091 = arith.addi %mul3A_4, %add3A_1090 : i32
    %dma_start3A_1092 = arith.constant 13 : i32
    %dma_start3A_1093 = arith.constant 192 : i32
    %dma_start3A_1094 = arith.constant 0 : i32
    %dma_start3A_1095 = tpu.memref_slice %arg7[%dma_start3A_1093, %dma_start3A_1094] : memref<288x256xf32, #tpu.memory_space<vmem>> -> memref<96x256xf32, #tpu.memory_space<vmem>>
    %dma_start3A_1096 = arith.constant 0 : i32
    %dma_start3A_1097 = tpu.memref_slice %arg5[%dma_start3A_1092, %add3A_1091, %dma_start3A_1096] : memref<16x9216x256xf32, #tpu.memory_space<hbm>> -> memref<1x96x256xf32, #tpu.memory_space<hbm>>
    %dma_start3A_1098 = tpu.memref_squeeze %dma_start3A_1097 : memref<1x96x256xf32, #tpu.memory_space<hbm>> -> memref<96x256xf32, #tpu.memory_space<hbm>>
    %dma_start3A_1099 = arith.constant 0 : i32
    %dma_start3A_1100 = tpu.memref_slice %arg5[%dma_start3A_1092, %add3A_1091, %dma_start3A_1099] : memref<16x9216x256xf32, #tpu.memory_space<hbm>> -> memref<1x96x256xf32, #tpu.memory_space<hbm>>
    %dma_start3A_1101 = tpu.memref_squeeze %dma_start3A_1100 : memref<1x96x256xf32, #tpu.memory_space<hbm>> -> memref<96x256xf32, #tpu.memory_space<hbm>>
    %dma_start3A_1102 = arith.constant 192 : i32
    %dma_start3A_1103 = arith.constant 0 : i32
    %dma_start3A_1104 = tpu.memref_slice %arg7[%dma_start3A_1102, %dma_start3A_1103] : memref<288x256xf32, #tpu.memory_space<vmem>> -> memref<96x256xf32, #tpu.memory_space<vmem>>
    tpu.enqueue_dma source(%dma_start3A_1104 : memref<96x256xf32, #tpu.memory_space<vmem>>) target(%dma_start3A_1101 : memref<96x256xf32, #tpu.memory_space<hbm>>) target_semaphore(%arg8 : memref<!tpu.dma_semaphore, #tpu.memory_space<semaphore_mem>>)
    %add3A_1105 = arith.constant 192 : i32
    %add3A_1106 = arith.addi %mul3A_4, %add3A_1105 : i32
    %dma_start3A_1107 = arith.constant 14 : i32
    %dma_start3A_1108 = arith.constant 192 : i32
    %dma_start3A_1109 = arith.constant 0 : i32
    %dma_start3A_1110 = tpu.memref_slice %arg7[%dma_start3A_1108, %dma_start3A_1109] : memref<288x256xf32, #tpu.memory_space<vmem>> -> memref<96x256xf32, #tpu.memory_space<vmem>>
    %dma_start3A_1111 = arith.constant 0 : i32
    %dma_start3A_1112 = tpu.memref_slice %arg5[%dma_start3A_1107, %add3A_1106, %dma_start3A_1111] : memref<16x9216x256xf32, #tpu.memory_space<hbm>> -> memref<1x96x256xf32, #tpu.memory_space<hbm>>
    %dma_start3A_1113 = tpu.memref_squeeze %dma_start3A_1112 : memref<1x96x256xf32, #tpu.memory_space<hbm>> -> memref<96x256xf32, #tpu.memory_space<hbm>>
    %dma_start3A_1114 = arith.constant 0 : i32
    %dma_start3A_1115 = tpu.memref_slice %arg5[%dma_start3A_1107, %add3A_1106, %dma_start3A_1114] : memref<16x9216x256xf32, #tpu.memory_space<hbm>> -> memref<1x96x256xf32, #tpu.memory_space<hbm>>
    %dma_start3A_1116 = tpu.memref_squeeze %dma_start3A_1115 : memref<1x96x256xf32, #tpu.memory_space<hbm>> -> memref<96x256xf32, #tpu.memory_space<hbm>>
    %dma_start3A_1117 = arith.constant 192 : i32
    %dma_start3A_1118 = arith.constant 0 : i32
    %dma_start3A_1119 = tpu.memref_slice %arg7[%dma_start3A_1117, %dma_start3A_1118] : memref<288x256xf32, #tpu.memory_space<vmem>> -> memref<96x256xf32, #tpu.memory_space<vmem>>
    tpu.enqueue_dma source(%dma_start3A_1119 : memref<96x256xf32, #tpu.memory_space<vmem>>) target(%dma_start3A_1116 : memref<96x256xf32, #tpu.memory_space<hbm>>) target_semaphore(%arg8 : memref<!tpu.dma_semaphore, #tpu.memory_space<semaphore_mem>>)
    %add3A_1120 = arith.constant 192 : i32
    %add3A_1121 = arith.addi %mul3A_4, %add3A_1120 : i32
    %dma_start3A_1122 = arith.constant 15 : i32
    %dma_start3A_1123 = arith.constant 192 : i32
    %dma_start3A_1124 = arith.constant 0 : i32
    %dma_start3A_1125 = tpu.memref_slice %arg7[%dma_start3A_1123, %dma_start3A_1124] : memref<288x256xf32, #tpu.memory_space<vmem>> -> memref<96x256xf32, #tpu.memory_space<vmem>>
    %dma_start3A_1126 = arith.constant 0 : i32
    %dma_start3A_1127 = tpu.memref_slice %arg5[%dma_start3A_1122, %add3A_1121, %dma_start3A_1126] : memref<16x9216x256xf32, #tpu.memory_space<hbm>> -> memref<1x96x256xf32, #tpu.memory_space<hbm>>
    %dma_start3A_1128 = tpu.memref_squeeze %dma_start3A_1127 : memref<1x96x256xf32, #tpu.memory_space<hbm>> -> memref<96x256xf32, #tpu.memory_space<hbm>>
    %dma_start3A_1129 = arith.constant 0 : i32
    %dma_start3A_1130 = tpu.memref_slice %arg5[%dma_start3A_1122, %add3A_1121, %dma_start3A_1129] : memref<16x9216x256xf32, #tpu.memory_space<hbm>> -> memref<1x96x256xf32, #tpu.memory_space<hbm>>
    %dma_start3A_1131 = tpu.memref_squeeze %dma_start3A_1130 : memref<1x96x256xf32, #tpu.memory_space<hbm>> -> memref<96x256xf32, #tpu.memory_space<hbm>>
    %dma_start3A_1132 = arith.constant 192 : i32
    %dma_start3A_1133 = arith.constant 0 : i32
    %dma_start3A_1134 = tpu.memref_slice %arg7[%dma_start3A_1132, %dma_start3A_1133] : memref<288x256xf32, #tpu.memory_space<vmem>> -> memref<96x256xf32, #tpu.memory_space<vmem>>
    tpu.enqueue_dma source(%dma_start3A_1134 : memref<96x256xf32, #tpu.memory_space<vmem>>) target(%dma_start3A_1131 : memref<96x256xf32, #tpu.memory_space<hbm>>) target_semaphore(%arg8 : memref<!tpu.dma_semaphore, #tpu.memory_space<semaphore_mem>>)
    %dma_wait3A_1135 = arith.constant 0 : i32
    %dma_wait3A_1136 = arith.constant 96 : i32
    %dma_wait3A_1137 = arith.constant 0 : i32
    %dma_wait3A_1138 = tpu.memref_slice %arg7[%dma_wait3A_1136, %dma_wait3A_1137] : memref<288x256xf32, #tpu.memory_space<vmem>> -> memref<96x256xf32, #tpu.memory_space<vmem>>
    %dma_wait3A_1139 = arith.constant 0 : i32
    %dma_wait3A_1140 = tpu.memref_slice %arg5[%dma_wait3A_1135, %add3A_380, %dma_wait3A_1139] : memref<16x9216x256xf32, #tpu.memory_space<hbm>> -> memref<1x96x256xf32, #tpu.memory_space<hbm>>
    %dma_wait3A_1141 = tpu.memref_squeeze %dma_wait3A_1140 : memref<1x96x256xf32, #tpu.memory_space<hbm>> -> memref<96x256xf32, #tpu.memory_space<hbm>>
    %dma_wait3A_1142 = arith.constant 0 : i32
    %dma_wait3A_1143 = tpu.memref_slice %arg5[%dma_wait3A_1135, %add3A_380, %dma_wait3A_1142] : memref<16x9216x256xf32, #tpu.memory_space<hbm>> -> memref<1x96x256xf32, #tpu.memory_space<hbm>>
    %dma_wait3A_1144 = tpu.memref_squeeze %dma_wait3A_1143 : memref<1x96x256xf32, #tpu.memory_space<hbm>> -> memref<96x256xf32, #tpu.memory_space<hbm>>
    %dma_wait3A_1145 = arith.constant 96 : i32
    %dma_wait3A_1146 = arith.constant 0 : i32
    %dma_wait3A_1147 = tpu.memref_slice %arg7[%dma_wait3A_1145, %dma_wait3A_1146] : memref<288x256xf32, #tpu.memory_space<vmem>> -> memref<96x256xf32, #tpu.memory_space<vmem>>
    tpu.wait_dma2 semaphore(%arg8 : memref<!tpu.dma_semaphore, #tpu.memory_space<semaphore_mem>>) src(%dma_wait3A_1147 : memref<96x256xf32, #tpu.memory_space<vmem>>) dst(%dma_wait3A_1144 : memref<96x256xf32, #tpu.memory_space<hbm>>)
    %dma_wait3A_1148 = arith.constant 1 : i32
    %dma_wait3A_1149 = arith.constant 96 : i32
    %dma_wait3A_1150 = arith.constant 0 : i32
    %dma_wait3A_1151 = tpu.memref_slice %arg7[%dma_wait3A_1149, %dma_wait3A_1150] : memref<288x256xf32, #tpu.memory_space<vmem>> -> memref<96x256xf32, #tpu.memory_space<vmem>>
    %dma_wait3A_1152 = arith.constant 0 : i32
    %dma_wait3A_1153 = tpu.memref_slice %arg5[%dma_wait3A_1148, %add3A_395, %dma_wait3A_1152] : memref<16x9216x256xf32, #tpu.memory_space<hbm>> -> memref<1x96x256xf32, #tpu.memory_space<hbm>>
    %dma_wait3A_1154 = tpu.memref_squeeze %dma_wait3A_1153 : memref<1x96x256xf32, #tpu.memory_space<hbm>> -> memref<96x256xf32, #tpu.memory_space<hbm>>
    %dma_wait3A_1155 = arith.constant 0 : i32
    %dma_wait3A_1156 = tpu.memref_slice %arg5[%dma_wait3A_1148, %add3A_395, %dma_wait3A_1155] : memref<16x9216x256xf32, #tpu.memory_space<hbm>> -> memref<1x96x256xf32, #tpu.memory_space<hbm>>
    %dma_wait3A_1157 = tpu.memref_squeeze %dma_wait3A_1156 : memref<1x96x256xf32, #tpu.memory_space<hbm>> -> memref<96x256xf32, #tpu.memory_space<hbm>>
    %dma_wait3A_1158 = arith.constant 96 : i32
    %dma_wait3A_1159 = arith.constant 0 : i32
    %dma_wait3A_1160 = tpu.memref_slice %arg7[%dma_wait3A_1158, %dma_wait3A_1159] : memref<288x256xf32, #tpu.memory_space<vmem>> -> memref<96x256xf32, #tpu.memory_space<vmem>>
    tpu.wait_dma2 semaphore(%arg8 : memref<!tpu.dma_semaphore, #tpu.memory_space<semaphore_mem>>) src(%dma_wait3A_1160 : memref<96x256xf32, #tpu.memory_space<vmem>>) dst(%dma_wait3A_1157 : memref<96x256xf32, #tpu.memory_space<hbm>>)
    %dma_wait3A_1161 = arith.constant 2 : i32
    %dma_wait3A_1162 = arith.constant 96 : i32
    %dma_wait3A_1163 = arith.constant 0 : i32
    %dma_wait3A_1164 = tpu.memref_slice %arg7[%dma_wait3A_1162, %dma_wait3A_1163] : memref<288x256xf32, #tpu.memory_space<vmem>> -> memref<96x256xf32, #tpu.memory_space<vmem>>
    %dma_wait3A_1165 = arith.constant 0 : i32
    %dma_wait3A_1166 = tpu.memref_slice %arg5[%dma_wait3A_1161, %add3A_410, %dma_wait3A_1165] : memref<16x9216x256xf32, #tpu.memory_space<hbm>> -> memref<1x96x256xf32, #tpu.memory_space<hbm>>
    %dma_wait3A_1167 = tpu.memref_squeeze %dma_wait3A_1166 : memref<1x96x256xf32, #tpu.memory_space<hbm>> -> memref<96x256xf32, #tpu.memory_space<hbm>>
    %dma_wait3A_1168 = arith.constant 0 : i32
    %dma_wait3A_1169 = tpu.memref_slice %arg5[%dma_wait3A_1161, %add3A_410, %dma_wait3A_1168] : memref<16x9216x256xf32, #tpu.memory_space<hbm>> -> memref<1x96x256xf32, #tpu.memory_space<hbm>>
    %dma_wait3A_1170 = tpu.memref_squeeze %dma_wait3A_1169 : memref<1x96x256xf32, #tpu.memory_space<hbm>> -> memref<96x256xf32, #tpu.memory_space<hbm>>
    %dma_wait3A_1171 = arith.constant 96 : i32
    %dma_wait3A_1172 = arith.constant 0 : i32
    %dma_wait3A_1173 = tpu.memref_slice %arg7[%dma_wait3A_1171, %dma_wait3A_1172] : memref<288x256xf32, #tpu.memory_space<vmem>> -> memref<96x256xf32, #tpu.memory_space<vmem>>
    tpu.wait_dma2 semaphore(%arg8 : memref<!tpu.dma_semaphore, #tpu.memory_space<semaphore_mem>>) src(%dma_wait3A_1173 : memref<96x256xf32, #tpu.memory_space<vmem>>) dst(%dma_wait3A_1170 : memref<96x256xf32, #tpu.memory_space<hbm>>)
    %dma_wait3A_1174 = arith.constant 3 : i32
    %dma_wait3A_1175 = arith.constant 96 : i32
    %dma_wait3A_1176 = arith.constant 0 : i32
    %dma_wait3A_1177 = tpu.memref_slice %arg7[%dma_wait3A_1175, %dma_wait3A_1176] : memref<288x256xf32, #tpu.memory_space<vmem>> -> memref<96x256xf32, #tpu.memory_space<vmem>>
    %dma_wait3A_1178 = arith.constant 0 : i32
    %dma_wait3A_1179 = tpu.memref_slice %arg5[%dma_wait3A_1174, %add3A_425, %dma_wait3A_1178] : memref<16x9216x256xf32, #tpu.memory_space<hbm>> -> memref<1x96x256xf32, #tpu.memory_space<hbm>>
    %dma_wait3A_1180 = tpu.memref_squeeze %dma_wait3A_1179 : memref<1x96x256xf32, #tpu.memory_space<hbm>> -> memref<96x256xf32, #tpu.memory_space<hbm>>
    %dma_wait3A_1181 = arith.constant 0 : i32
    %dma_wait3A_1182 = tpu.memref_slice %arg5[%dma_wait3A_1174, %add3A_425, %dma_wait3A_1181] : memref<16x9216x256xf32, #tpu.memory_space<hbm>> -> memref<1x96x256xf32, #tpu.memory_space<hbm>>
    %dma_wait3A_1183 = tpu.memref_squeeze %dma_wait3A_1182 : memref<1x96x256xf32, #tpu.memory_space<hbm>> -> memref<96x256xf32, #tpu.memory_space<hbm>>
    %dma_wait3A_1184 = arith.constant 96 : i32
    %dma_wait3A_1185 = arith.constant 0 : i32
    %dma_wait3A_1186 = tpu.memref_slice %arg7[%dma_wait3A_1184, %dma_wait3A_1185] : memref<288x256xf32, #tpu.memory_space<vmem>> -> memref<96x256xf32, #tpu.memory_space<vmem>>
    tpu.wait_dma2 semaphore(%arg8 : memref<!tpu.dma_semaphore, #tpu.memory_space<semaphore_mem>>) src(%dma_wait3A_1186 : memref<96x256xf32, #tpu.memory_space<vmem>>) dst(%dma_wait3A_1183 : memref<96x256xf32, #tpu.memory_space<hbm>>)
    %dma_wait3A_1187 = arith.constant 4 : i32
    %dma_wait3A_1188 = arith.constant 96 : i32
    %dma_wait3A_1189 = arith.constant 0 : i32
    %dma_wait3A_1190 = tpu.memref_slice %arg7[%dma_wait3A_1188, %dma_wait3A_1189] : memref<288x256xf32, #tpu.memory_space<vmem>> -> memref<96x256xf32, #tpu.memory_space<vmem>>
    %dma_wait3A_1191 = arith.constant 0 : i32
    %dma_wait3A_1192 = tpu.memref_slice %arg5[%dma_wait3A_1187, %add3A_440, %dma_wait3A_1191] : memref<16x9216x256xf32, #tpu.memory_space<hbm>> -> memref<1x96x256xf32, #tpu.memory_space<hbm>>
    %dma_wait3A_1193 = tpu.memref_squeeze %dma_wait3A_1192 : memref<1x96x256xf32, #tpu.memory_space<hbm>> -> memref<96x256xf32, #tpu.memory_space<hbm>>
    %dma_wait3A_1194 = arith.constant 0 : i32
    %dma_wait3A_1195 = tpu.memref_slice %arg5[%dma_wait3A_1187, %add3A_440, %dma_wait3A_1194] : memref<16x9216x256xf32, #tpu.memory_space<hbm>> -> memref<1x96x256xf32, #tpu.memory_space<hbm>>
    %dma_wait3A_1196 = tpu.memref_squeeze %dma_wait3A_1195 : memref<1x96x256xf32, #tpu.memory_space<hbm>> -> memref<96x256xf32, #tpu.memory_space<hbm>>
    %dma_wait3A_1197 = arith.constant 96 : i32
    %dma_wait3A_1198 = arith.constant 0 : i32
    %dma_wait3A_1199 = tpu.memref_slice %arg7[%dma_wait3A_1197, %dma_wait3A_1198] : memref<288x256xf32, #tpu.memory_space<vmem>> -> memref<96x256xf32, #tpu.memory_space<vmem>>
    tpu.wait_dma2 semaphore(%arg8 : memref<!tpu.dma_semaphore, #tpu.memory_space<semaphore_mem>>) src(%dma_wait3A_1199 : memref<96x256xf32, #tpu.memory_space<vmem>>) dst(%dma_wait3A_1196 : memref<96x256xf32, #tpu.memory_space<hbm>>)
    %dma_wait3A_1200 = arith.constant 5 : i32
    %dma_wait3A_1201 = arith.constant 96 : i32
    %dma_wait3A_1202 = arith.constant 0 : i32
    %dma_wait3A_1203 = tpu.memref_slice %arg7[%dma_wait3A_1201, %dma_wait3A_1202] : memref<288x256xf32, #tpu.memory_space<vmem>> -> memref<96x256xf32, #tpu.memory_space<vmem>>
    %dma_wait3A_1204 = arith.constant 0 : i32
    %dma_wait3A_1205 = tpu.memref_slice %arg5[%dma_wait3A_1200, %add3A_455, %dma_wait3A_1204] : memref<16x9216x256xf32, #tpu.memory_space<hbm>> -> memref<1x96x256xf32, #tpu.memory_space<hbm>>
    %dma_wait3A_1206 = tpu.memref_squeeze %dma_wait3A_1205 : memref<1x96x256xf32, #tpu.memory_space<hbm>> -> memref<96x256xf32, #tpu.memory_space<hbm>>
    %dma_wait3A_1207 = arith.constant 0 : i32
    %dma_wait3A_1208 = tpu.memref_slice %arg5[%dma_wait3A_1200, %add3A_455, %dma_wait3A_1207] : memref<16x9216x256xf32, #tpu.memory_space<hbm>> -> memref<1x96x256xf32, #tpu.memory_space<hbm>>
    %dma_wait3A_1209 = tpu.memref_squeeze %dma_wait3A_1208 : memref<1x96x256xf32, #tpu.memory_space<hbm>> -> memref<96x256xf32, #tpu.memory_space<hbm>>
    %dma_wait3A_1210 = arith.constant 96 : i32
    %dma_wait3A_1211 = arith.constant 0 : i32
    %dma_wait3A_1212 = tpu.memref_slice %arg7[%dma_wait3A_1210, %dma_wait3A_1211] : memref<288x256xf32, #tpu.memory_space<vmem>> -> memref<96x256xf32, #tpu.memory_space<vmem>>
    tpu.wait_dma2 semaphore(%arg8 : memref<!tpu.dma_semaphore, #tpu.memory_space<semaphore_mem>>) src(%dma_wait3A_1212 : memref<96x256xf32, #tpu.memory_space<vmem>>) dst(%dma_wait3A_1209 : memref<96x256xf32, #tpu.memory_space<hbm>>)
    %dma_wait3A_1213 = arith.constant 6 : i32
    %dma_wait3A_1214 = arith.constant 96 : i32
    %dma_wait3A_1215 = arith.constant 0 : i32
    %dma_wait3A_1216 = tpu.memref_slice %arg7[%dma_wait3A_1214, %dma_wait3A_1215] : memref<288x256xf32, #tpu.memory_space<vmem>> -> memref<96x256xf32, #tpu.memory_space<vmem>>
    %dma_wait3A_1217 = arith.constant 0 : i32
    %dma_wait3A_1218 = tpu.memref_slice %arg5[%dma_wait3A_1213, %add3A_470, %dma_wait3A_1217] : memref<16x9216x256xf32, #tpu.memory_space<hbm>> -> memref<1x96x256xf32, #tpu.memory_space<hbm>>
    %dma_wait3A_1219 = tpu.memref_squeeze %dma_wait3A_1218 : memref<1x96x256xf32, #tpu.memory_space<hbm>> -> memref<96x256xf32, #tpu.memory_space<hbm>>
    %dma_wait3A_1220 = arith.constant 0 : i32
    %dma_wait3A_1221 = tpu.memref_slice %arg5[%dma_wait3A_1213, %add3A_470, %dma_wait3A_1220] : memref<16x9216x256xf32, #tpu.memory_space<hbm>> -> memref<1x96x256xf32, #tpu.memory_space<hbm>>
    %dma_wait3A_1222 = tpu.memref_squeeze %dma_wait3A_1221 : memref<1x96x256xf32, #tpu.memory_space<hbm>> -> memref<96x256xf32, #tpu.memory_space<hbm>>
    %dma_wait3A_1223 = arith.constant 96 : i32
    %dma_wait3A_1224 = arith.constant 0 : i32
    %dma_wait3A_1225 = tpu.memref_slice %arg7[%dma_wait3A_1223, %dma_wait3A_1224] : memref<288x256xf32, #tpu.memory_space<vmem>> -> memref<96x256xf32, #tpu.memory_space<vmem>>
    tpu.wait_dma2 semaphore(%arg8 : memref<!tpu.dma_semaphore, #tpu.memory_space<semaphore_mem>>) src(%dma_wait3A_1225 : memref<96x256xf32, #tpu.memory_space<vmem>>) dst(%dma_wait3A_1222 : memref<96x256xf32, #tpu.memory_space<hbm>>)
    %dma_wait3A_1226 = arith.constant 7 : i32
    %dma_wait3A_1227 = arith.constant 96 : i32
    %dma_wait3A_1228 = arith.constant 0 : i32
    %dma_wait3A_1229 = tpu.memref_slice %arg7[%dma_wait3A_1227, %dma_wait3A_1228] : memref<288x256xf32, #tpu.memory_space<vmem>> -> memref<96x256xf32, #tpu.memory_space<vmem>>
    %dma_wait3A_1230 = arith.constant 0 : i32
    %dma_wait3A_1231 = tpu.memref_slice %arg5[%dma_wait3A_1226, %add3A_485, %dma_wait3A_1230] : memref<16x9216x256xf32, #tpu.memory_space<hbm>> -> memref<1x96x256xf32, #tpu.memory_space<hbm>>
    %dma_wait3A_1232 = tpu.memref_squeeze %dma_wait3A_1231 : memref<1x96x256xf32, #tpu.memory_space<hbm>> -> memref<96x256xf32, #tpu.memory_space<hbm>>
    %dma_wait3A_1233 = arith.constant 0 : i32
    %dma_wait3A_1234 = tpu.memref_slice %arg5[%dma_wait3A_1226, %add3A_485, %dma_wait3A_1233] : memref<16x9216x256xf32, #tpu.memory_space<hbm>> -> memref<1x96x256xf32, #tpu.memory_space<hbm>>
    %dma_wait3A_1235 = tpu.memref_squeeze %dma_wait3A_1234 : memref<1x96x256xf32, #tpu.memory_space<hbm>> -> memref<96x256xf32, #tpu.memory_space<hbm>>
    %dma_wait3A_1236 = arith.constant 96 : i32
    %dma_wait3A_1237 = arith.constant 0 : i32
    %dma_wait3A_1238 = tpu.memref_slice %arg7[%dma_wait3A_1236, %dma_wait3A_1237] : memref<288x256xf32, #tpu.memory_space<vmem>> -> memref<96x256xf32, #tpu.memory_space<vmem>>
    tpu.wait_dma2 semaphore(%arg8 : memref<!tpu.dma_semaphore, #tpu.memory_space<semaphore_mem>>) src(%dma_wait3A_1238 : memref<96x256xf32, #tpu.memory_space<vmem>>) dst(%dma_wait3A_1235 : memref<96x256xf32, #tpu.memory_space<hbm>>)
    %dma_wait3A_1239 = arith.constant 8 : i32
    %dma_wait3A_1240 = arith.constant 96 : i32
    %dma_wait3A_1241 = arith.constant 0 : i32
    %dma_wait3A_1242 = tpu.memref_slice %arg7[%dma_wait3A_1240, %dma_wait3A_1241] : memref<288x256xf32, #tpu.memory_space<vmem>> -> memref<96x256xf32, #tpu.memory_space<vmem>>
    %dma_wait3A_1243 = arith.constant 0 : i32
    %dma_wait3A_1244 = tpu.memref_slice %arg5[%dma_wait3A_1239, %add3A_500, %dma_wait3A_1243] : memref<16x9216x256xf32, #tpu.memory_space<hbm>> -> memref<1x96x256xf32, #tpu.memory_space<hbm>>
    %dma_wait3A_1245 = tpu.memref_squeeze %dma_wait3A_1244 : memref<1x96x256xf32, #tpu.memory_space<hbm>> -> memref<96x256xf32, #tpu.memory_space<hbm>>
    %dma_wait3A_1246 = arith.constant 0 : i32
    %dma_wait3A_1247 = tpu.memref_slice %arg5[%dma_wait3A_1239, %add3A_500, %dma_wait3A_1246] : memref<16x9216x256xf32, #tpu.memory_space<hbm>> -> memref<1x96x256xf32, #tpu.memory_space<hbm>>
    %dma_wait3A_1248 = tpu.memref_squeeze %dma_wait3A_1247 : memref<1x96x256xf32, #tpu.memory_space<hbm>> -> memref<96x256xf32, #tpu.memory_space<hbm>>
    %dma_wait3A_1249 = arith.constant 96 : i32
    %dma_wait3A_1250 = arith.constant 0 : i32
    %dma_wait3A_1251 = tpu.memref_slice %arg7[%dma_wait3A_1249, %dma_wait3A_1250] : memref<288x256xf32, #tpu.memory_space<vmem>> -> memref<96x256xf32, #tpu.memory_space<vmem>>
    tpu.wait_dma2 semaphore(%arg8 : memref<!tpu.dma_semaphore, #tpu.memory_space<semaphore_mem>>) src(%dma_wait3A_1251 : memref<96x256xf32, #tpu.memory_space<vmem>>) dst(%dma_wait3A_1248 : memref<96x256xf32, #tpu.memory_space<hbm>>)
    %dma_wait3A_1252 = arith.constant 9 : i32
    %dma_wait3A_1253 = arith.constant 96 : i32
    %dma_wait3A_1254 = arith.constant 0 : i32
    %dma_wait3A_1255 = tpu.memref_slice %arg7[%dma_wait3A_1253, %dma_wait3A_1254] : memref<288x256xf32, #tpu.memory_space<vmem>> -> memref<96x256xf32, #tpu.memory_space<vmem>>
    %dma_wait3A_1256 = arith.constant 0 : i32
    %dma_wait3A_1257 = tpu.memref_slice %arg5[%dma_wait3A_1252, %add3A_515, %dma_wait3A_1256] : memref<16x9216x256xf32, #tpu.memory_space<hbm>> -> memref<1x96x256xf32, #tpu.memory_space<hbm>>
    %dma_wait3A_1258 = tpu.memref_squeeze %dma_wait3A_1257 : memref<1x96x256xf32, #tpu.memory_space<hbm>> -> memref<96x256xf32, #tpu.memory_space<hbm>>
    %dma_wait3A_1259 = arith.constant 0 : i32
    %dma_wait3A_1260 = tpu.memref_slice %arg5[%dma_wait3A_1252, %add3A_515, %dma_wait3A_1259] : memref<16x9216x256xf32, #tpu.memory_space<hbm>> -> memref<1x96x256xf32, #tpu.memory_space<hbm>>
    %dma_wait3A_1261 = tpu.memref_squeeze %dma_wait3A_1260 : memref<1x96x256xf32, #tpu.memory_space<hbm>> -> memref<96x256xf32, #tpu.memory_space<hbm>>
    %dma_wait3A_1262 = arith.constant 96 : i32
    %dma_wait3A_1263 = arith.constant 0 : i32
    %dma_wait3A_1264 = tpu.memref_slice %arg7[%dma_wait3A_1262, %dma_wait3A_1263] : memref<288x256xf32, #tpu.memory_space<vmem>> -> memref<96x256xf32, #tpu.memory_space<vmem>>
    tpu.wait_dma2 semaphore(%arg8 : memref<!tpu.dma_semaphore, #tpu.memory_space<semaphore_mem>>) src(%dma_wait3A_1264 : memref<96x256xf32, #tpu.memory_space<vmem>>) dst(%dma_wait3A_1261 : memref<96x256xf32, #tpu.memory_space<hbm>>)
    %dma_wait3A_1265 = arith.constant 10 : i32
    %dma_wait3A_1266 = arith.constant 96 : i32
    %dma_wait3A_1267 = arith.constant 0 : i32
    %dma_wait3A_1268 = tpu.memref_slice %arg7[%dma_wait3A_1266, %dma_wait3A_1267] : memref<288x256xf32, #tpu.memory_space<vmem>> -> memref<96x256xf32, #tpu.memory_space<vmem>>
    %dma_wait3A_1269 = arith.constant 0 : i32
    %dma_wait3A_1270 = tpu.memref_slice %arg5[%dma_wait3A_1265, %add3A_530, %dma_wait3A_1269] : memref<16x9216x256xf32, #tpu.memory_space<hbm>> -> memref<1x96x256xf32, #tpu.memory_space<hbm>>
    %dma_wait3A_1271 = tpu.memref_squeeze %dma_wait3A_1270 : memref<1x96x256xf32, #tpu.memory_space<hbm>> -> memref<96x256xf32, #tpu.memory_space<hbm>>
    %dma_wait3A_1272 = arith.constant 0 : i32
    %dma_wait3A_1273 = tpu.memref_slice %arg5[%dma_wait3A_1265, %add3A_530, %dma_wait3A_1272] : memref<16x9216x256xf32, #tpu.memory_space<hbm>> -> memref<1x96x256xf32, #tpu.memory_space<hbm>>
    %dma_wait3A_1274 = tpu.memref_squeeze %dma_wait3A_1273 : memref<1x96x256xf32, #tpu.memory_space<hbm>> -> memref<96x256xf32, #tpu.memory_space<hbm>>
    %dma_wait3A_1275 = arith.constant 96 : i32
    %dma_wait3A_1276 = arith.constant 0 : i32
    %dma_wait3A_1277 = tpu.memref_slice %arg7[%dma_wait3A_1275, %dma_wait3A_1276] : memref<288x256xf32, #tpu.memory_space<vmem>> -> memref<96x256xf32, #tpu.memory_space<vmem>>
    tpu.wait_dma2 semaphore(%arg8 : memref<!tpu.dma_semaphore, #tpu.memory_space<semaphore_mem>>) src(%dma_wait3A_1277 : memref<96x256xf32, #tpu.memory_space<vmem>>) dst(%dma_wait3A_1274 : memref<96x256xf32, #tpu.memory_space<hbm>>)
    %dma_wait3A_1278 = arith.constant 11 : i32
    %dma_wait3A_1279 = arith.constant 96 : i32
    %dma_wait3A_1280 = arith.constant 0 : i32
    %dma_wait3A_1281 = tpu.memref_slice %arg7[%dma_wait3A_1279, %dma_wait3A_1280] : memref<288x256xf32, #tpu.memory_space<vmem>> -> memref<96x256xf32, #tpu.memory_space<vmem>>
    %dma_wait3A_1282 = arith.constant 0 : i32
    %dma_wait3A_1283 = tpu.memref_slice %arg5[%dma_wait3A_1278, %add3A_545, %dma_wait3A_1282] : memref<16x9216x256xf32, #tpu.memory_space<hbm>> -> memref<1x96x256xf32, #tpu.memory_space<hbm>>
    %dma_wait3A_1284 = tpu.memref_squeeze %dma_wait3A_1283 : memref<1x96x256xf32, #tpu.memory_space<hbm>> -> memref<96x256xf32, #tpu.memory_space<hbm>>
    %dma_wait3A_1285 = arith.constant 0 : i32
    %dma_wait3A_1286 = tpu.memref_slice %arg5[%dma_wait3A_1278, %add3A_545, %dma_wait3A_1285] : memref<16x9216x256xf32, #tpu.memory_space<hbm>> -> memref<1x96x256xf32, #tpu.memory_space<hbm>>
    %dma_wait3A_1287 = tpu.memref_squeeze %dma_wait3A_1286 : memref<1x96x256xf32, #tpu.memory_space<hbm>> -> memref<96x256xf32, #tpu.memory_space<hbm>>
    %dma_wait3A_1288 = arith.constant 96 : i32
    %dma_wait3A_1289 = arith.constant 0 : i32
    %dma_wait3A_1290 = tpu.memref_slice %arg7[%dma_wait3A_1288, %dma_wait3A_1289] : memref<288x256xf32, #tpu.memory_space<vmem>> -> memref<96x256xf32, #tpu.memory_space<vmem>>
    tpu.wait_dma2 semaphore(%arg8 : memref<!tpu.dma_semaphore, #tpu.memory_space<semaphore_mem>>) src(%dma_wait3A_1290 : memref<96x256xf32, #tpu.memory_space<vmem>>) dst(%dma_wait3A_1287 : memref<96x256xf32, #tpu.memory_space<hbm>>)
    %dma_wait3A_1291 = arith.constant 12 : i32
    %dma_wait3A_1292 = arith.constant 96 : i32
    %dma_wait3A_1293 = arith.constant 0 : i32
    %dma_wait3A_1294 = tpu.memref_slice %arg7[%dma_wait3A_1292, %dma_wait3A_1293] : memref<288x256xf32, #tpu.memory_space<vmem>> -> memref<96x256xf32, #tpu.memory_space<vmem>>
    %dma_wait3A_1295 = arith.constant 0 : i32
    %dma_wait3A_1296 = tpu.memref_slice %arg5[%dma_wait3A_1291, %add3A_560, %dma_wait3A_1295] : memref<16x9216x256xf32, #tpu.memory_space<hbm>> -> memref<1x96x256xf32, #tpu.memory_space<hbm>>
    %dma_wait3A_1297 = tpu.memref_squeeze %dma_wait3A_1296 : memref<1x96x256xf32, #tpu.memory_space<hbm>> -> memref<96x256xf32, #tpu.memory_space<hbm>>
    %dma_wait3A_1298 = arith.constant 0 : i32
    %dma_wait3A_1299 = tpu.memref_slice %arg5[%dma_wait3A_1291, %add3A_560, %dma_wait3A_1298] : memref<16x9216x256xf32, #tpu.memory_space<hbm>> -> memref<1x96x256xf32, #tpu.memory_space<hbm>>
    %dma_wait3A_1300 = tpu.memref_squeeze %dma_wait3A_1299 : memref<1x96x256xf32, #tpu.memory_space<hbm>> -> memref<96x256xf32, #tpu.memory_space<hbm>>
    %dma_wait3A_1301 = arith.constant 96 : i32
    %dma_wait3A_1302 = arith.constant 0 : i32
    %dma_wait3A_1303 = tpu.memref_slice %arg7[%dma_wait3A_1301, %dma_wait3A_1302] : memref<288x256xf32, #tpu.memory_space<vmem>> -> memref<96x256xf32, #tpu.memory_space<vmem>>
    tpu.wait_dma2 semaphore(%arg8 : memref<!tpu.dma_semaphore, #tpu.memory_space<semaphore_mem>>) src(%dma_wait3A_1303 : memref<96x256xf32, #tpu.memory_space<vmem>>) dst(%dma_wait3A_1300 : memref<96x256xf32, #tpu.memory_space<hbm>>)
    %dma_wait3A_1304 = arith.constant 13 : i32
    %dma_wait3A_1305 = arith.constant 96 : i32
    %dma_wait3A_1306 = arith.constant 0 : i32
    %dma_wait3A_1307 = tpu.memref_slice %arg7[%dma_wait3A_1305, %dma_wait3A_1306] : memref<288x256xf32, #tpu.memory_space<vmem>> -> memref<96x256xf32, #tpu.memory_space<vmem>>
    %dma_wait3A_1308 = arith.constant 0 : i32
    %dma_wait3A_1309 = tpu.memref_slice %arg5[%dma_wait3A_1304, %add3A_575, %dma_wait3A_1308] : memref<16x9216x256xf32, #tpu.memory_space<hbm>> -> memref<1x96x256xf32, #tpu.memory_space<hbm>>
    %dma_wait3A_1310 = tpu.memref_squeeze %dma_wait3A_1309 : memref<1x96x256xf32, #tpu.memory_space<hbm>> -> memref<96x256xf32, #tpu.memory_space<hbm>>
    %dma_wait3A_1311 = arith.constant 0 : i32
    %dma_wait3A_1312 = tpu.memref_slice %arg5[%dma_wait3A_1304, %add3A_575, %dma_wait3A_1311] : memref<16x9216x256xf32, #tpu.memory_space<hbm>> -> memref<1x96x256xf32, #tpu.memory_space<hbm>>
    %dma_wait3A_1313 = tpu.memref_squeeze %dma_wait3A_1312 : memref<1x96x256xf32, #tpu.memory_space<hbm>> -> memref<96x256xf32, #tpu.memory_space<hbm>>
    %dma_wait3A_1314 = arith.constant 96 : i32
    %dma_wait3A_1315 = arith.constant 0 : i32
    %dma_wait3A_1316 = tpu.memref_slice %arg7[%dma_wait3A_1314, %dma_wait3A_1315] : memref<288x256xf32, #tpu.memory_space<vmem>> -> memref<96x256xf32, #tpu.memory_space<vmem>>
    tpu.wait_dma2 semaphore(%arg8 : memref<!tpu.dma_semaphore, #tpu.memory_space<semaphore_mem>>) src(%dma_wait3A_1316 : memref<96x256xf32, #tpu.memory_space<vmem>>) dst(%dma_wait3A_1313 : memref<96x256xf32, #tpu.memory_space<hbm>>)
    %dma_wait3A_1317 = arith.constant 14 : i32
    %dma_wait3A_1318 = arith.constant 96 : i32
    %dma_wait3A_1319 = arith.constant 0 : i32
    %dma_wait3A_1320 = tpu.memref_slice %arg7[%dma_wait3A_1318, %dma_wait3A_1319] : memref<288x256xf32, #tpu.memory_space<vmem>> -> memref<96x256xf32, #tpu.memory_space<vmem>>
    %dma_wait3A_1321 = arith.constant 0 : i32
    %dma_wait3A_1322 = tpu.memref_slice %arg5[%dma_wait3A_1317, %add3A_590, %dma_wait3A_1321] : memref<16x9216x256xf32, #tpu.memory_space<hbm>> -> memref<1x96x256xf32, #tpu.memory_space<hbm>>
    %dma_wait3A_1323 = tpu.memref_squeeze %dma_wait3A_1322 : memref<1x96x256xf32, #tpu.memory_space<hbm>> -> memref<96x256xf32, #tpu.memory_space<hbm>>
    %dma_wait3A_1324 = arith.constant 0 : i32
    %dma_wait3A_1325 = tpu.memref_slice %arg5[%dma_wait3A_1317, %add3A_590, %dma_wait3A_1324] : memref<16x9216x256xf32, #tpu.memory_space<hbm>> -> memref<1x96x256xf32, #tpu.memory_space<hbm>>
    %dma_wait3A_1326 = tpu.memref_squeeze %dma_wait3A_1325 : memref<1x96x256xf32, #tpu.memory_space<hbm>> -> memref<96x256xf32, #tpu.memory_space<hbm>>
    %dma_wait3A_1327 = arith.constant 96 : i32
    %dma_wait3A_1328 = arith.constant 0 : i32
    %dma_wait3A_1329 = tpu.memref_slice %arg7[%dma_wait3A_1327, %dma_wait3A_1328] : memref<288x256xf32, #tpu.memory_space<vmem>> -> memref<96x256xf32, #tpu.memory_space<vmem>>
    tpu.wait_dma2 semaphore(%arg8 : memref<!tpu.dma_semaphore, #tpu.memory_space<semaphore_mem>>) src(%dma_wait3A_1329 : memref<96x256xf32, #tpu.memory_space<vmem>>) dst(%dma_wait3A_1326 : memref<96x256xf32, #tpu.memory_space<hbm>>)
    %dma_wait3A_1330 = arith.constant 15 : i32
    %dma_wait3A_1331 = arith.constant 96 : i32
    %dma_wait3A_1332 = arith.constant 0 : i32
    %dma_wait3A_1333 = tpu.memref_slice %arg7[%dma_wait3A_1331, %dma_wait3A_1332] : memref<288x256xf32, #tpu.memory_space<vmem>> -> memref<96x256xf32, #tpu.memory_space<vmem>>
    %dma_wait3A_1334 = arith.constant 0 : i32
    %dma_wait3A_1335 = tpu.memref_slice %arg5[%dma_wait3A_1330, %add3A_605, %dma_wait3A_1334] : memref<16x9216x256xf32, #tpu.memory_space<hbm>> -> memref<1x96x256xf32, #tpu.memory_space<hbm>>
    %dma_wait3A_1336 = tpu.memref_squeeze %dma_wait3A_1335 : memref<1x96x256xf32, #tpu.memory_space<hbm>> -> memref<96x256xf32, #tpu.memory_space<hbm>>
    %dma_wait3A_1337 = arith.constant 0 : i32
    %dma_wait3A_1338 = tpu.memref_slice %arg5[%dma_wait3A_1330, %add3A_605, %dma_wait3A_1337] : memref<16x9216x256xf32, #tpu.memory_space<hbm>> -> memref<1x96x256xf32, #tpu.memory_space<hbm>>
    %dma_wait3A_1339 = tpu.memref_squeeze %dma_wait3A_1338 : memref<1x96x256xf32, #tpu.memory_space<hbm>> -> memref<96x256xf32, #tpu.memory_space<hbm>>
    %dma_wait3A_1340 = arith.constant 96 : i32
    %dma_wait3A_1341 = arith.constant 0 : i32
    %dma_wait3A_1342 = tpu.memref_slice %arg7[%dma_wait3A_1340, %dma_wait3A_1341] : memref<288x256xf32, #tpu.memory_space<vmem>> -> memref<96x256xf32, #tpu.memory_space<vmem>>
    tpu.wait_dma2 semaphore(%arg8 : memref<!tpu.dma_semaphore, #tpu.memory_space<semaphore_mem>>) src(%dma_wait3A_1342 : memref<96x256xf32, #tpu.memory_space<vmem>>) dst(%dma_wait3A_1339 : memref<96x256xf32, #tpu.memory_space<hbm>>)
    %dma_wait3A_1343 = arith.constant 0 : i32
    %dma_wait3A_1344 = arith.constant 192 : i32
    %dma_wait3A_1345 = arith.constant 0 : i32
    %dma_wait3A_1346 = tpu.memref_slice %arg7[%dma_wait3A_1344, %dma_wait3A_1345] : memref<288x256xf32, #tpu.memory_space<vmem>> -> memref<96x256xf32, #tpu.memory_space<vmem>>
    %dma_wait3A_1347 = arith.constant 0 : i32
    %dma_wait3A_1348 = tpu.memref_slice %arg5[%dma_wait3A_1343, %add3A_896, %dma_wait3A_1347] : memref<16x9216x256xf32, #tpu.memory_space<hbm>> -> memref<1x96x256xf32, #tpu.memory_space<hbm>>
    %dma_wait3A_1349 = tpu.memref_squeeze %dma_wait3A_1348 : memref<1x96x256xf32, #tpu.memory_space<hbm>> -> memref<96x256xf32, #tpu.memory_space<hbm>>
    %dma_wait3A_1350 = arith.constant 0 : i32
    %dma_wait3A_1351 = tpu.memref_slice %arg5[%dma_wait3A_1343, %add3A_896, %dma_wait3A_1350] : memref<16x9216x256xf32, #tpu.memory_space<hbm>> -> memref<1x96x256xf32, #tpu.memory_space<hbm>>
    %dma_wait3A_1352 = tpu.memref_squeeze %dma_wait3A_1351 : memref<1x96x256xf32, #tpu.memory_space<hbm>> -> memref<96x256xf32, #tpu.memory_space<hbm>>
    %dma_wait3A_1353 = arith.constant 192 : i32
    %dma_wait3A_1354 = arith.constant 0 : i32
    %dma_wait3A_1355 = tpu.memref_slice %arg7[%dma_wait3A_1353, %dma_wait3A_1354] : memref<288x256xf32, #tpu.memory_space<vmem>> -> memref<96x256xf32, #tpu.memory_space<vmem>>
    tpu.wait_dma2 semaphore(%arg8 : memref<!tpu.dma_semaphore, #tpu.memory_space<semaphore_mem>>) src(%dma_wait3A_1355 : memref<96x256xf32, #tpu.memory_space<vmem>>) dst(%dma_wait3A_1352 : memref<96x256xf32, #tpu.memory_space<hbm>>)
    %dma_wait3A_1356 = arith.constant 1 : i32
    %dma_wait3A_1357 = arith.constant 192 : i32
    %dma_wait3A_1358 = arith.constant 0 : i32
    %dma_wait3A_1359 = tpu.memref_slice %arg7[%dma_wait3A_1357, %dma_wait3A_1358] : memref<288x256xf32, #tpu.memory_space<vmem>> -> memref<96x256xf32, #tpu.memory_space<vmem>>
    %dma_wait3A_1360 = arith.constant 0 : i32
    %dma_wait3A_1361 = tpu.memref_slice %arg5[%dma_wait3A_1356, %add3A_911, %dma_wait3A_1360] : memref<16x9216x256xf32, #tpu.memory_space<hbm>> -> memref<1x96x256xf32, #tpu.memory_space<hbm>>
    %dma_wait3A_1362 = tpu.memref_squeeze %dma_wait3A_1361 : memref<1x96x256xf32, #tpu.memory_space<hbm>> -> memref<96x256xf32, #tpu.memory_space<hbm>>
    %dma_wait3A_1363 = arith.constant 0 : i32
    %dma_wait3A_1364 = tpu.memref_slice %arg5[%dma_wait3A_1356, %add3A_911, %dma_wait3A_1363] : memref<16x9216x256xf32, #tpu.memory_space<hbm>> -> memref<1x96x256xf32, #tpu.memory_space<hbm>>
    %dma_wait3A_1365 = tpu.memref_squeeze %dma_wait3A_1364 : memref<1x96x256xf32, #tpu.memory_space<hbm>> -> memref<96x256xf32, #tpu.memory_space<hbm>>
    %dma_wait3A_1366 = arith.constant 192 : i32
    %dma_wait3A_1367 = arith.constant 0 : i32
    %dma_wait3A_1368 = tpu.memref_slice %arg7[%dma_wait3A_1366, %dma_wait3A_1367] : memref<288x256xf32, #tpu.memory_space<vmem>> -> memref<96x256xf32, #tpu.memory_space<vmem>>
    tpu.wait_dma2 semaphore(%arg8 : memref<!tpu.dma_semaphore, #tpu.memory_space<semaphore_mem>>) src(%dma_wait3A_1368 : memref<96x256xf32, #tpu.memory_space<vmem>>) dst(%dma_wait3A_1365 : memref<96x256xf32, #tpu.memory_space<hbm>>)
    %dma_wait3A_1369 = arith.constant 2 : i32
    %dma_wait3A_1370 = arith.constant 192 : i32
    %dma_wait3A_1371 = arith.constant 0 : i32
    %dma_wait3A_1372 = tpu.memref_slice %arg7[%dma_wait3A_1370, %dma_wait3A_1371] : memref<288x256xf32, #tpu.memory_space<vmem>> -> memref<96x256xf32, #tpu.memory_space<vmem>>
    %dma_wait3A_1373 = arith.constant 0 : i32
    %dma_wait3A_1374 = tpu.memref_slice %arg5[%dma_wait3A_1369, %add3A_926, %dma_wait3A_1373] : memref<16x9216x256xf32, #tpu.memory_space<hbm>> -> memref<1x96x256xf32, #tpu.memory_space<hbm>>
    %dma_wait3A_1375 = tpu.memref_squeeze %dma_wait3A_1374 : memref<1x96x256xf32, #tpu.memory_space<hbm>> -> memref<96x256xf32, #tpu.memory_space<hbm>>
    %dma_wait3A_1376 = arith.constant 0 : i32
    %dma_wait3A_1377 = tpu.memref_slice %arg5[%dma_wait3A_1369, %add3A_926, %dma_wait3A_1376] : memref<16x9216x256xf32, #tpu.memory_space<hbm>> -> memref<1x96x256xf32, #tpu.memory_space<hbm>>
    %dma_wait3A_1378 = tpu.memref_squeeze %dma_wait3A_1377 : memref<1x96x256xf32, #tpu.memory_space<hbm>> -> memref<96x256xf32, #tpu.memory_space<hbm>>
    %dma_wait3A_1379 = arith.constant 192 : i32
    %dma_wait3A_1380 = arith.constant 0 : i32
    %dma_wait3A_1381 = tpu.memref_slice %arg7[%dma_wait3A_1379, %dma_wait3A_1380] : memref<288x256xf32, #tpu.memory_space<vmem>> -> memref<96x256xf32, #tpu.memory_space<vmem>>
    tpu.wait_dma2 semaphore(%arg8 : memref<!tpu.dma_semaphore, #tpu.memory_space<semaphore_mem>>) src(%dma_wait3A_1381 : memref<96x256xf32, #tpu.memory_space<vmem>>) dst(%dma_wait3A_1378 : memref<96x256xf32, #tpu.memory_space<hbm>>)
    %dma_wait3A_1382 = arith.constant 3 : i32
    %dma_wait3A_1383 = arith.constant 192 : i32
    %dma_wait3A_1384 = arith.constant 0 : i32
    %dma_wait3A_1385 = tpu.memref_slice %arg7[%dma_wait3A_1383, %dma_wait3A_1384] : memref<288x256xf32, #tpu.memory_space<vmem>> -> memref<96x256xf32, #tpu.memory_space<vmem>>
    %dma_wait3A_1386 = arith.constant 0 : i32
    %dma_wait3A_1387 = tpu.memref_slice %arg5[%dma_wait3A_1382, %add3A_941, %dma_wait3A_1386] : memref<16x9216x256xf32, #tpu.memory_space<hbm>> -> memref<1x96x256xf32, #tpu.memory_space<hbm>>
    %dma_wait3A_1388 = tpu.memref_squeeze %dma_wait3A_1387 : memref<1x96x256xf32, #tpu.memory_space<hbm>> -> memref<96x256xf32, #tpu.memory_space<hbm>>
    %dma_wait3A_1389 = arith.constant 0 : i32
    %dma_wait3A_1390 = tpu.memref_slice %arg5[%dma_wait3A_1382, %add3A_941, %dma_wait3A_1389] : memref<16x9216x256xf32, #tpu.memory_space<hbm>> -> memref<1x96x256xf32, #tpu.memory_space<hbm>>
    %dma_wait3A_1391 = tpu.memref_squeeze %dma_wait3A_1390 : memref<1x96x256xf32, #tpu.memory_space<hbm>> -> memref<96x256xf32, #tpu.memory_space<hbm>>
    %dma_wait3A_1392 = arith.constant 192 : i32
    %dma_wait3A_1393 = arith.constant 0 : i32
    %dma_wait3A_1394 = tpu.memref_slice %arg7[%dma_wait3A_1392, %dma_wait3A_1393] : memref<288x256xf32, #tpu.memory_space<vmem>> -> memref<96x256xf32, #tpu.memory_space<vmem>>
    tpu.wait_dma2 semaphore(%arg8 : memref<!tpu.dma_semaphore, #tpu.memory_space<semaphore_mem>>) src(%dma_wait3A_1394 : memref<96x256xf32, #tpu.memory_space<vmem>>) dst(%dma_wait3A_1391 : memref<96x256xf32, #tpu.memory_space<hbm>>)
    %dma_wait3A_1395 = arith.constant 4 : i32
    %dma_wait3A_1396 = arith.constant 192 : i32
    %dma_wait3A_1397 = arith.constant 0 : i32
    %dma_wait3A_1398 = tpu.memref_slice %arg7[%dma_wait3A_1396, %dma_wait3A_1397] : memref<288x256xf32, #tpu.memory_space<vmem>> -> memref<96x256xf32, #tpu.memory_space<vmem>>
    %dma_wait3A_1399 = arith.constant 0 : i32
    %dma_wait3A_1400 = tpu.memref_slice %arg5[%dma_wait3A_1395, %add3A_956, %dma_wait3A_1399] : memref<16x9216x256xf32, #tpu.memory_space<hbm>> -> memref<1x96x256xf32, #tpu.memory_space<hbm>>
    %dma_wait3A_1401 = tpu.memref_squeeze %dma_wait3A_1400 : memref<1x96x256xf32, #tpu.memory_space<hbm>> -> memref<96x256xf32, #tpu.memory_space<hbm>>
    %dma_wait3A_1402 = arith.constant 0 : i32
    %dma_wait3A_1403 = tpu.memref_slice %arg5[%dma_wait3A_1395, %add3A_956, %dma_wait3A_1402] : memref<16x9216x256xf32, #tpu.memory_space<hbm>> -> memref<1x96x256xf32, #tpu.memory_space<hbm>>
    %dma_wait3A_1404 = tpu.memref_squeeze %dma_wait3A_1403 : memref<1x96x256xf32, #tpu.memory_space<hbm>> -> memref<96x256xf32, #tpu.memory_space<hbm>>
    %dma_wait3A_1405 = arith.constant 192 : i32
    %dma_wait3A_1406 = arith.constant 0 : i32
    %dma_wait3A_1407 = tpu.memref_slice %arg7[%dma_wait3A_1405, %dma_wait3A_1406] : memref<288x256xf32, #tpu.memory_space<vmem>> -> memref<96x256xf32, #tpu.memory_space<vmem>>
    tpu.wait_dma2 semaphore(%arg8 : memref<!tpu.dma_semaphore, #tpu.memory_space<semaphore_mem>>) src(%dma_wait3A_1407 : memref<96x256xf32, #tpu.memory_space<vmem>>) dst(%dma_wait3A_1404 : memref<96x256xf32, #tpu.memory_space<hbm>>)
    %dma_wait3A_1408 = arith.constant 5 : i32
    %dma_wait3A_1409 = arith.constant 192 : i32
    %dma_wait3A_1410 = arith.constant 0 : i32
    %dma_wait3A_1411 = tpu.memref_slice %arg7[%dma_wait3A_1409, %dma_wait3A_1410] : memref<288x256xf32, #tpu.memory_space<vmem>> -> memref<96x256xf32, #tpu.memory_space<vmem>>
    %dma_wait3A_1412 = arith.constant 0 : i32
    %dma_wait3A_1413 = tpu.memref_slice %arg5[%dma_wait3A_1408, %add3A_971, %dma_wait3A_1412] : memref<16x9216x256xf32, #tpu.memory_space<hbm>> -> memref<1x96x256xf32, #tpu.memory_space<hbm>>
    %dma_wait3A_1414 = tpu.memref_squeeze %dma_wait3A_1413 : memref<1x96x256xf32, #tpu.memory_space<hbm>> -> memref<96x256xf32, #tpu.memory_space<hbm>>
    %dma_wait3A_1415 = arith.constant 0 : i32
    %dma_wait3A_1416 = tpu.memref_slice %arg5[%dma_wait3A_1408, %add3A_971, %dma_wait3A_1415] : memref<16x9216x256xf32, #tpu.memory_space<hbm>> -> memref<1x96x256xf32, #tpu.memory_space<hbm>>
    %dma_wait3A_1417 = tpu.memref_squeeze %dma_wait3A_1416 : memref<1x96x256xf32, #tpu.memory_space<hbm>> -> memref<96x256xf32, #tpu.memory_space<hbm>>
    %dma_wait3A_1418 = arith.constant 192 : i32
    %dma_wait3A_1419 = arith.constant 0 : i32
    %dma_wait3A_1420 = tpu.memref_slice %arg7[%dma_wait3A_1418, %dma_wait3A_1419] : memref<288x256xf32, #tpu.memory_space<vmem>> -> memref<96x256xf32, #tpu.memory_space<vmem>>
    tpu.wait_dma2 semaphore(%arg8 : memref<!tpu.dma_semaphore, #tpu.memory_space<semaphore_mem>>) src(%dma_wait3A_1420 : memref<96x256xf32, #tpu.memory_space<vmem>>) dst(%dma_wait3A_1417 : memref<96x256xf32, #tpu.memory_space<hbm>>)
    %dma_wait3A_1421 = arith.constant 6 : i32
    %dma_wait3A_1422 = arith.constant 192 : i32
    %dma_wait3A_1423 = arith.constant 0 : i32
    %dma_wait3A_1424 = tpu.memref_slice %arg7[%dma_wait3A_1422, %dma_wait3A_1423] : memref<288x256xf32, #tpu.memory_space<vmem>> -> memref<96x256xf32, #tpu.memory_space<vmem>>
    %dma_wait3A_1425 = arith.constant 0 : i32
    %dma_wait3A_1426 = tpu.memref_slice %arg5[%dma_wait3A_1421, %add3A_986, %dma_wait3A_1425] : memref<16x9216x256xf32, #tpu.memory_space<hbm>> -> memref<1x96x256xf32, #tpu.memory_space<hbm>>
    %dma_wait3A_1427 = tpu.memref_squeeze %dma_wait3A_1426 : memref<1x96x256xf32, #tpu.memory_space<hbm>> -> memref<96x256xf32, #tpu.memory_space<hbm>>
    %dma_wait3A_1428 = arith.constant 0 : i32
    %dma_wait3A_1429 = tpu.memref_slice %arg5[%dma_wait3A_1421, %add3A_986, %dma_wait3A_1428] : memref<16x9216x256xf32, #tpu.memory_space<hbm>> -> memref<1x96x256xf32, #tpu.memory_space<hbm>>
    %dma_wait3A_1430 = tpu.memref_squeeze %dma_wait3A_1429 : memref<1x96x256xf32, #tpu.memory_space<hbm>> -> memref<96x256xf32, #tpu.memory_space<hbm>>
    %dma_wait3A_1431 = arith.constant 192 : i32
    %dma_wait3A_1432 = arith.constant 0 : i32
    %dma_wait3A_1433 = tpu.memref_slice %arg7[%dma_wait3A_1431, %dma_wait3A_1432] : memref<288x256xf32, #tpu.memory_space<vmem>> -> memref<96x256xf32, #tpu.memory_space<vmem>>
    tpu.wait_dma2 semaphore(%arg8 : memref<!tpu.dma_semaphore, #tpu.memory_space<semaphore_mem>>) src(%dma_wait3A_1433 : memref<96x256xf32, #tpu.memory_space<vmem>>) dst(%dma_wait3A_1430 : memref<96x256xf32, #tpu.memory_space<hbm>>)
    %dma_wait3A_1434 = arith.constant 7 : i32
    %dma_wait3A_1435 = arith.constant 192 : i32
    %dma_wait3A_1436 = arith.constant 0 : i32
    %dma_wait3A_1437 = tpu.memref_slice %arg7[%dma_wait3A_1435, %dma_wait3A_1436] : memref<288x256xf32, #tpu.memory_space<vmem>> -> memref<96x256xf32, #tpu.memory_space<vmem>>
    %dma_wait3A_1438 = arith.constant 0 : i32
    %dma_wait3A_1439 = tpu.memref_slice %arg5[%dma_wait3A_1434, %add3A_1001, %dma_wait3A_1438] : memref<16x9216x256xf32, #tpu.memory_space<hbm>> -> memref<1x96x256xf32, #tpu.memory_space<hbm>>
    %dma_wait3A_1440 = tpu.memref_squeeze %dma_wait3A_1439 : memref<1x96x256xf32, #tpu.memory_space<hbm>> -> memref<96x256xf32, #tpu.memory_space<hbm>>
    %dma_wait3A_1441 = arith.constant 0 : i32
    %dma_wait3A_1442 = tpu.memref_slice %arg5[%dma_wait3A_1434, %add3A_1001, %dma_wait3A_1441] : memref<16x9216x256xf32, #tpu.memory_space<hbm>> -> memref<1x96x256xf32, #tpu.memory_space<hbm>>
    %dma_wait3A_1443 = tpu.memref_squeeze %dma_wait3A_1442 : memref<1x96x256xf32, #tpu.memory_space<hbm>> -> memref<96x256xf32, #tpu.memory_space<hbm>>
    %dma_wait3A_1444 = arith.constant 192 : i32
    %dma_wait3A_1445 = arith.constant 0 : i32
    %dma_wait3A_1446 = tpu.memref_slice %arg7[%dma_wait3A_1444, %dma_wait3A_1445] : memref<288x256xf32, #tpu.memory_space<vmem>> -> memref<96x256xf32, #tpu.memory_space<vmem>>
    tpu.wait_dma2 semaphore(%arg8 : memref<!tpu.dma_semaphore, #tpu.memory_space<semaphore_mem>>) src(%dma_wait3A_1446 : memref<96x256xf32, #tpu.memory_space<vmem>>) dst(%dma_wait3A_1443 : memref<96x256xf32, #tpu.memory_space<hbm>>)
    %dma_wait3A_1447 = arith.constant 8 : i32
    %dma_wait3A_1448 = arith.constant 192 : i32
    %dma_wait3A_1449 = arith.constant 0 : i32
    %dma_wait3A_1450 = tpu.memref_slice %arg7[%dma_wait3A_1448, %dma_wait3A_1449] : memref<288x256xf32, #tpu.memory_space<vmem>> -> memref<96x256xf32, #tpu.memory_space<vmem>>
    %dma_wait3A_1451 = arith.constant 0 : i32
    %dma_wait3A_1452 = tpu.memref_slice %arg5[%dma_wait3A_1447, %add3A_1016, %dma_wait3A_1451] : memref<16x9216x256xf32, #tpu.memory_space<hbm>> -> memref<1x96x256xf32, #tpu.memory_space<hbm>>
    %dma_wait3A_1453 = tpu.memref_squeeze %dma_wait3A_1452 : memref<1x96x256xf32, #tpu.memory_space<hbm>> -> memref<96x256xf32, #tpu.memory_space<hbm>>
    %dma_wait3A_1454 = arith.constant 0 : i32
    %dma_wait3A_1455 = tpu.memref_slice %arg5[%dma_wait3A_1447, %add3A_1016, %dma_wait3A_1454] : memref<16x9216x256xf32, #tpu.memory_space<hbm>> -> memref<1x96x256xf32, #tpu.memory_space<hbm>>
    %dma_wait3A_1456 = tpu.memref_squeeze %dma_wait3A_1455 : memref<1x96x256xf32, #tpu.memory_space<hbm>> -> memref<96x256xf32, #tpu.memory_space<hbm>>
    %dma_wait3A_1457 = arith.constant 192 : i32
    %dma_wait3A_1458 = arith.constant 0 : i32
    %dma_wait3A_1459 = tpu.memref_slice %arg7[%dma_wait3A_1457, %dma_wait3A_1458] : memref<288x256xf32, #tpu.memory_space<vmem>> -> memref<96x256xf32, #tpu.memory_space<vmem>>
    tpu.wait_dma2 semaphore(%arg8 : memref<!tpu.dma_semaphore, #tpu.memory_space<semaphore_mem>>) src(%dma_wait3A_1459 : memref<96x256xf32, #tpu.memory_space<vmem>>) dst(%dma_wait3A_1456 : memref<96x256xf32, #tpu.memory_space<hbm>>)
    %dma_wait3A_1460 = arith.constant 9 : i32
    %dma_wait3A_1461 = arith.constant 192 : i32
    %dma_wait3A_1462 = arith.constant 0 : i32
    %dma_wait3A_1463 = tpu.memref_slice %arg7[%dma_wait3A_1461, %dma_wait3A_1462] : memref<288x256xf32, #tpu.memory_space<vmem>> -> memref<96x256xf32, #tpu.memory_space<vmem>>
    %dma_wait3A_1464 = arith.constant 0 : i32
    %dma_wait3A_1465 = tpu.memref_slice %arg5[%dma_wait3A_1460, %add3A_1031, %dma_wait3A_1464] : memref<16x9216x256xf32, #tpu.memory_space<hbm>> -> memref<1x96x256xf32, #tpu.memory_space<hbm>>
    %dma_wait3A_1466 = tpu.memref_squeeze %dma_wait3A_1465 : memref<1x96x256xf32, #tpu.memory_space<hbm>> -> memref<96x256xf32, #tpu.memory_space<hbm>>
    %dma_wait3A_1467 = arith.constant 0 : i32
    %dma_wait3A_1468 = tpu.memref_slice %arg5[%dma_wait3A_1460, %add3A_1031, %dma_wait3A_1467] : memref<16x9216x256xf32, #tpu.memory_space<hbm>> -> memref<1x96x256xf32, #tpu.memory_space<hbm>>
    %dma_wait3A_1469 = tpu.memref_squeeze %dma_wait3A_1468 : memref<1x96x256xf32, #tpu.memory_space<hbm>> -> memref<96x256xf32, #tpu.memory_space<hbm>>
    %dma_wait3A_1470 = arith.constant 192 : i32
    %dma_wait3A_1471 = arith.constant 0 : i32
    %dma_wait3A_1472 = tpu.memref_slice %arg7[%dma_wait3A_1470, %dma_wait3A_1471] : memref<288x256xf32, #tpu.memory_space<vmem>> -> memref<96x256xf32, #tpu.memory_space<vmem>>
    tpu.wait_dma2 semaphore(%arg8 : memref<!tpu.dma_semaphore, #tpu.memory_space<semaphore_mem>>) src(%dma_wait3A_1472 : memref<96x256xf32, #tpu.memory_space<vmem>>) dst(%dma_wait3A_1469 : memref<96x256xf32, #tpu.memory_space<hbm>>)
    %dma_wait3A_1473 = arith.constant 10 : i32
    %dma_wait3A_1474 = arith.constant 192 : i32
    %dma_wait3A_1475 = arith.constant 0 : i32
    %dma_wait3A_1476 = tpu.memref_slice %arg7[%dma_wait3A_1474, %dma_wait3A_1475] : memref<288x256xf32, #tpu.memory_space<vmem>> -> memref<96x256xf32, #tpu.memory_space<vmem>>
    %dma_wait3A_1477 = arith.constant 0 : i32
    %dma_wait3A_1478 = tpu.memref_slice %arg5[%dma_wait3A_1473, %add3A_1046, %dma_wait3A_1477] : memref<16x9216x256xf32, #tpu.memory_space<hbm>> -> memref<1x96x256xf32, #tpu.memory_space<hbm>>
    %dma_wait3A_1479 = tpu.memref_squeeze %dma_wait3A_1478 : memref<1x96x256xf32, #tpu.memory_space<hbm>> -> memref<96x256xf32, #tpu.memory_space<hbm>>
    %dma_wait3A_1480 = arith.constant 0 : i32
    %dma_wait3A_1481 = tpu.memref_slice %arg5[%dma_wait3A_1473, %add3A_1046, %dma_wait3A_1480] : memref<16x9216x256xf32, #tpu.memory_space<hbm>> -> memref<1x96x256xf32, #tpu.memory_space<hbm>>
    %dma_wait3A_1482 = tpu.memref_squeeze %dma_wait3A_1481 : memref<1x96x256xf32, #tpu.memory_space<hbm>> -> memref<96x256xf32, #tpu.memory_space<hbm>>
    %dma_wait3A_1483 = arith.constant 192 : i32
    %dma_wait3A_1484 = arith.constant 0 : i32
    %dma_wait3A_1485 = tpu.memref_slice %arg7[%dma_wait3A_1483, %dma_wait3A_1484] : memref<288x256xf32, #tpu.memory_space<vmem>> -> memref<96x256xf32, #tpu.memory_space<vmem>>
    tpu.wait_dma2 semaphore(%arg8 : memref<!tpu.dma_semaphore, #tpu.memory_space<semaphore_mem>>) src(%dma_wait3A_1485 : memref<96x256xf32, #tpu.memory_space<vmem>>) dst(%dma_wait3A_1482 : memref<96x256xf32, #tpu.memory_space<hbm>>)
    %dma_wait3A_1486 = arith.constant 11 : i32
    %dma_wait3A_1487 = arith.constant 192 : i32
    %dma_wait3A_1488 = arith.constant 0 : i32
    %dma_wait3A_1489 = tpu.memref_slice %arg7[%dma_wait3A_1487, %dma_wait3A_1488] : memref<288x256xf32, #tpu.memory_space<vmem>> -> memref<96x256xf32, #tpu.memory_space<vmem>>
    %dma_wait3A_1490 = arith.constant 0 : i32
    %dma_wait3A_1491 = tpu.memref_slice %arg5[%dma_wait3A_1486, %add3A_1061, %dma_wait3A_1490] : memref<16x9216x256xf32, #tpu.memory_space<hbm>> -> memref<1x96x256xf32, #tpu.memory_space<hbm>>
    %dma_wait3A_1492 = tpu.memref_squeeze %dma_wait3A_1491 : memref<1x96x256xf32, #tpu.memory_space<hbm>> -> memref<96x256xf32, #tpu.memory_space<hbm>>
    %dma_wait3A_1493 = arith.constant 0 : i32
    %dma_wait3A_1494 = tpu.memref_slice %arg5[%dma_wait3A_1486, %add3A_1061, %dma_wait3A_1493] : memref<16x9216x256xf32, #tpu.memory_space<hbm>> -> memref<1x96x256xf32, #tpu.memory_space<hbm>>
    %dma_wait3A_1495 = tpu.memref_squeeze %dma_wait3A_1494 : memref<1x96x256xf32, #tpu.memory_space<hbm>> -> memref<96x256xf32, #tpu.memory_space<hbm>>
    %dma_wait3A_1496 = arith.constant 192 : i32
    %dma_wait3A_1497 = arith.constant 0 : i32
    %dma_wait3A_1498 = tpu.memref_slice %arg7[%dma_wait3A_1496, %dma_wait3A_1497] : memref<288x256xf32, #tpu.memory_space<vmem>> -> memref<96x256xf32, #tpu.memory_space<vmem>>
    tpu.wait_dma2 semaphore(%arg8 : memref<!tpu.dma_semaphore, #tpu.memory_space<semaphore_mem>>) src(%dma_wait3A_1498 : memref<96x256xf32, #tpu.memory_space<vmem>>) dst(%dma_wait3A_1495 : memref<96x256xf32, #tpu.memory_space<hbm>>)
    %dma_wait3A_1499 = arith.constant 12 : i32
    %dma_wait3A_1500 = arith.constant 192 : i32
    %dma_wait3A_1501 = arith.constant 0 : i32
    %dma_wait3A_1502 = tpu.memref_slice %arg7[%dma_wait3A_1500, %dma_wait3A_1501] : memref<288x256xf32, #tpu.memory_space<vmem>> -> memref<96x256xf32, #tpu.memory_space<vmem>>
    %dma_wait3A_1503 = arith.constant 0 : i32
    %dma_wait3A_1504 = tpu.memref_slice %arg5[%dma_wait3A_1499, %add3A_1076, %dma_wait3A_1503] : memref<16x9216x256xf32, #tpu.memory_space<hbm>> -> memref<1x96x256xf32, #tpu.memory_space<hbm>>
    %dma_wait3A_1505 = tpu.memref_squeeze %dma_wait3A_1504 : memref<1x96x256xf32, #tpu.memory_space<hbm>> -> memref<96x256xf32, #tpu.memory_space<hbm>>
    %dma_wait3A_1506 = arith.constant 0 : i32
    %dma_wait3A_1507 = tpu.memref_slice %arg5[%dma_wait3A_1499, %add3A_1076, %dma_wait3A_1506] : memref<16x9216x256xf32, #tpu.memory_space<hbm>> -> memref<1x96x256xf32, #tpu.memory_space<hbm>>
    %dma_wait3A_1508 = tpu.memref_squeeze %dma_wait3A_1507 : memref<1x96x256xf32, #tpu.memory_space<hbm>> -> memref<96x256xf32, #tpu.memory_space<hbm>>
    %dma_wait3A_1509 = arith.constant 192 : i32
    %dma_wait3A_1510 = arith.constant 0 : i32
    %dma_wait3A_1511 = tpu.memref_slice %arg7[%dma_wait3A_1509, %dma_wait3A_1510] : memref<288x256xf32, #tpu.memory_space<vmem>> -> memref<96x256xf32, #tpu.memory_space<vmem>>
    tpu.wait_dma2 semaphore(%arg8 : memref<!tpu.dma_semaphore, #tpu.memory_space<semaphore_mem>>) src(%dma_wait3A_1511 : memref<96x256xf32, #tpu.memory_space<vmem>>) dst(%dma_wait3A_1508 : memref<96x256xf32, #tpu.memory_space<hbm>>)
    %dma_wait3A_1512 = arith.constant 13 : i32
    %dma_wait3A_1513 = arith.constant 192 : i32
    %dma_wait3A_1514 = arith.constant 0 : i32
    %dma_wait3A_1515 = tpu.memref_slice %arg7[%dma_wait3A_1513, %dma_wait3A_1514] : memref<288x256xf32, #tpu.memory_space<vmem>> -> memref<96x256xf32, #tpu.memory_space<vmem>>
    %dma_wait3A_1516 = arith.constant 0 : i32
    %dma_wait3A_1517 = tpu.memref_slice %arg5[%dma_wait3A_1512, %add3A_1091, %dma_wait3A_1516] : memref<16x9216x256xf32, #tpu.memory_space<hbm>> -> memref<1x96x256xf32, #tpu.memory_space<hbm>>
    %dma_wait3A_1518 = tpu.memref_squeeze %dma_wait3A_1517 : memref<1x96x256xf32, #tpu.memory_space<hbm>> -> memref<96x256xf32, #tpu.memory_space<hbm>>
    %dma_wait3A_1519 = arith.constant 0 : i32
    %dma_wait3A_1520 = tpu.memref_slice %arg5[%dma_wait3A_1512, %add3A_1091, %dma_wait3A_1519] : memref<16x9216x256xf32, #tpu.memory_space<hbm>> -> memref<1x96x256xf32, #tpu.memory_space<hbm>>
    %dma_wait3A_1521 = tpu.memref_squeeze %dma_wait3A_1520 : memref<1x96x256xf32, #tpu.memory_space<hbm>> -> memref<96x256xf32, #tpu.memory_space<hbm>>
    %dma_wait3A_1522 = arith.constant 192 : i32
    %dma_wait3A_1523 = arith.constant 0 : i32
    %dma_wait3A_1524 = tpu.memref_slice %arg7[%dma_wait3A_1522, %dma_wait3A_1523] : memref<288x256xf32, #tpu.memory_space<vmem>> -> memref<96x256xf32, #tpu.memory_space<vmem>>
    tpu.wait_dma2 semaphore(%arg8 : memref<!tpu.dma_semaphore, #tpu.memory_space<semaphore_mem>>) src(%dma_wait3A_1524 : memref<96x256xf32, #tpu.memory_space<vmem>>) dst(%dma_wait3A_1521 : memref<96x256xf32, #tpu.memory_space<hbm>>)
    %dma_wait3A_1525 = arith.constant 14 : i32
    %dma_wait3A_1526 = arith.constant 192 : i32
    %dma_wait3A_1527 = arith.constant 0 : i32
    %dma_wait3A_1528 = tpu.memref_slice %arg7[%dma_wait3A_1526, %dma_wait3A_1527] : memref<288x256xf32, #tpu.memory_space<vmem>> -> memref<96x256xf32, #tpu.memory_space<vmem>>
    %dma_wait3A_1529 = arith.constant 0 : i32
    %dma_wait3A_1530 = tpu.memref_slice %arg5[%dma_wait3A_1525, %add3A_1106, %dma_wait3A_1529] : memref<16x9216x256xf32, #tpu.memory_space<hbm>> -> memref<1x96x256xf32, #tpu.memory_space<hbm>>
    %dma_wait3A_1531 = tpu.memref_squeeze %dma_wait3A_1530 : memref<1x96x256xf32, #tpu.memory_space<hbm>> -> memref<96x256xf32, #tpu.memory_space<hbm>>
    %dma_wait3A_1532 = arith.constant 0 : i32
    %dma_wait3A_1533 = tpu.memref_slice %arg5[%dma_wait3A_1525, %add3A_1106, %dma_wait3A_1532] : memref<16x9216x256xf32, #tpu.memory_space<hbm>> -> memref<1x96x256xf32, #tpu.memory_space<hbm>>
    %dma_wait3A_1534 = tpu.memref_squeeze %dma_wait3A_1533 : memref<1x96x256xf32, #tpu.memory_space<hbm>> -> memref<96x256xf32, #tpu.memory_space<hbm>>
    %dma_wait3A_1535 = arith.constant 192 : i32
    %dma_wait3A_1536 = arith.constant 0 : i32
    %dma_wait3A_1537 = tpu.memref_slice %arg7[%dma_wait3A_1535, %dma_wait3A_1536] : memref<288x256xf32, #tpu.memory_space<vmem>> -> memref<96x256xf32, #tpu.memory_space<vmem>>
    tpu.wait_dma2 semaphore(%arg8 : memref<!tpu.dma_semaphore, #tpu.memory_space<semaphore_mem>>) src(%dma_wait3A_1537 : memref<96x256xf32, #tpu.memory_space<vmem>>) dst(%dma_wait3A_1534 : memref<96x256xf32, #tpu.memory_space<hbm>>)
    %dma_wait3A_1538 = arith.constant 15 : i32
    %dma_wait3A_1539 = arith.constant 192 : i32
    %dma_wait3A_1540 = arith.constant 0 : i32
    %dma_wait3A_1541 = tpu.memref_slice %arg7[%dma_wait3A_1539, %dma_wait3A_1540] : memref<288x256xf32, #tpu.memory_space<vmem>> -> memref<96x256xf32, #tpu.memory_space<vmem>>
    %dma_wait3A_1542 = arith.constant 0 : i32
    %dma_wait3A_1543 = tpu.memref_slice %arg5[%dma_wait3A_1538, %add3A_1121, %dma_wait3A_1542] : memref<16x9216x256xf32, #tpu.memory_space<hbm>> -> memref<1x96x256xf32, #tpu.memory_space<hbm>>
    %dma_wait3A_1544 = tpu.memref_squeeze %dma_wait3A_1543 : memref<1x96x256xf32, #tpu.memory_space<hbm>> -> memref<96x256xf32, #tpu.memory_space<hbm>>
    %dma_wait3A_1545 = arith.constant 0 : i32
    %dma_wait3A_1546 = tpu.memref_slice %arg5[%dma_wait3A_1538, %add3A_1121, %dma_wait3A_1545] : memref<16x9216x256xf32, #tpu.memory_space<hbm>> -> memref<1x96x256xf32, #tpu.memory_space<hbm>>
    %dma_wait3A_1547 = tpu.memref_squeeze %dma_wait3A_1546 : memref<1x96x256xf32, #tpu.memory_space<hbm>> -> memref<96x256xf32, #tpu.memory_space<hbm>>
    %dma_wait3A_1548 = arith.constant 192 : i32
    %dma_wait3A_1549 = arith.constant 0 : i32
    %dma_wait3A_1550 = tpu.memref_slice %arg7[%dma_wait3A_1548, %dma_wait3A_1549] : memref<288x256xf32, #tpu.memory_space<vmem>> -> memref<96x256xf32, #tpu.memory_space<vmem>>
    tpu.wait_dma2 semaphore(%arg8 : memref<!tpu.dma_semaphore, #tpu.memory_space<semaphore_mem>>) src(%dma_wait3A_1550 : memref<96x256xf32, #tpu.memory_space<vmem>>) dst(%dma_wait3A_1547 : memref<96x256xf32, #tpu.memory_space<hbm>>)
    return
  }
}

</mosaic_0001>

<sc_bundles>
// kernel: kernel.3.cloned.1.call-start
scs
__scs_entry_jumppad:
0x0: {  	(pc) =	sbr.rel $0x88, $3  }
0x1: {  	(tag) =	ssettag $0x0;
	lr =	simm.s32 $0x1  }
0x2: {  	[smem:$0x3F9E] =	sst lr;
	_ =	strace $0xD0000000  }
0x3: {  	_ = 	snop  }
0x4: {  	_ = 	snop  }
0x5: {  	_ = 	snop  }
0x6: {  	_ = 	snop  }
0x7: {  	_ = 	snop  }
__scs_overlays_trampoline_lowered:
0x8: {  	[smem:$0x3FAD] =	sst s0  }
0x9: {  	[smem:$0x3FAE] =	sst s1  }
0xa: {  	[smem:$0x3FAF] =	sst s2  }
0xb: {  	[smem:$0x3FB0] =	sst s3  }
0xc: {  	[smem:$0x3FB1] =	sst s4  }
0xd: {  	[smem:$0x3FB2] =	sst s5  }
0xe: {  	[smem:$0x3FB3] =	sst s6  }
0xf: {  	[smem:$0x3FB4] =	sst s7  }
0x10: {  	[smem:$0x3FB5] =	sst s8  }
0x11: {  	[smem:$0x3FB6] =	sst s9;
	s0 =	simm.s32 @!p0 $0x0  }
0x12: {  	s1 =	sld [smem:$0x3F9C];
	s0 =	simm.s32 @p0 $0x1  }
0x13: {  	[smem:$0x3FB7] =	sst s0;
	s0 =	simm.s32 @!p1 $0x0  }
0x14: {  	s2 =	sld [smem:$0x3F9B];
	s0 =	simm.s32 @p1 $0x1  }
0x15: {  	[smem:$0x3FB8] =	sst s0;
	s0 =	simm.s32 @!p2 $0x0  }
0x16: {  	s3 =	sld [smem:$0x3FDB];
	s0 =	simm.s32 @p2 $0x1  }
0x17: {  	s4 =	simm.s32 $0x1BF5;
	[smem:$0x3FBA] =	sst s0  }
0x18: {  	s0 =	sld [smem:$0x3F9D];
	_ =	swait.ge [sflag:s4], $0x0  }
0x19: {  	s7 =	sld [smem:$0x3F9E]  }
0x1a: {  	s8 =	sadd.s32 $0xFFFFE003, lr  }
0x1b: {  	s9 =	sadd.s32 $0xFFFFFEF7, lr;
	s5 =	simm.s32 $0xFFFFFFFF;
	p2 =	slt.u32 s8, $0xFFFFF086  }
0x1c: {  	p1 =	slt.u32 s9, $0xF7A;
	s5 =	simm.s32 @!p2 $0x0  }
0x1d: {  	s5 =	simm.s32 @p1 $0x1;
	p0 =	seq.s32 s7, s2  }
0x1e: {  	s7 =	smul.u32 @!p0 $0xF7A, s2;
	p2 =	seq.s32 @!p0 s5, $0x0  }
0x1f: {  	s9 =	smul.u32 $0xF7A, s1;
	s8 =	simm.s32 @!p0 $0x1BF5;
	p2 =	por !p2, p0  }
0x20: {  	[sflag:s8] =	ssyncset.s32 @!p0 $0xFFFFF086;
	s6 =	sadd.s32 @!p0 s3, s7;
	s7 =	simm.s32 @!p0 $0x108  }
0x21: {  	s3 =	sadd.s32 s3, s9;
	s6 =	sadd.s32 @!p0 $0x88, s6;
	s7 =	simm.s32 @p2 $0x1082  }
0x22: {  	[simem:s7], [sflag:s8] =	dma.local @!p0 [hbm:s6], $0xF7A  }
0x23: {  	s9 =	sor.u32 $0xD0000000, s2;
	s6 =	simm.s32 $0x108;
	_ =	swait.ge @!p0 [sflag:s8], $0x0  }
0x24: {  	s3 =	sadd.s32 $0x88, s3;
	s6 =	simm.s32 @!p1 $0x1082;
	[sflag:s4] =	ssyncset.s32 $0xFFFFF086  }
0x25: {  	[simem:s6], [sflag:s4] =	dma.local [hbm:s3], $0xF7A  }
0x26: {  	[smem:$0x3F9E] =	sst s1;
	(tag) =	ssettag s2;
	_ =	strace s9  }
0x27: {  	s1 =	sld [smem:$0x3FAE]  }
0x28: {  	s2 =	sld [smem:$0x3FAF]  }
0x29: {  	s4 =	sld [smem:$0x3FB1]  }
0x2a: {  	p0 =	seq.s32 s5, $0x0;
	s5 =	sld [smem:$0x3FB2]  }
0x2b: {  	s6 =	sld [smem:$0x3FB3]  }
0x2c: {  	s7 =	sld [smem:$0x3FB4]  }
0x2d: {  	s3 =	simm.s32 $0x108;
	s8 =	sld [smem:$0x3FB5]  }
0x2e: {  	s3 =	simm.s32 @!p0 $0x1082;
	s9 =	sld [smem:$0x3FB6]  }
0x2f: {  	lr =	sadd.s32 s0, s3;
	s0 =	sld [smem:$0x3FAD]  }
0x30: {  	s3 =	sld [smem:$0x3FB0]  }
0x31: {  	[smem:$0x3FB9] =	sst s10  }
0x32: {  	s10 =	sld [smem:$0x3FB7];
	_ =	sdelay $0x3  }
0x33: {  	p0 =	seq.s32 s10, $0x1;
	s10 =	sld [smem:$0x3FB9];
	_ =	sdelay $0x3  }
0x34: {  	[smem:$0x3FB9] =	sst s10  }
0x35: {  	s10 =	sld [smem:$0x3FB8];
	_ =	sdelay $0x3  }
0x36: {  	p1 =	seq.s32 s10, $0x1;
	s10 =	sld [smem:$0x3FB9];
	_ =	sdelay $0x3  }
0x37: {  	[smem:$0x3FB9] =	sst s10  }
0x38: {  	s10 =	sld [smem:$0x3FBA]  }
0x39: {  	_ = 	snop;
	(pc) =	sbr.ind lr, $3  }
0x3a: {  	_ = 	snop  }
0x3b: {  	_ = 	snop  }
0x3c: {  	p2 =	seq.s32 s10, $0x1;
	s10 =	sld [smem:$0x3FB9]  }
0x3d: {  	_ =	shalt  }
0x3e: {  	_ =	shalt  }
0x3f: {  	_ =	shalt  }
0x40: {  	_ =	shalt  }
0x41: {  	_ =	shalt  }
0x42: {  	_ =	shalt  }
0x43: {  	_ =	shalt  }
0x44: {  	_ =	shalt  }
0x45: {  	_ =	shalt  }
0x46: {  	_ =	shalt  }
0x47: {  	_ =	shalt  }
0x48: {  	_ =	shalt  }
0x49: {  	_ =	shalt  }
0x4a: {  	_ =	shalt  }
0x4b: {  	_ =	shalt  }
0x4c: {  	_ =	shalt  }
0x4d: {  	_ =	shalt  }
0x4e: {  	_ =	shalt  }
0x4f: {  	_ =	shalt  }
0x50: {  	_ =	shalt  }
0x51: {  	_ =	shalt  }
0x52: {  	_ =	shalt  }
0x53: {  	_ =	shalt  }
0x54: {  	_ =	shalt  }
0x55: {  	_ =	shalt  }
0x56: {  	_ =	shalt  }
0x57: {  	_ =	shalt  }
0x58: {  	_ =	shalt  }
0x59: {  	_ =	shalt  }
0x5a: {  	_ =	shalt  }
0x5b: {  	_ =	shalt  }
0x5c: {  	_ =	shalt  }
0x5d: {  	_ =	shalt  }
0x5e: {  	_ =	shalt  }
0x5f: {  	_ =	shalt  }
0x60: {  	_ =	shalt  }
0x61: {  	_ =	shalt  }
0x62: {  	_ =	shalt  }
0x63: {  	_ =	shalt  }
0x64: {  	_ =	shalt  }
0x65: {  	_ =	shalt  }
0x66: {  	_ =	shalt  }
0x67: {  	_ =	shalt  }
0x68: {  	_ =	shalt  }
0x69: {  	_ =	shalt  }
0x6a: {  	_ =	shalt  }
0x6b: {  	_ =	shalt  }
0x6c: {  	_ =	shalt  }
0x6d: {  	_ =	shalt  }
0x6e: {  	_ =	shalt  }
0x6f: {  	_ =	shalt  }
0x70: {  	_ =	shalt  }
0x71: {  	_ =	shalt  }
0x72: {  	_ =	shalt  }
0x73: {  	_ =	shalt  }
0x74: {  	_ =	shalt  }
0x75: {  	_ =	shalt  }
0x76: {  	_ =	shalt  }
0x77: {  	_ =	shalt  }
0x78: {  	_ =	shalt  }
0x79: {  	_ =	shalt  }
0x7a: {  	_ =	shalt  }
0x7b: {  	_ =	shalt  }
0x7c: {  	_ =	shalt  }
0x7d: {  	_ =	shalt  }
0x7e: {  	_ =	shalt  }
0x7f: {  	_ =	shalt  }
0x80: {  	_ =	shalt  }
0x81: {  	_ =	shalt  }
0x82: {  	_ =	shalt  }
0x83: {  	_ =	shalt  }
0x84: {  	_ =	shalt  }
0x85: {  	_ =	shalt  }
0x86: {  	_ =	shalt  }
0x87: {  	_ =	shalt  }
.Lfunc_end0:
.L_simem_size_0:
called_computation_lowered:
.L_overlay_start_0:
0x88: {  	s2 =	sld [smem:$0x3FD9]  }
0x89: {  	s3 =	sld [smem:$0x3FFE];
	_ =	sdelay $0x1  }
0x8a: {  	s1 =	srdreg.scid  }
0x8b: {  	s0 =	sand.u32 $0x1, s1  }
0x8c: {  	s17 =	sshll.u32 s0, $0xA;
	s2 =	sadd.s32 s3, s2  }
0x8d: {  	s2 =	sadd.s32 s2, s17  }
0x8e: {  	[smem:$0x3FC5] =	sst s2  }
0x8f: {  	_ = 	snop  }
0x90: {  	s2 =	sld [smem:$0x3FD0];
	(tm) =	ssettm $0x1  }
0x91: {  	s18 =	sld [smem:$0x3FFB];
	_ =	sdelay $0x3  }
0x92: {  	_ =	strace s18  }
0x93: {  	s3 =	sld [smem:$0x3FFC];
	_ =	sdelay $0x3  }
0x94: {  	_ =	strace s3  }
0x95: {  	s3 =	sld [smem:$0x3FFD];
	_ =	sdelay $0x3  }
0x96: {  	_ =	strace s3  }
0x97: {  	_ =	strace $0x8FFFFFFF  }
0x98: {  	s19 =	sld [smem:$0x3FDB];
	_ =	sdelay $0x1  }
0x99: {  	s4 =	simm.s32 $_scs_section_size  }
0x9a: {  	s5 =	simm.s32 $_size__tile_overlayer_lowered;
	s6 =	simm.s32 $_tile_overlayer_lowered  }
0x9b: {  	s22 =	simm.s32 $0x1BFF;
	s21 =	sshll.u32 s6, $0x1;
	s3 =	sadd.s32 s4, s19  }
0x9c: {  	s7 =	simm.s32 $0x0;
	s20 =	sshll.u32 s5, $0x1;
	s5 =	sadd.s32 s21, s3  }
0x9d: {  	[timem:s7], [sflag:s22] =	dma.local [hbm:s5], s20  }
0x9e: {  	_ =	swait.ge [sflag:s22], s20  }
0x9f: {  	s4 =	ssub.s32 $0x0, s20;
	[sflag:s22] =	ssyncset.done $0x0  }
0xa0: {  	[sflag:s22] =	ssyncadd.s32 s4;
	_ =	sdelay $0x1  }
0xa1: {  	s23 =	simm.s32 $0x1B8B  }
0xa2: {  	_ =	swait.ge [sflag:s23], $0x1  }
0xa3: {  	[sflag:s23] =	ssyncset.done $0x0  }
0xa4: {  	s25 =	simm.s32 $0x1B8E;
	s24 =	sld [smem:$0x3FFE];
	[sflag:s23] =	ssyncadd.s32 $0xFFFFFFFF  }
0xa5: {  	s26 =	simm.s32 $execute0_lowered;
	[smem:$0x3FD2] =	sst s25  }
0xa6: {  	s5 =	sshll.u32 s26, $0x1;
	_ =	strace $0x80000046;
	[dreg:$0x1] =	wrdreg $0xFFFFFFFF  }
0xa7: {  	s28 =	simm.s32 $_size_execute0_lowered;
	s3 =	sadd.s32 s3, s5;
	[dreg:$0x0] =	wrdreg $0x0  }
0xa8: {  	s5 =	sshll.u32 s28, $0x1;
	[dreg:$0x2] =	wrdreg s3  }
0xa9: {  	[dreg:$0x3] =	wrdreg s5  }
0xaa: {  	[dreg:$0x4] =	wrdreg $0xC0  }
0xab: {  	_ =	task [dreg:s7], $0x5FFFF  }
0xac: {  	[dreg:$0x1] =	wrdreg $0xFFFFFFFF  }
0xad: {  	[dreg:$0x0] =	wrdreg $0x60  }
0xae: {  	[dreg:$0x2] =	wrdreg s24  }
0xaf: {  	[dreg:$0x3] =	wrdreg s2  }
0xb0: {  	[dreg:$0x4] =	wrdreg $0x9  }
0xb1: {  	_ =	task.clear_ibuf [dreg:s7], $0x5FFFF;
	_ =	strace $0x90000046  }
0xb2: {  	s29 =	simm.s32 $0x9;
	_ =	strace $0x80000048  }
0xb3: {  	_ =	swait.ge [sflag:s29], $0x1  }
0xb4: {  	[sflag:s29] =	ssyncadd.s32 $0xFFFFFFFF  }
0xb5: {  	_ =	strace $0x90000048  }
0xb6: {  	_ =	sfence  }
0xb7: {  	s30 =	sld [smem:$0x0];
	_ =	sdelay $0x2  }
0xb8: {  	s31 =	sshll.u32 s1, $0xD;
	s1 =	sshrl.u32 s1, $0x2  }
0xb9: {  	s3 =	sand.u32 $0x4000, s31;
	s1 =	sadd.s32 s1, s30  }
0xba: {  	s0 =	sor.u32 s3, s0;
	s1 =	sshll.u32 s1, $0x11  }
0xbb: {  	s0 =	sor.u32 s1, s0  }
0xbc: {  	s0 =	sadd.s32 $0x8F2B, s0  }
0xbd: {  	[sflag:s0] =	ssyncadd.remote.s32 $0x1  }
0xbe: {  	_ =	sfence.sel $0xFFFF  }
0xbf: {  	[dreg:$0x0] =	wrdreg $0xFFFFFFFF;
	(pc) =	sbr.abs _section_cstart, $3  }
0xc0: {  	[dreg:$0x1] =	wrdreg $0xFFFFFFFF  }
0xc1: {  	_ =	task.clear_ibuf [dreg:s7], $0x2FFFF;
	_ =	strace $0x9FFFFFFF  }
0xc2: {  	(tm) =	ssettm $0x7FFFFFFF  }
0xc3: {  	_ =	shalt  }
tec
execute0_lowered:
.L_overlay_start_1:
0x0: {  	(tag) =	ssettag $0x1  }
0x1: {  	s0 =	rddreg [dreg:$0x0];
	s1 =	srdreg.scid  }
0x2: {  	s2 =	stileid.u32;
	s3 =	rddreg [dreg:$0x1];
	s1 =	sand.u32 $0x1, s1  }
0x3: {  	s4 =	sshll.u32 s2, $0x1;
	s2 =	simm.s32 $0x0;
	s6 =	sadd.s32 $0x600, s0  }
0x4: {  	s16 =	sadd.s32 $0x400, s0;
	s0 =	sadd.s32 $0x800, s0;
	[smem:$0x7FF] =	sst s2  }
0x5: {  	s4 =	sor.u32 s1, s4;
	_ =	strace $0x80000047;
	[dreg:$0x3] =	wrdreg s6  }
0x6: {  	s1 =	ssub.s32 $0x2, s1;
	s5 =	smul.u32 $0x9, s4;
	[dreg:$0x4] =	wrdreg s16  }
0x7: {  	[dreg:$0x5] =	wrdreg s0;
	s18 =	sshrl.u32 s1, $0x1;
	s4 =	smul.u32 $0x12000, s4  }
0x8: {  	s0 =	ssub.s32 s1, s18;
	s17 =	sand.u32 $0x1F, s5;
	s19 =	sshrl.u32 s5, $0x5  }
0x9: {  	s7 =	sadd.s32 $0x1, s5;
	s10 =	sadd.s32 $0x2, s5;
	s12 =	sadd.s32 $0x3, s5  }
0xa: {  	s14 =	sadd.s32 $0x4, s5;
	s15 =	sadd.s32 $0x5, s5;
	s6 =	smul.u32 $0x158, s17  }
0xb: {  	s4 =	sshrl.u32 s4, $0x3;
	s1 =	smul.u32 $0x158, s19;
	s9 =	sshrl.u32 s7, $0x5  }
0xc: {  	s30 =	sadd.s32 $0x6, s5;
	s21 =	sand.u32 $0x1F, s10;
	s20 =	smul.u32 $0x158, s9  }
0xd: {  	s18 =	sadd.s32 $0x7, s5;
	s10 =	sshrl.u32 s10, $0x5;
	s11 =	smul.u32 $0x158, s21  }
0xe: {  	s5 =	sadd.s32 $0x8, s5;
	s23 =	sand.u32 $0x1F, s12;
	s22 =	smul.u32 $0x158, s10  }
0xf: {  	s0 =	smax.u32 s0, $0x1;
	s12 =	sshrl.u32 s12, $0x5;
	s13 =	smul.u32 $0x158, s23  }
0x10: {  	s8 =	sand.u32 $0x1F, s7;
	s25 =	sand.u32 $0x1F, s14;
	s24 =	smul.u32 $0x158, s12  }
0x11: {  	s14 =	sshrl.u32 s14, $0x5;
	s26 =	sand.u32 $0x1F, s15;
	s12 =	smul.u32 $0x158, s25  }
0x12: {  	s15 =	sshrl.u32 s15, $0x5;
	[smem:$0x7F7] =	sst s0;
	s16 =	smul.u32 $0x158, s14  }
0x13: {  	s17 =	smul.u32 $0x158, s26;
	s14 =	sshrl.u32 s30, $0x5;
	s7 =	sshrl.u32 s1, $0x2  }
0x14: {  	s10 =	sshrl.u32 s11, $0x2;
	s11 =	sshra.s32 s22, $0x2;
	s22 =	sadd.s32 s3, s4  }
0x15: {  	s19 =	smul.u32 $0x158, s14;
	s21 =	sadd.s32 $0x48000, s22;
	[dreg:$0x6] =	wrdreg s22  }
0x16: {  	s9 =	sshra.s32 s20, $0x2;
	s23 =	sadd.s32 $0x90000, s22;
	[dreg:$0x7] =	wrdreg s21  }
0x17: {  	s14 =	sshra.s32 s24, $0x2;
	s24 =	sadd.s32 $0xD8000, s22;
	[dreg:$0x8] =	wrdreg s23  }
0x18: {  	s3 =	smul.u32 $0x158, s15;
	s25 =	sadd.s32 $0x120000, s22;
	[dreg:$0x9] =	wrdreg s24  }
0x19: {  	s15 =	sand.u32 $0x1F, s30;
	s26 =	sadd.s32 $0x168000, s22;
	[dreg:$0xa] =	wrdreg s25  }
0x1a: {  	s20 =	sand.u32 $0x1F, s18;
	s30 =	sadd.s32 $0x1B0000, s22;
	[dreg:$0xb] =	wrdreg s26  }
0x1b: {  	s4 =	smul.u32 $0x158, s15;
	[dreg:$0xc] =	wrdreg s30;
	s21 =	sadd.s32 $0x1F8000, s22  }
0x1c: {  	s15 =	sshrl.u32 s18, $0x5;
	s23 =	sadd.s32 $0x240000, s22;
	[dreg:$0xd] =	wrdreg s21  }
0x1d: {  	s18 =	sand.u32 $0x1F, s5;
	s24 =	sadd.s32 $0x288000, s22;
	[dreg:$0xe] =	wrdreg s23  }
0x1e: {  	s1 =	smul.u32 $0x158, s15;
	s25 =	sadd.s32 $0x2D0000, s22;
	[dreg:$0xf] =	wrdreg s24  }
0x1f: {  	s15 =	sshrl.u32 s12, $0x2;
	s26 =	sadd.s32 $0x318000, s22;
	[dreg:$0x10] =	wrdreg s25  }
0x20: {  	s12 =	smul.u32 $0x158, s18;
	s30 =	sadd.s32 $0x360000, s22;
	[dreg:$0x11] =	wrdreg s26  }
0x21: {  	s18 =	sshra.s32 s3, $0x2;
	s3 =	sadd.s32 $0x241800, s22;
	[dreg:$0x12] =	wrdreg s30  }
0x22: {  	s21 =	sadd.s32 $0x3A8000, s22;
	[smem:$0x7F4] =	sst s3  }
0x23: {  	s23 =	sadd.s32 $0x3F0000, s22;
	[dreg:$0x13] =	wrdreg s21  }
0x24: {  	s24 =	sadd.s32 $0x438000, s22;
	[dreg:$0x14] =	wrdreg s23  }
0x25: {  	s25 =	sadd.s32 $0x48C00, s22;
	[dreg:$0x15] =	wrdreg s24  }
0x26: {  	s20 =	smul.u32 $0x158, s20;
	s26 =	sadd.s32 $0x90C00, s22;
	[dreg:$0x16] =	wrdreg s25  }
0x27: {  	s30 =	sadd.s32 $0x120C00, s22;
	[dreg:$0x17] =	wrdreg s26  }
0x28: {  	s28 =	sshrl.u32 s20, $0x2;
	s20 =	sadd.s32 $0xC00, s22;
	[dreg:$0x18] =	wrdreg s30  }
0x29: {  	s21 =	sadd.s32 $0x168C00, s22;
	[smem:$0x7E8] =	sst s20  }
0x2a: {  	s23 =	sadd.s32 $0x1B0C00, s22;
	[dreg:$0x19] =	wrdreg s21  }
0x2b: {  	s24 =	sadd.s32 $0x1F8C00, s22;
	[dreg:$0x1a] =	wrdreg s23  }
0x2c: {  	s25 =	sadd.s32 $0x240C00, s22;
	[dreg:$0x1b] =	wrdreg s24  }
0x2d: {  	s26 =	sadd.s32 $0x288C00, s22;
	[dreg:$0x1c] =	wrdreg s25  }
0x2e: {  	s30 =	sadd.s32 $0x2D0C00, s22;
	[dreg:$0x1d] =	wrdreg s26  }
0x2f: {  	s20 =	sadd.s32 $0xD9800, s22;
	[dreg:$0x1e] =	wrdreg s30  }
0x30: {  	s29 =	sshrl.u32 s12, $0x2;
	s12 =	sadd.s32 $0x319800, s22;
	[smem:$0x7EF] =	sst s20  }
0x31: {  	s21 =	sshrl.u32 s4, $0x2;
	s4 =	sadd.s32 $0x318C00, s22;
	[smem:$0x7F8] =	sst s12  }
0x32: {  	s24 =	sshra.s32 s19, $0x2;
	s19 =	sadd.s32 $0x360C00, s22;
	[dreg:$0x1f] =	wrdreg s4  }
0x33: {  	s23 =	sadd.s32 $0x3A8C00, s22;
	[smem:$0x7E7] =	sst s19  }
0x34: {  	s25 =	sadd.s32 $0x3F0C00, s22;
	[smem:$0x7E9] =	sst s23  }
0x35: {  	s26 =	sadd.s32 $0xD8C00, s22;
	[smem:$0x7EA] =	sst s25  }
0x36: {  	s30 =	sadd.s32 $0x438C00, s22;
	[smem:$0x7EB] =	sst s26  }
0x37: {  	s31 =	simm.s32 $0x1900;
	s20 =	sadd.s32 $0x1800, s22;
	[smem:$0x7EC] =	sst s30  }
0x38: {  	s0 =	simm.s32 $0x7900;
	s4 =	sadd.s32 $0x49800, s22;
	[smem:$0x7FA] =	sst s20  }
0x39: {  	s8 =	smul.u32 $0x158, s8;
	s19 =	sadd.s32 $0x91800, s22;
	[smem:$0x7ED] =	sst s4  }
0x3a: {  	s6 =	sshrl.u32 s6, $0x2;
	s23 =	sadd.s32 $0x121800, s22;
	[smem:$0x7EE] =	sst s19  }
0x3b: {  	s8 =	sshrl.u32 s8, $0x2;
	s25 =	sadd.s32 $0x169800, s22;
	[smem:$0x7F0] =	sst s23  }
0x3c: {  	s5 =	sshrl.u32 s5, $0x5;
	s26 =	sadd.s32 $0x1B1800, s22;
	[smem:$0x7F1] =	sst s25  }
0x3d: {  	s5 =	smul.u32 $0x158, s5;
	s30 =	sadd.s32 $0x1F9800, s22;
	[smem:$0x7F2] =	sst s26  }
0x3e: {  	s23 =	sshra.s32 s1, $0x2;
	[smem:$0x7F3] =	sst s30;
	s4 =	sadd.s32 $0x289800, s22  }
0x3f: {  	s1 =	sshra.s32 s5, $0x2;
	s5 =	sadd.s32 $0x2D1800, s22;
	[smem:$0x7F5] =	sst s4  }
0x40: {  	s13 =	sshrl.u32 s13, $0x2;
	s19 =	sadd.s32 $0x361800, s22;
	[smem:$0x7F6] =	sst s5  }
0x41: {  	s16 =	sshra.s32 s16, $0x2;
	s25 =	sadd.s32 $0x3A9800, s22;
	[smem:$0x7F9] =	sst s19  }
0x42: {  	s17 =	sshrl.u32 s17, $0x2;
	s26 =	sadd.s32 $0x3F1800, s22;
	[smem:$0x7FB] =	sst s25  }
0x43: {  	s3 =	simm.s32 $0x1;
	s30 =	sadd.s32 $0x439800, s22;
	[smem:$0x7FC] =	sst s26  }
0x44: {  	vm0 =	vmmov $0x3f;
	vm1 =	vmmov $0xfff;
	[smem:$0x7FD] =	sst s30;
	s4 =	simm.s32 $0xD900;
	s5 =	simm.s32 $0x0  }
.LBB2_1:
0x45: {  	s12 =	rddreg [dreg:$0x3];
	s19 =	simm.s32 $0x2  }
0x46: {  	[tilespmem:s2], [sflag:$0x2] =	stream.linear.gather [hbm4b:s12+s2], $0xAC0, $0x38;
	[tilespmem:$0x13900] =	vst v63  }
0x47: {  	_ =	swait.ge [sflag:s19], $0xAC0  }
0x48: {  	[sflag:s19] =	ssyncset.done $0x0  }
0x49: {  	s20 =	simm.s32 $0xAC0;
	s25 =	rddreg [dreg:$0x4];
	[sflag:s19] =	ssyncadd.s32 $0xFFFFF540  }
0x4a: {  	[tilespmem:s20], [sflag:$0x2] =	stream.linear.gather [hbm4b:s25+s2], $0xAC0, $0x38;
	[tilespmem:$0x13900] =	vst v63  }
0x4b: {  	_ =	swait.ge [sflag:s19], $0xAC0  }
0x4c: {  	[sflag:s19] =	ssyncset.done $0x0  }
0x4d: {  	s30 =	simm.s32 $0x1580;
	s26 =	rddreg [dreg:$0x5];
	[sflag:s19] =	ssyncadd.s32 $0xFFFFF540  }
0x4e: {  	[tilespmem:s30], [sflag:$0x2] =	stream.linear.gather [hbm4b:s26+s2], $0x308, $0x38;
	[tilespmem:$0x13900] =	vst v63  }
0x4f: {  	_ =	swait.ge [sflag:s19], $0x308  }
0x50: {  	[sflag:s19] =	ssyncset.done $0x0  }
0x51: {  	[sflag:s19] =	ssyncadd.s32 $0xFFFFFCF8;
	s19 =	simm.s32 $0x30  }
0x52: {  	v0 =	vld [tilespmem:s19+$0xFFFFFFD0]  }
0x53: {  	s22 =	simm.s32 $0x100  }
0x54: {  	s25 =	simm.s32 $0x0;
	s20 =	simm.s32 $0x30;
	s26 =	simm.s32 $0x0  }
.LBB2_2:
0x55: {  	p0 =	sne.s32 s22, $0x1F00;
	s12 =	sand.u32 $0x1800, s26;
	s26 =	sand.u32 $0x380, s25  }
0x56: {  	s12 =	sor.u32 s26, s12;
	s26 =	smov.u32 s22  }
0x57: {  	[tilespmem:s12+$0x1900] =	vst v0  }
0x58: {  	v0 =	vld [tilespmem:s20+$0xFFFFFFE0];
	_ =	sdelay $0x4  }
0x59: {  	[tilespmem:s12+$0x1910] =	vst v0  }
0x5a: {  	v0 =	vld [tilespmem:s20+$0xFFFFFFF0];
	_ =	sdelay $0x4  }
0x5b: {  	[tilespmem:s12+$0x1920] =	vst v0  }
0x5c: {  	v0 =	vld [tilespmem:s20+$0x0];
	_ =	sdelay $0x4  }
0x5d: {  	[tilespmem:s12+$0x1930] =	vst v0  }
0x5e: {  	v0 =	vld [tilespmem:s20+$0x10];
	_ =	sdelay $0x4  }
0x5f: {  	[tilespmem:s12+$0x1940] =	vst v0  }
0x60: {  	v0 =	vld [tilespmem:s20+$0x20]  }
0x61: {  	v1 =	vld [tilespmem:s6+$0xABA];
	_ =	sdelay $0x4  }
0x62: {  	v0 =	vsel vm0, v0, v1  }
0x63: {  	[tilespmem:s12+$0x1950] =	vst v0  }
0x64: {  	v0 =	vld [tilespmem:s6+$0xACA];
	_ =	sdelay $0x4  }
0x65: {  	[tilespmem:s12+$0x1960] =	vst v0  }
0x66: {  	v0 =	vld [tilespmem:s6+$0xADA];
	_ =	sdelay $0x4  }
0x67: {  	[tilespmem:s12+$0x1970] =	vst v0  }
0x68: {  	v0 =	vld [tilespmem:s6+$0xAEA];
	_ =	sdelay $0x4  }
0x69: {  	[tilespmem:s12+$0x1D00] =	vst v0  }
0x6a: {  	v0 =	vld [tilespmem:s6+$0xAFA];
	_ =	sdelay $0x4  }
0x6b: {  	[tilespmem:s12+$0x1D10] =	vst v0  }
0x6c: {  	v0 =	vld [tilespmem:s6+$0xB0A]  }
0x6d: {  	v1 =	vld [tilespmem:s7+$0x1574];
	_ =	sdelay $0x4  }
0x6e: {  	v0 =	vsel vm1, v0, v1  }
0x6f: {  	[tilespmem:s12+$0x1D20] =	vst v0  }
0x70: {  	v0 =	vld [tilespmem:s7+$0x1584];
	_ =	sdelay $0x4  }
0x71: {  	[tilespmem:s12+$0x1D30] =	vst v0  }
0x72: {  	v0 =	vld [tilespmem:s7+$0x1594];
	_ =	sdelay $0x4  }
0x73: {  	[tilespmem:s12+$0x1D40] =	vst v0  }
0x74: {  	v0 =	vld [tilespmem:s7+$0x15A4];
	_ =	sdelay $0x4  }
0x75: {  	[tilespmem:s12+$0x1D50] =	vst v0  }
0x76: {  	v0 =	vld [tilespmem:s7+$0x15B4];
	_ =	sdelay $0x4  }
0x77: {  	[tilespmem:s12+$0x1D60] =	vst v0  }
0x78: {  	v0 =	vld [tilespmem:s7+$0x15C4];
	_ =	sdelay $0x3  }
.Ltmp0:
0x79: {  	(pc) =	sbr.rel @p0 .LBB2_2-.Ltmp0, $3  }
0x7a: {  	s20 =	sadd.s32 $0x56, s20;
	[tilespmem:s12+$0x1D70] =	vst v0  }
0x7b: {  	v0 =	vld [tilespmem:s20+$0xFFFFFFD0];
	_ =	sdelay $0x1  }
0x7c: {  	s25 =	sadd.s32 $0x80, s25;
	s22 =	sadd.s32 $0x100, s22  }
0x7d: {  	s12 =	sand.u32 $0x1800, s26;
	s22 =	sand.u32 $0x380, s25  }
0x7e: {  	s12 =	sor.u32 s22, s12  }
0x7f: {  	[tilespmem:s12+$0x1900] =	vst v0  }
0x80: {  	v0 =	vld [tilespmem:s20+$0xFFFFFFE0];
	_ =	sdelay $0x4  }
0x81: {  	[tilespmem:s12+$0x1910] =	vst v0  }
0x82: {  	v0 =	vld [tilespmem:s20+$0xFFFFFFF0];
	_ =	sdelay $0x4  }
0x83: {  	[tilespmem:s12+$0x1920] =	vst v0  }
0x84: {  	v0 =	vld [tilespmem:s20+$0x0];
	_ =	sdelay $0x4  }
0x85: {  	[tilespmem:s12+$0x1930] =	vst v0  }
0x86: {  	v0 =	vld [tilespmem:s20+$0x10];
	_ =	sdelay $0x4  }
0x87: {  	[tilespmem:s12+$0x1940] =	vst v0  }
0x88: {  	v0 =	vld [tilespmem:s20+$0x20]  }
0x89: {  	v1 =	vld [tilespmem:s6+$0xABA];
	_ =	sdelay $0x4  }
0x8a: {  	v0 =	vsel vm0, v0, v1  }
0x8b: {  	[tilespmem:s12+$0x1950] =	vst v0  }
0x8c: {  	v0 =	vld [tilespmem:s6+$0xACA];
	_ =	sdelay $0x4  }
0x8d: {  	[tilespmem:s12+$0x1960] =	vst v0  }
0x8e: {  	v0 =	vld [tilespmem:s6+$0xADA];
	_ =	sdelay $0x4  }
0x8f: {  	[tilespmem:s12+$0x1970] =	vst v0  }
0x90: {  	v0 =	vld [tilespmem:s6+$0xAEA];
	_ =	sdelay $0x4  }
0x91: {  	[tilespmem:s12+$0x1D00] =	vst v0  }
0x92: {  	v0 =	vld [tilespmem:s6+$0xAFA];
	_ =	sdelay $0x4  }
0x93: {  	[tilespmem:s12+$0x1D10] =	vst v0  }
0x94: {  	v0 =	vld [tilespmem:s6+$0xB0A]  }
0x95: {  	v1 =	vld [tilespmem:s7+$0x1574];
	_ =	sdelay $0x4  }
0x96: {  	v0 =	vsel vm1, v0, v1  }
0x97: {  	[tilespmem:s12+$0x1D20] =	vst v0  }
0x98: {  	v0 =	vld [tilespmem:s7+$0x1584];
	_ =	sdelay $0x4  }
0x99: {  	[tilespmem:s12+$0x1D30] =	vst v0  }
0x9a: {  	v0 =	vld [tilespmem:s7+$0x1594];
	_ =	sdelay $0x4  }
0x9b: {  	[tilespmem:s12+$0x1D40] =	vst v0  }
0x9c: {  	v0 =	vld [tilespmem:s7+$0x15A4];
	_ =	sdelay $0x4  }
0x9d: {  	[tilespmem:s12+$0x1D50] =	vst v0  }
0x9e: {  	v0 =	vld [tilespmem:s7+$0x15B4];
	_ =	sdelay $0x4  }
0x9f: {  	[tilespmem:s12+$0x1D60] =	vst v0  }
0xa0: {  	v0 =	vld [tilespmem:s7+$0x15C4];
	_ =	sdelay $0x4  }
0xa1: {  	[tilespmem:s12+$0x1D70] =	vst v0  }
0xa2: {  	v0 =	vld [tilespmem:s19+$0xFFFFFFD0]  }
0xa3: {  	s25 =	simm.s32 $0x100  }
0xa4: {  	s22 =	simm.s32 $0x0;
	s20 =	simm.s32 $0x0;
	s12 =	simm.s32 $0x0  }
.LBB2_4:
0xa5: {  	p0 =	sne.s32 s25, $0x1F00;
	s12 =	sand.u32 $0x1800, s12;
	s26 =	sand.u32 $0x380, s22  }
0xa6: {  	s26 =	sor.u32 s26, s12;
	s12 =	smov.u32 s25  }
0xa7: {  	[tilespmem:s26+$0x3900] =	vst v0  }
0xa8: {  	v0 =	vld [tilespmem:s19+$0xFFFFFFE0];
	_ =	sdelay $0x4  }
0xa9: {  	[tilespmem:s26+$0x3910] =	vst v0  }
0xaa: {  	v0 =	vld [tilespmem:s19+$0xFFFFFFF0];
	_ =	sdelay $0x4  }
0xab: {  	[tilespmem:s26+$0x3920] =	vst v0  }
0xac: {  	v0 =	vld [tilespmem:s19+$0x0];
	_ =	sdelay $0x4  }
0xad: {  	[tilespmem:s26+$0x3930] =	vst v0  }
0xae: {  	v0 =	vld [tilespmem:s19+$0x10];
	_ =	sdelay $0x4  }
0xaf: {  	[tilespmem:s26+$0x3940] =	vst v0  }
0xb0: {  	v0 =	vld [tilespmem:s19+$0x20]  }
0xb1: {  	v1 =	vld [tilespmem:s8+$0xABA];
	_ =	sdelay $0x4  }
0xb2: {  	v0 =	vsel vm0, v0, v1  }
0xb3: {  	[tilespmem:s26+$0x3950] =	vst v0  }
0xb4: {  	v0 =	vld [tilespmem:s8+$0xACA];
	_ =	sdelay $0x4  }
0xb5: {  	[tilespmem:s26+$0x3960] =	vst v0  }
0xb6: {  	v0 =	vld [tilespmem:s8+$0xADA];
	_ =	sdelay $0x4  }
0xb7: {  	[tilespmem:s26+$0x3970] =	vst v0  }
0xb8: {  	v0 =	vld [tilespmem:s8+$0xAEA];
	_ =	sdelay $0x4  }
0xb9: {  	[tilespmem:s26+$0x3D00] =	vst v0  }
0xba: {  	v0 =	vld [tilespmem:s8+$0xAFA];
	_ =	sdelay $0x4  }
0xbb: {  	[tilespmem:s26+$0x3D10] =	vst v0  }
0xbc: {  	v0 =	vld [tilespmem:s8+$0xB0A]  }
0xbd: {  	v1 =	vld [tilespmem:s9+$0x1574];
	_ =	sdelay $0x4  }
0xbe: {  	v0 =	vsel vm1, v0, v1  }
0xbf: {  	[tilespmem:s26+$0x3D20] =	vst v0  }
0xc0: {  	v0 =	vld [tilespmem:s9+$0x1584];
	_ =	sdelay $0x4  }
0xc1: {  	[tilespmem:s26+$0x3D30] =	vst v0  }
0xc2: {  	v0 =	vld [tilespmem:s9+$0x1594];
	_ =	sdelay $0x4  }
0xc3: {  	[tilespmem:s26+$0x3D40] =	vst v0  }
0xc4: {  	v0 =	vld [tilespmem:s9+$0x15A4];
	_ =	sdelay $0x4  }
0xc5: {  	[tilespmem:s26+$0x3D50] =	vst v0  }
0xc6: {  	v0 =	vld [tilespmem:s9+$0x15B4];
	_ =	sdelay $0x4  }
0xc7: {  	[tilespmem:s26+$0x3D60] =	vst v0  }
0xc8: {  	v0 =	vld [tilespmem:s9+$0x15C4];
	_ =	sdelay $0x3  }
.Ltmp1:
0xc9: {  	(pc) =	sbr.rel @p0 .LBB2_4-.Ltmp1, $3  }
0xca: {  	s19 =	sadd.s32 $0x56, s19;
	[tilespmem:s26+$0x3D70] =	vst v0  }
0xcb: {  	v0 =	vld [tilespmem:s19+$0xFFFFFFD0];
	_ =	sdelay $0x1  }
0xcc: {  	s22 =	sadd.s32 $0x80, s22;
	s25 =	sadd.s32 $0x100, s25  }
0xcd: {  	s12 =	sand.u32 $0x1800, s12;
	s22 =	sand.u32 $0x380, s22  }
0xce: {  	s12 =	sor.u32 s22, s12  }
0xcf: {  	[tilespmem:s12+$0x3900] =	vst v0  }
0xd0: {  	v0 =	vld [tilespmem:s19+$0xFFFFFFE0];
	_ =	sdelay $0x4  }
0xd1: {  	[tilespmem:s12+$0x3910] =	vst v0  }
0xd2: {  	v0 =	vld [tilespmem:s19+$0xFFFFFFF0];
	_ =	sdelay $0x4  }
0xd3: {  	[tilespmem:s12+$0x3920] =	vst v0  }
0xd4: {  	v0 =	vld [tilespmem:s19+$0x0];
	_ =	sdelay $0x4  }
0xd5: {  	[tilespmem:s12+$0x3930] =	vst v0  }
0xd6: {  	v0 =	vld [tilespmem:s19+$0x10];
	_ =	sdelay $0x4  }
0xd7: {  	[tilespmem:s12+$0x3940] =	vst v0  }
0xd8: {  	v0 =	vld [tilespmem:s19+$0x20]  }
0xd9: {  	v1 =	vld [tilespmem:s8+$0xABA];
	_ =	sdelay $0x4  }
0xda: {  	v0 =	vsel vm0, v0, v1  }
0xdb: {  	[tilespmem:s12+$0x3950] =	vst v0  }
0xdc: {  	v0 =	vld [tilespmem:s8+$0xACA];
	_ =	sdelay $0x4  }
0xdd: {  	[tilespmem:s12+$0x3960] =	vst v0  }
0xde: {  	v0 =	vld [tilespmem:s8+$0xADA];
	_ =	sdelay $0x4  }
0xdf: {  	[tilespmem:s12+$0x3970] =	vst v0  }
0xe0: {  	v0 =	vld [tilespmem:s8+$0xAEA];
	_ =	sdelay $0x4  }
0xe1: {  	[tilespmem:s12+$0x3D00] =	vst v0  }
0xe2: {  	v0 =	vld [tilespmem:s8+$0xAFA];
	_ =	sdelay $0x4  }
0xe3: {  	[tilespmem:s12+$0x3D10] =	vst v0  }
0xe4: {  	v0 =	vld [tilespmem:s8+$0xB0A]  }
0xe5: {  	v1 =	vld [tilespmem:s9+$0x1574];
	_ =	sdelay $0x4  }
0xe6: {  	v0 =	vsel vm1, v0, v1  }
0xe7: {  	[tilespmem:s12+$0x3D20] =	vst v0  }
0xe8: {  	v0 =	vld [tilespmem:s9+$0x1584];
	_ =	sdelay $0x4  }
0xe9: {  	[tilespmem:s12+$0x3D30] =	vst v0  }
0xea: {  	v0 =	vld [tilespmem:s9+$0x1594];
	_ =	sdelay $0x4  }
0xeb: {  	[tilespmem:s12+$0x3D40] =	vst v0  }
0xec: {  	v0 =	vld [tilespmem:s9+$0x15A4];
	_ =	sdelay $0x4  }
0xed: {  	[tilespmem:s12+$0x3D50] =	vst v0  }
0xee: {  	v0 =	vld [tilespmem:s9+$0x15B4];
	_ =	sdelay $0x4  }
0xef: {  	[tilespmem:s12+$0x3D60] =	vst v0  }
0xf0: {  	v0 =	vld [tilespmem:s9+$0x15C4];
	_ =	sdelay $0x4  }
0xf1: {  	s19 =	simm.s32 $0x30;
	[tilespmem:s12+$0x3D70] =	vst v0  }
0xf2: {  	v0 =	vld [tilespmem:s19+$0xFFFFFFD0];
	_ =	sdelay $0x1  }
0xf3: {  	s25 =	simm.s32 $0x100;
	s22 =	simm.s32 $0x0  }
.LBB2_6:
0xf4: {  	p0 =	sne.s32 s25, $0x1F00;
	s12 =	sand.u32 $0x1800, s20;
	s20 =	sand.u32 $0x380, s22  }
0xf5: {  	s12 =	sor.u32 s20, s12;
	s20 =	smov.u32 s25  }
0xf6: {  	[tilespmem:s12+$0x5900] =	vst v0  }
0xf7: {  	v0 =	vld [tilespmem:s19+$0xFFFFFFE0];
	_ =	sdelay $0x4  }
0xf8: {  	[tilespmem:s12+$0x5910] =	vst v0  }
0xf9: {  	v0 =	vld [tilespmem:s19+$0xFFFFFFF0];
	_ =	sdelay $0x4  }
0xfa: {  	[tilespmem:s12+$0x5920] =	vst v0  }
0xfb: {  	v0 =	vld [tilespmem:s19+$0x0];
	_ =	sdelay $0x4  }
0xfc: {  	[tilespmem:s12+$0x5930] =	vst v0  }
0xfd: {  	v0 =	vld [tilespmem:s19+$0x10];
	_ =	sdelay $0x4  }
0xfe: {  	[tilespmem:s12+$0x5940] =	vst v0  }
0xff: {  	v0 =	vld [tilespmem:s19+$0x20]  }
0x100: {  	v1 =	vld [tilespmem:s10+$0xABA];
	_ =	sdelay $0x4  }
0x101: {  	v0 =	vsel vm0, v0, v1  }
0x102: {  	[tilespmem:s12+$0x5950] =	vst v0  }
0x103: {  	v0 =	vld [tilespmem:s10+$0xACA];
	_ =	sdelay $0x4  }
0x104: {  	[tilespmem:s12+$0x5960] =	vst v0  }
0x105: {  	v0 =	vld [tilespmem:s10+$0xADA];
	_ =	sdelay $0x4  }
0x106: {  	[tilespmem:s12+$0x5970] =	vst v0  }
0x107: {  	v0 =	vld [tilespmem:s10+$0xAEA];
	_ =	sdelay $0x4  }
0x108: {  	[tilespmem:s12+$0x5D00] =	vst v0  }
0x109: {  	v0 =	vld [tilespmem:s10+$0xAFA];
	_ =	sdelay $0x4  }
0x10a: {  	[tilespmem:s12+$0x5D10] =	vst v0  }
0x10b: {  	v0 =	vld [tilespmem:s10+$0xB0A]  }
0x10c: {  	v1 =	vld [tilespmem:s11+$0x1574];
	_ =	sdelay $0x4  }
0x10d: {  	v0 =	vsel vm1, v0, v1  }
0x10e: {  	[tilespmem:s12+$0x5D20] =	vst v0  }
0x10f: {  	v0 =	vld [tilespmem:s11+$0x1584];
	_ =	sdelay $0x4  }
0x110: {  	[tilespmem:s12+$0x5D30] =	vst v0  }
0x111: {  	v0 =	vld [tilespmem:s11+$0x1594];
	_ =	sdelay $0x4  }
0x112: {  	[tilespmem:s12+$0x5D40] =	vst v0  }
0x113: {  	v0 =	vld [tilespmem:s11+$0x15A4];
	_ =	sdelay $0x4  }
0x114: {  	[tilespmem:s12+$0x5D50] =	vst v0  }
0x115: {  	v0 =	vld [tilespmem:s11+$0x15B4];
	_ =	sdelay $0x4  }
0x116: {  	[tilespmem:s12+$0x5D60] =	vst v0  }
0x117: {  	v0 =	vld [tilespmem:s11+$0x15C4];
	_ =	sdelay $0x3  }
.Ltmp2:
0x118: {  	(pc) =	sbr.rel @p0 .LBB2_6-.Ltmp2, $3  }
0x119: {  	s19 =	sadd.s32 $0x56, s19;
	[tilespmem:s12+$0x5D70] =	vst v0  }
0x11a: {  	v0 =	vld [tilespmem:s19+$0xFFFFFFD0];
	_ =	sdelay $0x1  }
0x11b: {  	s22 =	sadd.s32 $0x80, s22;
	s25 =	sadd.s32 $0x100, s25  }
0x11c: {  	s12 =	sand.u32 $0x1800, s20;
	s26 =	sand.u32 $0x380, s22  }
0x11d: {  	s12 =	sor.u32 s26, s12  }
0x11e: {  	[tilespmem:s12+$0x5900] =	vst v0  }
0x11f: {  	v0 =	vld [tilespmem:s19+$0xFFFFFFE0];
	_ =	sdelay $0x4  }
0x120: {  	[tilespmem:s12+$0x5910] =	vst v0  }
0x121: {  	v0 =	vld [tilespmem:s19+$0xFFFFFFF0];
	_ =	sdelay $0x4  }
0x122: {  	[tilespmem:s12+$0x5920] =	vst v0  }
0x123: {  	v0 =	vld [tilespmem:s19+$0x0];
	_ =	sdelay $0x4  }
0x124: {  	[tilespmem:s12+$0x5930] =	vst v0  }
0x125: {  	v0 =	vld [tilespmem:s19+$0x10];
	_ =	sdelay $0x4  }
0x126: {  	[tilespmem:s12+$0x5940] =	vst v0  }
0x127: {  	v0 =	vld [tilespmem:s19+$0x20]  }
0x128: {  	v1 =	vld [tilespmem:s10+$0xABA];
	_ =	sdelay $0x4  }
0x129: {  	v0 =	vsel vm0, v0, v1  }
0x12a: {  	[tilespmem:s12+$0x5950] =	vst v0  }
0x12b: {  	v0 =	vld [tilespmem:s10+$0xACA];
	_ =	sdelay $0x4  }
0x12c: {  	[tilespmem:s12+$0x5960] =	vst v0  }
0x12d: {  	v0 =	vld [tilespmem:s10+$0xADA];
	_ =	sdelay $0x4  }
0x12e: {  	[tilespmem:s12+$0x5970] =	vst v0  }
0x12f: {  	v0 =	vld [tilespmem:s10+$0xAEA];
	_ =	sdelay $0x4  }
0x130: {  	[tilespmem:s12+$0x5D00] =	vst v0  }
0x131: {  	v0 =	vld [tilespmem:s10+$0xAFA];
	_ =	sdelay $0x4  }
0x132: {  	[tilespmem:s12+$0x5D10] =	vst v0  }
0x133: {  	v0 =	vld [tilespmem:s10+$0xB0A]  }
0x134: {  	v1 =	vld [tilespmem:s11+$0x1574];
	_ =	sdelay $0x4  }
0x135: {  	v0 =	vsel vm1, v0, v1  }
0x136: {  	[tilespmem:s12+$0x5D20] =	vst v0  }
0x137: {  	v0 =	vld [tilespmem:s11+$0x1584];
	_ =	sdelay $0x4  }
0x138: {  	[tilespmem:s12+$0x5D30] =	vst v0  }
0x139: {  	v0 =	vld [tilespmem:s11+$0x1594];
	_ =	sdelay $0x4  }
0x13a: {  	[tilespmem:s12+$0x5D40] =	vst v0  }
0x13b: {  	v0 =	vld [tilespmem:s11+$0x15A4];
	_ =	sdelay $0x4  }
0x13c: {  	[tilespmem:s12+$0x5D50] =	vst v0  }
0x13d: {  	v0 =	vld [tilespmem:s11+$0x15B4];
	_ =	sdelay $0x4  }
0x13e: {  	[tilespmem:s12+$0x5D60] =	vst v0  }
0x13f: {  	v0 =	vld [tilespmem:s11+$0x15C4];
	_ =	sdelay $0x4  }
0x140: {  	s30 =	rddreg [dreg:$0x6];
	s19 =	simm.s32 $0x0;
	[tilespmem:s12+$0x5D70] =	vst v0  }
0x141: {  	[hbm4b:s30+s19] =	stream.linear.scatter [tilespmem:s31], [sflag:$0x1], $0x6000, $0x38;
	[tilespmem:$0x13900] =	vst v63  }
0x142: {  	s20 =	rddreg [dreg:$0x7]  }
0x143: {  	[hbm4b:s20+s19] =	stream.linear.scatter [tilespmem:s31], [sflag:$0x1], $0x6000, $0x38;
	[tilespmem:$0x13900] =	vst v63  }
0x144: {  	s22 =	rddreg [dreg:$0x8]  }
0x145: {  	[hbm4b:s22+s19] =	stream.linear.scatter [tilespmem:s31], [sflag:$0x1], $0x6000, $0x38;
	[tilespmem:$0x13900] =	vst v63  }
0x146: {  	s25 =	rddreg [dreg:$0x9]  }
0x147: {  	[hbm4b:s25+s19] =	stream.linear.scatter [tilespmem:s31], [sflag:$0x1], $0x6000, $0x38;
	[tilespmem:$0x13900] =	vst v63  }
0x148: {  	s26 =	rddreg [dreg:$0xa]  }
0x149: {  	[hbm4b:s26+s19] =	stream.linear.scatter [tilespmem:s31], [sflag:$0x1], $0x6000, $0x38;
	[tilespmem:$0x13900] =	vst v63  }
0x14a: {  	s30 =	rddreg [dreg:$0xb]  }
0x14b: {  	[hbm4b:s30+s19] =	stream.linear.scatter [tilespmem:s31], [sflag:$0x1], $0x6000, $0x38;
	[tilespmem:$0x13900] =	vst v63  }
0x14c: {  	s20 =	rddreg [dreg:$0xc]  }
0x14d: {  	[hbm4b:s20+s19] =	stream.linear.scatter [tilespmem:s31], [sflag:$0x1], $0x6000, $0x38;
	[tilespmem:$0x13900] =	vst v63  }
0x14e: {  	s22 =	rddreg [dreg:$0xd]  }
0x14f: {  	[hbm4b:s22+s19] =	stream.linear.scatter [tilespmem:s31], [sflag:$0x1], $0x6000, $0x38;
	[tilespmem:$0x13900] =	vst v63  }
0x150: {  	s25 =	rddreg [dreg:$0xe]  }
0x151: {  	[hbm4b:s25+s19] =	stream.linear.scatter [tilespmem:s31], [sflag:$0x1], $0x6000, $0x38;
	[tilespmem:$0x13900] =	vst v63  }
0x152: {  	s26 =	rddreg [dreg:$0xf]  }
0x153: {  	[hbm4b:s26+s19] =	stream.linear.scatter [tilespmem:s31], [sflag:$0x1], $0x6000, $0x38;
	[tilespmem:$0x13900] =	vst v63  }
0x154: {  	s30 =	rddreg [dreg:$0x10]  }
0x155: {  	[hbm4b:s30+s19] =	stream.linear.scatter [tilespmem:s31], [sflag:$0x1], $0x6000, $0x38;
	[tilespmem:$0x13900] =	vst v63  }
0x156: {  	s20 =	rddreg [dreg:$0x11]  }
0x157: {  	[hbm4b:s20+s19] =	stream.linear.scatter [tilespmem:s31], [sflag:$0x1], $0x6000, $0x38;
	[tilespmem:$0x13900] =	vst v63  }
0x158: {  	s22 =	rddreg [dreg:$0x12]  }
0x159: {  	[hbm4b:s22+s19] =	stream.linear.scatter [tilespmem:s31], [sflag:$0x1], $0x6000, $0x38;
	[tilespmem:$0x13900] =	vst v63  }
0x15a: {  	s25 =	rddreg [dreg:$0x13]  }
0x15b: {  	[hbm4b:s25+s19] =	stream.linear.scatter [tilespmem:s31], [sflag:$0x1], $0x6000, $0x38;
	[tilespmem:$0x13900] =	vst v63  }
0x15c: {  	s26 =	rddreg [dreg:$0x14]  }
0x15d: {  	[hbm4b:s26+s19] =	stream.linear.scatter [tilespmem:s31], [sflag:$0x1], $0x6000, $0x38;
	[tilespmem:$0x13900] =	vst v63  }
0x15e: {  	s30 =	rddreg [dreg:$0x15];
	s20 =	simm.s32 $0x30  }
0x15f: {  	[hbm4b:s30+s19] =	stream.linear.scatter [tilespmem:s31], [sflag:$0x1], $0x6000, $0x38;
	[tilespmem:$0x13900] =	vst v63  }
0x160: {  	v0 =	vld [tilespmem:s20+$0xFFFFFFD0]  }
0x161: {  	s12 =	simm.s32 $0x0  }
0x162: {  	s22 =	simm.s32 $0x30;
	s25 =	simm.s32 $0x100;
	s26 =	simm.s32 $0x0  }
.LBB2_8:
0x163: {  	p0 =	sne.s32 s25, $0x1F00;
	s12 =	sand.u32 $0x1800, s12;
	s30 =	sand.u32 $0x380, s26  }
0x164: {  	s30 =	sor.u32 s30, s12;
	s12 =	smov.u32 s25  }
0x165: {  	[tilespmem:s30+$0x7900] =	vst v0  }
0x166: {  	v0 =	vld [tilespmem:s22+$0xFFFFFFE0];
	_ =	sdelay $0x4  }
0x167: {  	[tilespmem:s30+$0x7910] =	vst v0  }
0x168: {  	v0 =	vld [tilespmem:s22+$0xFFFFFFF0];
	_ =	sdelay $0x4  }
0x169: {  	[tilespmem:s30+$0x7920] =	vst v0  }
0x16a: {  	v0 =	vld [tilespmem:s22+$0x0];
	_ =	sdelay $0x4  }
0x16b: {  	[tilespmem:s30+$0x7930] =	vst v0  }
0x16c: {  	v0 =	vld [tilespmem:s22+$0x10];
	_ =	sdelay $0x4  }
0x16d: {  	[tilespmem:s30+$0x7940] =	vst v0  }
0x16e: {  	v0 =	vld [tilespmem:s22+$0x20]  }
0x16f: {  	v1 =	vld [tilespmem:s13+$0xABA];
	_ =	sdelay $0x4  }
0x170: {  	v0 =	vsel vm0, v0, v1  }
0x171: {  	[tilespmem:s30+$0x7950] =	vst v0  }
0x172: {  	v0 =	vld [tilespmem:s13+$0xACA];
	_ =	sdelay $0x4  }
0x173: {  	[tilespmem:s30+$0x7960] =	vst v0  }
0x174: {  	v0 =	vld [tilespmem:s13+$0xADA];
	_ =	sdelay $0x4  }
0x175: {  	[tilespmem:s30+$0x7970] =	vst v0  }
0x176: {  	v0 =	vld [tilespmem:s13+$0xAEA];
	_ =	sdelay $0x4  }
0x177: {  	[tilespmem:s30+$0x7D00] =	vst v0  }
0x178: {  	v0 =	vld [tilespmem:s13+$0xAFA];
	_ =	sdelay $0x4  }
0x179: {  	[tilespmem:s30+$0x7D10] =	vst v0  }
0x17a: {  	v0 =	vld [tilespmem:s13+$0xB0A]  }
0x17b: {  	v1 =	vld [tilespmem:s14+$0x1574];
	_ =	sdelay $0x4  }
0x17c: {  	v0 =	vsel vm1, v0, v1  }
0x17d: {  	[tilespmem:s30+$0x7D20] =	vst v0  }
0x17e: {  	v0 =	vld [tilespmem:s14+$0x1584];
	_ =	sdelay $0x4  }
0x17f: {  	[tilespmem:s30+$0x7D30] =	vst v0  }
0x180: {  	v0 =	vld [tilespmem:s14+$0x1594];
	_ =	sdelay $0x4  }
0x181: {  	[tilespmem:s30+$0x7D40] =	vst v0  }
0x182: {  	v0 =	vld [tilespmem:s14+$0x15A4];
	_ =	sdelay $0x4  }
0x183: {  	[tilespmem:s30+$0x7D50] =	vst v0  }
0x184: {  	v0 =	vld [tilespmem:s14+$0x15B4];
	_ =	sdelay $0x4  }
0x185: {  	[tilespmem:s30+$0x7D60] =	vst v0  }
0x186: {  	v0 =	vld [tilespmem:s14+$0x15C4];
	_ =	sdelay $0x3  }
.Ltmp3:
0x187: {  	(pc) =	sbr.rel @p0 .LBB2_8-.Ltmp3, $3  }
0x188: {  	s22 =	sadd.s32 $0x56, s22;
	[tilespmem:s30+$0x7D70] =	vst v0  }
0x189: {  	v0 =	vld [tilespmem:s22+$0xFFFFFFD0];
	_ =	sdelay $0x1  }
0x18a: {  	s26 =	sadd.s32 $0x80, s26;
	s25 =	sadd.s32 $0x100, s25  }
0x18b: {  	s12 =	sand.u32 $0x1800, s12;
	s25 =	sand.u32 $0x380, s26  }
0x18c: {  	s12 =	sor.u32 s25, s12  }
0x18d: {  	[tilespmem:s12+$0x7900] =	vst v0  }
0x18e: {  	v0 =	vld [tilespmem:s22+$0xFFFFFFE0];
	_ =	sdelay $0x4  }
0x18f: {  	[tilespmem:s12+$0x7910] =	vst v0  }
0x190: {  	v0 =	vld [tilespmem:s22+$0xFFFFFFF0];
	_ =	sdelay $0x4  }
0x191: {  	[tilespmem:s12+$0x7920] =	vst v0  }
0x192: {  	v0 =	vld [tilespmem:s22+$0x0];
	_ =	sdelay $0x4  }
0x193: {  	[tilespmem:s12+$0x7930] =	vst v0  }
0x194: {  	v0 =	vld [tilespmem:s22+$0x10];
	_ =	sdelay $0x4  }
0x195: {  	[tilespmem:s12+$0x7940] =	vst v0  }
0x196: {  	v0 =	vld [tilespmem:s22+$0x20]  }
0x197: {  	v1 =	vld [tilespmem:s13+$0xABA];
	_ =	sdelay $0x4  }
0x198: {  	v0 =	vsel vm0, v0, v1  }
0x199: {  	[tilespmem:s12+$0x7950] =	vst v0  }
0x19a: {  	v0 =	vld [tilespmem:s13+$0xACA];
	_ =	sdelay $0x4  }
0x19b: {  	[tilespmem:s12+$0x7960] =	vst v0  }
0x19c: {  	v0 =	vld [tilespmem:s13+$0xADA];
	_ =	sdelay $0x4  }
0x19d: {  	[tilespmem:s12+$0x7970] =	vst v0  }
0x19e: {  	v0 =	vld [tilespmem:s13+$0xAEA];
	_ =	sdelay $0x4  }
0x19f: {  	[tilespmem:s12+$0x7D00] =	vst v0  }
0x1a0: {  	v0 =	vld [tilespmem:s13+$0xAFA];
	_ =	sdelay $0x4  }
0x1a1: {  	[tilespmem:s12+$0x7D10] =	vst v0  }
0x1a2: {  	v0 =	vld [tilespmem:s13+$0xB0A]  }
0x1a3: {  	v1 =	vld [tilespmem:s14+$0x1574];
	_ =	sdelay $0x4  }
0x1a4: {  	v0 =	vsel vm1, v0, v1  }
0x1a5: {  	[tilespmem:s12+$0x7D20] =	vst v0  }
0x1a6: {  	v0 =	vld [tilespmem:s14+$0x1584];
	_ =	sdelay $0x4  }
0x1a7: {  	[tilespmem:s12+$0x7D30] =	vst v0  }
0x1a8: {  	v0 =	vld [tilespmem:s14+$0x1594];
	_ =	sdelay $0x4  }
0x1a9: {  	[tilespmem:s12+$0x7D40] =	vst v0  }
0x1aa: {  	v0 =	vld [tilespmem:s14+$0x15A4];
	_ =	sdelay $0x4  }
0x1ab: {  	[tilespmem:s12+$0x7D50] =	vst v0  }
0x1ac: {  	v0 =	vld [tilespmem:s14+$0x15B4];
	_ =	sdelay $0x4  }
0x1ad: {  	[tilespmem:s12+$0x7D60] =	vst v0  }
0x1ae: {  	v0 =	vld [tilespmem:s14+$0x15C4];
	_ =	sdelay $0x4  }
0x1af: {  	[tilespmem:s12+$0x7D70] =	vst v0  }
0x1b0: {  	v0 =	vld [tilespmem:s20+$0xFFFFFFD0];
	_ =	sdelay $0x1  }
0x1b1: {  	s25 =	simm.s32 $0x100;
	s22 =	simm.s32 $0x0  }
.LBB2_10:
0x1b2: {  	p0 =	sne.s32 s25, $0x1F00;
	s12 =	sand.u32 $0x1800, s19;
	s19 =	sand.u32 $0x380, s22  }
0x1b3: {  	s12 =	sor.u32 s19, s12;
	s19 =	smov.u32 s25  }
0x1b4: {  	[tilespmem:s12+$0x9900] =	vst v0  }
0x1b5: {  	v0 =	vld [tilespmem:s20+$0xFFFFFFE0];
	_ =	sdelay $0x4  }
0x1b6: {  	[tilespmem:s12+$0x9910] =	vst v0  }
0x1b7: {  	v0 =	vld [tilespmem:s20+$0xFFFFFFF0];
	_ =	sdelay $0x4  }
0x1b8: {  	[tilespmem:s12+$0x9920] =	vst v0  }
0x1b9: {  	v0 =	vld [tilespmem:s20+$0x0];
	_ =	sdelay $0x4  }
0x1ba: {  	[tilespmem:s12+$0x9930] =	vst v0  }
0x1bb: {  	v0 =	vld [tilespmem:s20+$0x10];
	_ =	sdelay $0x4  }
0x1bc: {  	[tilespmem:s12+$0x9940] =	vst v0  }
0x1bd: {  	v0 =	vld [tilespmem:s20+$0x20]  }
0x1be: {  	v1 =	vld [tilespmem:s15+$0xABA];
	_ =	sdelay $0x4  }
0x1bf: {  	v0 =	vsel vm0, v0, v1  }
0x1c0: {  	[tilespmem:s12+$0x9950] =	vst v0  }
0x1c1: {  	v0 =	vld [tilespmem:s15+$0xACA];
	_ =	sdelay $0x4  }
0x1c2: {  	[tilespmem:s12+$0x9960] =	vst v0  }
0x1c3: {  	v0 =	vld [tilespmem:s15+$0xADA];
	_ =	sdelay $0x4  }
0x1c4: {  	[tilespmem:s12+$0x9970] =	vst v0  }
0x1c5: {  	v0 =	vld [tilespmem:s15+$0xAEA];
	_ =	sdelay $0x4  }
0x1c6: {  	[tilespmem:s12+$0x9D00] =	vst v0  }
0x1c7: {  	v0 =	vld [tilespmem:s15+$0xAFA];
	_ =	sdelay $0x4  }
0x1c8: {  	[tilespmem:s12+$0x9D10] =	vst v0  }
0x1c9: {  	v0 =	vld [tilespmem:s15+$0xB0A]  }
0x1ca: {  	v1 =	vld [tilespmem:s16+$0x1574];
	_ =	sdelay $0x4  }
0x1cb: {  	v0 =	vsel vm1, v0, v1  }
0x1cc: {  	[tilespmem:s12+$0x9D20] =	vst v0  }
0x1cd: {  	v0 =	vld [tilespmem:s16+$0x1584];
	_ =	sdelay $0x4  }
0x1ce: {  	[tilespmem:s12+$0x9D30] =	vst v0  }
0x1cf: {  	v0 =	vld [tilespmem:s16+$0x1594];
	_ =	sdelay $0x4  }
0x1d0: {  	[tilespmem:s12+$0x9D40] =	vst v0  }
0x1d1: {  	v0 =	vld [tilespmem:s16+$0x15A4];
	_ =	sdelay $0x4  }
0x1d2: {  	[tilespmem:s12+$0x9D50] =	vst v0  }
0x1d3: {  	v0 =	vld [tilespmem:s16+$0x15B4];
	_ =	sdelay $0x4  }
0x1d4: {  	[tilespmem:s12+$0x9D60] =	vst v0  }
0x1d5: {  	v0 =	vld [tilespmem:s16+$0x15C4];
	_ =	sdelay $0x3  }
.Ltmp4:
0x1d6: {  	(pc) =	sbr.rel @p0 .LBB2_10-.Ltmp4, $3  }
0x1d7: {  	s20 =	sadd.s32 $0x56, s20;
	[tilespmem:s12+$0x9D70] =	vst v0  }
0x1d8: {  	v0 =	vld [tilespmem:s20+$0xFFFFFFD0];
	_ =	sdelay $0x1  }
0x1d9: {  	s22 =	sadd.s32 $0x80, s22;
	s25 =	sadd.s32 $0x100, s25  }
0x1da: {  	s12 =	sand.u32 $0x1800, s19;
	s30 =	sand.u32 $0x380, s22  }
0x1db: {  	s12 =	sor.u32 s30, s12  }
0x1dc: {  	[tilespmem:s12+$0x9900] =	vst v0  }
0x1dd: {  	v0 =	vld [tilespmem:s20+$0xFFFFFFE0];
	_ =	sdelay $0x4  }
0x1de: {  	[tilespmem:s12+$0x9910] =	vst v0  }
0x1df: {  	v0 =	vld [tilespmem:s20+$0xFFFFFFF0];
	_ =	sdelay $0x4  }
0x1e0: {  	[tilespmem:s12+$0x9920] =	vst v0  }
0x1e1: {  	v0 =	vld [tilespmem:s20+$0x0];
	_ =	sdelay $0x4  }
0x1e2: {  	[tilespmem:s12+$0x9930] =	vst v0  }
0x1e3: {  	v0 =	vld [tilespmem:s20+$0x10];
	_ =	sdelay $0x4  }
0x1e4: {  	[tilespmem:s12+$0x9940] =	vst v0  }
0x1e5: {  	v0 =	vld [tilespmem:s20+$0x20]  }
0x1e6: {  	v1 =	vld [tilespmem:s15+$0xABA];
	_ =	sdelay $0x4  }
0x1e7: {  	v0 =	vsel vm0, v0, v1  }
0x1e8: {  	[tilespmem:s12+$0x9950] =	vst v0  }
0x1e9: {  	v0 =	vld [tilespmem:s15+$0xACA];
	_ =	sdelay $0x4  }
0x1ea: {  	[tilespmem:s12+$0x9960] =	vst v0  }
0x1eb: {  	v0 =	vld [tilespmem:s15+$0xADA];
	_ =	sdelay $0x4  }
0x1ec: {  	[tilespmem:s12+$0x9970] =	vst v0  }
0x1ed: {  	v0 =	vld [tilespmem:s15+$0xAEA];
	_ =	sdelay $0x4  }
0x1ee: {  	[tilespmem:s12+$0x9D00] =	vst v0  }
0x1ef: {  	v0 =	vld [tilespmem:s15+$0xAFA];
	_ =	sdelay $0x4  }
0x1f0: {  	[tilespmem:s12+$0x9D10] =	vst v0  }
0x1f1: {  	v0 =	vld [tilespmem:s15+$0xB0A]  }
0x1f2: {  	v1 =	vld [tilespmem:s16+$0x1574];
	_ =	sdelay $0x4  }
0x1f3: {  	v0 =	vsel vm1, v0, v1  }
0x1f4: {  	[tilespmem:s12+$0x9D20] =	vst v0  }
0x1f5: {  	v0 =	vld [tilespmem:s16+$0x1584];
	_ =	sdelay $0x4  }
0x1f6: {  	[tilespmem:s12+$0x9D30] =	vst v0  }
0x1f7: {  	v0 =	vld [tilespmem:s16+$0x1594];
	_ =	sdelay $0x4  }
0x1f8: {  	[tilespmem:s12+$0x9D40] =	vst v0  }
0x1f9: {  	v0 =	vld [tilespmem:s16+$0x15A4];
	_ =	sdelay $0x4  }
0x1fa: {  	[tilespmem:s12+$0x9D50] =	vst v0  }
0x1fb: {  	v0 =	vld [tilespmem:s16+$0x15B4];
	_ =	sdelay $0x4  }
0x1fc: {  	[tilespmem:s12+$0x9D60] =	vst v0  }
0x1fd: {  	v0 =	vld [tilespmem:s16+$0x15C4];
	_ =	sdelay $0x4  }
0x1fe: {  	s19 =	simm.s32 $0x30;
	[tilespmem:s12+$0x9D70] =	vst v0  }
0x1ff: {  	v0 =	vld [tilespmem:s19+$0xFFFFFFD0];
	_ =	sdelay $0x1  }
0x200: {  	s25 =	simm.s32 $0x0;
	s22 =	simm.s32 $0x100;
	s20 =	simm.s32 $0x0  }
.LBB2_12:
0x201: {  	p0 =	sne.s32 s22, $0x1F00;
	s12 =	sand.u32 $0x1800, s25;
	s25 =	sand.u32 $0x380, s20  }
0x202: {  	s12 =	sor.u32 s25, s12;
	s25 =	smov.u32 s22  }
0x203: {  	[tilespmem:s12+$0xB900] =	vst v0  }
0x204: {  	v0 =	vld [tilespmem:s19+$0xFFFFFFE0];
	_ =	sdelay $0x4  }
0x205: {  	[tilespmem:s12+$0xB910] =	vst v0  }
0x206: {  	v0 =	vld [tilespmem:s19+$0xFFFFFFF0];
	_ =	sdelay $0x4  }
0x207: {  	[tilespmem:s12+$0xB920] =	vst v0  }
0x208: {  	v0 =	vld [tilespmem:s19+$0x0];
	_ =	sdelay $0x4  }
0x209: {  	[tilespmem:s12+$0xB930] =	vst v0  }
0x20a: {  	v0 =	vld [tilespmem:s19+$0x10];
	_ =	sdelay $0x4  }
0x20b: {  	[tilespmem:s12+$0xB940] =	vst v0  }
0x20c: {  	v0 =	vld [tilespmem:s19+$0x20]  }
0x20d: {  	v1 =	vld [tilespmem:s17+$0xABA];
	_ =	sdelay $0x4  }
0x20e: {  	v0 =	vsel vm0, v0, v1  }
0x20f: {  	[tilespmem:s12+$0xB950] =	vst v0  }
0x210: {  	v0 =	vld [tilespmem:s17+$0xACA];
	_ =	sdelay $0x4  }
0x211: {  	[tilespmem:s12+$0xB960] =	vst v0  }
0x212: {  	v0 =	vld [tilespmem:s17+$0xADA];
	_ =	sdelay $0x4  }
0x213: {  	[tilespmem:s12+$0xB970] =	vst v0  }
0x214: {  	v0 =	vld [tilespmem:s17+$0xAEA];
	_ =	sdelay $0x4  }
0x215: {  	[tilespmem:s12+$0xBD00] =	vst v0  }
0x216: {  	v0 =	vld [tilespmem:s17+$0xAFA];
	_ =	sdelay $0x4  }
0x217: {  	[tilespmem:s12+$0xBD10] =	vst v0  }
0x218: {  	v0 =	vld [tilespmem:s17+$0xB0A]  }
0x219: {  	v1 =	vld [tilespmem:s18+$0x1574];
	_ =	sdelay $0x4  }
0x21a: {  	v0 =	vsel vm1, v0, v1  }
0x21b: {  	[tilespmem:s12+$0xBD20] =	vst v0  }
0x21c: {  	v0 =	vld [tilespmem:s18+$0x1584];
	_ =	sdelay $0x4  }
0x21d: {  	[tilespmem:s12+$0xBD30] =	vst v0  }
0x21e: {  	v0 =	vld [tilespmem:s18+$0x1594];
	_ =	sdelay $0x4  }
0x21f: {  	[tilespmem:s12+$0xBD40] =	vst v0  }
0x220: {  	v0 =	vld [tilespmem:s18+$0x15A4];
	_ =	sdelay $0x4  }
0x221: {  	[tilespmem:s12+$0xBD50] =	vst v0  }
0x222: {  	v0 =	vld [tilespmem:s18+$0x15B4];
	_ =	sdelay $0x4  }
0x223: {  	[tilespmem:s12+$0xBD60] =	vst v0  }
0x224: {  	v0 =	vld [tilespmem:s18+$0x15C4];
	_ =	sdelay $0x3  }
.Ltmp5:
0x225: {  	(pc) =	sbr.rel @p0 .LBB2_12-.Ltmp5, $3  }
0x226: {  	s19 =	sadd.s32 $0x56, s19;
	[tilespmem:s12+$0xBD70] =	vst v0  }
0x227: {  	v0 =	vld [tilespmem:s19+$0xFFFFFFD0];
	_ =	sdelay $0x1  }
0x228: {  	s20 =	sadd.s32 $0x80, s20;
	s22 =	sadd.s32 $0x100, s22  }
0x229: {  	s12 =	sand.u32 $0x1800, s25;
	s20 =	sand.u32 $0x380, s20  }
0x22a: {  	s12 =	sor.u32 s20, s12  }
0x22b: {  	[tilespmem:s12+$0xB900] =	vst v0  }
0x22c: {  	v0 =	vld [tilespmem:s19+$0xFFFFFFE0];
	_ =	sdelay $0x4  }
0x22d: {  	[tilespmem:s12+$0xB910] =	vst v0  }
0x22e: {  	v0 =	vld [tilespmem:s19+$0xFFFFFFF0];
	_ =	sdelay $0x4  }
0x22f: {  	[tilespmem:s12+$0xB920] =	vst v0  }
0x230: {  	v0 =	vld [tilespmem:s19+$0x0];
	_ =	sdelay $0x4  }
0x231: {  	[tilespmem:s12+$0xB930] =	vst v0  }
0x232: {  	v0 =	vld [tilespmem:s19+$0x10];
	_ =	sdelay $0x4  }
0x233: {  	[tilespmem:s12+$0xB940] =	vst v0  }
0x234: {  	v0 =	vld [tilespmem:s19+$0x20]  }
0x235: {  	v1 =	vld [tilespmem:s17+$0xABA];
	_ =	sdelay $0x4  }
0x236: {  	v0 =	vsel vm0, v0, v1  }
0x237: {  	[tilespmem:s12+$0xB950] =	vst v0  }
0x238: {  	v0 =	vld [tilespmem:s17+$0xACA];
	_ =	sdelay $0x4  }
0x239: {  	[tilespmem:s12+$0xB960] =	vst v0  }
0x23a: {  	v0 =	vld [tilespmem:s17+$0xADA];
	_ =	sdelay $0x4  }
0x23b: {  	[tilespmem:s12+$0xB970] =	vst v0  }
0x23c: {  	v0 =	vld [tilespmem:s17+$0xAEA];
	_ =	sdelay $0x4  }
0x23d: {  	[tilespmem:s12+$0xBD00] =	vst v0  }
0x23e: {  	v0 =	vld [tilespmem:s17+$0xAFA];
	_ =	sdelay $0x4  }
0x23f: {  	[tilespmem:s12+$0xBD10] =	vst v0  }
0x240: {  	v0 =	vld [tilespmem:s17+$0xB0A]  }
0x241: {  	v1 =	vld [tilespmem:s18+$0x1574];
	_ =	sdelay $0x4  }
0x242: {  	v0 =	vsel vm1, v0, v1  }
0x243: {  	[tilespmem:s12+$0xBD20] =	vst v0  }
0x244: {  	v0 =	vld [tilespmem:s18+$0x1584];
	_ =	sdelay $0x4  }
0x245: {  	[tilespmem:s12+$0xBD30] =	vst v0  }
0x246: {  	v0 =	vld [tilespmem:s18+$0x1594];
	_ =	sdelay $0x4  }
0x247: {  	[tilespmem:s12+$0xBD40] =	vst v0  }
0x248: {  	v0 =	vld [tilespmem:s18+$0x15A4];
	_ =	sdelay $0x4  }
0x249: {  	[tilespmem:s12+$0xBD50] =	vst v0  }
0x24a: {  	v0 =	vld [tilespmem:s18+$0x15B4];
	_ =	sdelay $0x4  }
0x24b: {  	[tilespmem:s12+$0xBD60] =	vst v0  }
0x24c: {  	v0 =	vld [tilespmem:s18+$0x15C4];
	_ =	sdelay $0x2  }
0x24d: {  	s30 =	sld [smem:$0x7E8];
	_ =	sdelay $0x1  }
0x24e: {  	s22 =	rddreg [dreg:$0x17];
	s19 =	simm.s32 $0x0;
	[tilespmem:s12+$0xBD70] =	vst v0  }
0x24f: {  	[hbm4b:s30+s19] =	stream.linear.scatter [tilespmem:s0], [sflag:$0x1], $0x6000, $0x38;
	[tilespmem:$0x13900] =	vst v63  }
0x250: {  	s20 =	rddreg [dreg:$0x16]  }
0x251: {  	[hbm4b:s20+s19] =	stream.linear.scatter [tilespmem:s0], [sflag:$0x1], $0x6000, $0x38;
	[tilespmem:$0x13900] =	vst v63  }
0x252: {  	s25 =	sld [smem:$0x7EB]  }
0x253: {  	[hbm4b:s22+s19] =	stream.linear.scatter [tilespmem:s0], [sflag:$0x1], $0x6000, $0x38;
	[tilespmem:$0x13900] =	vst v63  }
0x254: {  	s26 =	rddreg [dreg:$0x18]  }
0x255: {  	[hbm4b:s25+s19] =	stream.linear.scatter [tilespmem:s0], [sflag:$0x1], $0x6000, $0x38;
	[tilespmem:$0x13900] =	vst v63  }
0x256: {  	s30 =	rddreg [dreg:$0x19]  }
0x257: {  	[hbm4b:s26+s19] =	stream.linear.scatter [tilespmem:s0], [sflag:$0x1], $0x6000, $0x38;
	[tilespmem:$0x13900] =	vst v63  }
0x258: {  	s20 =	rddreg [dreg:$0x1a]  }
0x259: {  	[hbm4b:s30+s19] =	stream.linear.scatter [tilespmem:s0], [sflag:$0x1], $0x6000, $0x38;
	[tilespmem:$0x13900] =	vst v63  }
0x25a: {  	s22 =	rddreg [dreg:$0x1b]  }
0x25b: {  	[hbm4b:s20+s19] =	stream.linear.scatter [tilespmem:s0], [sflag:$0x1], $0x6000, $0x38;
	[tilespmem:$0x13900] =	vst v63  }
0x25c: {  	s25 =	rddreg [dreg:$0x1c]  }
0x25d: {  	[hbm4b:s22+s19] =	stream.linear.scatter [tilespmem:s0], [sflag:$0x1], $0x6000, $0x38;
	[tilespmem:$0x13900] =	vst v63  }
0x25e: {  	s26 =	rddreg [dreg:$0x1d]  }
0x25f: {  	[hbm4b:s25+s19] =	stream.linear.scatter [tilespmem:s0], [sflag:$0x1], $0x6000, $0x38;
	[tilespmem:$0x13900] =	vst v63  }
0x260: {  	s30 =	rddreg [dreg:$0x1e]  }
0x261: {  	[hbm4b:s26+s19] =	stream.linear.scatter [tilespmem:s0], [sflag:$0x1], $0x6000, $0x38;
	[tilespmem:$0x13900] =	vst v63  }
0x262: {  	s20 =	rddreg [dreg:$0x1f]  }
0x263: {  	[hbm4b:s30+s19] =	stream.linear.scatter [tilespmem:s0], [sflag:$0x1], $0x6000, $0x38;
	[tilespmem:$0x13900] =	vst v63  }
0x264: {  	s22 =	sld [smem:$0x7E7]  }
0x265: {  	[hbm4b:s20+s19] =	stream.linear.scatter [tilespmem:s0], [sflag:$0x1], $0x6000, $0x38;
	[tilespmem:$0x13900] =	vst v63  }
0x266: {  	s25 =	sld [smem:$0x7E9]  }
0x267: {  	[hbm4b:s22+s19] =	stream.linear.scatter [tilespmem:s0], [sflag:$0x1], $0x6000, $0x38;
	[tilespmem:$0x13900] =	vst v63  }
0x268: {  	s26 =	sld [smem:$0x7EA]  }
0x269: {  	[hbm4b:s25+s19] =	stream.linear.scatter [tilespmem:s0], [sflag:$0x1], $0x6000, $0x38;
	[tilespmem:$0x13900] =	vst v63  }
0x26a: {  	s30 =	sld [smem:$0x7EC]  }
0x26b: {  	[hbm4b:s26+s19] =	stream.linear.scatter [tilespmem:s0], [sflag:$0x1], $0x6000, $0x38;
	[tilespmem:$0x13900] =	vst v63  }
0x26c: {  	_ = 	snop  }
0x26d: {  	[hbm4b:s30+s19] =	stream.linear.scatter [tilespmem:s0], [sflag:$0x1], $0x6000, $0x38;
	[tilespmem:$0x13900] =	vst v63  }
0x26e: {  	_ =	swait.ge [sflag:s3], $0x6000  }
0x26f: {  	[sflag:s3] =	ssyncset.done $0x0  }
0x270: {  	[sflag:s3] =	ssyncadd.s32 $0xFFFFA000  }
0x271: {  	_ =	swait.ge [sflag:s3], $0x6000  }
0x272: {  	[sflag:s3] =	ssyncset.done $0x0  }
0x273: {  	[sflag:s3] =	ssyncadd.s32 $0xFFFFA000  }
0x274: {  	_ =	swait.ge [sflag:s3], $0x6000  }
0x275: {  	[sflag:s3] =	ssyncset.done $0x0  }
0x276: {  	[sflag:s3] =	ssyncadd.s32 $0xFFFFA000  }
0x277: {  	_ =	swait.ge [sflag:s3], $0x6000  }
0x278: {  	[sflag:s3] =	ssyncset.done $0x0  }
0x279: {  	[sflag:s3] =	ssyncadd.s32 $0xFFFFA000  }
0x27a: {  	_ =	swait.ge [sflag:s3], $0x6000  }
0x27b: {  	[sflag:s3] =	ssyncset.done $0x0  }
0x27c: {  	[sflag:s3] =	ssyncadd.s32 $0xFFFFA000  }
0x27d: {  	_ =	swait.ge [sflag:s3], $0x6000  }
0x27e: {  	[sflag:s3] =	ssyncset.done $0x0  }
0x27f: {  	[sflag:s3] =	ssyncadd.s32 $0xFFFFA000  }
0x280: {  	_ =	swait.ge [sflag:s3], $0x6000  }
0x281: {  	[sflag:s3] =	ssyncset.done $0x0  }
0x282: {  	[sflag:s3] =	ssyncadd.s32 $0xFFFFA000  }
0x283: {  	_ =	swait.ge [sflag:s3], $0x6000  }
0x284: {  	[sflag:s3] =	ssyncset.done $0x0  }
0x285: {  	[sflag:s3] =	ssyncadd.s32 $0xFFFFA000  }
0x286: {  	_ =	swait.ge [sflag:s3], $0x6000  }
0x287: {  	[sflag:s3] =	ssyncset.done $0x0  }
0x288: {  	[sflag:s3] =	ssyncadd.s32 $0xFFFFA000  }
0x289: {  	_ =	swait.ge [sflag:s3], $0x6000  }
0x28a: {  	[sflag:s3] =	ssyncset.done $0x0  }
0x28b: {  	[sflag:s3] =	ssyncadd.s32 $0xFFFFA000  }
0x28c: {  	_ =	swait.ge [sflag:s3], $0x6000  }
0x28d: {  	[sflag:s3] =	ssyncset.done $0x0  }
0x28e: {  	[sflag:s3] =	ssyncadd.s32 $0xFFFFA000  }
0x28f: {  	_ =	swait.ge [sflag:s3], $0x6000  }
0x290: {  	[sflag:s3] =	ssyncset.done $0x0  }
0x291: {  	[sflag:s3] =	ssyncadd.s32 $0xFFFFA000  }
0x292: {  	_ =	swait.ge [sflag:s3], $0x6000  }
0x293: {  	[sflag:s3] =	ssyncset.done $0x0  }
0x294: {  	[sflag:s3] =	ssyncadd.s32 $0xFFFFA000  }
0x295: {  	_ =	swait.ge [sflag:s3], $0x6000  }
0x296: {  	[sflag:s3] =	ssyncset.done $0x0  }
0x297: {  	[sflag:s3] =	ssyncadd.s32 $0xFFFFA000  }
0x298: {  	_ =	swait.ge [sflag:s3], $0x6000  }
0x299: {  	[sflag:s3] =	ssyncset.done $0x0  }
0x29a: {  	[sflag:s3] =	ssyncadd.s32 $0xFFFFA000  }
0x29b: {  	_ =	swait.ge [sflag:s3], $0x6000  }
0x29c: {  	[sflag:s3] =	ssyncset.done $0x0  }
0x29d: {  	s20 =	simm.s32 $0x30;
	[sflag:s3] =	ssyncadd.s32 $0xFFFFA000  }
0x29e: {  	v0 =	vld [tilespmem:s20+$0xFFFFFFD0]  }
0x29f: {  	s12 =	simm.s32 $0x0  }
0x2a0: {  	s22 =	simm.s32 $0x30;
	s25 =	simm.s32 $0x100;
	s26 =	simm.s32 $0x0  }
.LBB2_14:
0x2a1: {  	p0 =	sne.s32 s25, $0x1F00;
	s12 =	sand.u32 $0x1800, s12;
	s30 =	sand.u32 $0x380, s26  }
0x2a2: {  	s30 =	sor.u32 s30, s12;
	s12 =	smov.u32 s25  }
0x2a3: {  	[tilespmem:s30+$0xD900] =	vst v0  }
0x2a4: {  	v0 =	vld [tilespmem:s22+$0xFFFFFFE0];
	_ =	sdelay $0x4  }
0x2a5: {  	[tilespmem:s30+$0xD910] =	vst v0  }
0x2a6: {  	v0 =	vld [tilespmem:s22+$0xFFFFFFF0];
	_ =	sdelay $0x4  }
0x2a7: {  	[tilespmem:s30+$0xD920] =	vst v0  }
0x2a8: {  	v0 =	vld [tilespmem:s22+$0x0];
	_ =	sdelay $0x4  }
0x2a9: {  	[tilespmem:s30+$0xD930] =	vst v0  }
0x2aa: {  	v0 =	vld [tilespmem:s22+$0x10];
	_ =	sdelay $0x4  }
0x2ab: {  	[tilespmem:s30+$0xD940] =	vst v0  }
0x2ac: {  	v0 =	vld [tilespmem:s22+$0x20]  }
0x2ad: {  	v1 =	vld [tilespmem:s21+$0xABA];
	_ =	sdelay $0x4  }
0x2ae: {  	v0 =	vsel vm0, v0, v1  }
0x2af: {  	[tilespmem:s30+$0xD950] =	vst v0  }
0x2b0: {  	v0 =	vld [tilespmem:s21+$0xACA];
	_ =	sdelay $0x4  }
0x2b1: {  	[tilespmem:s30+$0xD960] =	vst v0  }
0x2b2: {  	v0 =	vld [tilespmem:s21+$0xADA];
	_ =	sdelay $0x4  }
0x2b3: {  	[tilespmem:s30+$0xD970] =	vst v0  }
0x2b4: {  	v0 =	vld [tilespmem:s21+$0xAEA];
	_ =	sdelay $0x4  }
0x2b5: {  	[tilespmem:s30+$0xDD00] =	vst v0  }
0x2b6: {  	v0 =	vld [tilespmem:s21+$0xAFA];
	_ =	sdelay $0x4  }
0x2b7: {  	[tilespmem:s30+$0xDD10] =	vst v0  }
0x2b8: {  	v0 =	vld [tilespmem:s21+$0xB0A]  }
0x2b9: {  	v1 =	vld [tilespmem:s24+$0x1574];
	_ =	sdelay $0x4  }
0x2ba: {  	v0 =	vsel vm1, v0, v1  }
0x2bb: {  	[tilespmem:s30+$0xDD20] =	vst v0  }
0x2bc: {  	v0 =	vld [tilespmem:s24+$0x1584];
	_ =	sdelay $0x4  }
0x2bd: {  	[tilespmem:s30+$0xDD30] =	vst v0  }
0x2be: {  	v0 =	vld [tilespmem:s24+$0x1594];
	_ =	sdelay $0x4  }
0x2bf: {  	[tilespmem:s30+$0xDD40] =	vst v0  }
0x2c0: {  	v0 =	vld [tilespmem:s24+$0x15A4];
	_ =	sdelay $0x4  }
0x2c1: {  	[tilespmem:s30+$0xDD50] =	vst v0  }
0x2c2: {  	v0 =	vld [tilespmem:s24+$0x15B4];
	_ =	sdelay $0x4  }
0x2c3: {  	[tilespmem:s30+$0xDD60] =	vst v0  }
0x2c4: {  	v0 =	vld [tilespmem:s24+$0x15C4];
	_ =	sdelay $0x3  }
.Ltmp6:
0x2c5: {  	(pc) =	sbr.rel @p0 .LBB2_14-.Ltmp6, $3  }
0x2c6: {  	s22 =	sadd.s32 $0x56, s22;
	[tilespmem:s30+$0xDD70] =	vst v0  }
0x2c7: {  	v0 =	vld [tilespmem:s22+$0xFFFFFFD0];
	_ =	sdelay $0x1  }
0x2c8: {  	s26 =	sadd.s32 $0x80, s26;
	s25 =	sadd.s32 $0x100, s25  }
0x2c9: {  	s12 =	sand.u32 $0x1800, s12;
	s25 =	sand.u32 $0x380, s26  }
0x2ca: {  	s12 =	sor.u32 s25, s12  }
0x2cb: {  	[tilespmem:s12+$0xD900] =	vst v0  }
0x2cc: {  	v0 =	vld [tilespmem:s22+$0xFFFFFFE0];
	_ =	sdelay $0x4  }
0x2cd: {  	[tilespmem:s12+$0xD910] =	vst v0  }
0x2ce: {  	v0 =	vld [tilespmem:s22+$0xFFFFFFF0];
	_ =	sdelay $0x4  }
0x2cf: {  	[tilespmem:s12+$0xD920] =	vst v0  }
0x2d0: {  	v0 =	vld [tilespmem:s22+$0x0];
	_ =	sdelay $0x4  }
0x2d1: {  	[tilespmem:s12+$0xD930] =	vst v0  }
0x2d2: {  	v0 =	vld [tilespmem:s22+$0x10];
	_ =	sdelay $0x4  }
0x2d3: {  	[tilespmem:s12+$0xD940] =	vst v0  }
0x2d4: {  	v0 =	vld [tilespmem:s22+$0x20]  }
0x2d5: {  	v1 =	vld [tilespmem:s21+$0xABA];
	_ =	sdelay $0x4  }
0x2d6: {  	v0 =	vsel vm0, v0, v1  }
0x2d7: {  	[tilespmem:s12+$0xD950] =	vst v0  }
0x2d8: {  	v0 =	vld [tilespmem:s21+$0xACA];
	_ =	sdelay $0x4  }
0x2d9: {  	[tilespmem:s12+$0xD960] =	vst v0  }
0x2da: {  	v0 =	vld [tilespmem:s21+$0xADA];
	_ =	sdelay $0x4  }
0x2db: {  	[tilespmem:s12+$0xD970] =	vst v0  }
0x2dc: {  	v0 =	vld [tilespmem:s21+$0xAEA];
	_ =	sdelay $0x4  }
0x2dd: {  	[tilespmem:s12+$0xDD00] =	vst v0  }
0x2de: {  	v0 =	vld [tilespmem:s21+$0xAFA];
	_ =	sdelay $0x4  }
0x2df: {  	[tilespmem:s12+$0xDD10] =	vst v0  }
0x2e0: {  	v0 =	vld [tilespmem:s21+$0xB0A]  }
0x2e1: {  	v1 =	vld [tilespmem:s24+$0x1574];
	_ =	sdelay $0x4  }
0x2e2: {  	v0 =	vsel vm1, v0, v1  }
0x2e3: {  	[tilespmem:s12+$0xDD20] =	vst v0  }
0x2e4: {  	v0 =	vld [tilespmem:s24+$0x1584];
	_ =	sdelay $0x4  }
0x2e5: {  	[tilespmem:s12+$0xDD30] =	vst v0  }
0x2e6: {  	v0 =	vld [tilespmem:s24+$0x1594];
	_ =	sdelay $0x4  }
0x2e7: {  	[tilespmem:s12+$0xDD40] =	vst v0  }
0x2e8: {  	v0 =	vld [tilespmem:s24+$0x15A4];
	_ =	sdelay $0x4  }
0x2e9: {  	[tilespmem:s12+$0xDD50] =	vst v0  }
0x2ea: {  	v0 =	vld [tilespmem:s24+$0x15B4];
	_ =	sdelay $0x4  }
0x2eb: {  	[tilespmem:s12+$0xDD60] =	vst v0  }
0x2ec: {  	v0 =	vld [tilespmem:s24+$0x15C4];
	_ =	sdelay $0x4  }
0x2ed: {  	[tilespmem:s12+$0xDD70] =	vst v0  }
0x2ee: {  	v0 =	vld [tilespmem:s20+$0xFFFFFFD0];
	_ =	sdelay $0x1  }
0x2ef: {  	s25 =	simm.s32 $0x100;
	s22 =	simm.s32 $0x0  }
.LBB2_16:
0x2f0: {  	p0 =	sne.s32 s25, $0x1F00;
	s12 =	sand.u32 $0x1800, s19;
	s19 =	sand.u32 $0x380, s22  }
0x2f1: {  	s12 =	sor.u32 s19, s12;
	s19 =	smov.u32 s25  }
0x2f2: {  	[tilespmem:s12+$0xF900] =	vst v0  }
0x2f3: {  	v0 =	vld [tilespmem:s20+$0xFFFFFFE0];
	_ =	sdelay $0x4  }
0x2f4: {  	[tilespmem:s12+$0xF910] =	vst v0  }
0x2f5: {  	v0 =	vld [tilespmem:s20+$0xFFFFFFF0];
	_ =	sdelay $0x4  }
0x2f6: {  	[tilespmem:s12+$0xF920] =	vst v0  }
0x2f7: {  	v0 =	vld [tilespmem:s20+$0x0];
	_ =	sdelay $0x4  }
0x2f8: {  	[tilespmem:s12+$0xF930] =	vst v0  }
0x2f9: {  	v0 =	vld [tilespmem:s20+$0x10];
	_ =	sdelay $0x4  }
0x2fa: {  	[tilespmem:s12+$0xF940] =	vst v0  }
0x2fb: {  	v0 =	vld [tilespmem:s20+$0x20]  }
0x2fc: {  	v1 =	vld [tilespmem:s28+$0xABA];
	_ =	sdelay $0x4  }
0x2fd: {  	v0 =	vsel vm0, v0, v1  }
0x2fe: {  	[tilespmem:s12+$0xF950] =	vst v0  }
0x2ff: {  	v0 =	vld [tilespmem:s28+$0xACA];
	_ =	sdelay $0x4  }
0x300: {  	[tilespmem:s12+$0xF960] =	vst v0  }
0x301: {  	v0 =	vld [tilespmem:s28+$0xADA];
	_ =	sdelay $0x4  }
0x302: {  	[tilespmem:s12+$0xF970] =	vst v0  }
0x303: {  	v0 =	vld [tilespmem:s28+$0xAEA];
	_ =	sdelay $0x4  }
0x304: {  	[tilespmem:s12+$0xFD00] =	vst v0  }
0x305: {  	v0 =	vld [tilespmem:s28+$0xAFA];
	_ =	sdelay $0x4  }
0x306: {  	[tilespmem:s12+$0xFD10] =	vst v0  }
0x307: {  	v0 =	vld [tilespmem:s28+$0xB0A]  }
0x308: {  	v1 =	vld [tilespmem:s23+$0x1574];
	_ =	sdelay $0x4  }
0x309: {  	v0 =	vsel vm1, v0, v1  }
0x30a: {  	[tilespmem:s12+$0xFD20] =	vst v0  }
0x30b: {  	v0 =	vld [tilespmem:s23+$0x1584];
	_ =	sdelay $0x4  }
0x30c: {  	[tilespmem:s12+$0xFD30] =	vst v0  }
0x30d: {  	v0 =	vld [tilespmem:s23+$0x1594];
	_ =	sdelay $0x4  }
0x30e: {  	[tilespmem:s12+$0xFD40] =	vst v0  }
0x30f: {  	v0 =	vld [tilespmem:s23+$0x15A4];
	_ =	sdelay $0x4  }
0x310: {  	[tilespmem:s12+$0xFD50] =	vst v0  }
0x311: {  	v0 =	vld [tilespmem:s23+$0x15B4];
	_ =	sdelay $0x4  }
0x312: {  	[tilespmem:s12+$0xFD60] =	vst v0  }
0x313: {  	v0 =	vld [tilespmem:s23+$0x15C4];
	_ =	sdelay $0x3  }
.Ltmp7:
0x314: {  	(pc) =	sbr.rel @p0 .LBB2_16-.Ltmp7, $3  }
0x315: {  	s20 =	sadd.s32 $0x56, s20;
	[tilespmem:s12+$0xFD70] =	vst v0  }
0x316: {  	v0 =	vld [tilespmem:s20+$0xFFFFFFD0];
	_ =	sdelay $0x1  }
0x317: {  	s22 =	sadd.s32 $0x80, s22;
	s25 =	sadd.s32 $0x100, s25  }
0x318: {  	s12 =	sand.u32 $0x1800, s19;
	s30 =	sand.u32 $0x380, s22  }
0x319: {  	s12 =	sor.u32 s30, s12  }
0x31a: {  	[tilespmem:s12+$0xF900] =	vst v0  }
0x31b: {  	v0 =	vld [tilespmem:s20+$0xFFFFFFE0];
	_ =	sdelay $0x4  }
0x31c: {  	[tilespmem:s12+$0xF910] =	vst v0  }
0x31d: {  	v0 =	vld [tilespmem:s20+$0xFFFFFFF0];
	_ =	sdelay $0x4  }
0x31e: {  	[tilespmem:s12+$0xF920] =	vst v0  }
0x31f: {  	v0 =	vld [tilespmem:s20+$0x0];
	_ =	sdelay $0x4  }
0x320: {  	[tilespmem:s12+$0xF930] =	vst v0  }
0x321: {  	v0 =	vld [tilespmem:s20+$0x10];
	_ =	sdelay $0x4  }
0x322: {  	[tilespmem:s12+$0xF940] =	vst v0  }
0x323: {  	v0 =	vld [tilespmem:s20+$0x20]  }
0x324: {  	v1 =	vld [tilespmem:s28+$0xABA];
	_ =	sdelay $0x4  }
0x325: {  	v0 =	vsel vm0, v0, v1  }
0x326: {  	[tilespmem:s12+$0xF950] =	vst v0  }
0x327: {  	v0 =	vld [tilespmem:s28+$0xACA];
	_ =	sdelay $0x4  }
0x328: {  	[tilespmem:s12+$0xF960] =	vst v0  }
0x329: {  	v0 =	vld [tilespmem:s28+$0xADA];
	_ =	sdelay $0x4  }
0x32a: {  	[tilespmem:s12+$0xF970] =	vst v0  }
0x32b: {  	v0 =	vld [tilespmem:s28+$0xAEA];
	_ =	sdelay $0x4  }
0x32c: {  	[tilespmem:s12+$0xFD00] =	vst v0  }
0x32d: {  	v0 =	vld [tilespmem:s28+$0xAFA];
	_ =	sdelay $0x4  }
0x32e: {  	[tilespmem:s12+$0xFD10] =	vst v0  }
0x32f: {  	v0 =	vld [tilespmem:s28+$0xB0A]  }
0x330: {  	v1 =	vld [tilespmem:s23+$0x1574];
	_ =	sdelay $0x4  }
0x331: {  	v0 =	vsel vm1, v0, v1  }
0x332: {  	[tilespmem:s12+$0xFD20] =	vst v0  }
0x333: {  	v0 =	vld [tilespmem:s23+$0x1584];
	_ =	sdelay $0x4  }
0x334: {  	[tilespmem:s12+$0xFD30] =	vst v0  }
0x335: {  	v0 =	vld [tilespmem:s23+$0x1594];
	_ =	sdelay $0x4  }
0x336: {  	[tilespmem:s12+$0xFD40] =	vst v0  }
0x337: {  	v0 =	vld [tilespmem:s23+$0x15A4];
	_ =	sdelay $0x4  }
0x338: {  	[tilespmem:s12+$0xFD50] =	vst v0  }
0x339: {  	v0 =	vld [tilespmem:s23+$0x15B4];
	_ =	sdelay $0x4  }
0x33a: {  	[tilespmem:s12+$0xFD60] =	vst v0  }
0x33b: {  	v0 =	vld [tilespmem:s23+$0x15C4];
	_ =	sdelay $0x4  }
0x33c: {  	s19 =	simm.s32 $0x30;
	[tilespmem:s12+$0xFD70] =	vst v0  }
0x33d: {  	v0 =	vld [tilespmem:s19+$0xFFFFFFD0];
	_ =	sdelay $0x1  }
0x33e: {  	s25 =	simm.s32 $0x0;
	s22 =	simm.s32 $0x100;
	s20 =	simm.s32 $0x0  }
.LBB2_18:
0x33f: {  	p0 =	sne.s32 s22, $0x1F00;
	s12 =	sand.u32 $0x1800, s25;
	s25 =	sand.u32 $0x380, s20  }
0x340: {  	s12 =	sor.u32 s25, s12;
	s25 =	smov.u32 s22  }
0x341: {  	[tilespmem:s12+$0x11900] =	vst v0  }
0x342: {  	v0 =	vld [tilespmem:s19+$0xFFFFFFE0];
	_ =	sdelay $0x4  }
0x343: {  	[tilespmem:s12+$0x11910] =	vst v0  }
0x344: {  	v0 =	vld [tilespmem:s19+$0xFFFFFFF0];
	_ =	sdelay $0x4  }
0x345: {  	[tilespmem:s12+$0x11920] =	vst v0  }
0x346: {  	v0 =	vld [tilespmem:s19+$0x0];
	_ =	sdelay $0x4  }
0x347: {  	[tilespmem:s12+$0x11930] =	vst v0  }
0x348: {  	v0 =	vld [tilespmem:s19+$0x10];
	_ =	sdelay $0x4  }
0x349: {  	[tilespmem:s12+$0x11940] =	vst v0  }
0x34a: {  	v0 =	vld [tilespmem:s19+$0x20]  }
0x34b: {  	v1 =	vld [tilespmem:s29+$0xABA];
	_ =	sdelay $0x4  }
0x34c: {  	v0 =	vsel vm0, v0, v1  }
0x34d: {  	[tilespmem:s12+$0x11950] =	vst v0  }
0x34e: {  	v0 =	vld [tilespmem:s29+$0xACA];
	_ =	sdelay $0x4  }
0x34f: {  	[tilespmem:s12+$0x11960] =	vst v0  }
0x350: {  	v0 =	vld [tilespmem:s29+$0xADA];
	_ =	sdelay $0x4  }
0x351: {  	[tilespmem:s12+$0x11970] =	vst v0  }
0x352: {  	v0 =	vld [tilespmem:s29+$0xAEA];
	_ =	sdelay $0x4  }
0x353: {  	[tilespmem:s12+$0x11D00] =	vst v0  }
0x354: {  	v0 =	vld [tilespmem:s29+$0xAFA];
	_ =	sdelay $0x4  }
0x355: {  	[tilespmem:s12+$0x11D10] =	vst v0  }
0x356: {  	v0 =	vld [tilespmem:s29+$0xB0A]  }
0x357: {  	v1 =	vld [tilespmem:s1+$0x1574];
	_ =	sdelay $0x4  }
0x358: {  	v0 =	vsel vm1, v0, v1  }
0x359: {  	[tilespmem:s12+$0x11D20] =	vst v0  }
0x35a: {  	v0 =	vld [tilespmem:s1+$0x1584];
	_ =	sdelay $0x4  }
0x35b: {  	[tilespmem:s12+$0x11D30] =	vst v0  }
0x35c: {  	v0 =	vld [tilespmem:s1+$0x1594];
	_ =	sdelay $0x4  }
0x35d: {  	[tilespmem:s12+$0x11D40] =	vst v0  }
0x35e: {  	v0 =	vld [tilespmem:s1+$0x15A4];
	_ =	sdelay $0x4  }
0x35f: {  	[tilespmem:s12+$0x11D50] =	vst v0  }
0x360: {  	v0 =	vld [tilespmem:s1+$0x15B4];
	_ =	sdelay $0x4  }
0x361: {  	[tilespmem:s12+$0x11D60] =	vst v0  }
0x362: {  	v0 =	vld [tilespmem:s1+$0x15C4];
	_ =	sdelay $0x3  }
.Ltmp8:
0x363: {  	(pc) =	sbr.rel @p0 .LBB2_18-.Ltmp8, $3  }
0x364: {  	s19 =	sadd.s32 $0x56, s19;
	[tilespmem:s12+$0x11D70] =	vst v0  }
0x365: {  	v0 =	vld [tilespmem:s19+$0xFFFFFFD0];
	_ =	sdelay $0x1  }
0x366: {  	s20 =	sadd.s32 $0x80, s20;
	s22 =	sadd.s32 $0x100, s22  }
0x367: {  	s12 =	sand.u32 $0x1800, s25;
	s20 =	sand.u32 $0x380, s20  }
0x368: {  	s12 =	sor.u32 s20, s12  }
0x369: {  	[tilespmem:s12+$0x11900] =	vst v0  }
0x36a: {  	v0 =	vld [tilespmem:s19+$0xFFFFFFE0];
	_ =	sdelay $0x4  }
0x36b: {  	[tilespmem:s12+$0x11910] =	vst v0  }
0x36c: {  	v0 =	vld [tilespmem:s19+$0xFFFFFFF0];
	_ =	sdelay $0x4  }
0x36d: {  	[tilespmem:s12+$0x11920] =	vst v0  }
0x36e: {  	v0 =	vld [tilespmem:s19+$0x0];
	_ =	sdelay $0x4  }
0x36f: {  	[tilespmem:s12+$0x11930] =	vst v0  }
0x370: {  	v0 =	vld [tilespmem:s19+$0x10];
	_ =	sdelay $0x4  }
0x371: {  	[tilespmem:s12+$0x11940] =	vst v0  }
0x372: {  	v0 =	vld [tilespmem:s19+$0x20]  }
0x373: {  	v1 =	vld [tilespmem:s29+$0xABA];
	_ =	sdelay $0x4  }
0x374: {  	v0 =	vsel vm0, v0, v1  }
0x375: {  	[tilespmem:s12+$0x11950] =	vst v0  }
0x376: {  	v0 =	vld [tilespmem:s29+$0xACA];
	_ =	sdelay $0x4  }
0x377: {  	[tilespmem:s12+$0x11960] =	vst v0  }
0x378: {  	v0 =	vld [tilespmem:s29+$0xADA];
	_ =	sdelay $0x4  }
0x379: {  	[tilespmem:s12+$0x11970] =	vst v0  }
0x37a: {  	v0 =	vld [tilespmem:s29+$0xAEA];
	_ =	sdelay $0x4  }
0x37b: {  	[tilespmem:s12+$0x11D00] =	vst v0  }
0x37c: {  	v0 =	vld [tilespmem:s29+$0xAFA];
	_ =	sdelay $0x4  }
0x37d: {  	[tilespmem:s12+$0x11D10] =	vst v0  }
0x37e: {  	v0 =	vld [tilespmem:s29+$0xB0A]  }
0x37f: {  	v63 =	vld [tilespmem:s1+$0x1574];
	_ =	sdelay $0x4  }
0x380: {  	v0 =	vsel vm1, v0, v63  }
0x381: {  	[tilespmem:s12+$0x11D20] =	vst v0  }
0x382: {  	v0 =	vld [tilespmem:s1+$0x1584];
	_ =	sdelay $0x4  }
0x383: {  	[tilespmem:s12+$0x11D30] =	vst v0  }
0x384: {  	v0 =	vld [tilespmem:s1+$0x1594];
	_ =	sdelay $0x4  }
0x385: {  	[tilespmem:s12+$0x11D40] =	vst v0  }
0x386: {  	v0 =	vld [tilespmem:s1+$0x15A4];
	_ =	sdelay $0x4  }
0x387: {  	[tilespmem:s12+$0x11D50] =	vst v0  }
0x388: {  	v0 =	vld [tilespmem:s1+$0x15B4];
	_ =	sdelay $0x4  }
0x389: {  	[tilespmem:s12+$0x11D60] =	vst v0  }
0x38a: {  	v0 =	vld [tilespmem:s1+$0x15C4];
	_ =	sdelay $0x2  }
0x38b: {  	s20 =	sld [smem:$0x7FA];
	_ =	sdelay $0x1  }
0x38c: {  	s22 =	sld [smem:$0x7ED];
	[tilespmem:s12+$0x11D70] =	vst v0  }
0x38d: {  	[hbm4b:s20+s2] =	stream.linear.scatter [tilespmem:s4], [sflag:$0x1], $0x6000, $0x38;
	[tilespmem:$0x13900] =	vst v63  }
0x38e: {  	s25 =	sld [smem:$0x7EE]  }
0x38f: {  	[hbm4b:s22+s2] =	stream.linear.scatter [tilespmem:s4], [sflag:$0x1], $0x6000, $0x38;
	[tilespmem:$0x13900] =	vst v63  }
0x390: {  	s26 =	sld [smem:$0x7EF]  }
0x391: {  	[hbm4b:s25+s2] =	stream.linear.scatter [tilespmem:s4], [sflag:$0x1], $0x6000, $0x38;
	[tilespmem:$0x13900] =	vst v63  }
0x392: {  	s30 =	sld [smem:$0x7F0]  }
0x393: {  	[hbm4b:s26+s2] =	stream.linear.scatter [tilespmem:s4], [sflag:$0x1], $0x6000, $0x38;
	[tilespmem:$0x13900] =	vst v63  }
0x394: {  	s19 =	sld [smem:$0x7F1]  }
0x395: {  	[hbm4b:s30+s2] =	stream.linear.scatter [tilespmem:s4], [sflag:$0x1], $0x6000, $0x38;
	[tilespmem:$0x13900] =	vst v63  }
0x396: {  	s20 =	sld [smem:$0x7F2]  }
0x397: {  	[hbm4b:s19+s2] =	stream.linear.scatter [tilespmem:s4], [sflag:$0x1], $0x6000, $0x38;
	[tilespmem:$0x13900] =	vst v63  }
0x398: {  	s22 =	sld [smem:$0x7F3]  }
0x399: {  	[hbm4b:s20+s2] =	stream.linear.scatter [tilespmem:s4], [sflag:$0x1], $0x6000, $0x38;
	[tilespmem:$0x13900] =	vst v63  }
0x39a: {  	s25 =	sld [smem:$0x7F4]  }
0x39b: {  	[hbm4b:s22+s2] =	stream.linear.scatter [tilespmem:s4], [sflag:$0x1], $0x6000, $0x38;
	[tilespmem:$0x13900] =	vst v63  }
0x39c: {  	s26 =	sld [smem:$0x7F5]  }
0x39d: {  	[hbm4b:s25+s2] =	stream.linear.scatter [tilespmem:s4], [sflag:$0x1], $0x6000, $0x38;
	[tilespmem:$0x13900] =	vst v63  }
0x39e: {  	s30 =	sld [smem:$0x7F6]  }
0x39f: {  	[hbm4b:s26+s2] =	stream.linear.scatter [tilespmem:s4], [sflag:$0x1], $0x6000, $0x38;
	[tilespmem:$0x13900] =	vst v63  }
0x3a0: {  	s19 =	sld [smem:$0x7F8]  }
0x3a1: {  	[hbm4b:s30+s2] =	stream.linear.scatter [tilespmem:s4], [sflag:$0x1], $0x6000, $0x38;
	[tilespmem:$0x13900] =	vst v63  }
0x3a2: {  	s20 =	sld [smem:$0x7F9]  }
0x3a3: {  	[hbm4b:s19+s2] =	stream.linear.scatter [tilespmem:s4], [sflag:$0x1], $0x6000, $0x38;
	[tilespmem:$0x13900] =	vst v63  }
0x3a4: {  	s22 =	sld [smem:$0x7FB]  }
0x3a5: {  	[hbm4b:s20+s2] =	stream.linear.scatter [tilespmem:s4], [sflag:$0x1], $0x6000, $0x38;
	[tilespmem:$0x13900] =	vst v63  }
0x3a6: {  	s25 =	sld [smem:$0x7FC]  }
0x3a7: {  	[hbm4b:s22+s2] =	stream.linear.scatter [tilespmem:s4], [sflag:$0x1], $0x6000, $0x38;
	[tilespmem:$0x13900] =	vst v63  }
0x3a8: {  	s26 =	sld [smem:$0x7FD]  }
0x3a9: {  	[hbm4b:s25+s2] =	stream.linear.scatter [tilespmem:s4], [sflag:$0x1], $0x6000, $0x38;
	[tilespmem:$0x13900] =	vst v63  }
0x3aa: {  	_ = 	snop  }
0x3ab: {  	[hbm4b:s26+s2] =	stream.linear.scatter [tilespmem:s4], [sflag:$0x1], $0x6000, $0x38;
	[tilespmem:$0x13900] =	vst v63  }
0x3ac: {  	_ =	swait.ge [sflag:s3], $0x6000  }
0x3ad: {  	[sflag:s3] =	ssyncset.done $0x0  }
0x3ae: {  	[sflag:s3] =	ssyncadd.s32 $0xFFFFA000  }
0x3af: {  	_ =	swait.ge [sflag:s3], $0x6000  }
0x3b0: {  	[sflag:s3] =	ssyncset.done $0x0  }
0x3b1: {  	[sflag:s3] =	ssyncadd.s32 $0xFFFFA000  }
0x3b2: {  	_ =	swait.ge [sflag:s3], $0x6000  }
0x3b3: {  	[sflag:s3] =	ssyncset.done $0x0  }
0x3b4: {  	[sflag:s3] =	ssyncadd.s32 $0xFFFFA000  }
0x3b5: {  	_ =	swait.ge [sflag:s3], $0x6000  }
0x3b6: {  	[sflag:s3] =	ssyncset.done $0x0  }
0x3b7: {  	[sflag:s3] =	ssyncadd.s32 $0xFFFFA000  }
0x3b8: {  	_ =	swait.ge [sflag:s3], $0x6000  }
0x3b9: {  	[sflag:s3] =	ssyncset.done $0x0  }
0x3ba: {  	[sflag:s3] =	ssyncadd.s32 $0xFFFFA000  }
0x3bb: {  	_ =	swait.ge [sflag:s3], $0x6000  }
0x3bc: {  	[sflag:s3] =	ssyncset.done $0x0  }
0x3bd: {  	[sflag:s3] =	ssyncadd.s32 $0xFFFFA000  }
0x3be: {  	_ =	swait.ge [sflag:s3], $0x6000  }
0x3bf: {  	[sflag:s3] =	ssyncset.done $0x0  }
0x3c0: {  	[sflag:s3] =	ssyncadd.s32 $0xFFFFA000  }
0x3c1: {  	_ =	swait.ge [sflag:s3], $0x6000  }
0x3c2: {  	[sflag:s3] =	ssyncset.done $0x0  }
0x3c3: {  	[sflag:s3] =	ssyncadd.s32 $0xFFFFA000  }
0x3c4: {  	_ =	swait.ge [sflag:s3], $0x6000  }
0x3c5: {  	[sflag:s3] =	ssyncset.done $0x0  }
0x3c6: {  	[sflag:s3] =	ssyncadd.s32 $0xFFFFA000  }
0x3c7: {  	_ =	swait.ge [sflag:s3], $0x6000  }
0x3c8: {  	[sflag:s3] =	ssyncset.done $0x0  }
0x3c9: {  	[sflag:s3] =	ssyncadd.s32 $0xFFFFA000  }
0x3ca: {  	_ =	swait.ge [sflag:s3], $0x6000  }
0x3cb: {  	[sflag:s3] =	ssyncset.done $0x0  }
0x3cc: {  	[sflag:s3] =	ssyncadd.s32 $0xFFFFA000  }
0x3cd: {  	_ =	swait.ge [sflag:s3], $0x6000  }
0x3ce: {  	[sflag:s3] =	ssyncset.done $0x0  }
0x3cf: {  	[sflag:s3] =	ssyncadd.s32 $0xFFFFA000  }
0x3d0: {  	_ =	swait.ge [sflag:s3], $0x6000  }
0x3d1: {  	[sflag:s3] =	ssyncset.done $0x0  }
0x3d2: {  	[sflag:s3] =	ssyncadd.s32 $0xFFFFA000  }
0x3d3: {  	_ =	swait.ge [sflag:s3], $0x6000  }
0x3d4: {  	[sflag:s3] =	ssyncset.done $0x0  }
0x3d5: {  	[sflag:s3] =	ssyncadd.s32 $0xFFFFA000  }
0x3d6: {  	_ =	swait.ge [sflag:s3], $0x6000  }
0x3d7: {  	[sflag:s3] =	ssyncset.done $0x0  }
0x3d8: {  	[sflag:s3] =	ssyncadd.s32 $0xFFFFA000  }
0x3d9: {  	_ =	swait.ge [sflag:s3], $0x6000  }
0x3da: {  	[sflag:s3] =	ssyncset.done $0x0  }
0x3db: {  	[sflag:s3] =	ssyncadd.s32 $0xFFFFA000  }
0x3dc: {  	_ =	swait.ge [sflag:s3], $0x6000  }
0x3dd: {  	[sflag:s3] =	ssyncset.done $0x0  }
0x3de: {  	[sflag:s3] =	ssyncadd.s32 $0xFFFFA000  }
0x3df: {  	_ =	swait.ge [sflag:s3], $0x6000  }
0x3e0: {  	[sflag:s3] =	ssyncset.done $0x0  }
0x3e1: {  	[sflag:s3] =	ssyncadd.s32 $0xFFFFA000  }
0x3e2: {  	_ =	swait.ge [sflag:s3], $0x6000  }
0x3e3: {  	[sflag:s3] =	ssyncset.done $0x0  }
0x3e4: {  	[sflag:s3] =	ssyncadd.s32 $0xFFFFA000  }
0x3e5: {  	_ =	swait.ge [sflag:s3], $0x6000  }
0x3e6: {  	[sflag:s3] =	ssyncset.done $0x0  }
0x3e7: {  	[sflag:s3] =	ssyncadd.s32 $0xFFFFA000  }
0x3e8: {  	_ =	swait.ge [sflag:s3], $0x6000  }
0x3e9: {  	[sflag:s3] =	ssyncset.done $0x0  }
0x3ea: {  	[sflag:s3] =	ssyncadd.s32 $0xFFFFA000  }
0x3eb: {  	_ =	swait.ge [sflag:s3], $0x6000  }
0x3ec: {  	[sflag:s3] =	ssyncset.done $0x0  }
0x3ed: {  	[sflag:s3] =	ssyncadd.s32 $0xFFFFA000  }
0x3ee: {  	_ =	swait.ge [sflag:s3], $0x6000  }
0x3ef: {  	[sflag:s3] =	ssyncset.done $0x0  }
0x3f0: {  	[sflag:s3] =	ssyncadd.s32 $0xFFFFA000  }
0x3f1: {  	_ =	swait.ge [sflag:s3], $0x6000  }
0x3f2: {  	[sflag:s3] =	ssyncset.done $0x0  }
0x3f3: {  	[sflag:s3] =	ssyncadd.s32 $0xFFFFA000  }
0x3f4: {  	_ =	swait.ge [sflag:s3], $0x6000  }
0x3f5: {  	[sflag:s3] =	ssyncset.done $0x0  }
0x3f6: {  	[sflag:s3] =	ssyncadd.s32 $0xFFFFA000  }
0x3f7: {  	_ =	swait.ge [sflag:s3], $0x6000  }
0x3f8: {  	[sflag:s3] =	ssyncset.done $0x0  }
0x3f9: {  	[sflag:s3] =	ssyncadd.s32 $0xFFFFA000  }
0x3fa: {  	_ =	swait.ge [sflag:s3], $0x6000  }
0x3fb: {  	[sflag:s3] =	ssyncset.done $0x0  }
0x3fc: {  	[sflag:s3] =	ssyncadd.s32 $0xFFFFA000  }
0x3fd: {  	_ =	swait.ge [sflag:s3], $0x6000  }
0x3fe: {  	[sflag:s3] =	ssyncset.done $0x0  }
0x3ff: {  	[sflag:s3] =	ssyncadd.s32 $0xFFFFA000  }
0x400: {  	_ =	swait.ge [sflag:s3], $0x6000  }
0x401: {  	[sflag:s3] =	ssyncset.done $0x0  }
0x402: {  	[sflag:s3] =	ssyncadd.s32 $0xFFFFA000  }
0x403: {  	_ =	swait.ge [sflag:s3], $0x6000  }
0x404: {  	[sflag:s3] =	ssyncset.done $0x0  }
0x405: {  	[sflag:s3] =	ssyncadd.s32 $0xFFFFA000  }
0x406: {  	_ =	swait.ge [sflag:s3], $0x6000  }
0x407: {  	[sflag:s3] =	ssyncset.done $0x0  }
0x408: {  	[sflag:s3] =	ssyncadd.s32 $0xFFFFA000  }
0x409: {  	_ =	swait.ge [sflag:s3], $0x6000  }
0x40a: {  	s30 =	sld [smem:$0x7F7];
	_ =	sdelay $0x1  }
0x40b: {  	s5 =	sadd.s32 $0x1, s5  }
0x40c: {  	p0 =	sne.s32 s5, s30  }
.Ltmp9:
0x40d: {  	_ = 	snop;
	(pc) =	sbr.rel @p0 .LBB2_1-.Ltmp9, $3  }
0x40e: {  	_ =	sdelay $0x1  }
0x40f: {  	[sflag:s3] =	ssyncset.done $0x0  }
0x410: {  	[sflag:s3] =	ssyncadd.s32 $0xFFFFA000  }
0x411: {  	_ =	sfence.sel $0x180000  }
0x412: {  	[bflag:$0x0] =	sbarrier.arrive $0xFFFF  }
0x413: {  	_ =	strace $0x90000047  }
0x414: {  	s0 =	stileid.u32;
	[bflag:$0x2] =	sbarrier.arrive $0xFFFF  }
0x415: {  	p0 =	sne.s32 s0, $0x0;
	s0 =	rddreg [dreg:$0x2]  }
0x416: {  	s0 =	sadd.s32 @!p0 $0x100000, s0  }
0x417: {  	[sflag:s0] =	ssyncadd.tile.s32 @!p0 $0x1;
	_ =	shalt  }
.Lfunc_end2:
_tile_overlayer_lowered:
.L_overlay_start_2:
0x418: {  	(tag) =	ssettag $0x2  }
0x419: {  	s0 =	rddreg [dreg:$0x0];
	s2 =	stileid.u32  }
0x41a: {  	s1 =	rddreg [dreg:$0x1];
	p0 =	sne.s32 s2, $0x0  }
0x41b: {  	s3 =	rddreg [dreg:$0x2];
	[bflag:$0x3] =	sbarrier.arrive $0xFFFF;
	s2 =	simm.s32 @!p0 $0x1C02  }
0x41c: {  	[timem:s3], [sflag:s2] =	dma.local @!p0 [hbm:s0], s1  }
0x41d: {  	s0 =	simm.s32 @!p0 $0x2  }
0x41e: {  	_ =	swait.ge @!p0 [sflag:s0], s1  }
0x41f: {  	s1 =	ssub.s32 @!p0 $0x0, s1;
	[sflag:s0] =	ssyncset.done @!p0 $0x0  }
0x420: {  	[sflag:s0] =	ssyncadd.s32 @!p0 s1  }
0x421: {  	[bflag:$0x3] =	sbarrier.arrive $0xFFFF  }
0x422: {  	_ =	shalt  }

</sc_bundles>
